<compile_context>
chip_gen: v7x
topology: tpu7x:2x2x1
jax: 0.10.2.dev20260603
libtpu: 0.0.44.dev20260713+nightly
codegen_flags: <defaults>
</compile_context>

<pallas_src>
import functools

import jax
import jax.numpy as jnp
from jax import lax
from jax.experimental import pallas as pl
from jax.experimental.pallas import tpu as pltpu
from jax.experimental.pallas import tpu_sc as plsc

N = 10000
E = 160000
D = 256
EMB = 16
LN_EPS = 1e-5

ROW_BLK = 1000

NP = 160
VT = 64
C = 3200
N_CHUNKS = E // C
SP_PAD = 10240
XD = 384
NEG = -3.0e38


def _ln_tanh(h, g, b):
    mu = jnp.mean(h, axis=-1, keepdims=True)
    var = jnp.mean((h - mu) ** 2, axis=-1, keepdims=True)
    h = (h - mu) * lax.rsqrt(var + LN_EPS)
    return jnp.tanh(h * g + b)


def _spatial_body(x_ref, w0, b0, g0, bb0, w1, b1, g1, bb1, w2, b2, g2, bb2,
                  w3, b3, out_ref):
    h = jnp.dot(x_ref[...], w0[...], preferred_element_type=jnp.float32) + b0[...]
    h = _ln_tanh(h, g0[...], bb0[...])
    h = jnp.dot(h, w1[...], preferred_element_type=jnp.float32) + b1[...]
    h = _ln_tanh(h, g1[...], bb1[...])
    h = jnp.dot(h, w2[...], preferred_element_type=jnp.float32) + b2[...]
    h = _ln_tanh(h, g2[...], bb2[...])
    out_ref[...] = (
        jnp.dot(h, w3[...], preferred_element_type=jnp.float32) + b3[...]
    )


def _flatten_layers(layers):
    flat = []
    for i, layer in enumerate(layers):
        flat.append(layer["W"])
        flat.append(layer["b"])
        if i < len(layers) - 1:
            flat.append(layer["ln_g"])
            flat.append(layer["ln_b"])
    return flat


def _spatial_mlp(x, layers):
    flat = _flatten_layers(layers)
    full = lambda s: pl.BlockSpec(s, lambda i: (0,) * len(s))
    in_specs = [pl.BlockSpec((ROW_BLK, D), lambda i: (i, 0))]
    for f in flat:
        in_specs.append(full(f.shape))
    return pl.pallas_call(
        _spatial_body,
        grid=(N // ROW_BLK,),
        in_specs=in_specs,
        out_specs=pl.BlockSpec((ROW_BLK, EMB), lambda i: (i, 0)),
        out_shape=jax.ShapeDtypeStruct((N, EMB), jnp.float32),
    )(x, *flat)


def _feature_body(x_ref, add_ref, max_ref, cnt_ref,
                  w0, b0, g0, bb0, w1, b1, g1, bb1, w2, b2, out_ref):
    x = x_ref[...]
    s_add = add_ref[...]
    cnt = cnt_ref[...]
    inv = 1.0 / jnp.maximum(cnt, 1.0)
    s_mean = s_add * inv
    s_max = max_ref[...]
    s_max = jnp.where(cnt > 0.0, s_max, 0.0)
    w0v = w0[...]
    h = (
        jnp.dot(x, w0v[0:D], preferred_element_type=jnp.float32)
        + jnp.dot(s_add, w0v[D:2 * D], preferred_element_type=jnp.float32)
        + jnp.dot(s_mean, w0v[2 * D:3 * D], preferred_element_type=jnp.float32)
        + jnp.dot(s_max, w0v[3 * D:4 * D], preferred_element_type=jnp.float32)
        + b0[...]
    )
    h = _ln_tanh(h, g0[...], bb0[...])
    h = jnp.dot(h, w1[...], preferred_element_type=jnp.float32) + b1[...]
    h = _ln_tanh(h, g1[...], bb1[...])
    out_ref[...] = (
        jnp.dot(h, w2[...], preferred_element_type=jnp.float32) + b2[...]
    )


def _feature_mlp(x, s_add, s_max, cnt, layers):
    flat = _flatten_layers(layers)
    full = lambda s: pl.BlockSpec(s, lambda i: (0,) * len(s))
    in_specs = [
        pl.BlockSpec((ROW_BLK, D), lambda i: (i, 0)),
        pl.BlockSpec((ROW_BLK, D), lambda i: (i, 0)),
        pl.BlockSpec((ROW_BLK, D), lambda i: (i, 0)),
        pl.BlockSpec((ROW_BLK, 1), lambda i: (i, 0)),
    ]
    for f in flat:
        in_specs.append(full(f.shape))
    return pl.pallas_call(
        _feature_body,
        grid=(N // ROW_BLK,),
        in_specs=in_specs,
        out_specs=pl.BlockSpec((ROW_BLK, D), lambda i: (i, 0)),
        out_shape=jax.ShapeDtypeStruct((N, D), jnp.float32),
    )(x, s_add, s_max, cnt.reshape(N, 1), *flat)


def _pool_body(xx_hbm, sp_hbm, packed_hbm,
               add_out, max_out, cnt_out,
               packed_buf, mp_buf,
               spe_local, xbuf2,
               wbuf, dstbuf,
               acc_add, acc_max, cnt_buf,
               sem_e, semA, semB):
    cid = lax.axis_index("c")
    sid = lax.axis_index("s")
    wid = sid * 2 + cid

    zero16 = jnp.zeros((16,), jnp.float32)
    neg16 = jnp.full((16,), NEG, jnp.float32)
    lane = jnp.arange(16, dtype=jnp.int32)
    one_lane0 = jnp.where(lane == 0, 1.0, 0.0).astype(jnp.float32)
    M14 = jnp.int32((1 << 14) - 1)

    for vv in range(2):
        vt = wid * 2 + vv
        base = vt * NP
        sent16 = jnp.full((16,), (base + NP) << 14, jnp.int32)

        pltpu.sync_copy(sp_hbm.at[pl.ds(base, NP)], spe_local.at[pl.ds(0, NP)])

        def init_body(r, _):
            for q in range(16):
                acc_add[r, pl.ds(q * 16, 16)] = zero16
                acc_max[r, pl.ds(q * 16, 16)] = neg16
            return 0
        lax.fori_loop(0, NP + 1, init_body, 0)

        def initc_body(r, _):
            cnt_buf[pl.ds(r * 16, 16)] = zero16
            return 0
        lax.fori_loop(0, (NP + 16) // 16, initc_body, 0)

        pltpu.async_copy(packed_hbm.at[pl.ds(0, C)], packed_buf.at[0], sem_e)

        def chunk_body(k, _):
            kpar = k % 2
            pltpu.make_async_copy(
                packed_hbm.at[pl.ds(k * C, C)], packed_buf.at[kpar], sem_e
            ).wait()

            @pl.when(k + 1 < N_CHUNKS)
            def _():
                pltpu.async_copy(packed_hbm.at[pl.ds((k + 1) * C, C)],
                                 packed_buf.at[1 - kpar], sem_e)

            def scan_body(j, cm):
                p = packed_buf[kpar, pl.ds(j * 16, 16)]
                en = p >> 14
                m = (en >= base) & (en < base + NP)
                mi = m.astype(jnp.int32)
                _, ps = plsc.sort_key_val(mi, p, descending=True)
                mp_buf[pl.ds(cm, 16)] = ps
                return cm + plsc.all_reduce_population_count(m)[0]
            cm = lax.fori_loop(0, C // 16, scan_body, jnp.int32(0))

            mp_buf[pl.ds(cm, 16)] = sent16
            mp_buf[pl.ds(cm + 16, 16)] = sent16
            ngroups = (cm + 15) // 16

            def fire(off, par, sem):
                mp16 = mp_buf[pl.ds(off, 16)]
                return pltpu.async_copy(xx_hbm.at[mp16 & M14],
                                        xbuf2.at[par], sem)

            @pl.when(ngroups > 0)
            def _():
                fire(0, 0, semA)

                @pl.when(ngroups > 1)
                def _():
                    fire(16, 1, semB)

                def group_body(g, _):
                    par = g % 2

                    @pl.when(par == 0)
                    def _():
                        pltpu.make_async_copy(
                            xx_hbm.at[pl.ds(0, 16)], xbuf2.at[0], semA).wait()

                    @pl.when(par == 1)
                    def _():
                        pltpu.make_async_copy(
                            xx_hbm.at[pl.ds(0, 16)], xbuf2.at[1], semB).wait()

                    mp16 = mp_buf[pl.ds(g * 16, 16)]
                    dstbuf[pl.ds(0, 16)] = (mp16 >> 14) - base

                    def dist_body(j, dv):
                        dj = dstbuf[pl.ds(j, 16)][0]
                        df = xbuf2[par, j, pl.ds(D, 16)] - spe_local[dj]
                        s = jnp.sum(df * df)
                        return jnp.where(lane == j, s, dv)
                    dv = lax.fori_loop(0, 16, dist_body, zero16)
                    wbuf[pl.ds(0, 16)] = jnp.exp(-dv)

                    def edge_body(j, _):
                        wj = wbuf[pl.ds(j, 16)][0]
                        dj = dstbuf[pl.ds(j, 16)][0]
                        plsc.addupdate(cnt_buf.at[pl.ds(dj, 16)], one_lane0)
                        for q in range(16):
                            h = xbuf2[par, j, pl.ds(q * 16, 16)] * wj
                            plsc.addupdate(acc_add.at[dj, pl.ds(q * 16, 16)], h)
                            mx = acc_max[dj, pl.ds(q * 16, 16)]
                            acc_max[dj, pl.ds(q * 16, 16)] = jnp.maximum(mx, h)
                        return 0
                    lax.fori_loop(0, 16, edge_body, 0)

                    @pl.when((g + 2 < ngroups) & (par == 0))
                    def _():
                        fire((g + 2) * 16, 0, semA)

                    @pl.when((g + 2 < ngroups) & (par == 1))
                    def _():
                        fire((g + 2) * 16, 1, semB)
                    return 0
                lax.fori_loop(0, ngroups, group_body, 0)
            return 0
        lax.fori_loop(0, N_CHUNKS, chunk_body, 0)

        @pl.when(vt < N // NP)
        def _():
            pltpu.sync_copy(acc_add.at[pl.ds(0, NP)], add_out.at[pl.ds(base, NP)])
            pltpu.sync_copy(acc_max.at[pl.ds(0, NP)], max_out.at[pl.ds(base, NP)])
            pltpu.sync_copy(cnt_buf.at[pl.ds(0, NP)], cnt_out.at[pl.ds(base, NP)])

        @pl.when(vt == N // NP)
        def _():
            rem = N % NP
            pltpu.sync_copy(acc_add.at[pl.ds(0, rem)], add_out.at[pl.ds(base, rem)])
            pltpu.sync_copy(acc_max.at[pl.ds(0, rem)], max_out.at[pl.ds(base, rem)])
            pltpu.sync_copy(cnt_buf.at[pl.ds(0, rem)], cnt_out.at[pl.ds(base, rem)])


def _sc_pool(xx, sp_pad, packed):
    mesh = plsc.VectorSubcoreMesh(core_axis_name="c", subcore_axis_name="s")
    f = pl.kernel(
        _pool_body,
        out_type=[
            jax.ShapeDtypeStruct((N, D), jnp.float32),
            jax.ShapeDtypeStruct((N, D), jnp.float32),
            jax.ShapeDtypeStruct((N,), jnp.float32),
        ],
        mesh=mesh,
        compiler_params=pltpu.CompilerParams(needs_layout_passes=False),
        scratch_types=[
            pltpu.VMEM((2, C), jnp.int32),
            pltpu.VMEM((C + 64,), jnp.int32),
            pltpu.VMEM((NP + 1, EMB), jnp.float32),
            pltpu.VMEM((2, 16, XD), jnp.float32),
            pltpu.VMEM((48,), jnp.float32),
            pltpu.VMEM((48,), jnp.int32),
            pltpu.VMEM((NP + 1, D), jnp.float32),
            pltpu.VMEM((NP + 1, D), jnp.float32),
            pltpu.VMEM((NP + 16,), jnp.float32),
            pltpu.SemaphoreType.DMA,
            pltpu.SemaphoreType.DMA,
            pltpu.SemaphoreType.DMA,
        ],
    )
    return f(xx, sp_pad, packed)


def kernel(x, edge_index, params):
    start = edge_index[0]
    end = edge_index[1]
    sp = _spatial_mlp(x, params["spatial"])
    sp_pad = jnp.pad(sp, ((0, SP_PAD - N), (0, 0)))
    xx = jnp.concatenate(
        [x, sp, jnp.zeros((N, XD - D - EMB), jnp.float32)], axis=1)
    packed = (end << 14) | start
    s_add, s_max, cnt = _sc_pool(xx, sp_pad, packed)
    return _feature_mlp(x, s_add, s_max, cnt, params["feature"])

# --- scband reference (transcript-rebuilt; emitter-appended) ---
"""Pipeline reference for scband-node-network-49761491092124 (READ-ONLY COPY).

The authoritative reference and input builder live on the scoring server;
editing this copy changes nothing except your own understanding.
"""

import jax, jax.numpy as jnp
import numpy as np

N = 10000
E = 160000
INPUT_DIM = 256
OUTPUT_DIM = 256
EMB_DIM = 16
NB_LAYERS = 3
HEADS = 1
LN_EPS = 1e-5


def _init_linear(key, fan_in, fan_out):
    k1, k2 = jax.random.split(key)
    bound = 1.0 / np.sqrt(fan_in)
    W = jax.random.uniform(k1, (fan_in, fan_out), minval=-bound, maxval=bound, dtype=jnp.float32)
    b = jax.random.uniform(k2, (fan_out,), minval=-bound, maxval=bound, dtype=jnp.float32)
    return W, b


def _make_mlp_params(key, input_size, sizes):
    # mirrors make_mlp(input_size, sizes, hidden_activation='Tanh', output_activation=None,
    #                  layer_norm=True, batch_norm=False):
    # hidden layers: Linear -> LayerNorm -> Tanh ; final layer: Linear only
    params = []
    dims = [input_size] + list(sizes)
    for i in range(len(sizes)):
        key, sub = jax.random.split(key)
        W, b = _init_linear(sub, dims[i], dims[i + 1])
        layer = {"W": W, "b": b}
        if i < len(sizes) - 1:
            layer["ln_g"] = jnp.ones((dims[i + 1],), jnp.float32)
            layer["ln_b"] = jnp.zeros((dims[i + 1],), jnp.float32)
        params.append(layer)
    return params


def _apply_mlp(layers, x):
    n = len(layers)
    for i, layer in enumerate(layers):
        x = x @ layer["W"] + layer["b"]
        if i < n - 1:
            mu = jnp.mean(x, axis=-1, keepdims=True)
            var = jnp.mean((x - mu) ** 2, axis=-1, keepdims=True)
            x = (x - mu) / jnp.sqrt(var + LN_EPS)
            x = x * layer["ln_g"] + layer["ln_b"]
            x = jnp.tanh(x)
    return x


def setup_inputs(seed: int = 0):
    key = jax.random.key(seed)
    kx, ke, kf, ks = jax.random.split(key, 4)
    x = jax.random.normal(kx, (N, INPUT_DIM), dtype=jnp.float32)
    edge_index = jax.random.randint(ke, (2, E), 0, N, dtype=jnp.int32)
    params = {
        "spatial": _make_mlp_params(ks, INPUT_DIM, [INPUT_DIM] * NB_LAYERS + [EMB_DIM * HEADS]),
        "feature": _make_mlp_params(kf, INPUT_DIM + 3 * HEADS * INPUT_DIM, [OUTPUT_DIM] * NB_LAYERS),
    }
    return {"x": x, "edge_index": edge_index, "params": params}


def _grav_pool(x, sp, start, end):
    # sp: [N, H, emb]
    d = jnp.sum((sp[start] - sp[end]) ** 2, axis=-1)  # [E, H]
    w = jnp.exp(-d)  # [E, H]
    he = x[start][:, None, :] * w[:, :, None]  # [E, H, D]
    s_add = jax.ops.segment_sum(he, end, num_segments=N)  # [N, H, D]
    cnt = jax.ops.segment_sum(jnp.ones((E,), jnp.float32), end, num_segments=N)
    s_mean = s_add / jnp.maximum(cnt, 1.0)[:, None, None]  # scatter_mean semantics
    s_max = jax.ops.segment_max(he, end, num_segments=N)
    s_max = jnp.where(jnp.isneginf(s_max), 0.0, s_max)  # empty segments -> 0
    return jnp.concatenate([s_add, s_mean, s_max], axis=1)  # [N, 3H, D]


def _forward(x, params, edge_index):
    start = edge_index[0]
    end = edge_index[1]
    sp = _apply_mlp(params["spatial"], x)
    sp = sp.reshape(sp.shape[0], HEADS, -1)
    h = _grav_pool(x, sp, start, end)
    h = h.reshape(h.shape[0], -1)  # [N, 3*H*D]
    h = jnp.concatenate([x, h], axis=-1)  # [N, D + 3*H*D]
    return _apply_mlp(params["feature"], h)


def reference(x, edge_index, params):
    return _forward(x, params, edge_index)

if __name__ == "__main__":
    import jax
    _d = setup_inputs()
    print(jax.jit(kernel)(*tuple(_d.values())))

</pallas_src>

<mosaic_0001>
#map = affine_map<(d0, d1) -> (0, 0)>
#map1 = affine_map<(d0, d1) -> (0)>
module attributes {stable_mosaic.version = 14 : i64} {
  func.func @_pool_body(%arg0: i32, %arg1: i32, %arg2: memref<10000x384xf32, #tpu.memory_space<hbm>>, %arg3: memref<10240x16xf32, #tpu.memory_space<hbm>>, %arg4: memref<160000xi32, #tpu.memory_space<hbm>>, %arg5: memref<10000x256xf32, #tpu.memory_space<hbm>>, %arg6: memref<10000x256xf32, #tpu.memory_space<hbm>>, %arg7: memref<10000xf32, #tpu.memory_space<hbm>>, %arg8: memref<2x3200xi32, #tpu.memory_space<vmem>>, %arg9: memref<3264xi32, #tpu.memory_space<vmem>>, %arg10: memref<161x16xf32, #tpu.memory_space<vmem>>, %arg11: memref<2x16x384xf32, #tpu.memory_space<vmem>>, %arg12: memref<48xf32, #tpu.memory_space<vmem>>, %arg13: memref<48xi32, #tpu.memory_space<vmem>>, %arg14: memref<161x256xf32, #tpu.memory_space<vmem>>, %arg15: memref<161x256xf32, #tpu.memory_space<vmem>>, %arg16: memref<176xf32, #tpu.memory_space<vmem>>, %arg17: memref<!tpu.dma_semaphore, #tpu.memory_space<semaphore_mem>>, %arg18: memref<!tpu.dma_semaphore, #tpu.memory_space<semaphore_mem>>, %arg19: memref<!tpu.dma_semaphore, #tpu.memory_space<semaphore_mem>>) attributes {dimension_semantics = [#tpu.dimension_semantics<core_parallel>, #tpu.dimension_semantics<subcore_parallel>], iteration_bounds = array<i64: 2, 16>, scalar_prefetch = 0 : i64, scratch_operands = 12 : i64, tpu.core_type = #tpu.core_type<sc_vector_subcore>, window_params = [{transform_indices = #map}, {transform_indices = #map}, {transform_indices = #map1}, {transform_indices = #map}, {transform_indices = #map}, {transform_indices = #map1}]} {
    %mul3A = arith.constant 2 : i32
    %mul3A_0 = arith.muli %arg1, %mul3A : i32
    %add3A = arith.addi %mul3A_0, %arg0 : i32
    %broadcast_in_dim3A = arith.constant 0.000000e+00 : f32
    %broadcast_in_dim3A_1 = vector.broadcast %broadcast_in_dim3A : f32 to vector<16xf32>
    %broadcast_in_dim3A_2 = arith.constant -3.000000e+38 : f32
    %broadcast_in_dim3A_3 = vector.broadcast %broadcast_in_dim3A_2 : f32 to vector<16xf32>
    %iota3A = tpu.iota {dimensions = array<i32: 0>} : vector<16xi32>
    %eq3A = arith.constant 0 : i32
    %eq3A_4 = vector.broadcast %eq3A : i32 to vector<16xi32>
    %eq3A_5 = arith.cmpi eq, %iota3A, %eq3A_4 : vector<16xi32>
    %jit3A = arith.constant 1.000000e+00 : f32
    %jit3A_6 = arith.constant 0.000000e+00 : f32
    %broadcast_in_dim3A_7 = vector.broadcast %jit3A : f32 to vector<16xf32>
    %broadcast_in_dim3A_8 = vector.broadcast %jit3A_6 : f32 to vector<16xf32>
    %select_n3A = arith.select %eq3A_5, %broadcast_in_dim3A_7, %broadcast_in_dim3A_8 : vector<16xi1>, vector<16xf32>
    %mul3A_9 = arith.constant 2 : i32
    %mul3A_10 = arith.muli %add3A, %mul3A_9 : i32
    %add3A_11 = arith.constant 0 : i32
    %add3A_12 = arith.addi %mul3A_10, %add3A_11 : i32
    %mul3A_13 = arith.constant 160 : i32
    %mul3A_14 = arith.muli %add3A_12, %mul3A_13 : i32
    %add3A_15 = arith.constant 160 : i32
    %add3A_16 = arith.addi %mul3A_14, %add3A_15 : i32
    %shift_left3A = arith.constant 14 : i32
    %shift_left3A_17 = arith.shli %add3A_16, %shift_left3A : i32
    %broadcast_in_dim3A_18 = vector.broadcast %shift_left3A_17 : i32 to vector<16xi32>
    "tpu.region"() ({
      %run_scoped3A = tpu.sem_alloc : memref<!tpu.dma_semaphore, #tpu.memory_space<semaphore_mem>>
      %dma_start3A_111 = arith.constant 0 : i32
      %dma_start3A_112 = arith.constant 0 : i32
      %dma_start3A_113 = tpu.memref_slice %arg10[%dma_start3A_111, %dma_start3A_112] : memref<161x16xf32, #tpu.memory_space<vmem>> -> memref<160x16xf32, #tpu.memory_space<vmem>>
      %dma_start3A_114 = arith.constant 0 : i32
      %dma_start3A_115 = tpu.memref_slice %arg3[%mul3A_14, %dma_start3A_114] : memref<10240x16xf32, #tpu.memory_space<hbm>> -> memref<160x16xf32, #tpu.memory_space<hbm>>
      %dma_start3A_116 = arith.constant 0 : i32
      %dma_start3A_117 = arith.constant 0 : i32
      %dma_start3A_118 = tpu.memref_slice %arg10[%dma_start3A_116, %dma_start3A_117] : memref<161x16xf32, #tpu.memory_space<vmem>> -> memref<160x16xf32, #tpu.memory_space<vmem>>
      %dma_start3A_119 = arith.constant 0 : i32
      %dma_start3A_120 = tpu.memref_slice %arg3[%mul3A_14, %dma_start3A_119] : memref<10240x16xf32, #tpu.memory_space<hbm>> -> memref<160x16xf32, #tpu.memory_space<hbm>>
      tpu.enqueue_dma source(%dma_start3A_120 : memref<160x16xf32, #tpu.memory_space<hbm>>) target(%dma_start3A_118 : memref<160x16xf32, #tpu.memory_space<vmem>>) target_semaphore(%run_scoped3A : memref<!tpu.dma_semaphore, #tpu.memory_space<semaphore_mem>>)
      %dma_wait3A = arith.constant 0 : i32
      %dma_wait3A_121 = arith.constant 0 : i32
      %dma_wait3A_122 = tpu.memref_slice %arg10[%dma_wait3A, %dma_wait3A_121] : memref<161x16xf32, #tpu.memory_space<vmem>> -> memref<160x16xf32, #tpu.memory_space<vmem>>
      %dma_wait3A_123 = arith.constant 0 : i32
      %dma_wait3A_124 = tpu.memref_slice %arg3[%mul3A_14, %dma_wait3A_123] : memref<10240x16xf32, #tpu.memory_space<hbm>> -> memref<160x16xf32, #tpu.memory_space<hbm>>
      %dma_wait3A_125 = arith.constant 0 : i32
      %dma_wait3A_126 = arith.constant 0 : i32
      %dma_wait3A_127 = tpu.memref_slice %arg10[%dma_wait3A_125, %dma_wait3A_126] : memref<161x16xf32, #tpu.memory_space<vmem>> -> memref<160x16xf32, #tpu.memory_space<vmem>>
      %dma_wait3A_128 = arith.constant 0 : i32
      %dma_wait3A_129 = tpu.memref_slice %arg3[%mul3A_14, %dma_wait3A_128] : memref<10240x16xf32, #tpu.memory_space<hbm>> -> memref<160x16xf32, #tpu.memory_space<hbm>>
      tpu.wait_dma2 semaphore(%run_scoped3A : memref<!tpu.dma_semaphore, #tpu.memory_space<semaphore_mem>>) src(%dma_wait3A_129 : memref<160x16xf32, #tpu.memory_space<hbm>>) dst(%dma_wait3A_127 : memref<160x16xf32, #tpu.memory_space<vmem>>)
      tpu.yield
    }) : () -> ()
    %scan3A = arith.constant 0 : i32
    %scan3A_19 = arith.constant 0 : i32
    %scan3A_20 = arith.constant 161 : i32
    %scan3A_21 = arith.addi %scan3A_19, %scan3A_20 : i32
    %scan3A_22 = arith.constant 1 : i32
    %scan3A_23 = scf.for %scan3A_111 = %scan3A_19 to %scan3A_21 step %scan3A_22 iter_args(%scan3A_112 = %scan3A) -> (i32)  : i32 {
      %swap3A = arith.index_cast %scan3A_111 : i32 to index
      %swap3A_113 = arith.constant 0 : index
      %swap3A_114 = tpu.vector_load %arg14[%swap3A, %swap3A_113] {strides = array<i32>} : memref<161x256xf32, #tpu.memory_space<vmem>>, vector<16xf32>,
      tpu.vector_store %arg14[%swap3A, %swap3A_113], %broadcast_in_dim3A_1 {strides = array<i32>} : memref<161x256xf32, #tpu.memory_space<vmem>>, vector<16xf32>,
      %swap3A_115 = arith.index_cast %scan3A_111 : i32 to index
      %swap3A_116 = arith.constant 0 : index
      %swap3A_117 = tpu.vector_load %arg15[%swap3A_115, %swap3A_116] {strides = array<i32>} : memref<161x256xf32, #tpu.memory_space<vmem>>, vector<16xf32>,
      tpu.vector_store %arg15[%swap3A_115, %swap3A_116], %broadcast_in_dim3A_3 {strides = array<i32>} : memref<161x256xf32, #tpu.memory_space<vmem>>, vector<16xf32>,
      %swap3A_118 = arith.index_cast %scan3A_111 : i32 to index
      %swap3A_119 = arith.constant 16 : index
      %swap3A_120 = tpu.vector_load %arg14[%swap3A_118, %swap3A_119] {strides = array<i32>} : memref<161x256xf32, #tpu.memory_space<vmem>>, vector<16xf32>,
      tpu.vector_store %arg14[%swap3A_118, %swap3A_119], %broadcast_in_dim3A_1 {strides = array<i32>} : memref<161x256xf32, #tpu.memory_space<vmem>>, vector<16xf32>,
      %swap3A_121 = arith.index_cast %scan3A_111 : i32 to index
      %swap3A_122 = arith.constant 16 : index
      %swap3A_123 = tpu.vector_load %arg15[%swap3A_121, %swap3A_122] {strides = array<i32>} : memref<161x256xf32, #tpu.memory_space<vmem>>, vector<16xf32>,
      tpu.vector_store %arg15[%swap3A_121, %swap3A_122], %broadcast_in_dim3A_3 {strides = array<i32>} : memref<161x256xf32, #tpu.memory_space<vmem>>, vector<16xf32>,
      %swap3A_124 = arith.index_cast %scan3A_111 : i32 to index
      %swap3A_125 = arith.constant 32 : index
      %swap3A_126 = tpu.vector_load %arg14[%swap3A_124, %swap3A_125] {strides = array<i32>} : memref<161x256xf32, #tpu.memory_space<vmem>>, vector<16xf32>,
      tpu.vector_store %arg14[%swap3A_124, %swap3A_125], %broadcast_in_dim3A_1 {strides = array<i32>} : memref<161x256xf32, #tpu.memory_space<vmem>>, vector<16xf32>,
      %swap3A_127 = arith.index_cast %scan3A_111 : i32 to index
      %swap3A_128 = arith.constant 32 : index
      %swap3A_129 = tpu.vector_load %arg15[%swap3A_127, %swap3A_128] {strides = array<i32>} : memref<161x256xf32, #tpu.memory_space<vmem>>, vector<16xf32>,
      tpu.vector_store %arg15[%swap3A_127, %swap3A_128], %broadcast_in_dim3A_3 {strides = array<i32>} : memref<161x256xf32, #tpu.memory_space<vmem>>, vector<16xf32>,
      %swap3A_130 = arith.index_cast %scan3A_111 : i32 to index
      %swap3A_131 = arith.constant 48 : index
      %swap3A_132 = tpu.vector_load %arg14[%swap3A_130, %swap3A_131] {strides = array<i32>} : memref<161x256xf32, #tpu.memory_space<vmem>>, vector<16xf32>,
      tpu.vector_store %arg14[%swap3A_130, %swap3A_131], %broadcast_in_dim3A_1 {strides = array<i32>} : memref<161x256xf32, #tpu.memory_space<vmem>>, vector<16xf32>,
      %swap3A_133 = arith.index_cast %scan3A_111 : i32 to index
      %swap3A_134 = arith.constant 48 : index
      %swap3A_135 = tpu.vector_load %arg15[%swap3A_133, %swap3A_134] {strides = array<i32>} : memref<161x256xf32, #tpu.memory_space<vmem>>, vector<16xf32>,
      tpu.vector_store %arg15[%swap3A_133, %swap3A_134], %broadcast_in_dim3A_3 {strides = array<i32>} : memref<161x256xf32, #tpu.memory_space<vmem>>, vector<16xf32>,
      %swap3A_136 = arith.index_cast %scan3A_111 : i32 to index
      %swap3A_137 = arith.constant 64 : index
      %swap3A_138 = tpu.vector_load %arg14[%swap3A_136, %swap3A_137] {strides = array<i32>} : memref<161x256xf32, #tpu.memory_space<vmem>>, vector<16xf32>,
      tpu.vector_store %arg14[%swap3A_136, %swap3A_137], %broadcast_in_dim3A_1 {strides = array<i32>} : memref<161x256xf32, #tpu.memory_space<vmem>>, vector<16xf32>,
      %swap3A_139 = arith.index_cast %scan3A_111 : i32 to index
      %swap3A_140 = arith.constant 64 : index
      %swap3A_141 = tpu.vector_load %arg15[%swap3A_139, %swap3A_140] {strides = array<i32>} : memref<161x256xf32, #tpu.memory_space<vmem>>, vector<16xf32>,
      tpu.vector_store %arg15[%swap3A_139, %swap3A_140], %broadcast_in_dim3A_3 {strides = array<i32>} : memref<161x256xf32, #tpu.memory_space<vmem>>, vector<16xf32>,
      %swap3A_142 = arith.index_cast %scan3A_111 : i32 to index
      %swap3A_143 = arith.constant 80 : index
      %swap3A_144 = tpu.vector_load %arg14[%swap3A_142, %swap3A_143] {strides = array<i32>} : memref<161x256xf32, #tpu.memory_space<vmem>>, vector<16xf32>,
      tpu.vector_store %arg14[%swap3A_142, %swap3A_143], %broadcast_in_dim3A_1 {strides = array<i32>} : memref<161x256xf32, #tpu.memory_space<vmem>>, vector<16xf32>,
      %swap3A_145 = arith.index_cast %scan3A_111 : i32 to index
      %swap3A_146 = arith.constant 80 : index
      %swap3A_147 = tpu.vector_load %arg15[%swap3A_145, %swap3A_146] {strides = array<i32>} : memref<161x256xf32, #tpu.memory_space<vmem>>, vector<16xf32>,
      tpu.vector_store %arg15[%swap3A_145, %swap3A_146], %broadcast_in_dim3A_3 {strides = array<i32>} : memref<161x256xf32, #tpu.memory_space<vmem>>, vector<16xf32>,
      %swap3A_148 = arith.index_cast %scan3A_111 : i32 to index
      %swap3A_149 = arith.constant 96 : index
      %swap3A_150 = tpu.vector_load %arg14[%swap3A_148, %swap3A_149] {strides = array<i32>} : memref<161x256xf32, #tpu.memory_space<vmem>>, vector<16xf32>,
      tpu.vector_store %arg14[%swap3A_148, %swap3A_149], %broadcast_in_dim3A_1 {strides = array<i32>} : memref<161x256xf32, #tpu.memory_space<vmem>>, vector<16xf32>,
      %swap3A_151 = arith.index_cast %scan3A_111 : i32 to index
      %swap3A_152 = arith.constant 96 : index
      %swap3A_153 = tpu.vector_load %arg15[%swap3A_151, %swap3A_152] {strides = array<i32>} : memref<161x256xf32, #tpu.memory_space<vmem>>, vector<16xf32>,
      tpu.vector_store %arg15[%swap3A_151, %swap3A_152], %broadcast_in_dim3A_3 {strides = array<i32>} : memref<161x256xf32, #tpu.memory_space<vmem>>, vector<16xf32>,
      %swap3A_154 = arith.index_cast %scan3A_111 : i32 to index
      %swap3A_155 = arith.constant 112 : index
      %swap3A_156 = tpu.vector_load %arg14[%swap3A_154, %swap3A_155] {strides = array<i32>} : memref<161x256xf32, #tpu.memory_space<vmem>>, vector<16xf32>,
      tpu.vector_store %arg14[%swap3A_154, %swap3A_155], %broadcast_in_dim3A_1 {strides = array<i32>} : memref<161x256xf32, #tpu.memory_space<vmem>>, vector<16xf32>,
      %swap3A_157 = arith.index_cast %scan3A_111 : i32 to index
      %swap3A_158 = arith.constant 112 : index
      %swap3A_159 = tpu.vector_load %arg15[%swap3A_157, %swap3A_158] {strides = array<i32>} : memref<161x256xf32, #tpu.memory_space<vmem>>, vector<16xf32>,
      tpu.vector_store %arg15[%swap3A_157, %swap3A_158], %broadcast_in_dim3A_3 {strides = array<i32>} : memref<161x256xf32, #tpu.memory_space<vmem>>, vector<16xf32>,
      %swap3A_160 = arith.index_cast %scan3A_111 : i32 to index
      %swap3A_161 = arith.constant 128 : index
      %swap3A_162 = tpu.vector_load %arg14[%swap3A_160, %swap3A_161] {strides = array<i32>} : memref<161x256xf32, #tpu.memory_space<vmem>>, vector<16xf32>,
      tpu.vector_store %arg14[%swap3A_160, %swap3A_161], %broadcast_in_dim3A_1 {strides = array<i32>} : memref<161x256xf32, #tpu.memory_space<vmem>>, vector<16xf32>,
      %swap3A_163 = arith.index_cast %scan3A_111 : i32 to index
      %swap3A_164 = arith.constant 128 : index
      %swap3A_165 = tpu.vector_load %arg15[%swap3A_163, %swap3A_164] {strides = array<i32>} : memref<161x256xf32, #tpu.memory_space<vmem>>, vector<16xf32>,
      tpu.vector_store %arg15[%swap3A_163, %swap3A_164], %broadcast_in_dim3A_3 {strides = array<i32>} : memref<161x256xf32, #tpu.memory_space<vmem>>, vector<16xf32>,
      %swap3A_166 = arith.index_cast %scan3A_111 : i32 to index
      %swap3A_167 = arith.constant 144 : index
      %swap3A_168 = tpu.vector_load %arg14[%swap3A_166, %swap3A_167] {strides = array<i32>} : memref<161x256xf32, #tpu.memory_space<vmem>>, vector<16xf32>,
      tpu.vector_store %arg14[%swap3A_166, %swap3A_167], %broadcast_in_dim3A_1 {strides = array<i32>} : memref<161x256xf32, #tpu.memory_space<vmem>>, vector<16xf32>,
      %swap3A_169 = arith.index_cast %scan3A_111 : i32 to index
      %swap3A_170 = arith.constant 144 : index
      %swap3A_171 = tpu.vector_load %arg15[%swap3A_169, %swap3A_170] {strides = array<i32>} : memref<161x256xf32, #tpu.memory_space<vmem>>, vector<16xf32>,
      tpu.vector_store %arg15[%swap3A_169, %swap3A_170], %broadcast_in_dim3A_3 {strides = array<i32>} : memref<161x256xf32, #tpu.memory_space<vmem>>, vector<16xf32>,
      %swap3A_172 = arith.index_cast %scan3A_111 : i32 to index
      %swap3A_173 = arith.constant 160 : index
      %swap3A_174 = tpu.vector_load %arg14[%swap3A_172, %swap3A_173] {strides = array<i32>} : memref<161x256xf32, #tpu.memory_space<vmem>>, vector<16xf32>,
      tpu.vector_store %arg14[%swap3A_172, %swap3A_173], %broadcast_in_dim3A_1 {strides = array<i32>} : memref<161x256xf32, #tpu.memory_space<vmem>>, vector<16xf32>,
      %swap3A_175 = arith.index_cast %scan3A_111 : i32 to index
      %swap3A_176 = arith.constant 160 : index
      %swap3A_177 = tpu.vector_load %arg15[%swap3A_175, %swap3A_176] {strides = array<i32>} : memref<161x256xf32, #tpu.memory_space<vmem>>, vector<16xf32>,
      tpu.vector_store %arg15[%swap3A_175, %swap3A_176], %broadcast_in_dim3A_3 {strides = array<i32>} : memref<161x256xf32, #tpu.memory_space<vmem>>, vector<16xf32>,
      %swap3A_178 = arith.index_cast %scan3A_111 : i32 to index
      %swap3A_179 = arith.constant 176 : index
      %swap3A_180 = tpu.vector_load %arg14[%swap3A_178, %swap3A_179] {strides = array<i32>} : memref<161x256xf32, #tpu.memory_space<vmem>>, vector<16xf32>,
      tpu.vector_store %arg14[%swap3A_178, %swap3A_179], %broadcast_in_dim3A_1 {strides = array<i32>} : memref<161x256xf32, #tpu.memory_space<vmem>>, vector<16xf32>,
      %swap3A_181 = arith.index_cast %scan3A_111 : i32 to index
      %swap3A_182 = arith.constant 176 : index
      %swap3A_183 = tpu.vector_load %arg15[%swap3A_181, %swap3A_182] {strides = array<i32>} : memref<161x256xf32, #tpu.memory_space<vmem>>, vector<16xf32>,
      tpu.vector_store %arg15[%swap3A_181, %swap3A_182], %broadcast_in_dim3A_3 {strides = array<i32>} : memref<161x256xf32, #tpu.memory_space<vmem>>, vector<16xf32>,
      %swap3A_184 = arith.index_cast %scan3A_111 : i32 to index
      %swap3A_185 = arith.constant 192 : index
      %swap3A_186 = tpu.vector_load %arg14[%swap3A_184, %swap3A_185] {strides = array<i32>} : memref<161x256xf32, #tpu.memory_space<vmem>>, vector<16xf32>,
      tpu.vector_store %arg14[%swap3A_184, %swap3A_185], %broadcast_in_dim3A_1 {strides = array<i32>} : memref<161x256xf32, #tpu.memory_space<vmem>>, vector<16xf32>,
      %swap3A_187 = arith.index_cast %scan3A_111 : i32 to index
      %swap3A_188 = arith.constant 192 : index
      %swap3A_189 = tpu.vector_load %arg15[%swap3A_187, %swap3A_188] {strides = array<i32>} : memref<161x256xf32, #tpu.memory_space<vmem>>, vector<16xf32>,
      tpu.vector_store %arg15[%swap3A_187, %swap3A_188], %broadcast_in_dim3A_3 {strides = array<i32>} : memref<161x256xf32, #tpu.memory_space<vmem>>, vector<16xf32>,
      %swap3A_190 = arith.index_cast %scan3A_111 : i32 to index
      %swap3A_191 = arith.constant 208 : index
      %swap3A_192 = tpu.vector_load %arg14[%swap3A_190, %swap3A_191] {strides = array<i32>} : memref<161x256xf32, #tpu.memory_space<vmem>>, vector<16xf32>,
      tpu.vector_store %arg14[%swap3A_190, %swap3A_191], %broadcast_in_dim3A_1 {strides = array<i32>} : memref<161x256xf32, #tpu.memory_space<vmem>>, vector<16xf32>,
      %swap3A_193 = arith.index_cast %scan3A_111 : i32 to index
      %swap3A_194 = arith.constant 208 : index
      %swap3A_195 = tpu.vector_load %arg15[%swap3A_193, %swap3A_194] {strides = array<i32>} : memref<161x256xf32, #tpu.memory_space<vmem>>, vector<16xf32>,
      tpu.vector_store %arg15[%swap3A_193, %swap3A_194], %broadcast_in_dim3A_3 {strides = array<i32>} : memref<161x256xf32, #tpu.memory_space<vmem>>, vector<16xf32>,
      %swap3A_196 = arith.index_cast %scan3A_111 : i32 to index
      %swap3A_197 = arith.constant 224 : index
      %swap3A_198 = tpu.vector_load %arg14[%swap3A_196, %swap3A_197] {strides = array<i32>} : memref<161x256xf32, #tpu.memory_space<vmem>>, vector<16xf32>,
      tpu.vector_store %arg14[%swap3A_196, %swap3A_197], %broadcast_in_dim3A_1 {strides = array<i32>} : memref<161x256xf32, #tpu.memory_space<vmem>>, vector<16xf32>,
      %swap3A_199 = arith.index_cast %scan3A_111 : i32 to index
      %swap3A_200 = arith.constant 224 : index
      %swap3A_201 = tpu.vector_load %arg15[%swap3A_199, %swap3A_200] {strides = array<i32>} : memref<161x256xf32, #tpu.memory_space<vmem>>, vector<16xf32>,
      tpu.vector_store %arg15[%swap3A_199, %swap3A_200], %broadcast_in_dim3A_3 {strides = array<i32>} : memref<161x256xf32, #tpu.memory_space<vmem>>, vector<16xf32>,
      %swap3A_202 = arith.index_cast %scan3A_111 : i32 to index
      %swap3A_203 = arith.constant 240 : index
      %swap3A_204 = tpu.vector_load %arg14[%swap3A_202, %swap3A_203] {strides = array<i32>} : memref<161x256xf32, #tpu.memory_space<vmem>>, vector<16xf32>,
      tpu.vector_store %arg14[%swap3A_202, %swap3A_203], %broadcast_in_dim3A_1 {strides = array<i32>} : memref<161x256xf32, #tpu.memory_space<vmem>>, vector<16xf32>,
      %swap3A_205 = arith.index_cast %scan3A_111 : i32 to index
      %swap3A_206 = arith.constant 240 : index
      %swap3A_207 = tpu.vector_load %arg15[%swap3A_205, %swap3A_206] {strides = array<i32>} : memref<161x256xf32, #tpu.memory_space<vmem>>, vector<16xf32>,
      tpu.vector_store %arg15[%swap3A_205, %swap3A_206], %broadcast_in_dim3A_3 {strides = array<i32>} : memref<161x256xf32, #tpu.memory_space<vmem>>, vector<16xf32>,
      %scan3A_208 = arith.constant 0 : i32
      scf.yield %scan3A_208 : i32
    }
    %scan3A_24 = arith.constant 161 : i32
    %scan3A_25 = arith.constant 0 : i32
    %scan3A_26 = arith.constant 0 : i32
    %scan3A_27 = arith.constant 11 : i32
    %scan3A_28 = arith.addi %scan3A_26, %scan3A_27 : i32
    %scan3A_29 = arith.constant 1 : i32
    %scan3A_30 = scf.for %scan3A_111 = %scan3A_26 to %scan3A_28 step %scan3A_29 iter_args(%scan3A_112 = %scan3A_25) -> (i32)  : i32 {
      %mul3A_113 = arith.constant 16 : i32
      %mul3A_114 = arith.muli %scan3A_111, %mul3A_113 : i32
      %swap3A = arith.index_cast %mul3A_114 : i32 to index
      %swap3A_115 = tpu.vector_load %arg16[%swap3A] {strides = array<i32>} : memref<176xf32, #tpu.memory_space<vmem>>, vector<16xf32>,
      tpu.vector_store %arg16[%swap3A], %broadcast_in_dim3A_1 {strides = array<i32>} : memref<176xf32, #tpu.memory_space<vmem>>, vector<16xf32>,
      %scan3A_116 = arith.constant 0 : i32
      scf.yield %scan3A_116 : i32
    }
    %scan3A_31 = arith.constant 11 : i32
    %dma_start3A = arith.constant 0 : i32
    %dma_start3A_32 = arith.constant 0 : i32
    %dma_start3A_33 = tpu.memref_slice %arg8[%dma_start3A, %dma_start3A_32] : memref<2x3200xi32, #tpu.memory_space<vmem>> -> memref<1x3200xi32, #tpu.memory_space<vmem>>
    %dma_start3A_34 = tpu.memref_squeeze %dma_start3A_33 : memref<1x3200xi32, #tpu.memory_space<vmem>> -> memref<3200xi32, #tpu.memory_space<vmem>>
    %dma_start3A_35 = arith.constant 0 : i32
    %dma_start3A_36 = tpu.memref_slice %arg4[%dma_start3A_35] : memref<160000xi32, #tpu.memory_space<hbm>> -> memref<3200xi32, #tpu.memory_space<hbm>>
    %dma_start3A_37 = arith.constant 0 : i32
    %dma_start3A_38 = tpu.memref_slice %arg8[%dma_start3A, %dma_start3A_37] : memref<2x3200xi32, #tpu.memory_space<vmem>> -> memref<1x3200xi32, #tpu.memory_space<vmem>>
    %dma_start3A_39 = tpu.memref_squeeze %dma_start3A_38 : memref<1x3200xi32, #tpu.memory_space<vmem>> -> memref<3200xi32, #tpu.memory_space<vmem>>
    %dma_start3A_40 = arith.constant 0 : i32
    %dma_start3A_41 = tpu.memref_slice %arg4[%dma_start3A_40] : memref<160000xi32, #tpu.memory_space<hbm>> -> memref<3200xi32, #tpu.memory_space<hbm>>
    tpu.enqueue_dma source(%dma_start3A_41 : memref<3200xi32, #tpu.memory_space<hbm>>) target(%dma_start3A_39 : memref<3200xi32, #tpu.memory_space<vmem>>) target_semaphore(%arg17 : memref<!tpu.dma_semaphore, #tpu.memory_space<semaphore_mem>>)
    %scan3A_42 = arith.constant 16383 : i32
    %scan3A_43 = arith.constant 0 : i32
    %scan3A_44 = arith.constant 0 : i32
    %scan3A_45 = arith.constant 50 : i32
    %scan3A_46 = arith.addi %scan3A_44, %scan3A_45 : i32
    %scan3A_47 = arith.constant 1 : i32
    %scan3A_48 = scf.for %scan3A_111 = %scan3A_44 to %scan3A_46 step %scan3A_47 iter_args(%scan3A_112 = %scan3A_43) -> (i32)  : i32 {
      %jit3A_113 = arith.constant 2 : i32
      %eq3A_114 = arith.constant 0 : i32
      %eq3A_115 = arith.cmpi eq, %jit3A_113, %eq3A_114 : i32
      %jit3A_116 = arith.constant 1 : i32
      %select_n3A_117 = arith.select %eq3A_115, %jit3A_116, %jit3A_113 : i32
      %rem3A = arith.remsi %scan3A_111, %select_n3A_117 : i32
      %ne3A = arith.constant 0 : i32
      %ne3A_118 = arith.cmpi ne, %rem3A, %ne3A : i32
      %lt3A_119 = arith.constant 0 : i32
      %lt3A_120 = arith.cmpi slt, %rem3A, %lt3A_119 : i32
      %lt3A_121 = arith.constant 0 : i32
      %lt3A_122 = arith.cmpi slt, %select_n3A_117, %lt3A_121 : i32
      %ne3A_123 = arith.xori %lt3A_120, %lt3A_122 : i1
      %and3A = arith.andi %ne3A_123, %ne3A_118 : i1
      %add3A_124 = arith.addi %rem3A, %select_n3A_117 : i32
      %select_n3A_125 = arith.select %and3A, %add3A_124, %rem3A : i32
      %mul3A_126 = arith.constant 3200 : i32
      %mul3A_127 = arith.muli %scan3A_111, %mul3A_126 : i32
      %dma_wait3A = arith.constant 0 : i32
      %dma_wait3A_128 = tpu.memref_slice %arg8[%select_n3A_125, %dma_wait3A] : memref<2x3200xi32, #tpu.memory_space<vmem>> -> memref<1x3200xi32, #tpu.memory_space<vmem>>
      %dma_wait3A_129 = tpu.memref_squeeze %dma_wait3A_128 : memref<1x3200xi32, #tpu.memory_space<vmem>> -> memref<3200xi32, #tpu.memory_space<vmem>>
      %dma_wait3A_130 = tpu.memref_slice %arg4[%mul3A_127] : memref<160000xi32, #tpu.memory_space<hbm>> -> memref<3200xi32, #tpu.memory_space<hbm>>
      %dma_wait3A_131 = arith.constant 0 : i32
      %dma_wait3A_132 = tpu.memref_slice %arg8[%select_n3A_125, %dma_wait3A_131] : memref<2x3200xi32, #tpu.memory_space<vmem>> -> memref<1x3200xi32, #tpu.memory_space<vmem>>
      %dma_wait3A_133 = tpu.memref_squeeze %dma_wait3A_132 : memref<1x3200xi32, #tpu.memory_space<vmem>> -> memref<3200xi32, #tpu.memory_space<vmem>>
      %dma_wait3A_134 = tpu.memref_slice %arg4[%mul3A_127] : memref<160000xi32, #tpu.memory_space<hbm>> -> memref<3200xi32, #tpu.memory_space<hbm>>
      tpu.wait_dma2 semaphore(%arg17 : memref<!tpu.dma_semaphore, #tpu.memory_space<semaphore_mem>>) src(%dma_wait3A_134 : memref<3200xi32, #tpu.memory_space<hbm>>) dst(%dma_wait3A_133 : memref<3200xi32, #tpu.memory_space<vmem>>)
      %add3A_135 = arith.constant 1 : i32
      %add3A_136 = arith.addi %scan3A_111, %add3A_135 : i32
      %lt3A_137 = arith.constant 50 : i32
      %lt3A_138 = arith.cmpi slt, %add3A_136, %lt3A_137 : i32
      %convert_element_type3A_139 = arith.extui %lt3A_138 : i1 to i32
      %cond3A_140 = arith.constant 0 : i32
      %cond3A_141 = arith.cmpi ne, %convert_element_type3A_139, %cond3A_140 : i32
      scf.if %cond3A_141 {
        %add3A_182 = arith.constant 1 : i32
        %add3A_183 = arith.addi %scan3A_111, %add3A_182 : i32
        %mul3A_184 = arith.constant 3200 : i32
        %mul3A_185 = arith.muli %add3A_183, %mul3A_184 : i32
        %sub3A_186 = arith.constant 1 : i32
        %sub3A_187 = arith.subi %sub3A_186, %select_n3A_125 : i32
        %dma_start3A_188 = arith.constant 0 : i32
        %dma_start3A_189 = tpu.memref_slice %arg8[%sub3A_187, %dma_start3A_188] : memref<2x3200xi32, #tpu.memory_space<vmem>> -> memref<1x3200xi32, #tpu.memory_space<vmem>>
        %dma_start3A_190 = tpu.memref_squeeze %dma_start3A_189 : memref<1x3200xi32, #tpu.memory_space<vmem>> -> memref<3200xi32, #tpu.memory_space<vmem>>
        %dma_start3A_191 = tpu.memref_slice %arg4[%mul3A_185] : memref<160000xi32, #tpu.memory_space<hbm>> -> memref<3200xi32, #tpu.memory_space<hbm>>
        %dma_start3A_192 = arith.constant 0 : i32
        %dma_start3A_193 = tpu.memref_slice %arg8[%sub3A_187, %dma_start3A_192] : memref<2x3200xi32, #tpu.memory_space<vmem>> -> memref<1x3200xi32, #tpu.memory_space<vmem>>
        %dma_start3A_194 = tpu.memref_squeeze %dma_start3A_193 : memref<1x3200xi32, #tpu.memory_space<vmem>> -> memref<3200xi32, #tpu.memory_space<vmem>>
        %dma_start3A_195 = tpu.memref_slice %arg4[%mul3A_185] : memref<160000xi32, #tpu.memory_space<hbm>> -> memref<3200xi32, #tpu.memory_space<hbm>>
        tpu.enqueue_dma source(%dma_start3A_195 : memref<3200xi32, #tpu.memory_space<hbm>>) target(%dma_start3A_194 : memref<3200xi32, #tpu.memory_space<vmem>>) target_semaphore(%arg17 : memref<!tpu.dma_semaphore, #tpu.memory_space<semaphore_mem>>)
      } else {
      }
      %scan3A_142 = arith.constant 0 : i32
      %scan3A_143 = arith.constant 0 : i32
      %scan3A_144 = arith.constant 200 : i32
      %scan3A_145 = arith.addi %scan3A_143, %scan3A_144 : i32
      %scan3A_146 = arith.constant 1 : i32
      %scan3A_147 = scf.for %scan3A_182 = %scan3A_143 to %scan3A_145 step %scan3A_146 iter_args(%scan3A_183 = %scan3A_142) -> (i32)  : i32 {
        %mul3A_184 = arith.constant 16 : i32
        %mul3A_185 = arith.muli %scan3A_182, %mul3A_184 : i32
        %get3A = arith.index_cast %select_n3A_125 : i32 to index
        %get3A_186 = arith.index_cast %mul3A_185 : i32 to index
        %get3A_187 = tpu.vector_load %arg8[%get3A, %get3A_186] {strides = array<i32>} : memref<2x3200xi32, #tpu.memory_space<vmem>>, vector<16xi32>,
        %shift_right_arithmetic3A = arith.constant 14 : i32
        %shift_right_arithmetic3A_188 = vector.broadcast %shift_right_arithmetic3A : i32 to vector<16xi32>
        %shift_right_arithmetic3A_189 = arith.shrsi %get3A_187, %shift_right_arithmetic3A_188 : vector<16xi32>
        %ge3A = vector.broadcast %mul3A_14 : i32 to vector<16xi32>
        %ge3A_190 = arith.cmpi sge, %shift_right_arithmetic3A_189, %ge3A : vector<16xi32>
        %add3A_191 = arith.constant 160 : i32
        %add3A_192 = arith.addi %mul3A_14, %add3A_191 : i32
        %lt3A_193 = vector.broadcast %add3A_192 : i32 to vector<16xi32>
        %lt3A_194 = arith.cmpi slt, %shift_right_arithmetic3A_189, %lt3A_193 : vector<16xi32>
        %and3A_195 = arith.andi %ge3A_190, %lt3A_194 : vector<16xi1>
        %convert_element_type3A_196 = arith.extui %and3A_195 : vector<16xi1> to vector<16xi32>
        %masked_sort3A = arith.constant dense<true> : vector<16xi1>
        %masked_sort3A_197 = arith.constant -2147483648 : i32
        %masked_sort3A_198 = vector.broadcast %masked_sort3A_197 : i32 to vector<16xi32>
        %masked_sort3A_199 = arith.xori %convert_element_type3A_196, %masked_sort3A_198 : vector<16xi32>
        %masked_sort3A_200, %masked_sort3A_201, %masked_sort3A_202 = tpu.sort %masked_sort3A_199, %get3A_187 masked %masked_sort3A {descending = true} : (vector<16xi32>, vector<16xi32>, vector<16xi1>) -> (vector<16xi1>, vector<16xi32>, vector<16xi32>)
        %masked_sort3A_203 = arith.xori %masked_sort3A_201, %masked_sort3A_198 : vector<16xi32>
        %swap3A_204 = arith.index_cast %scan3A_183 : i32 to index
        %swap3A_205 = tpu.vector_load %arg9[%swap3A_204] {strides = array<i32>} : memref<3264xi32, #tpu.memory_space<vmem>>, vector<16xi32>,
        tpu.vector_store %arg9[%swap3A_204], %masked_sort3A_202 {strides = array<i32>} : memref<3264xi32, #tpu.memory_space<vmem>>, vector<16xi32>,
        %all_reduce_population_count3A = tpu.all_reduce %and3A_195 {dim = 0 : i64, kind = #tpu.reduction_kind<sum>} : vector<16xi1> -> vector<16xi32>
        %slice3A = vector.extract_strided_slice %all_reduce_population_count3A {offsets = [0], sizes = [1], strides = [1]} : vector<16xi32> to vector<1xi32>
        %squeeze3A = vector.extract %slice3A[0] : i32 from vector<1xi32>
        %add3A_206 = arith.addi %scan3A_183, %squeeze3A : i32
        scf.yield %add3A_206 : i32
      }
      %scan3A_148 = arith.constant 200 : i32
      %swap3A = arith.index_cast %scan3A_147 : i32 to index
      %swap3A_149 = tpu.vector_load %arg9[%swap3A] {strides = array<i32>} : memref<3264xi32, #tpu.memory_space<vmem>>, vector<16xi32>,
      tpu.vector_store %arg9[%swap3A], %broadcast_in_dim3A_18 {strides = array<i32>} : memref<3264xi32, #tpu.memory_space<vmem>>, vector<16xi32>,
      %add3A_150 = arith.constant 16 : i32
      %add3A_151 = arith.addi %scan3A_147, %add3A_150 : i32
      %swap3A_152 = arith.index_cast %add3A_151 : i32 to index
      %swap3A_153 = tpu.vector_load %arg9[%swap3A_152] {strides = array<i32>} : memref<3264xi32, #tpu.memory_space<vmem>>, vector<16xi32>,
      tpu.vector_store %arg9[%swap3A_152], %broadcast_in_dim3A_18 {strides = array<i32>} : memref<3264xi32, #tpu.memory_space<vmem>>, vector<16xi32>,
      %add3A_154 = arith.constant 15 : i32
      %add3A_155 = arith.addi %scan3A_147, %add3A_154 : i32
      %jit3A_156 = arith.constant 16 : i32
      %div3A = arith.divsi %add3A_155, %jit3A_156 : i32
      %sign3A = arith.constant 0 : i32
      %sign3A_157 = arith.cmpi sgt, %add3A_155, %sign3A : i32
      %sign3A_158 = arith.extui %sign3A_157 : i1 to i32
      %sign3A_159 = arith.constant 0 : i32
      %sign3A_160 = arith.cmpi slt, %add3A_155, %sign3A_159 : i32
      %sign3A_161 = arith.extui %sign3A_160 : i1 to i32
      %sign3A_162 = arith.subi %sign3A_158, %sign3A_161 : i32
      %sign3A_163 = arith.constant 0 : i32
      %sign3A_164 = arith.cmpi sgt, %jit3A_156, %sign3A_163 : i32
      %sign3A_165 = arith.extui %sign3A_164 : i1 to i32
      %sign3A_166 = arith.constant 0 : i32
      %sign3A_167 = arith.cmpi slt, %jit3A_156, %sign3A_166 : i32
      %sign3A_168 = arith.extui %sign3A_167 : i1 to i32
      %sign3A_169 = arith.subi %sign3A_165, %sign3A_168 : i32
      %ne3A_170 = arith.cmpi ne, %sign3A_162, %sign3A_169 : i32
      %rem3A_171 = arith.remsi %add3A_155, %jit3A_156 : i32
      %ne3A_172 = arith.constant 0 : i32
      %ne3A_173 = arith.cmpi ne, %rem3A_171, %ne3A_172 : i32
      %and3A_174 = arith.andi %ne3A_170, %ne3A_173 : i1
      %sub3A = arith.constant 1 : i32
      %sub3A_175 = arith.subi %div3A, %sub3A : i32
      %select_n3A_176 = arith.select %and3A_174, %sub3A_175, %div3A : i32
      %gt3A = arith.constant 0 : i32
      %gt3A_177 = arith.cmpi sgt, %select_n3A_176, %gt3A : i32
      %convert_element_type3A_178 = arith.extui %gt3A_177 : i1 to i32
      %cond3A_179 = arith.constant 0 : i32
      %cond3A_180 = arith.cmpi ne, %convert_element_type3A_178, %cond3A_179 : i32
      scf.if %cond3A_180 {
        %get3A = arith.constant 0 : index
        %get3A_182 = tpu.vector_load %arg9[%get3A] {strides = array<i32>} : memref<3264xi32, #tpu.memory_space<vmem>>, vector<16xi32>,
        %and3A_183 = vector.broadcast %scan3A_42 : i32 to vector<16xi32>
        %and3A_184 = arith.andi %get3A_182, %and3A_183 : vector<16xi32>
        %dma_start3A_185 = arith.constant 0 : i32
        %dma_start3A_186 = arith.constant 0 : i32
        %dma_start3A_187 = arith.constant 0 : i32
        %dma_start3A_188 = tpu.memref_slice %arg11[%dma_start3A_185, %dma_start3A_186, %dma_start3A_187] : memref<2x16x384xf32, #tpu.memory_space<vmem>> -> memref<1x16x384xf32, #tpu.memory_space<vmem>>
        %dma_start3A_189 = tpu.memref_squeeze %dma_start3A_188 : memref<1x16x384xf32, #tpu.memory_space<vmem>> -> memref<16x384xf32, #tpu.memory_space<vmem>>
        %dma_start3A_190 = arith.constant 0 : i32
        %dma_start3A_191 = arith.constant 0 : i32
        %dma_start3A_192 = tpu.memref_slice %arg2[%dma_start3A_190, %dma_start3A_191] : memref<10000x384xf32, #tpu.memory_space<hbm>> -> memref<10000x384xf32, #tpu.memory_space<hbm>>
        tpu.enqueue_indirect_dma source(%dma_start3A_192 : memref<10000x384xf32, #tpu.memory_space<hbm>>) target(%dma_start3A_189 : memref<16x384xf32, #tpu.memory_space<vmem>>) offsets(%and3A_184 : vector<16xi32>) semaphore(%arg18 : memref<!tpu.dma_semaphore, #tpu.memory_space<semaphore_mem>>)
        %gt3A_193 = arith.constant 1 : i32
        %gt3A_194 = arith.cmpi sgt, %select_n3A_176, %gt3A_193 : i32
        %convert_element_type3A_195 = arith.extui %gt3A_194 : i1 to i32
        %cond3A_196 = arith.constant 0 : i32
        %cond3A_197 = arith.cmpi ne, %convert_element_type3A_195, %cond3A_196 : i32
        scf.if %cond3A_197 {
          %get3A_209 = arith.constant 16 : index
          %get3A_210 = tpu.vector_load %arg9[%get3A_209] {strides = array<i32>} : memref<3264xi32, #tpu.memory_space<vmem>>, vector<16xi32>,
          %and3A_211 = vector.broadcast %scan3A_42 : i32 to vector<16xi32>
          %and3A_212 = arith.andi %get3A_210, %and3A_211 : vector<16xi32>
          %dma_start3A_213 = arith.constant 1 : i32
          %dma_start3A_214 = arith.constant 0 : i32
          %dma_start3A_215 = arith.constant 0 : i32
          %dma_start3A_216 = tpu.memref_slice %arg11[%dma_start3A_213, %dma_start3A_214, %dma_start3A_215] : memref<2x16x384xf32, #tpu.memory_space<vmem>> -> memref<1x16x384xf32, #tpu.memory_space<vmem>>
          %dma_start3A_217 = tpu.memref_squeeze %dma_start3A_216 : memref<1x16x384xf32, #tpu.memory_space<vmem>> -> memref<16x384xf32, #tpu.memory_space<vmem>>
          %dma_start3A_218 = arith.constant 0 : i32
          %dma_start3A_219 = arith.constant 0 : i32
          %dma_start3A_220 = tpu.memref_slice %arg2[%dma_start3A_218, %dma_start3A_219] : memref<10000x384xf32, #tpu.memory_space<hbm>> -> memref<10000x384xf32, #tpu.memory_space<hbm>>
          tpu.enqueue_indirect_dma source(%dma_start3A_220 : memref<10000x384xf32, #tpu.memory_space<hbm>>) target(%dma_start3A_217 : memref<16x384xf32, #tpu.memory_space<vmem>>) offsets(%and3A_212 : vector<16xi32>) semaphore(%arg19 : memref<!tpu.dma_semaphore, #tpu.memory_space<semaphore_mem>>)
        } else {
        }
        %while3A = arith.constant 0 : i32
        %while3A_198 = arith.constant 0 : i32
        %while3A_199 = arith.subi %select_n3A_176, %while3A : i32
        %while3A_200 = arith.addi %while3A, %while3A_199 : i32
        %while3A_201 = arith.constant 1 : i32
        %while3A_202 = arith.divsi %while3A_199, %while3A_201 : i32
        %while3A_203 = arith.muli %while3A_202, %while3A_201 : i32
        %while3A_204 = arith.addi %while3A, %while3A_203 : i32
        %while3A_205 = arith.constant 1 : i32
        %while3A_206 = scf.for %while3A_209 = %while3A to %while3A_204 step %while3A_205 iter_args(%while3A_210 = %while3A_198) -> (i32)  : i32 {
          %jit3A_211 = arith.constant 2 : i32
          %eq3A_212 = arith.constant 0 : i32
          %eq3A_213 = arith.cmpi eq, %jit3A_211, %eq3A_212 : i32
          %jit3A_214 = arith.constant 1 : i32
          %select_n3A_215 = arith.select %eq3A_213, %jit3A_214, %jit3A_211 : i32
          %rem3A_216 = arith.remsi %while3A_209, %select_n3A_215 : i32
          %ne3A_217 = arith.constant 0 : i32
          %ne3A_218 = arith.cmpi ne, %rem3A_216, %ne3A_217 : i32
          %lt3A_219 = arith.constant 0 : i32
          %lt3A_220 = arith.cmpi slt, %rem3A_216, %lt3A_219 : i32
          %lt3A_221 = arith.constant 0 : i32
          %lt3A_222 = arith.cmpi slt, %select_n3A_215, %lt3A_221 : i32
          %ne3A_223 = arith.xori %lt3A_220, %lt3A_222 : i1
          %and3A_224 = arith.andi %ne3A_223, %ne3A_218 : i1
          %add3A_225 = arith.addi %rem3A_216, %select_n3A_215 : i32
          %select_n3A_226 = arith.select %and3A_224, %add3A_225, %rem3A_216 : i32
          %eq3A_227 = arith.constant 0 : i32
          %eq3A_228 = arith.cmpi eq, %select_n3A_226, %eq3A_227 : i32
          %convert_element_type3A_229 = arith.extui %eq3A_228 : i1 to i32
          %cond3A_230 = arith.constant 0 : i32
          %cond3A_231 = arith.cmpi ne, %convert_element_type3A_229, %cond3A_230 : i32
          scf.if %cond3A_231 {
            %dma_wait3A_283 = arith.constant 0 : i32
            %dma_wait3A_284 = arith.constant 0 : i32
            %dma_wait3A_285 = arith.constant 0 : i32
            %dma_wait3A_286 = tpu.memref_slice %arg11[%dma_wait3A_283, %dma_wait3A_284, %dma_wait3A_285] : memref<2x16x384xf32, #tpu.memory_space<vmem>> -> memref<1x16x384xf32, #tpu.memory_space<vmem>>
            %dma_wait3A_287 = tpu.memref_squeeze %dma_wait3A_286 : memref<1x16x384xf32, #tpu.memory_space<vmem>> -> memref<16x384xf32, #tpu.memory_space<vmem>>
            %dma_wait3A_288 = arith.constant 0 : i32
            %dma_wait3A_289 = arith.constant 0 : i32
            %dma_wait3A_290 = tpu.memref_slice %arg2[%dma_wait3A_288, %dma_wait3A_289] : memref<10000x384xf32, #tpu.memory_space<hbm>> -> memref<16x384xf32, #tpu.memory_space<hbm>>
            %dma_wait3A_291 = arith.constant 0 : i32
            %dma_wait3A_292 = arith.constant 0 : i32
            %dma_wait3A_293 = tpu.memref_slice %arg11[%dma_wait3A_283, %dma_wait3A_291, %dma_wait3A_292] : memref<2x16x384xf32, #tpu.memory_space<vmem>> -> memref<1x16x384xf32, #tpu.memory_space<vmem>>
            %dma_wait3A_294 = tpu.memref_squeeze %dma_wait3A_293 : memref<1x16x384xf32, #tpu.memory_space<vmem>> -> memref<16x384xf32, #tpu.memory_space<vmem>>
            %dma_wait3A_295 = arith.constant 0 : i32
            %dma_wait3A_296 = arith.constant 0 : i32
            %dma_wait3A_297 = tpu.memref_slice %arg2[%dma_wait3A_295, %dma_wait3A_296] : memref<10000x384xf32, #tpu.memory_space<hbm>> -> memref<16x384xf32, #tpu.memory_space<hbm>>
            tpu.wait_dma2 semaphore(%arg18 : memref<!tpu.dma_semaphore, #tpu.memory_space<semaphore_mem>>) src(%dma_wait3A_297 : memref<16x384xf32, #tpu.memory_space<hbm>>) dst(%dma_wait3A_294 : memref<16x384xf32, #tpu.memory_space<vmem>>)
          } else {
          }
          %eq3A_232 = arith.constant 1 : i32
          %eq3A_233 = arith.cmpi eq, %select_n3A_226, %eq3A_232 : i32
          %convert_element_type3A_234 = arith.extui %eq3A_233 : i1 to i32
          %cond3A_235 = arith.constant 0 : i32
          %cond3A_236 = arith.cmpi ne, %convert_element_type3A_234, %cond3A_235 : i32
          scf.if %cond3A_236 {
            %dma_wait3A_283 = arith.constant 1 : i32
            %dma_wait3A_284 = arith.constant 0 : i32
            %dma_wait3A_285 = arith.constant 0 : i32
            %dma_wait3A_286 = tpu.memref_slice %arg11[%dma_wait3A_283, %dma_wait3A_284, %dma_wait3A_285] : memref<2x16x384xf32, #tpu.memory_space<vmem>> -> memref<1x16x384xf32, #tpu.memory_space<vmem>>
            %dma_wait3A_287 = tpu.memref_squeeze %dma_wait3A_286 : memref<1x16x384xf32, #tpu.memory_space<vmem>> -> memref<16x384xf32, #tpu.memory_space<vmem>>
            %dma_wait3A_288 = arith.constant 0 : i32
            %dma_wait3A_289 = arith.constant 0 : i32
            %dma_wait3A_290 = tpu.memref_slice %arg2[%dma_wait3A_288, %dma_wait3A_289] : memref<10000x384xf32, #tpu.memory_space<hbm>> -> memref<16x384xf32, #tpu.memory_space<hbm>>
            %dma_wait3A_291 = arith.constant 0 : i32
            %dma_wait3A_292 = arith.constant 0 : i32
            %dma_wait3A_293 = tpu.memref_slice %arg11[%dma_wait3A_283, %dma_wait3A_291, %dma_wait3A_292] : memref<2x16x384xf32, #tpu.memory_space<vmem>> -> memref<1x16x384xf32, #tpu.memory_space<vmem>>
            %dma_wait3A_294 = tpu.memref_squeeze %dma_wait3A_293 : memref<1x16x384xf32, #tpu.memory_space<vmem>> -> memref<16x384xf32, #tpu.memory_space<vmem>>
            %dma_wait3A_295 = arith.constant 0 : i32
            %dma_wait3A_296 = arith.constant 0 : i32
            %dma_wait3A_297 = tpu.memref_slice %arg2[%dma_wait3A_295, %dma_wait3A_296] : memref<10000x384xf32, #tpu.memory_space<hbm>> -> memref<16x384xf32, #tpu.memory_space<hbm>>
            tpu.wait_dma2 semaphore(%arg19 : memref<!tpu.dma_semaphore, #tpu.memory_space<semaphore_mem>>) src(%dma_wait3A_297 : memref<16x384xf32, #tpu.memory_space<hbm>>) dst(%dma_wait3A_294 : memref<16x384xf32, #tpu.memory_space<vmem>>)
          } else {
          }
          %mul3A_237 = arith.constant 16 : i32
          %mul3A_238 = arith.muli %while3A_209, %mul3A_237 : i32
          %get3A_239 = arith.index_cast %mul3A_238 : i32 to index
          %get3A_240 = tpu.vector_load %arg9[%get3A_239] {strides = array<i32>} : memref<3264xi32, #tpu.memory_space<vmem>>, vector<16xi32>,
          %shift_right_arithmetic3A = arith.constant 14 : i32
          %shift_right_arithmetic3A_241 = vector.broadcast %shift_right_arithmetic3A : i32 to vector<16xi32>
          %shift_right_arithmetic3A_242 = arith.shrsi %get3A_240, %shift_right_arithmetic3A_241 : vector<16xi32>
          %sub3A_243 = vector.broadcast %mul3A_14 : i32 to vector<16xi32>
          %sub3A_244 = arith.subi %shift_right_arithmetic3A_242, %sub3A_243 : vector<16xi32>
          %swap3A_245 = arith.constant 0 : index
          %swap3A_246 = tpu.vector_load %arg13[%swap3A_245] {strides = array<i32>} : memref<48xi32, #tpu.memory_space<vmem>>, vector<16xi32>,
          tpu.vector_store %arg13[%swap3A_245], %sub3A_244 {strides = array<i32>} : memref<48xi32, #tpu.memory_space<vmem>>, vector<16xi32>,
          %scan3A_247 = arith.constant 0 : i32
          %scan3A_248 = arith.constant 16 : i32
          %scan3A_249 = arith.addi %scan3A_247, %scan3A_248 : i32
          %scan3A_250 = arith.constant 1 : i32
          %scan3A_251 = scf.for %scan3A_283 = %scan3A_247 to %scan3A_249 step %scan3A_250 iter_args(%scan3A_284 = %broadcast_in_dim3A_1) -> (vector<16xf32>)  : i32 {
            %get3A_285 = arith.index_cast %scan3A_283 : i32 to index
            %get3A_286 = tpu.vector_load %arg13[%get3A_285] {strides = array<i32>} : memref<48xi32, #tpu.memory_space<vmem>>, vector<16xi32>,
            %slice3A = vector.extract_strided_slice %get3A_286 {offsets = [0], sizes = [1], strides = [1]} : vector<16xi32> to vector<1xi32>
            %squeeze3A = vector.extract %slice3A[0] : i32 from vector<1xi32>
            %get3A_287 = arith.index_cast %select_n3A_226 : i32 to index
            %get3A_288 = arith.index_cast %scan3A_283 : i32 to index
            %get3A_289 = arith.constant 256 : index
            %get3A_290 = tpu.vector_load %arg11[%get3A_287, %get3A_288, %get3A_289] {strides = array<i32>} : memref<2x16x384xf32, #tpu.memory_space<vmem>>, vector<16xf32>,
            %get3A_291 = arith.index_cast %squeeze3A : i32 to index
            %get3A_292 = arith.constant 0 : index
            %get3A_293 = tpu.vector_load %arg10[%get3A_291, %get3A_292] {strides = array<i32>} : memref<161x16xf32, #tpu.memory_space<vmem>>, vector<16xf32>,
            %sub3A_294 = arith.subf %get3A_290, %get3A_293 : vector<16xf32>
            %mul3A_295 = arith.mulf %sub3A_294, %sub3A_294 : vector<16xf32>
            %reduce_sum3A = arith.constant true
            %reduce_sum3A_296 = vector.broadcast %reduce_sum3A : i1 to vector<16xi1>
            %reduce_sum3A_297 = tpu.scan <sum>, %mul3A_295 masked %reduce_sum3A_296 : vector<16xf32>, vector<16xi1> -> vector<16xf32>
            %reduce_sum3A_298 = vector.extract %reduce_sum3A_297[15] : f32 from vector<16xf32>
            %eq3A_299 = vector.broadcast %scan3A_283 : i32 to vector<16xi32>
            %eq3A_300 = arith.cmpi eq, %iota3A, %eq3A_299 : vector<16xi32>
            %broadcast_in_dim3A_301 = vector.broadcast %reduce_sum3A_298 : f32 to vector<16xf32>
            %select_n3A_302 = arith.select %eq3A_300, %broadcast_in_dim3A_301, %scan3A_284 : vector<16xi1>, vector<16xf32>
            scf.yield %select_n3A_302 : vector<16xf32>
          }
          %scan3A_252 = arith.constant 16 : i32
          %neg3A = arith.constant 0.000000e+00 : f32
          %neg3A_253 = vector.broadcast %neg3A : f32 to vector<16xf32>
          %neg3A_254 = arith.subf %neg3A_253, %scan3A_251 : vector<16xf32>
          %exp3A = math.exp %neg3A_254 : vector<16xf32>
          %swap3A_255 = arith.constant 0 : index
          %swap3A_256 = tpu.vector_load %arg12[%swap3A_255] {strides = array<i32>} : memref<48xf32, #tpu.memory_space<vmem>>, vector<16xf32>,
          tpu.vector_store %arg12[%swap3A_255], %exp3A {strides = array<i32>} : memref<48xf32, #tpu.memory_space<vmem>>, vector<16xf32>,
          %scan3A_257 = arith.constant 0 : i32
          %scan3A_258 = arith.constant 0 : i32
          %scan3A_259 = arith.constant 16 : i32
          %scan3A_260 = arith.addi %scan3A_258, %scan3A_259 : i32
          %scan3A_261 = arith.constant 1 : i32
          %scan3A_262 = scf.for %scan3A_283 = %scan3A_258 to %scan3A_260 step %scan3A_261 iter_args(%scan3A_284 = %scan3A_257) -> (i32)  : i32 {
            %get3A_285 = arith.index_cast %scan3A_283 : i32 to index
            %get3A_286 = tpu.vector_load %arg12[%get3A_285] {strides = array<i32>} : memref<48xf32, #tpu.memory_space<vmem>>, vector<16xf32>,
            %slice3A = vector.extract_strided_slice %get3A_286 {offsets = [0], sizes = [1], strides = [1]} : vector<16xf32> to vector<1xf32>
            %squeeze3A = vector.extract %slice3A[0] : f32 from vector<1xf32>
            %get3A_287 = arith.index_cast %scan3A_283 : i32 to index
            %get3A_288 = tpu.vector_load %arg13[%get3A_287] {strides = array<i32>} : memref<48xi32, #tpu.memory_space<vmem>>, vector<16xi32>,
            %slice3A_289 = vector.extract_strided_slice %get3A_288 {offsets = [0], sizes = [1], strides = [1]} : vector<16xi32> to vector<1xi32>
            %squeeze3A_290 = vector.extract %slice3A_289[0] : i32 from vector<1xi32>
            %swap3A_291 = arith.index_cast %squeeze3A_290 : i32 to index
            %swap3A_292 = tpu.vector_load %arg16[%swap3A_291] {strides = array<i32>} : memref<176xf32, #tpu.memory_space<vmem>>, vector<16xf32>,
            tpu.vector_store %arg16[%swap3A_291], %select_n3A {add = true, strides = array<i32>} : memref<176xf32, #tpu.memory_space<vmem>>, vector<16xf32>,
            %get3A_293 = arith.index_cast %select_n3A_226 : i32 to index
            %get3A_294 = arith.index_cast %scan3A_283 : i32 to index
            %get3A_295 = arith.constant 0 : index
            %get3A_296 = tpu.vector_load %arg11[%get3A_293, %get3A_294, %get3A_295] {strides = array<i32>} : memref<2x16x384xf32, #tpu.memory_space<vmem>>, vector<16xf32>,
            %mul3A_297 = vector.broadcast %squeeze3A : f32 to vector<16xf32>
            %mul3A_298 = arith.mulf %get3A_296, %mul3A_297 : vector<16xf32>
            %swap3A_299 = arith.index_cast %squeeze3A_290 : i32 to index
            %swap3A_300 = arith.constant 0 : index
            %swap3A_301 = tpu.vector_load %arg14[%swap3A_299, %swap3A_300] {strides = array<i32>} : memref<161x256xf32, #tpu.memory_space<vmem>>, vector<16xf32>,
            tpu.vector_store %arg14[%swap3A_299, %swap3A_300], %mul3A_298 {add = true, strides = array<i32>} : memref<161x256xf32, #tpu.memory_space<vmem>>, vector<16xf32>,
            %get3A_302 = arith.index_cast %squeeze3A_290 : i32 to index
            %get3A_303 = arith.constant 0 : index
            %get3A_304 = tpu.vector_load %arg15[%get3A_302, %get3A_303] {strides = array<i32>} : memref<161x256xf32, #tpu.memory_space<vmem>>, vector<16xf32>,
            %max3A = arith.maximumf %get3A_304, %mul3A_298 : vector<16xf32>
            %swap3A_305 = arith.index_cast %squeeze3A_290 : i32 to index
            %swap3A_306 = arith.constant 0 : index
            %swap3A_307 = tpu.vector_load %arg15[%swap3A_305, %swap3A_306] {strides = array<i32>} : memref<161x256xf32, #tpu.memory_space<vmem>>, vector<16xf32>,
            tpu.vector_store %arg15[%swap3A_305, %swap3A_306], %max3A {strides = array<i32>} : memref<161x256xf32, #tpu.memory_space<vmem>>, vector<16xf32>,
            %get3A_308 = arith.index_cast %select_n3A_226 : i32 to index
            %get3A_309 = arith.index_cast %scan3A_283 : i32 to index
            %get3A_310 = arith.constant 16 : index
            %get3A_311 = tpu.vector_load %arg11[%get3A_308, %get3A_309, %get3A_310] {strides = array<i32>} : memref<2x16x384xf32, #tpu.memory_space<vmem>>, vector<16xf32>,
            %mul3A_312 = vector.broadcast %squeeze3A : f32 to vector<16xf32>
            %mul3A_313 = arith.mulf %get3A_311, %mul3A_312 : vector<16xf32>
            %swap3A_314 = arith.index_cast %squeeze3A_290 : i32 to index
            %swap3A_315 = arith.constant 16 : index
            %swap3A_316 = tpu.vector_load %arg14[%swap3A_314, %swap3A_315] {strides = array<i32>} : memref<161x256xf32, #tpu.memory_space<vmem>>, vector<16xf32>,
            tpu.vector_store %arg14[%swap3A_314, %swap3A_315], %mul3A_313 {add = true, strides = array<i32>} : memref<161x256xf32, #tpu.memory_space<vmem>>, vector<16xf32>,
            %get3A_317 = arith.index_cast %squeeze3A_290 : i32 to index
            %get3A_318 = arith.constant 16 : index
            %get3A_319 = tpu.vector_load %arg15[%get3A_317, %get3A_318] {strides = array<i32>} : memref<161x256xf32, #tpu.memory_space<vmem>>, vector<16xf32>,
            %max3A_320 = arith.maximumf %get3A_319, %mul3A_313 : vector<16xf32>
            %swap3A_321 = arith.index_cast %squeeze3A_290 : i32 to index
            %swap3A_322 = arith.constant 16 : index
            %swap3A_323 = tpu.vector_load %arg15[%swap3A_321, %swap3A_322] {strides = array<i32>} : memref<161x256xf32, #tpu.memory_space<vmem>>, vector<16xf32>,
            tpu.vector_store %arg15[%swap3A_321, %swap3A_322], %max3A_320 {strides = array<i32>} : memref<161x256xf32, #tpu.memory_space<vmem>>, vector<16xf32>,
            %get3A_324 = arith.index_cast %select_n3A_226 : i32 to index
            %get3A_325 = arith.index_cast %scan3A_283 : i32 to index
            %get3A_326 = arith.constant 32 : index
            %get3A_327 = tpu.vector_load %arg11[%get3A_324, %get3A_325, %get3A_326] {strides = array<i32>} : memref<2x16x384xf32, #tpu.memory_space<vmem>>, vector<16xf32>,
            %mul3A_328 = vector.broadcast %squeeze3A : f32 to vector<16xf32>
            %mul3A_329 = arith.mulf %get3A_327, %mul3A_328 : vector<16xf32>
            %swap3A_330 = arith.index_cast %squeeze3A_290 : i32 to index
            %swap3A_331 = arith.constant 32 : index
            %swap3A_332 = tpu.vector_load %arg14[%swap3A_330, %swap3A_331] {strides = array<i32>} : memref<161x256xf32, #tpu.memory_space<vmem>>, vector<16xf32>,
            tpu.vector_store %arg14[%swap3A_330, %swap3A_331], %mul3A_329 {add = true, strides = array<i32>} : memref<161x256xf32, #tpu.memory_space<vmem>>, vector<16xf32>,
            %get3A_333 = arith.index_cast %squeeze3A_290 : i32 to index
            %get3A_334 = arith.constant 32 : index
            %get3A_335 = tpu.vector_load %arg15[%get3A_333, %get3A_334] {strides = array<i32>} : memref<161x256xf32, #tpu.memory_space<vmem>>, vector<16xf32>,
            %max3A_336 = arith.maximumf %get3A_335, %mul3A_329 : vector<16xf32>
            %swap3A_337 = arith.index_cast %squeeze3A_290 : i32 to index
            %swap3A_338 = arith.constant 32 : index
            %swap3A_339 = tpu.vector_load %arg15[%swap3A_337, %swap3A_338] {strides = array<i32>} : memref<161x256xf32, #tpu.memory_space<vmem>>, vector<16xf32>,
            tpu.vector_store %arg15[%swap3A_337, %swap3A_338], %max3A_336 {strides = array<i32>} : memref<161x256xf32, #tpu.memory_space<vmem>>, vector<16xf32>,
            %get3A_340 = arith.index_cast %select_n3A_226 : i32 to index
            %get3A_341 = arith.index_cast %scan3A_283 : i32 to index
            %get3A_342 = arith.constant 48 : index
            %get3A_343 = tpu.vector_load %arg11[%get3A_340, %get3A_341, %get3A_342] {strides = array<i32>} : memref<2x16x384xf32, #tpu.memory_space<vmem>>, vector<16xf32>,
            %mul3A_344 = vector.broadcast %squeeze3A : f32 to vector<16xf32>
            %mul3A_345 = arith.mulf %get3A_343, %mul3A_344 : vector<16xf32>
            %swap3A_346 = arith.index_cast %squeeze3A_290 : i32 to index
            %swap3A_347 = arith.constant 48 : index
            %swap3A_348 = tpu.vector_load %arg14[%swap3A_346, %swap3A_347] {strides = array<i32>} : memref<161x256xf32, #tpu.memory_space<vmem>>, vector<16xf32>,
            tpu.vector_store %arg14[%swap3A_346, %swap3A_347], %mul3A_345 {add = true, strides = array<i32>} : memref<161x256xf32, #tpu.memory_space<vmem>>, vector<16xf32>,
            %get3A_349 = arith.index_cast %squeeze3A_290 : i32 to index
            %get3A_350 = arith.constant 48 : index
            %get3A_351 = tpu.vector_load %arg15[%get3A_349, %get3A_350] {strides = array<i32>} : memref<161x256xf32, #tpu.memory_space<vmem>>, vector<16xf32>,
            %max3A_352 = arith.maximumf %get3A_351, %mul3A_345 : vector<16xf32>
            %swap3A_353 = arith.index_cast %squeeze3A_290 : i32 to index
            %swap3A_354 = arith.constant 48 : index
            %swap3A_355 = tpu.vector_load %arg15[%swap3A_353, %swap3A_354] {strides = array<i32>} : memref<161x256xf32, #tpu.memory_space<vmem>>, vector<16xf32>,
            tpu.vector_store %arg15[%swap3A_353, %swap3A_354], %max3A_352 {strides = array<i32>} : memref<161x256xf32, #tpu.memory_space<vmem>>, vector<16xf32>,
            %get3A_356 = arith.index_cast %select_n3A_226 : i32 to index
            %get3A_357 = arith.index_cast %scan3A_283 : i32 to index
            %get3A_358 = arith.constant 64 : index
            %get3A_359 = tpu.vector_load %arg11[%get3A_356, %get3A_357, %get3A_358] {strides = array<i32>} : memref<2x16x384xf32, #tpu.memory_space<vmem>>, vector<16xf32>,
            %mul3A_360 = vector.broadcast %squeeze3A : f32 to vector<16xf32>
            %mul3A_361 = arith.mulf %get3A_359, %mul3A_360 : vector<16xf32>
            %swap3A_362 = arith.index_cast %squeeze3A_290 : i32 to index
            %swap3A_363 = arith.constant 64 : index
            %swap3A_364 = tpu.vector_load %arg14[%swap3A_362, %swap3A_363] {strides = array<i32>} : memref<161x256xf32, #tpu.memory_space<vmem>>, vector<16xf32>,
            tpu.vector_store %arg14[%swap3A_362, %swap3A_363], %mul3A_361 {add = true, strides = array<i32>} : memref<161x256xf32, #tpu.memory_space<vmem>>, vector<16xf32>,
            %get3A_365 = arith.index_cast %squeeze3A_290 : i32 to index
            %get3A_366 = arith.constant 64 : index
            %get3A_367 = tpu.vector_load %arg15[%get3A_365, %get3A_366] {strides = array<i32>} : memref<161x256xf32, #tpu.memory_space<vmem>>, vector<16xf32>,
            %max3A_368 = arith.maximumf %get3A_367, %mul3A_361 : vector<16xf32>
            %swap3A_369 = arith.index_cast %squeeze3A_290 : i32 to index
            %swap3A_370 = arith.constant 64 : index
            %swap3A_371 = tpu.vector_load %arg15[%swap3A_369, %swap3A_370] {strides = array<i32>} : memref<161x256xf32, #tpu.memory_space<vmem>>, vector<16xf32>,
            tpu.vector_store %arg15[%swap3A_369, %swap3A_370], %max3A_368 {strides = array<i32>} : memref<161x256xf32, #tpu.memory_space<vmem>>, vector<16xf32>,
            %get3A_372 = arith.index_cast %select_n3A_226 : i32 to index
            %get3A_373 = arith.index_cast %scan3A_283 : i32 to index
            %get3A_374 = arith.constant 80 : index
            %get3A_375 = tpu.vector_load %arg11[%get3A_372, %get3A_373, %get3A_374] {strides = array<i32>} : memref<2x16x384xf32, #tpu.memory_space<vmem>>, vector<16xf32>,
            %mul3A_376 = vector.broadcast %squeeze3A : f32 to vector<16xf32>
            %mul3A_377 = arith.mulf %get3A_375, %mul3A_376 : vector<16xf32>
            %swap3A_378 = arith.index_cast %squeeze3A_290 : i32 to index
            %swap3A_379 = arith.constant 80 : index
            %swap3A_380 = tpu.vector_load %arg14[%swap3A_378, %swap3A_379] {strides = array<i32>} : memref<161x256xf32, #tpu.memory_space<vmem>>, vector<16xf32>,
            tpu.vector_store %arg14[%swap3A_378, %swap3A_379], %mul3A_377 {add = true, strides = array<i32>} : memref<161x256xf32, #tpu.memory_space<vmem>>, vector<16xf32>,
            %get3A_381 = arith.index_cast %squeeze3A_290 : i32 to index
            %get3A_382 = arith.constant 80 : index
            %get3A_383 = tpu.vector_load %arg15[%get3A_381, %get3A_382] {strides = array<i32>} : memref<161x256xf32, #tpu.memory_space<vmem>>, vector<16xf32>,
            %max3A_384 = arith.maximumf %get3A_383, %mul3A_377 : vector<16xf32>
            %swap3A_385 = arith.index_cast %squeeze3A_290 : i32 to index
            %swap3A_386 = arith.constant 80 : index
            %swap3A_387 = tpu.vector_load %arg15[%swap3A_385, %swap3A_386] {strides = array<i32>} : memref<161x256xf32, #tpu.memory_space<vmem>>, vector<16xf32>,
            tpu.vector_store %arg15[%swap3A_385, %swap3A_386], %max3A_384 {strides = array<i32>} : memref<161x256xf32, #tpu.memory_space<vmem>>, vector<16xf32>,
            %get3A_388 = arith.index_cast %select_n3A_226 : i32 to index
            %get3A_389 = arith.index_cast %scan3A_283 : i32 to index
            %get3A_390 = arith.constant 96 : index
            %get3A_391 = tpu.vector_load %arg11[%get3A_388, %get3A_389, %get3A_390] {strides = array<i32>} : memref<2x16x384xf32, #tpu.memory_space<vmem>>, vector<16xf32>,
            %mul3A_392 = vector.broadcast %squeeze3A : f32 to vector<16xf32>
            %mul3A_393 = arith.mulf %get3A_391, %mul3A_392 : vector<16xf32>
            %swap3A_394 = arith.index_cast %squeeze3A_290 : i32 to index
            %swap3A_395 = arith.constant 96 : index
            %swap3A_396 = tpu.vector_load %arg14[%swap3A_394, %swap3A_395] {strides = array<i32>} : memref<161x256xf32, #tpu.memory_space<vmem>>, vector<16xf32>,
            tpu.vector_store %arg14[%swap3A_394, %swap3A_395], %mul3A_393 {add = true, strides = array<i32>} : memref<161x256xf32, #tpu.memory_space<vmem>>, vector<16xf32>,
            %get3A_397 = arith.index_cast %squeeze3A_290 : i32 to index
            %get3A_398 = arith.constant 96 : index
            %get3A_399 = tpu.vector_load %arg15[%get3A_397, %get3A_398] {strides = array<i32>} : memref<161x256xf32, #tpu.memory_space<vmem>>, vector<16xf32>,
            %max3A_400 = arith.maximumf %get3A_399, %mul3A_393 : vector<16xf32>
            %swap3A_401 = arith.index_cast %squeeze3A_290 : i32 to index
            %swap3A_402 = arith.constant 96 : index
            %swap3A_403 = tpu.vector_load %arg15[%swap3A_401, %swap3A_402] {strides = array<i32>} : memref<161x256xf32, #tpu.memory_space<vmem>>, vector<16xf32>,
            tpu.vector_store %arg15[%swap3A_401, %swap3A_402], %max3A_400 {strides = array<i32>} : memref<161x256xf32, #tpu.memory_space<vmem>>, vector<16xf32>,
            %get3A_404 = arith.index_cast %select_n3A_226 : i32 to index
            %get3A_405 = arith.index_cast %scan3A_283 : i32 to index
            %get3A_406 = arith.constant 112 : index
            %get3A_407 = tpu.vector_load %arg11[%get3A_404, %get3A_405, %get3A_406] {strides = array<i32>} : memref<2x16x384xf32, #tpu.memory_space<vmem>>, vector<16xf32>,
            %mul3A_408 = vector.broadcast %squeeze3A : f32 to vector<16xf32>
            %mul3A_409 = arith.mulf %get3A_407, %mul3A_408 : vector<16xf32>
            %swap3A_410 = arith.index_cast %squeeze3A_290 : i32 to index
            %swap3A_411 = arith.constant 112 : index
            %swap3A_412 = tpu.vector_load %arg14[%swap3A_410, %swap3A_411] {strides = array<i32>} : memref<161x256xf32, #tpu.memory_space<vmem>>, vector<16xf32>,
            tpu.vector_store %arg14[%swap3A_410, %swap3A_411], %mul3A_409 {add = true, strides = array<i32>} : memref<161x256xf32, #tpu.memory_space<vmem>>, vector<16xf32>,
            %get3A_413 = arith.index_cast %squeeze3A_290 : i32 to index
            %get3A_414 = arith.constant 112 : index
            %get3A_415 = tpu.vector_load %arg15[%get3A_413, %get3A_414] {strides = array<i32>} : memref<161x256xf32, #tpu.memory_space<vmem>>, vector<16xf32>,
            %max3A_416 = arith.maximumf %get3A_415, %mul3A_409 : vector<16xf32>
            %swap3A_417 = arith.index_cast %squeeze3A_290 : i32 to index
            %swap3A_418 = arith.constant 112 : index
            %swap3A_419 = tpu.vector_load %arg15[%swap3A_417, %swap3A_418] {strides = array<i32>} : memref<161x256xf32, #tpu.memory_space<vmem>>, vector<16xf32>,
            tpu.vector_store %arg15[%swap3A_417, %swap3A_418], %max3A_416 {strides = array<i32>} : memref<161x256xf32, #tpu.memory_space<vmem>>, vector<16xf32>,
            %get3A_420 = arith.index_cast %select_n3A_226 : i32 to index
            %get3A_421 = arith.index_cast %scan3A_283 : i32 to index
            %get3A_422 = arith.constant 128 : index
            %get3A_423 = tpu.vector_load %arg11[%get3A_420, %get3A_421, %get3A_422] {strides = array<i32>} : memref<2x16x384xf32, #tpu.memory_space<vmem>>, vector<16xf32>,
            %mul3A_424 = vector.broadcast %squeeze3A : f32 to vector<16xf32>
            %mul3A_425 = arith.mulf %get3A_423, %mul3A_424 : vector<16xf32>
            %swap3A_426 = arith.index_cast %squeeze3A_290 : i32 to index
            %swap3A_427 = arith.constant 128 : index
            %swap3A_428 = tpu.vector_load %arg14[%swap3A_426, %swap3A_427] {strides = array<i32>} : memref<161x256xf32, #tpu.memory_space<vmem>>, vector<16xf32>,
            tpu.vector_store %arg14[%swap3A_426, %swap3A_427], %mul3A_425 {add = true, strides = array<i32>} : memref<161x256xf32, #tpu.memory_space<vmem>>, vector<16xf32>,
            %get3A_429 = arith.index_cast %squeeze3A_290 : i32 to index
            %get3A_430 = arith.constant 128 : index
            %get3A_431 = tpu.vector_load %arg15[%get3A_429, %get3A_430] {strides = array<i32>} : memref<161x256xf32, #tpu.memory_space<vmem>>, vector<16xf32>,
            %max3A_432 = arith.maximumf %get3A_431, %mul3A_425 : vector<16xf32>
            %swap3A_433 = arith.index_cast %squeeze3A_290 : i32 to index
            %swap3A_434 = arith.constant 128 : index
            %swap3A_435 = tpu.vector_load %arg15[%swap3A_433, %swap3A_434] {strides = array<i32>} : memref<161x256xf32, #tpu.memory_space<vmem>>, vector<16xf32>,
            tpu.vector_store %arg15[%swap3A_433, %swap3A_434], %max3A_432 {strides = array<i32>} : memref<161x256xf32, #tpu.memory_space<vmem>>, vector<16xf32>,
            %get3A_436 = arith.index_cast %select_n3A_226 : i32 to index
            %get3A_437 = arith.index_cast %scan3A_283 : i32 to index
            %get3A_438 = arith.constant 144 : index
            %get3A_439 = tpu.vector_load %arg11[%get3A_436, %get3A_437, %get3A_438] {strides = array<i32>} : memref<2x16x384xf32, #tpu.memory_space<vmem>>, vector<16xf32>,
            %mul3A_440 = vector.broadcast %squeeze3A : f32 to vector<16xf32>
            %mul3A_441 = arith.mulf %get3A_439, %mul3A_440 : vector<16xf32>
            %swap3A_442 = arith.index_cast %squeeze3A_290 : i32 to index
            %swap3A_443 = arith.constant 144 : index
            %swap3A_444 = tpu.vector_load %arg14[%swap3A_442, %swap3A_443] {strides = array<i32>} : memref<161x256xf32, #tpu.memory_space<vmem>>, vector<16xf32>,
            tpu.vector_store %arg14[%swap3A_442, %swap3A_443], %mul3A_441 {add = true, strides = array<i32>} : memref<161x256xf32, #tpu.memory_space<vmem>>, vector<16xf32>,
            %get3A_445 = arith.index_cast %squeeze3A_290 : i32 to index
            %get3A_446 = arith.constant 144 : index
            %get3A_447 = tpu.vector_load %arg15[%get3A_445, %get3A_446] {strides = array<i32>} : memref<161x256xf32, #tpu.memory_space<vmem>>, vector<16xf32>,
            %max3A_448 = arith.maximumf %get3A_447, %mul3A_441 : vector<16xf32>
            %swap3A_449 = arith.index_cast %squeeze3A_290 : i32 to index
            %swap3A_450 = arith.constant 144 : index
            %swap3A_451 = tpu.vector_load %arg15[%swap3A_449, %swap3A_450] {strides = array<i32>} : memref<161x256xf32, #tpu.memory_space<vmem>>, vector<16xf32>,
            tpu.vector_store %arg15[%swap3A_449, %swap3A_450], %max3A_448 {strides = array<i32>} : memref<161x256xf32, #tpu.memory_space<vmem>>, vector<16xf32>,
            %get3A_452 = arith.index_cast %select_n3A_226 : i32 to index
            %get3A_453 = arith.index_cast %scan3A_283 : i32 to index
            %get3A_454 = arith.constant 160 : index
            %get3A_455 = tpu.vector_load %arg11[%get3A_452, %get3A_453, %get3A_454] {strides = array<i32>} : memref<2x16x384xf32, #tpu.memory_space<vmem>>, vector<16xf32>,
            %mul3A_456 = vector.broadcast %squeeze3A : f32 to vector<16xf32>
            %mul3A_457 = arith.mulf %get3A_455, %mul3A_456 : vector<16xf32>
            %swap3A_458 = arith.index_cast %squeeze3A_290 : i32 to index
            %swap3A_459 = arith.constant 160 : index
            %swap3A_460 = tpu.vector_load %arg14[%swap3A_458, %swap3A_459] {strides = array<i32>} : memref<161x256xf32, #tpu.memory_space<vmem>>, vector<16xf32>,
            tpu.vector_store %arg14[%swap3A_458, %swap3A_459], %mul3A_457 {add = true, strides = array<i32>} : memref<161x256xf32, #tpu.memory_space<vmem>>, vector<16xf32>,
            %get3A_461 = arith.index_cast %squeeze3A_290 : i32 to index
            %get3A_462 = arith.constant 160 : index
            %get3A_463 = tpu.vector_load %arg15[%get3A_461, %get3A_462] {strides = array<i32>} : memref<161x256xf32, #tpu.memory_space<vmem>>, vector<16xf32>,
            %max3A_464 = arith.maximumf %get3A_463, %mul3A_457 : vector<16xf32>
            %swap3A_465 = arith.index_cast %squeeze3A_290 : i32 to index
            %swap3A_466 = arith.constant 160 : index
            %swap3A_467 = tpu.vector_load %arg15[%swap3A_465, %swap3A_466] {strides = array<i32>} : memref<161x256xf32, #tpu.memory_space<vmem>>, vector<16xf32>,
            tpu.vector_store %arg15[%swap3A_465, %swap3A_466], %max3A_464 {strides = array<i32>} : memref<161x256xf32, #tpu.memory_space<vmem>>, vector<16xf32>,
            %get3A_468 = arith.index_cast %select_n3A_226 : i32 to index
            %get3A_469 = arith.index_cast %scan3A_283 : i32 to index
            %get3A_470 = arith.constant 176 : index
            %get3A_471 = tpu.vector_load %arg11[%get3A_468, %get3A_469, %get3A_470] {strides = array<i32>} : memref<2x16x384xf32, #tpu.memory_space<vmem>>, vector<16xf32>,
            %mul3A_472 = vector.broadcast %squeeze3A : f32 to vector<16xf32>
            %mul3A_473 = arith.mulf %get3A_471, %mul3A_472 : vector<16xf32>
            %swap3A_474 = arith.index_cast %squeeze3A_290 : i32 to index
            %swap3A_475 = arith.constant 176 : index
            %swap3A_476 = tpu.vector_load %arg14[%swap3A_474, %swap3A_475] {strides = array<i32>} : memref<161x256xf32, #tpu.memory_space<vmem>>, vector<16xf32>,
            tpu.vector_store %arg14[%swap3A_474, %swap3A_475], %mul3A_473 {add = true, strides = array<i32>} : memref<161x256xf32, #tpu.memory_space<vmem>>, vector<16xf32>,
            %get3A_477 = arith.index_cast %squeeze3A_290 : i32 to index
            %get3A_478 = arith.constant 176 : index
            %get3A_479 = tpu.vector_load %arg15[%get3A_477, %get3A_478] {strides = array<i32>} : memref<161x256xf32, #tpu.memory_space<vmem>>, vector<16xf32>,
            %max3A_480 = arith.maximumf %get3A_479, %mul3A_473 : vector<16xf32>
            %swap3A_481 = arith.index_cast %squeeze3A_290 : i32 to index
            %swap3A_482 = arith.constant 176 : index
            %swap3A_483 = tpu.vector_load %arg15[%swap3A_481, %swap3A_482] {strides = array<i32>} : memref<161x256xf32, #tpu.memory_space<vmem>>, vector<16xf32>,
            tpu.vector_store %arg15[%swap3A_481, %swap3A_482], %max3A_480 {strides = array<i32>} : memref<161x256xf32, #tpu.memory_space<vmem>>, vector<16xf32>,
            %get3A_484 = arith.index_cast %select_n3A_226 : i32 to index
            %get3A_485 = arith.index_cast %scan3A_283 : i32 to index
            %get3A_486 = arith.constant 192 : index
            %get3A_487 = tpu.vector_load %arg11[%get3A_484, %get3A_485, %get3A_486] {strides = array<i32>} : memref<2x16x384xf32, #tpu.memory_space<vmem>>, vector<16xf32>,
            %mul3A_488 = vector.broadcast %squeeze3A : f32 to vector<16xf32>
            %mul3A_489 = arith.mulf %get3A_487, %mul3A_488 : vector<16xf32>
            %swap3A_490 = arith.index_cast %squeeze3A_290 : i32 to index
            %swap3A_491 = arith.constant 192 : index
            %swap3A_492 = tpu.vector_load %arg14[%swap3A_490, %swap3A_491] {strides = array<i32>} : memref<161x256xf32, #tpu.memory_space<vmem>>, vector<16xf32>,
            tpu.vector_store %arg14[%swap3A_490, %swap3A_491], %mul3A_489 {add = true, strides = array<i32>} : memref<161x256xf32, #tpu.memory_space<vmem>>, vector<16xf32>,
            %get3A_493 = arith.index_cast %squeeze3A_290 : i32 to index
            %get3A_494 = arith.constant 192 : index
            %get3A_495 = tpu.vector_load %arg15[%get3A_493, %get3A_494] {strides = array<i32>} : memref<161x256xf32, #tpu.memory_space<vmem>>, vector<16xf32>,
            %max3A_496 = arith.maximumf %get3A_495, %mul3A_489 : vector<16xf32>
            %swap3A_497 = arith.index_cast %squeeze3A_290 : i32 to index
            %swap3A_498 = arith.constant 192 : index
            %swap3A_499 = tpu.vector_load %arg15[%swap3A_497, %swap3A_498] {strides = array<i32>} : memref<161x256xf32, #tpu.memory_space<vmem>>, vector<16xf32>,
            tpu.vector_store %arg15[%swap3A_497, %swap3A_498], %max3A_496 {strides = array<i32>} : memref<161x256xf32, #tpu.memory_space<vmem>>, vector<16xf32>,
            %get3A_500 = arith.index_cast %select_n3A_226 : i32 to index
            %get3A_501 = arith.index_cast %scan3A_283 : i32 to index
            %get3A_502 = arith.constant 208 : index
            %get3A_503 = tpu.vector_load %arg11[%get3A_500, %get3A_501, %get3A_502] {strides = array<i32>} : memref<2x16x384xf32, #tpu.memory_space<vmem>>, vector<16xf32>,
            %mul3A_504 = vector.broadcast %squeeze3A : f32 to vector<16xf32>
            %mul3A_505 = arith.mulf %get3A_503, %mul3A_504 : vector<16xf32>
            %swap3A_506 = arith.index_cast %squeeze3A_290 : i32 to index
            %swap3A_507 = arith.constant 208 : index
            %swap3A_508 = tpu.vector_load %arg14[%swap3A_506, %swap3A_507] {strides = array<i32>} : memref<161x256xf32, #tpu.memory_space<vmem>>, vector<16xf32>,
            tpu.vector_store %arg14[%swap3A_506, %swap3A_507], %mul3A_505 {add = true, strides = array<i32>} : memref<161x256xf32, #tpu.memory_space<vmem>>, vector<16xf32>,
            %get3A_509 = arith.index_cast %squeeze3A_290 : i32 to index
            %get3A_510 = arith.constant 208 : index
            %get3A_511 = tpu.vector_load %arg15[%get3A_509, %get3A_510] {strides = array<i32>} : memref<161x256xf32, #tpu.memory_space<vmem>>, vector<16xf32>,
            %max3A_512 = arith.maximumf %get3A_511, %mul3A_505 : vector<16xf32>
            %swap3A_513 = arith.index_cast %squeeze3A_290 : i32 to index
            %swap3A_514 = arith.constant 208 : index
            %swap3A_515 = tpu.vector_load %arg15[%swap3A_513, %swap3A_514] {strides = array<i32>} : memref<161x256xf32, #tpu.memory_space<vmem>>, vector<16xf32>,
            tpu.vector_store %arg15[%swap3A_513, %swap3A_514], %max3A_512 {strides = array<i32>} : memref<161x256xf32, #tpu.memory_space<vmem>>, vector<16xf32>,
            %get3A_516 = arith.index_cast %select_n3A_226 : i32 to index
            %get3A_517 = arith.index_cast %scan3A_283 : i32 to index
            %get3A_518 = arith.constant 224 : index
            %get3A_519 = tpu.vector_load %arg11[%get3A_516, %get3A_517, %get3A_518] {strides = array<i32>} : memref<2x16x384xf32, #tpu.memory_space<vmem>>, vector<16xf32>,
            %mul3A_520 = vector.broadcast %squeeze3A : f32 to vector<16xf32>
            %mul3A_521 = arith.mulf %get3A_519, %mul3A_520 : vector<16xf32>
            %swap3A_522 = arith.index_cast %squeeze3A_290 : i32 to index
            %swap3A_523 = arith.constant 224 : index
            %swap3A_524 = tpu.vector_load %arg14[%swap3A_522, %swap3A_523] {strides = array<i32>} : memref<161x256xf32, #tpu.memory_space<vmem>>, vector<16xf32>,
            tpu.vector_store %arg14[%swap3A_522, %swap3A_523], %mul3A_521 {add = true, strides = array<i32>} : memref<161x256xf32, #tpu.memory_space<vmem>>, vector<16xf32>,
            %get3A_525 = arith.index_cast %squeeze3A_290 : i32 to index
            %get3A_526 = arith.constant 224 : index
            %get3A_527 = tpu.vector_load %arg15[%get3A_525, %get3A_526] {strides = array<i32>} : memref<161x256xf32, #tpu.memory_space<vmem>>, vector<16xf32>,
            %max3A_528 = arith.maximumf %get3A_527, %mul3A_521 : vector<16xf32>
            %swap3A_529 = arith.index_cast %squeeze3A_290 : i32 to index
            %swap3A_530 = arith.constant 224 : index
            %swap3A_531 = tpu.vector_load %arg15[%swap3A_529, %swap3A_530] {strides = array<i32>} : memref<161x256xf32, #tpu.memory_space<vmem>>, vector<16xf32>,
            tpu.vector_store %arg15[%swap3A_529, %swap3A_530], %max3A_528 {strides = array<i32>} : memref<161x256xf32, #tpu.memory_space<vmem>>, vector<16xf32>,
            %get3A_532 = arith.index_cast %select_n3A_226 : i32 to index
            %get3A_533 = arith.index_cast %scan3A_283 : i32 to index
            %get3A_534 = arith.constant 240 : index
            %get3A_535 = tpu.vector_load %arg11[%get3A_532, %get3A_533, %get3A_534] {strides = array<i32>} : memref<2x16x384xf32, #tpu.memory_space<vmem>>, vector<16xf32>,
            %mul3A_536 = vector.broadcast %squeeze3A : f32 to vector<16xf32>
            %mul3A_537 = arith.mulf %get3A_535, %mul3A_536 : vector<16xf32>
            %swap3A_538 = arith.index_cast %squeeze3A_290 : i32 to index
            %swap3A_539 = arith.constant 240 : index
            %swap3A_540 = tpu.vector_load %arg14[%swap3A_538, %swap3A_539] {strides = array<i32>} : memref<161x256xf32, #tpu.memory_space<vmem>>, vector<16xf32>,
            tpu.vector_store %arg14[%swap3A_538, %swap3A_539], %mul3A_537 {add = true, strides = array<i32>} : memref<161x256xf32, #tpu.memory_space<vmem>>, vector<16xf32>,
            %get3A_541 = arith.index_cast %squeeze3A_290 : i32 to index
            %get3A_542 = arith.constant 240 : index
            %get3A_543 = tpu.vector_load %arg15[%get3A_541, %get3A_542] {strides = array<i32>} : memref<161x256xf32, #tpu.memory_space<vmem>>, vector<16xf32>,
            %max3A_544 = arith.maximumf %get3A_543, %mul3A_537 : vector<16xf32>
            %swap3A_545 = arith.index_cast %squeeze3A_290 : i32 to index
            %swap3A_546 = arith.constant 240 : index
            %swap3A_547 = tpu.vector_load %arg15[%swap3A_545, %swap3A_546] {strides = array<i32>} : memref<161x256xf32, #tpu.memory_space<vmem>>, vector<16xf32>,
            tpu.vector_store %arg15[%swap3A_545, %swap3A_546], %max3A_544 {strides = array<i32>} : memref<161x256xf32, #tpu.memory_space<vmem>>, vector<16xf32>,
            %scan3A_548 = arith.constant 0 : i32
            scf.yield %scan3A_548 : i32
          }
          %scan3A_263 = arith.constant 16 : i32
          %add3A_264 = arith.constant 2 : i32
          %add3A_265 = arith.addi %while3A_209, %add3A_264 : i32
          %lt3A_266 = arith.cmpi slt, %add3A_265, %select_n3A_176 : i32
          %eq3A_267 = arith.constant 0 : i32
          %eq3A_268 = arith.cmpi eq, %select_n3A_226, %eq3A_267 : i32
          %and3A_269 = arith.andi %lt3A_266, %eq3A_268 : i1
          %convert_element_type3A_270 = arith.extui %and3A_269 : i1 to i32
          %cond3A_271 = arith.constant 0 : i32
          %cond3A_272 = arith.cmpi ne, %convert_element_type3A_270, %cond3A_271 : i32
          scf.if %cond3A_272 {
            %add3A_283 = arith.constant 2 : i32
            %add3A_284 = arith.addi %while3A_209, %add3A_283 : i32
            %mul3A_285 = arith.constant 16 : i32
            %mul3A_286 = arith.muli %add3A_284, %mul3A_285 : i32
            %get3A_287 = arith.index_cast %mul3A_286 : i32 to index
            %get3A_288 = tpu.vector_load %arg9[%get3A_287] {strides = array<i32>} : memref<3264xi32, #tpu.memory_space<vmem>>, vector<16xi32>,
            %and3A_289 = vector.broadcast %scan3A_42 : i32 to vector<16xi32>
            %and3A_290 = arith.andi %get3A_288, %and3A_289 : vector<16xi32>
            %dma_start3A_291 = arith.constant 0 : i32
            %dma_start3A_292 = arith.constant 0 : i32
            %dma_start3A_293 = arith.constant 0 : i32
            %dma_start3A_294 = tpu.memref_slice %arg11[%dma_start3A_291, %dma_start3A_292, %dma_start3A_293] : memref<2x16x384xf32, #tpu.memory_space<vmem>> -> memref<1x16x384xf32, #tpu.memory_space<vmem>>
            %dma_start3A_295 = tpu.memref_squeeze %dma_start3A_294 : memref<1x16x384xf32, #tpu.memory_space<vmem>> -> memref<16x384xf32, #tpu.memory_space<vmem>>
            %dma_start3A_296 = arith.constant 0 : i32
            %dma_start3A_297 = arith.constant 0 : i32
            %dma_start3A_298 = tpu.memref_slice %arg2[%dma_start3A_296, %dma_start3A_297] : memref<10000x384xf32, #tpu.memory_space<hbm>> -> memref<10000x384xf32, #tpu.memory_space<hbm>>
            tpu.enqueue_indirect_dma source(%dma_start3A_298 : memref<10000x384xf32, #tpu.memory_space<hbm>>) target(%dma_start3A_295 : memref<16x384xf32, #tpu.memory_space<vmem>>) offsets(%and3A_290 : vector<16xi32>) semaphore(%arg18 : memref<!tpu.dma_semaphore, #tpu.memory_space<semaphore_mem>>)
          } else {
          }
          %add3A_273 = arith.constant 2 : i32
          %add3A_274 = arith.addi %while3A_209, %add3A_273 : i32
          %lt3A_275 = arith.cmpi slt, %add3A_274, %select_n3A_176 : i32
          %eq3A_276 = arith.constant 1 : i32
          %eq3A_277 = arith.cmpi eq, %select_n3A_226, %eq3A_276 : i32
          %and3A_278 = arith.andi %lt3A_275, %eq3A_277 : i1
          %convert_element_type3A_279 = arith.extui %and3A_278 : i1 to i32
          %cond3A_280 = arith.constant 0 : i32
          %cond3A_281 = arith.cmpi ne, %convert_element_type3A_279, %cond3A_280 : i32
          scf.if %cond3A_281 {
            %add3A_283 = arith.constant 2 : i32
            %add3A_284 = arith.addi %while3A_209, %add3A_283 : i32
            %mul3A_285 = arith.constant 16 : i32
            %mul3A_286 = arith.muli %add3A_284, %mul3A_285 : i32
            %get3A_287 = arith.index_cast %mul3A_286 : i32 to index
            %get3A_288 = tpu.vector_load %arg9[%get3A_287] {strides = array<i32>} : memref<3264xi32, #tpu.memory_space<vmem>>, vector<16xi32>,
            %and3A_289 = vector.broadcast %scan3A_42 : i32 to vector<16xi32>
            %and3A_290 = arith.andi %get3A_288, %and3A_289 : vector<16xi32>
            %dma_start3A_291 = arith.constant 1 : i32
            %dma_start3A_292 = arith.constant 0 : i32
            %dma_start3A_293 = arith.constant 0 : i32
            %dma_start3A_294 = tpu.memref_slice %arg11[%dma_start3A_291, %dma_start3A_292, %dma_start3A_293] : memref<2x16x384xf32, #tpu.memory_space<vmem>> -> memref<1x16x384xf32, #tpu.memory_space<vmem>>
            %dma_start3A_295 = tpu.memref_squeeze %dma_start3A_294 : memref<1x16x384xf32, #tpu.memory_space<vmem>> -> memref<16x384xf32, #tpu.memory_space<vmem>>
            %dma_start3A_296 = arith.constant 0 : i32
            %dma_start3A_297 = arith.constant 0 : i32
            %dma_start3A_298 = tpu.memref_slice %arg2[%dma_start3A_296, %dma_start3A_297] : memref<10000x384xf32, #tpu.memory_space<hbm>> -> memref<10000x384xf32, #tpu.memory_space<hbm>>
            tpu.enqueue_indirect_dma source(%dma_start3A_298 : memref<10000x384xf32, #tpu.memory_space<hbm>>) target(%dma_start3A_295 : memref<16x384xf32, #tpu.memory_space<vmem>>) offsets(%and3A_290 : vector<16xi32>) semaphore(%arg19 : memref<!tpu.dma_semaphore, #tpu.memory_space<semaphore_mem>>)
          } else {
          }
          %while3A_282 = arith.constant 0 : i32
          scf.yield %while3A_282 : i32
        }
        %while3A_207 = arith.constant 1 : i32
        %while3A_208 = scf.for %while3A_209 = %while3A_204 to %while3A_200 step %while3A_207 iter_args(%while3A_210 = %while3A_206) -> (i32)  : i32 {
          %jit3A_211 = arith.constant 2 : i32
          %eq3A_212 = arith.constant 0 : i32
          %eq3A_213 = arith.cmpi eq, %jit3A_211, %eq3A_212 : i32
          %jit3A_214 = arith.constant 1 : i32
          %select_n3A_215 = arith.select %eq3A_213, %jit3A_214, %jit3A_211 : i32
          %rem3A_216 = arith.remsi %while3A_209, %select_n3A_215 : i32
          %ne3A_217 = arith.constant 0 : i32
          %ne3A_218 = arith.cmpi ne, %rem3A_216, %ne3A_217 : i32
          %lt3A_219 = arith.constant 0 : i32
          %lt3A_220 = arith.cmpi slt, %rem3A_216, %lt3A_219 : i32
          %lt3A_221 = arith.constant 0 : i32
          %lt3A_222 = arith.cmpi slt, %select_n3A_215, %lt3A_221 : i32
          %ne3A_223 = arith.xori %lt3A_220, %lt3A_222 : i1
          %and3A_224 = arith.andi %ne3A_223, %ne3A_218 : i1
          %add3A_225 = arith.addi %rem3A_216, %select_n3A_215 : i32
          %select_n3A_226 = arith.select %and3A_224, %add3A_225, %rem3A_216 : i32
          %eq3A_227 = arith.constant 0 : i32
          %eq3A_228 = arith.cmpi eq, %select_n3A_226, %eq3A_227 : i32
          %convert_element_type3A_229 = arith.extui %eq3A_228 : i1 to i32
          %cond3A_230 = arith.constant 0 : i32
          %cond3A_231 = arith.cmpi ne, %convert_element_type3A_229, %cond3A_230 : i32
          scf.if %cond3A_231 {
            %dma_wait3A_283 = arith.constant 0 : i32
            %dma_wait3A_284 = arith.constant 0 : i32
            %dma_wait3A_285 = arith.constant 0 : i32
            %dma_wait3A_286 = tpu.memref_slice %arg11[%dma_wait3A_283, %dma_wait3A_284, %dma_wait3A_285] : memref<2x16x384xf32, #tpu.memory_space<vmem>> -> memref<1x16x384xf32, #tpu.memory_space<vmem>>
            %dma_wait3A_287 = tpu.memref_squeeze %dma_wait3A_286 : memref<1x16x384xf32, #tpu.memory_space<vmem>> -> memref<16x384xf32, #tpu.memory_space<vmem>>
            %dma_wait3A_288 = arith.constant 0 : i32
            %dma_wait3A_289 = arith.constant 0 : i32
            %dma_wait3A_290 = tpu.memref_slice %arg2[%dma_wait3A_288, %dma_wait3A_289] : memref<10000x384xf32, #tpu.memory_space<hbm>> -> memref<16x384xf32, #tpu.memory_space<hbm>>
            %dma_wait3A_291 = arith.constant 0 : i32
            %dma_wait3A_292 = arith.constant 0 : i32
            %dma_wait3A_293 = tpu.memref_slice %arg11[%dma_wait3A_283, %dma_wait3A_291, %dma_wait3A_292] : memref<2x16x384xf32, #tpu.memory_space<vmem>> -> memref<1x16x384xf32, #tpu.memory_space<vmem>>
            %dma_wait3A_294 = tpu.memref_squeeze %dma_wait3A_293 : memref<1x16x384xf32, #tpu.memory_space<vmem>> -> memref<16x384xf32, #tpu.memory_space<vmem>>
            %dma_wait3A_295 = arith.constant 0 : i32
            %dma_wait3A_296 = arith.constant 0 : i32
            %dma_wait3A_297 = tpu.memref_slice %arg2[%dma_wait3A_295, %dma_wait3A_296] : memref<10000x384xf32, #tpu.memory_space<hbm>> -> memref<16x384xf32, #tpu.memory_space<hbm>>
            tpu.wait_dma2 semaphore(%arg18 : memref<!tpu.dma_semaphore, #tpu.memory_space<semaphore_mem>>) src(%dma_wait3A_297 : memref<16x384xf32, #tpu.memory_space<hbm>>) dst(%dma_wait3A_294 : memref<16x384xf32, #tpu.memory_space<vmem>>)
          } else {
          }
          %eq3A_232 = arith.constant 1 : i32
          %eq3A_233 = arith.cmpi eq, %select_n3A_226, %eq3A_232 : i32
          %convert_element_type3A_234 = arith.extui %eq3A_233 : i1 to i32
          %cond3A_235 = arith.constant 0 : i32
          %cond3A_236 = arith.cmpi ne, %convert_element_type3A_234, %cond3A_235 : i32
          scf.if %cond3A_236 {
            %dma_wait3A_283 = arith.constant 1 : i32
            %dma_wait3A_284 = arith.constant 0 : i32
            %dma_wait3A_285 = arith.constant 0 : i32
            %dma_wait3A_286 = tpu.memref_slice %arg11[%dma_wait3A_283, %dma_wait3A_284, %dma_wait3A_285] : memref<2x16x384xf32, #tpu.memory_space<vmem>> -> memref<1x16x384xf32, #tpu.memory_space<vmem>>
            %dma_wait3A_287 = tpu.memref_squeeze %dma_wait3A_286 : memref<1x16x384xf32, #tpu.memory_space<vmem>> -> memref<16x384xf32, #tpu.memory_space<vmem>>
            %dma_wait3A_288 = arith.constant 0 : i32
            %dma_wait3A_289 = arith.constant 0 : i32
            %dma_wait3A_290 = tpu.memref_slice %arg2[%dma_wait3A_288, %dma_wait3A_289] : memref<10000x384xf32, #tpu.memory_space<hbm>> -> memref<16x384xf32, #tpu.memory_space<hbm>>
            %dma_wait3A_291 = arith.constant 0 : i32
            %dma_wait3A_292 = arith.constant 0 : i32
            %dma_wait3A_293 = tpu.memref_slice %arg11[%dma_wait3A_283, %dma_wait3A_291, %dma_wait3A_292] : memref<2x16x384xf32, #tpu.memory_space<vmem>> -> memref<1x16x384xf32, #tpu.memory_space<vmem>>
            %dma_wait3A_294 = tpu.memref_squeeze %dma_wait3A_293 : memref<1x16x384xf32, #tpu.memory_space<vmem>> -> memref<16x384xf32, #tpu.memory_space<vmem>>
            %dma_wait3A_295 = arith.constant 0 : i32
            %dma_wait3A_296 = arith.constant 0 : i32
            %dma_wait3A_297 = tpu.memref_slice %arg2[%dma_wait3A_295, %dma_wait3A_296] : memref<10000x384xf32, #tpu.memory_space<hbm>> -> memref<16x384xf32, #tpu.memory_space<hbm>>
            tpu.wait_dma2 semaphore(%arg19 : memref<!tpu.dma_semaphore, #tpu.memory_space<semaphore_mem>>) src(%dma_wait3A_297 : memref<16x384xf32, #tpu.memory_space<hbm>>) dst(%dma_wait3A_294 : memref<16x384xf32, #tpu.memory_space<vmem>>)
          } else {
          }
          %mul3A_237 = arith.constant 16 : i32
          %mul3A_238 = arith.muli %while3A_209, %mul3A_237 : i32
          %get3A_239 = arith.index_cast %mul3A_238 : i32 to index
          %get3A_240 = tpu.vector_load %arg9[%get3A_239] {strides = array<i32>} : memref<3264xi32, #tpu.memory_space<vmem>>, vector<16xi32>,
          %shift_right_arithmetic3A = arith.constant 14 : i32
          %shift_right_arithmetic3A_241 = vector.broadcast %shift_right_arithmetic3A : i32 to vector<16xi32>
          %shift_right_arithmetic3A_242 = arith.shrsi %get3A_240, %shift_right_arithmetic3A_241 : vector<16xi32>
          %sub3A_243 = vector.broadcast %mul3A_14 : i32 to vector<16xi32>
          %sub3A_244 = arith.subi %shift_right_arithmetic3A_242, %sub3A_243 : vector<16xi32>
          %swap3A_245 = arith.constant 0 : index
          %swap3A_246 = tpu.vector_load %arg13[%swap3A_245] {strides = array<i32>} : memref<48xi32, #tpu.memory_space<vmem>>, vector<16xi32>,
          tpu.vector_store %arg13[%swap3A_245], %sub3A_244 {strides = array<i32>} : memref<48xi32, #tpu.memory_space<vmem>>, vector<16xi32>,
          %scan3A_247 = arith.constant 0 : i32
          %scan3A_248 = arith.constant 16 : i32
          %scan3A_249 = arith.addi %scan3A_247, %scan3A_248 : i32
          %scan3A_250 = arith.constant 1 : i32
          %scan3A_251 = scf.for %scan3A_283 = %scan3A_247 to %scan3A_249 step %scan3A_250 iter_args(%scan3A_284 = %broadcast_in_dim3A_1) -> (vector<16xf32>)  : i32 {
            %get3A_285 = arith.index_cast %scan3A_283 : i32 to index
            %get3A_286 = tpu.vector_load %arg13[%get3A_285] {strides = array<i32>} : memref<48xi32, #tpu.memory_space<vmem>>, vector<16xi32>,
            %slice3A = vector.extract_strided_slice %get3A_286 {offsets = [0], sizes = [1], strides = [1]} : vector<16xi32> to vector<1xi32>
            %squeeze3A = vector.extract %slice3A[0] : i32 from vector<1xi32>
            %get3A_287 = arith.index_cast %select_n3A_226 : i32 to index
            %get3A_288 = arith.index_cast %scan3A_283 : i32 to index
            %get3A_289 = arith.constant 256 : index
            %get3A_290 = tpu.vector_load %arg11[%get3A_287, %get3A_288, %get3A_289] {strides = array<i32>} : memref<2x16x384xf32, #tpu.memory_space<vmem>>, vector<16xf32>,
            %get3A_291 = arith.index_cast %squeeze3A : i32 to index
            %get3A_292 = arith.constant 0 : index
            %get3A_293 = tpu.vector_load %arg10[%get3A_291, %get3A_292] {strides = array<i32>} : memref<161x16xf32, #tpu.memory_space<vmem>>, vector<16xf32>,
            %sub3A_294 = arith.subf %get3A_290, %get3A_293 : vector<16xf32>
            %mul3A_295 = arith.mulf %sub3A_294, %sub3A_294 : vector<16xf32>
            %reduce_sum3A = arith.constant true
            %reduce_sum3A_296 = vector.broadcast %reduce_sum3A : i1 to vector<16xi1>
            %reduce_sum3A_297 = tpu.scan <sum>, %mul3A_295 masked %reduce_sum3A_296 : vector<16xf32>, vector<16xi1> -> vector<16xf32>
            %reduce_sum3A_298 = vector.extract %reduce_sum3A_297[15] : f32 from vector<16xf32>
            %eq3A_299 = vector.broadcast %scan3A_283 : i32 to vector<16xi32>
            %eq3A_300 = arith.cmpi eq, %iota3A, %eq3A_299 : vector<16xi32>
            %broadcast_in_dim3A_301 = vector.broadcast %reduce_sum3A_298 : f32 to vector<16xf32>
            %select_n3A_302 = arith.select %eq3A_300, %broadcast_in_dim3A_301, %scan3A_284 : vector<16xi1>, vector<16xf32>
            scf.yield %select_n3A_302 : vector<16xf32>
          }
          %scan3A_252 = arith.constant 16 : i32
          %neg3A = arith.constant 0.000000e+00 : f32
          %neg3A_253 = vector.broadcast %neg3A : f32 to vector<16xf32>
          %neg3A_254 = arith.subf %neg3A_253, %scan3A_251 : vector<16xf32>
          %exp3A = math.exp %neg3A_254 : vector<16xf32>
          %swap3A_255 = arith.constant 0 : index
          %swap3A_256 = tpu.vector_load %arg12[%swap3A_255] {strides = array<i32>} : memref<48xf32, #tpu.memory_space<vmem>>, vector<16xf32>,
          tpu.vector_store %arg12[%swap3A_255], %exp3A {strides = array<i32>} : memref<48xf32, #tpu.memory_space<vmem>>, vector<16xf32>,
          %scan3A_257 = arith.constant 0 : i32
          %scan3A_258 = arith.constant 0 : i32
          %scan3A_259 = arith.constant 16 : i32
          %scan3A_260 = arith.addi %scan3A_258, %scan3A_259 : i32
          %scan3A_261 = arith.constant 1 : i32
          %scan3A_262 = scf.for %scan3A_283 = %scan3A_258 to %scan3A_260 step %scan3A_261 iter_args(%scan3A_284 = %scan3A_257) -> (i32)  : i32 {
            %get3A_285 = arith.index_cast %scan3A_283 : i32 to index
            %get3A_286 = tpu.vector_load %arg12[%get3A_285] {strides = array<i32>} : memref<48xf32, #tpu.memory_space<vmem>>, vector<16xf32>,
            %slice3A = vector.extract_strided_slice %get3A_286 {offsets = [0], sizes = [1], strides = [1]} : vector<16xf32> to vector<1xf32>
            %squeeze3A = vector.extract %slice3A[0] : f32 from vector<1xf32>
            %get3A_287 = arith.index_cast %scan3A_283 : i32 to index
            %get3A_288 = tpu.vector_load %arg13[%get3A_287] {strides = array<i32>} : memref<48xi32, #tpu.memory_space<vmem>>, vector<16xi32>,
            %slice3A_289 = vector.extract_strided_slice %get3A_288 {offsets = [0], sizes = [1], strides = [1]} : vector<16xi32> to vector<1xi32>
            %squeeze3A_290 = vector.extract %slice3A_289[0] : i32 from vector<1xi32>
            %swap3A_291 = arith.index_cast %squeeze3A_290 : i32 to index
            %swap3A_292 = tpu.vector_load %arg16[%swap3A_291] {strides = array<i32>} : memref<176xf32, #tpu.memory_space<vmem>>, vector<16xf32>,
            tpu.vector_store %arg16[%swap3A_291], %select_n3A {add = true, strides = array<i32>} : memref<176xf32, #tpu.memory_space<vmem>>, vector<16xf32>,
            %get3A_293 = arith.index_cast %select_n3A_226 : i32 to index
            %get3A_294 = arith.index_cast %scan3A_283 : i32 to index
            %get3A_295 = arith.constant 0 : index
            %get3A_296 = tpu.vector_load %arg11[%get3A_293, %get3A_294, %get3A_295] {strides = array<i32>} : memref<2x16x384xf32, #tpu.memory_space<vmem>>, vector<16xf32>,
            %mul3A_297 = vector.broadcast %squeeze3A : f32 to vector<16xf32>
            %mul3A_298 = arith.mulf %get3A_296, %mul3A_297 : vector<16xf32>
            %swap3A_299 = arith.index_cast %squeeze3A_290 : i32 to index
            %swap3A_300 = arith.constant 0 : index
            %swap3A_301 = tpu.vector_load %arg14[%swap3A_299, %swap3A_300] {strides = array<i32>} : memref<161x256xf32, #tpu.memory_space<vmem>>, vector<16xf32>,
            tpu.vector_store %arg14[%swap3A_299, %swap3A_300], %mul3A_298 {add = true, strides = array<i32>} : memref<161x256xf32, #tpu.memory_space<vmem>>, vector<16xf32>,
            %get3A_302 = arith.index_cast %squeeze3A_290 : i32 to index
            %get3A_303 = arith.constant 0 : index
            %get3A_304 = tpu.vector_load %arg15[%get3A_302, %get3A_303] {strides = array<i32>} : memref<161x256xf32, #tpu.memory_space<vmem>>, vector<16xf32>,
            %max3A = arith.maximumf %get3A_304, %mul3A_298 : vector<16xf32>
            %swap3A_305 = arith.index_cast %squeeze3A_290 : i32 to index
            %swap3A_306 = arith.constant 0 : index
            %swap3A_307 = tpu.vector_load %arg15[%swap3A_305, %swap3A_306] {strides = array<i32>} : memref<161x256xf32, #tpu.memory_space<vmem>>, vector<16xf32>,
            tpu.vector_store %arg15[%swap3A_305, %swap3A_306], %max3A {strides = array<i32>} : memref<161x256xf32, #tpu.memory_space<vmem>>, vector<16xf32>,
            %get3A_308 = arith.index_cast %select_n3A_226 : i32 to index
            %get3A_309 = arith.index_cast %scan3A_283 : i32 to index
            %get3A_310 = arith.constant 16 : index
            %get3A_311 = tpu.vector_load %arg11[%get3A_308, %get3A_309, %get3A_310] {strides = array<i32>} : memref<2x16x384xf32, #tpu.memory_space<vmem>>, vector<16xf32>,
            %mul3A_312 = vector.broadcast %squeeze3A : f32 to vector<16xf32>
            %mul3A_313 = arith.mulf %get3A_311, %mul3A_312 : vector<16xf32>
            %swap3A_314 = arith.index_cast %squeeze3A_290 : i32 to index
            %swap3A_315 = arith.constant 16 : index
            %swap3A_316 = tpu.vector_load %arg14[%swap3A_314, %swap3A_315] {strides = array<i32>} : memref<161x256xf32, #tpu.memory_space<vmem>>, vector<16xf32>,
            tpu.vector_store %arg14[%swap3A_314, %swap3A_315], %mul3A_313 {add = true, strides = array<i32>} : memref<161x256xf32, #tpu.memory_space<vmem>>, vector<16xf32>,
            %get3A_317 = arith.index_cast %squeeze3A_290 : i32 to index
            %get3A_318 = arith.constant 16 : index
            %get3A_319 = tpu.vector_load %arg15[%get3A_317, %get3A_318] {strides = array<i32>} : memref<161x256xf32, #tpu.memory_space<vmem>>, vector<16xf32>,
            %max3A_320 = arith.maximumf %get3A_319, %mul3A_313 : vector<16xf32>
            %swap3A_321 = arith.index_cast %squeeze3A_290 : i32 to index
            %swap3A_322 = arith.constant 16 : index
            %swap3A_323 = tpu.vector_load %arg15[%swap3A_321, %swap3A_322] {strides = array<i32>} : memref<161x256xf32, #tpu.memory_space<vmem>>, vector<16xf32>,
            tpu.vector_store %arg15[%swap3A_321, %swap3A_322], %max3A_320 {strides = array<i32>} : memref<161x256xf32, #tpu.memory_space<vmem>>, vector<16xf32>,
            %get3A_324 = arith.index_cast %select_n3A_226 : i32 to index
            %get3A_325 = arith.index_cast %scan3A_283 : i32 to index
            %get3A_326 = arith.constant 32 : index
            %get3A_327 = tpu.vector_load %arg11[%get3A_324, %get3A_325, %get3A_326] {strides = array<i32>} : memref<2x16x384xf32, #tpu.memory_space<vmem>>, vector<16xf32>,
            %mul3A_328 = vector.broadcast %squeeze3A : f32 to vector<16xf32>
            %mul3A_329 = arith.mulf %get3A_327, %mul3A_328 : vector<16xf32>
            %swap3A_330 = arith.index_cast %squeeze3A_290 : i32 to index
            %swap3A_331 = arith.constant 32 : index
            %swap3A_332 = tpu.vector_load %arg14[%swap3A_330, %swap3A_331] {strides = array<i32>} : memref<161x256xf32, #tpu.memory_space<vmem>>, vector<16xf32>,
            tpu.vector_store %arg14[%swap3A_330, %swap3A_331], %mul3A_329 {add = true, strides = array<i32>} : memref<161x256xf32, #tpu.memory_space<vmem>>, vector<16xf32>,
            %get3A_333 = arith.index_cast %squeeze3A_290 : i32 to index
            %get3A_334 = arith.constant 32 : index
            %get3A_335 = tpu.vector_load %arg15[%get3A_333, %get3A_334] {strides = array<i32>} : memref<161x256xf32, #tpu.memory_space<vmem>>, vector<16xf32>,
            %max3A_336 = arith.maximumf %get3A_335, %mul3A_329 : vector<16xf32>
            %swap3A_337 = arith.index_cast %squeeze3A_290 : i32 to index
            %swap3A_338 = arith.constant 32 : index
            %swap3A_339 = tpu.vector_load %arg15[%swap3A_337, %swap3A_338] {strides = array<i32>} : memref<161x256xf32, #tpu.memory_space<vmem>>, vector<16xf32>,
            tpu.vector_store %arg15[%swap3A_337, %swap3A_338], %max3A_336 {strides = array<i32>} : memref<161x256xf32, #tpu.memory_space<vmem>>, vector<16xf32>,
            %get3A_340 = arith.index_cast %select_n3A_226 : i32 to index
            %get3A_341 = arith.index_cast %scan3A_283 : i32 to index
            %get3A_342 = arith.constant 48 : index
            %get3A_343 = tpu.vector_load %arg11[%get3A_340, %get3A_341, %get3A_342] {strides = array<i32>} : memref<2x16x384xf32, #tpu.memory_space<vmem>>, vector<16xf32>,
            %mul3A_344 = vector.broadcast %squeeze3A : f32 to vector<16xf32>
            %mul3A_345 = arith.mulf %get3A_343, %mul3A_344 : vector<16xf32>
            %swap3A_346 = arith.index_cast %squeeze3A_290 : i32 to index
            %swap3A_347 = arith.constant 48 : index
            %swap3A_348 = tpu.vector_load %arg14[%swap3A_346, %swap3A_347] {strides = array<i32>} : memref<161x256xf32, #tpu.memory_space<vmem>>, vector<16xf32>,
            tpu.vector_store %arg14[%swap3A_346, %swap3A_347], %mul3A_345 {add = true, strides = array<i32>} : memref<161x256xf32, #tpu.memory_space<vmem>>, vector<16xf32>,
            %get3A_349 = arith.index_cast %squeeze3A_290 : i32 to index
            %get3A_350 = arith.constant 48 : index
            %get3A_351 = tpu.vector_load %arg15[%get3A_349, %get3A_350] {strides = array<i32>} : memref<161x256xf32, #tpu.memory_space<vmem>>, vector<16xf32>,
            %max3A_352 = arith.maximumf %get3A_351, %mul3A_345 : vector<16xf32>
            %swap3A_353 = arith.index_cast %squeeze3A_290 : i32 to index
            %swap3A_354 = arith.constant 48 : index
            %swap3A_355 = tpu.vector_load %arg15[%swap3A_353, %swap3A_354] {strides = array<i32>} : memref<161x256xf32, #tpu.memory_space<vmem>>, vector<16xf32>,
            tpu.vector_store %arg15[%swap3A_353, %swap3A_354], %max3A_352 {strides = array<i32>} : memref<161x256xf32, #tpu.memory_space<vmem>>, vector<16xf32>,
            %get3A_356 = arith.index_cast %select_n3A_226 : i32 to index
            %get3A_357 = arith.index_cast %scan3A_283 : i32 to index
            %get3A_358 = arith.constant 64 : index
            %get3A_359 = tpu.vector_load %arg11[%get3A_356, %get3A_357, %get3A_358] {strides = array<i32>} : memref<2x16x384xf32, #tpu.memory_space<vmem>>, vector<16xf32>,
            %mul3A_360 = vector.broadcast %squeeze3A : f32 to vector<16xf32>
            %mul3A_361 = arith.mulf %get3A_359, %mul3A_360 : vector<16xf32>
            %swap3A_362 = arith.index_cast %squeeze3A_290 : i32 to index
            %swap3A_363 = arith.constant 64 : index
            %swap3A_364 = tpu.vector_load %arg14[%swap3A_362, %swap3A_363] {strides = array<i32>} : memref<161x256xf32, #tpu.memory_space<vmem>>, vector<16xf32>,
            tpu.vector_store %arg14[%swap3A_362, %swap3A_363], %mul3A_361 {add = true, strides = array<i32>} : memref<161x256xf32, #tpu.memory_space<vmem>>, vector<16xf32>,
            %get3A_365 = arith.index_cast %squeeze3A_290 : i32 to index
            %get3A_366 = arith.constant 64 : index
            %get3A_367 = tpu.vector_load %arg15[%get3A_365, %get3A_366] {strides = array<i32>} : memref<161x256xf32, #tpu.memory_space<vmem>>, vector<16xf32>,
            %max3A_368 = arith.maximumf %get3A_367, %mul3A_361 : vector<16xf32>
            %swap3A_369 = arith.index_cast %squeeze3A_290 : i32 to index
            %swap3A_370 = arith.constant 64 : index
            %swap3A_371 = tpu.vector_load %arg15[%swap3A_369, %swap3A_370] {strides = array<i32>} : memref<161x256xf32, #tpu.memory_space<vmem>>, vector<16xf32>,
            tpu.vector_store %arg15[%swap3A_369, %swap3A_370], %max3A_368 {strides = array<i32>} : memref<161x256xf32, #tpu.memory_space<vmem>>, vector<16xf32>,
            %get3A_372 = arith.index_cast %select_n3A_226 : i32 to index
            %get3A_373 = arith.index_cast %scan3A_283 : i32 to index
            %get3A_374 = arith.constant 80 : index
            %get3A_375 = tpu.vector_load %arg11[%get3A_372, %get3A_373, %get3A_374] {strides = array<i32>} : memref<2x16x384xf32, #tpu.memory_space<vmem>>, vector<16xf32>,
            %mul3A_376 = vector.broadcast %squeeze3A : f32 to vector<16xf32>
            %mul3A_377 = arith.mulf %get3A_375, %mul3A_376 : vector<16xf32>
            %swap3A_378 = arith.index_cast %squeeze3A_290 : i32 to index
            %swap3A_379 = arith.constant 80 : index
            %swap3A_380 = tpu.vector_load %arg14[%swap3A_378, %swap3A_379] {strides = array<i32>} : memref<161x256xf32, #tpu.memory_space<vmem>>, vector<16xf32>,
            tpu.vector_store %arg14[%swap3A_378, %swap3A_379], %mul3A_377 {add = true, strides = array<i32>} : memref<161x256xf32, #tpu.memory_space<vmem>>, vector<16xf32>,
            %get3A_381 = arith.index_cast %squeeze3A_290 : i32 to index
            %get3A_382 = arith.constant 80 : index
            %get3A_383 = tpu.vector_load %arg15[%get3A_381, %get3A_382] {strides = array<i32>} : memref<161x256xf32, #tpu.memory_space<vmem>>, vector<16xf32>,
            %max3A_384 = arith.maximumf %get3A_383, %mul3A_377 : vector<16xf32>
            %swap3A_385 = arith.index_cast %squeeze3A_290 : i32 to index
            %swap3A_386 = arith.constant 80 : index
            %swap3A_387 = tpu.vector_load %arg15[%swap3A_385, %swap3A_386] {strides = array<i32>} : memref<161x256xf32, #tpu.memory_space<vmem>>, vector<16xf32>,
            tpu.vector_store %arg15[%swap3A_385, %swap3A_386], %max3A_384 {strides = array<i32>} : memref<161x256xf32, #tpu.memory_space<vmem>>, vector<16xf32>,
            %get3A_388 = arith.index_cast %select_n3A_226 : i32 to index
            %get3A_389 = arith.index_cast %scan3A_283 : i32 to index
            %get3A_390 = arith.constant 96 : index
            %get3A_391 = tpu.vector_load %arg11[%get3A_388, %get3A_389, %get3A_390] {strides = array<i32>} : memref<2x16x384xf32, #tpu.memory_space<vmem>>, vector<16xf32>,
            %mul3A_392 = vector.broadcast %squeeze3A : f32 to vector<16xf32>
            %mul3A_393 = arith.mulf %get3A_391, %mul3A_392 : vector<16xf32>
            %swap3A_394 = arith.index_cast %squeeze3A_290 : i32 to index
            %swap3A_395 = arith.constant 96 : index
            %swap3A_396 = tpu.vector_load %arg14[%swap3A_394, %swap3A_395] {strides = array<i32>} : memref<161x256xf32, #tpu.memory_space<vmem>>, vector<16xf32>,
            tpu.vector_store %arg14[%swap3A_394, %swap3A_395], %mul3A_393 {add = true, strides = array<i32>} : memref<161x256xf32, #tpu.memory_space<vmem>>, vector<16xf32>,
            %get3A_397 = arith.index_cast %squeeze3A_290 : i32 to index
            %get3A_398 = arith.constant 96 : index
            %get3A_399 = tpu.vector_load %arg15[%get3A_397, %get3A_398] {strides = array<i32>} : memref<161x256xf32, #tpu.memory_space<vmem>>, vector<16xf32>,
            %max3A_400 = arith.maximumf %get3A_399, %mul3A_393 : vector<16xf32>
            %swap3A_401 = arith.index_cast %squeeze3A_290 : i32 to index
            %swap3A_402 = arith.constant 96 : index
            %swap3A_403 = tpu.vector_load %arg15[%swap3A_401, %swap3A_402] {strides = array<i32>} : memref<161x256xf32, #tpu.memory_space<vmem>>, vector<16xf32>,
            tpu.vector_store %arg15[%swap3A_401, %swap3A_402], %max3A_400 {strides = array<i32>} : memref<161x256xf32, #tpu.memory_space<vmem>>, vector<16xf32>,
            %get3A_404 = arith.index_cast %select_n3A_226 : i32 to index
            %get3A_405 = arith.index_cast %scan3A_283 : i32 to index
            %get3A_406 = arith.constant 112 : index
            %get3A_407 = tpu.vector_load %arg11[%get3A_404, %get3A_405, %get3A_406] {strides = array<i32>} : memref<2x16x384xf32, #tpu.memory_space<vmem>>, vector<16xf32>,
            %mul3A_408 = vector.broadcast %squeeze3A : f32 to vector<16xf32>
            %mul3A_409 = arith.mulf %get3A_407, %mul3A_408 : vector<16xf32>
            %swap3A_410 = arith.index_cast %squeeze3A_290 : i32 to index
            %swap3A_411 = arith.constant 112 : index
            %swap3A_412 = tpu.vector_load %arg14[%swap3A_410, %swap3A_411] {strides = array<i32>} : memref<161x256xf32, #tpu.memory_space<vmem>>, vector<16xf32>,
            tpu.vector_store %arg14[%swap3A_410, %swap3A_411], %mul3A_409 {add = true, strides = array<i32>} : memref<161x256xf32, #tpu.memory_space<vmem>>, vector<16xf32>,
            %get3A_413 = arith.index_cast %squeeze3A_290 : i32 to index
            %get3A_414 = arith.constant 112 : index
            %get3A_415 = tpu.vector_load %arg15[%get3A_413, %get3A_414] {strides = array<i32>} : memref<161x256xf32, #tpu.memory_space<vmem>>, vector<16xf32>,
            %max3A_416 = arith.maximumf %get3A_415, %mul3A_409 : vector<16xf32>
            %swap3A_417 = arith.index_cast %squeeze3A_290 : i32 to index
            %swap3A_418 = arith.constant 112 : index
            %swap3A_419 = tpu.vector_load %arg15[%swap3A_417, %swap3A_418] {strides = array<i32>} : memref<161x256xf32, #tpu.memory_space<vmem>>, vector<16xf32>,
            tpu.vector_store %arg15[%swap3A_417, %swap3A_418], %max3A_416 {strides = array<i32>} : memref<161x256xf32, #tpu.memory_space<vmem>>, vector<16xf32>,
            %get3A_420 = arith.index_cast %select_n3A_226 : i32 to index
            %get3A_421 = arith.index_cast %scan3A_283 : i32 to index
            %get3A_422 = arith.constant 128 : index
            %get3A_423 = tpu.vector_load %arg11[%get3A_420, %get3A_421, %get3A_422] {strides = array<i32>} : memref<2x16x384xf32, #tpu.memory_space<vmem>>, vector<16xf32>,
            %mul3A_424 = vector.broadcast %squeeze3A : f32 to vector<16xf32>
            %mul3A_425 = arith.mulf %get3A_423, %mul3A_424 : vector<16xf32>
            %swap3A_426 = arith.index_cast %squeeze3A_290 : i32 to index
            %swap3A_427 = arith.constant 128 : index
            %swap3A_428 = tpu.vector_load %arg14[%swap3A_426, %swap3A_427] {strides = array<i32>} : memref<161x256xf32, #tpu.memory_space<vmem>>, vector<16xf32>,
            tpu.vector_store %arg14[%swap3A_426, %swap3A_427], %mul3A_425 {add = true, strides = array<i32>} : memref<161x256xf32, #tpu.memory_space<vmem>>, vector<16xf32>,
            %get3A_429 = arith.index_cast %squeeze3A_290 : i32 to index
            %get3A_430 = arith.constant 128 : index
            %get3A_431 = tpu.vector_load %arg15[%get3A_429, %get3A_430] {strides = array<i32>} : memref<161x256xf32, #tpu.memory_space<vmem>>, vector<16xf32>,
            %max3A_432 = arith.maximumf %get3A_431, %mul3A_425 : vector<16xf32>
            %swap3A_433 = arith.index_cast %squeeze3A_290 : i32 to index
            %swap3A_434 = arith.constant 128 : index
            %swap3A_435 = tpu.vector_load %arg15[%swap3A_433, %swap3A_434] {strides = array<i32>} : memref<161x256xf32, #tpu.memory_space<vmem>>, vector<16xf32>,
            tpu.vector_store %arg15[%swap3A_433, %swap3A_434], %max3A_432 {strides = array<i32>} : memref<161x256xf32, #tpu.memory_space<vmem>>, vector<16xf32>,
            %get3A_436 = arith.index_cast %select_n3A_226 : i32 to index
            %get3A_437 = arith.index_cast %scan3A_283 : i32 to index
            %get3A_438 = arith.constant 144 : index
            %get3A_439 = tpu.vector_load %arg11[%get3A_436, %get3A_437, %get3A_438] {strides = array<i32>} : memref<2x16x384xf32, #tpu.memory_space<vmem>>, vector<16xf32>,
            %mul3A_440 = vector.broadcast %squeeze3A : f32 to vector<16xf32>
            %mul3A_441 = arith.mulf %get3A_439, %mul3A_440 : vector<16xf32>
            %swap3A_442 = arith.index_cast %squeeze3A_290 : i32 to index
            %swap3A_443 = arith.constant 144 : index
            %swap3A_444 = tpu.vector_load %arg14[%swap3A_442, %swap3A_443] {strides = array<i32>} : memref<161x256xf32, #tpu.memory_space<vmem>>, vector<16xf32>,
            tpu.vector_store %arg14[%swap3A_442, %swap3A_443], %mul3A_441 {add = true, strides = array<i32>} : memref<161x256xf32, #tpu.memory_space<vmem>>, vector<16xf32>,
            %get3A_445 = arith.index_cast %squeeze3A_290 : i32 to index
            %get3A_446 = arith.constant 144 : index
            %get3A_447 = tpu.vector_load %arg15[%get3A_445, %get3A_446] {strides = array<i32>} : memref<161x256xf32, #tpu.memory_space<vmem>>, vector<16xf32>,
            %max3A_448 = arith.maximumf %get3A_447, %mul3A_441 : vector<16xf32>
            %swap3A_449 = arith.index_cast %squeeze3A_290 : i32 to index
            %swap3A_450 = arith.constant 144 : index
            %swap3A_451 = tpu.vector_load %arg15[%swap3A_449, %swap3A_450] {strides = array<i32>} : memref<161x256xf32, #tpu.memory_space<vmem>>, vector<16xf32>,
            tpu.vector_store %arg15[%swap3A_449, %swap3A_450], %max3A_448 {strides = array<i32>} : memref<161x256xf32, #tpu.memory_space<vmem>>, vector<16xf32>,
            %get3A_452 = arith.index_cast %select_n3A_226 : i32 to index
            %get3A_453 = arith.index_cast %scan3A_283 : i32 to index
            %get3A_454 = arith.constant 160 : index
            %get3A_455 = tpu.vector_load %arg11[%get3A_452, %get3A_453, %get3A_454] {strides = array<i32>} : memref<2x16x384xf32, #tpu.memory_space<vmem>>, vector<16xf32>,
            %mul3A_456 = vector.broadcast %squeeze3A : f32 to vector<16xf32>
            %mul3A_457 = arith.mulf %get3A_455, %mul3A_456 : vector<16xf32>
            %swap3A_458 = arith.index_cast %squeeze3A_290 : i32 to index
            %swap3A_459 = arith.constant 160 : index
            %swap3A_460 = tpu.vector_load %arg14[%swap3A_458, %swap3A_459] {strides = array<i32>} : memref<161x256xf32, #tpu.memory_space<vmem>>, vector<16xf32>,
            tpu.vector_store %arg14[%swap3A_458, %swap3A_459], %mul3A_457 {add = true, strides = array<i32>} : memref<161x256xf32, #tpu.memory_space<vmem>>, vector<16xf32>,
            %get3A_461 = arith.index_cast %squeeze3A_290 : i32 to index
            %get3A_462 = arith.constant 160 : index
            %get3A_463 = tpu.vector_load %arg15[%get3A_461, %get3A_462] {strides = array<i32>} : memref<161x256xf32, #tpu.memory_space<vmem>>, vector<16xf32>,
            %max3A_464 = arith.maximumf %get3A_463, %mul3A_457 : vector<16xf32>
            %swap3A_465 = arith.index_cast %squeeze3A_290 : i32 to index
            %swap3A_466 = arith.constant 160 : index
            %swap3A_467 = tpu.vector_load %arg15[%swap3A_465, %swap3A_466] {strides = array<i32>} : memref<161x256xf32, #tpu.memory_space<vmem>>, vector<16xf32>,
            tpu.vector_store %arg15[%swap3A_465, %swap3A_466], %max3A_464 {strides = array<i32>} : memref<161x256xf32, #tpu.memory_space<vmem>>, vector<16xf32>,
            %get3A_468 = arith.index_cast %select_n3A_226 : i32 to index
            %get3A_469 = arith.index_cast %scan3A_283 : i32 to index
            %get3A_470 = arith.constant 176 : index
            %get3A_471 = tpu.vector_load %arg11[%get3A_468, %get3A_469, %get3A_470] {strides = array<i32>} : memref<2x16x384xf32, #tpu.memory_space<vmem>>, vector<16xf32>,
            %mul3A_472 = vector.broadcast %squeeze3A : f32 to vector<16xf32>
            %mul3A_473 = arith.mulf %get3A_471, %mul3A_472 : vector<16xf32>
            %swap3A_474 = arith.index_cast %squeeze3A_290 : i32 to index
            %swap3A_475 = arith.constant 176 : index
            %swap3A_476 = tpu.vector_load %arg14[%swap3A_474, %swap3A_475] {strides = array<i32>} : memref<161x256xf32, #tpu.memory_space<vmem>>, vector<16xf32>,
            tpu.vector_store %arg14[%swap3A_474, %swap3A_475], %mul3A_473 {add = true, strides = array<i32>} : memref<161x256xf32, #tpu.memory_space<vmem>>, vector<16xf32>,
            %get3A_477 = arith.index_cast %squeeze3A_290 : i32 to index
            %get3A_478 = arith.constant 176 : index
            %get3A_479 = tpu.vector_load %arg15[%get3A_477, %get3A_478] {strides = array<i32>} : memref<161x256xf32, #tpu.memory_space<vmem>>, vector<16xf32>,
            %max3A_480 = arith.maximumf %get3A_479, %mul3A_473 : vector<16xf32>
            %swap3A_481 = arith.index_cast %squeeze3A_290 : i32 to index
            %swap3A_482 = arith.constant 176 : index
            %swap3A_483 = tpu.vector_load %arg15[%swap3A_481, %swap3A_482] {strides = array<i32>} : memref<161x256xf32, #tpu.memory_space<vmem>>, vector<16xf32>,
            tpu.vector_store %arg15[%swap3A_481, %swap3A_482], %max3A_480 {strides = array<i32>} : memref<161x256xf32, #tpu.memory_space<vmem>>, vector<16xf32>,
            %get3A_484 = arith.index_cast %select_n3A_226 : i32 to index
            %get3A_485 = arith.index_cast %scan3A_283 : i32 to index
            %get3A_486 = arith.constant 192 : index
            %get3A_487 = tpu.vector_load %arg11[%get3A_484, %get3A_485, %get3A_486] {strides = array<i32>} : memref<2x16x384xf32, #tpu.memory_space<vmem>>, vector<16xf32>,
            %mul3A_488 = vector.broadcast %squeeze3A : f32 to vector<16xf32>
            %mul3A_489 = arith.mulf %get3A_487, %mul3A_488 : vector<16xf32>
            %swap3A_490 = arith.index_cast %squeeze3A_290 : i32 to index
            %swap3A_491 = arith.constant 192 : index
            %swap3A_492 = tpu.vector_load %arg14[%swap3A_490, %swap3A_491] {strides = array<i32>} : memref<161x256xf32, #tpu.memory_space<vmem>>, vector<16xf32>,
            tpu.vector_store %arg14[%swap3A_490, %swap3A_491], %mul3A_489 {add = true, strides = array<i32>} : memref<161x256xf32, #tpu.memory_space<vmem>>, vector<16xf32>,
            %get3A_493 = arith.index_cast %squeeze3A_290 : i32 to index
            %get3A_494 = arith.constant 192 : index
            %get3A_495 = tpu.vector_load %arg15[%get3A_493, %get3A_494] {strides = array<i32>} : memref<161x256xf32, #tpu.memory_space<vmem>>, vector<16xf32>,
            %max3A_496 = arith.maximumf %get3A_495, %mul3A_489 : vector<16xf32>
            %swap3A_497 = arith.index_cast %squeeze3A_290 : i32 to index
            %swap3A_498 = arith.constant 192 : index
            %swap3A_499 = tpu.vector_load %arg15[%swap3A_497, %swap3A_498] {strides = array<i32>} : memref<161x256xf32, #tpu.memory_space<vmem>>, vector<16xf32>,
            tpu.vector_store %arg15[%swap3A_497, %swap3A_498], %max3A_496 {strides = array<i32>} : memref<161x256xf32, #tpu.memory_space<vmem>>, vector<16xf32>,
            %get3A_500 = arith.index_cast %select_n3A_226 : i32 to index
            %get3A_501 = arith.index_cast %scan3A_283 : i32 to index
            %get3A_502 = arith.constant 208 : index
            %get3A_503 = tpu.vector_load %arg11[%get3A_500, %get3A_501, %get3A_502] {strides = array<i32>} : memref<2x16x384xf32, #tpu.memory_space<vmem>>, vector<16xf32>,
            %mul3A_504 = vector.broadcast %squeeze3A : f32 to vector<16xf32>
            %mul3A_505 = arith.mulf %get3A_503, %mul3A_504 : vector<16xf32>
            %swap3A_506 = arith.index_cast %squeeze3A_290 : i32 to index
            %swap3A_507 = arith.constant 208 : index
            %swap3A_508 = tpu.vector_load %arg14[%swap3A_506, %swap3A_507] {strides = array<i32>} : memref<161x256xf32, #tpu.memory_space<vmem>>, vector<16xf32>,
            tpu.vector_store %arg14[%swap3A_506, %swap3A_507], %mul3A_505 {add = true, strides = array<i32>} : memref<161x256xf32, #tpu.memory_space<vmem>>, vector<16xf32>,
            %get3A_509 = arith.index_cast %squeeze3A_290 : i32 to index
            %get3A_510 = arith.constant 208 : index
            %get3A_511 = tpu.vector_load %arg15[%get3A_509, %get3A_510] {strides = array<i32>} : memref<161x256xf32, #tpu.memory_space<vmem>>, vector<16xf32>,
            %max3A_512 = arith.maximumf %get3A_511, %mul3A_505 : vector<16xf32>
            %swap3A_513 = arith.index_cast %squeeze3A_290 : i32 to index
            %swap3A_514 = arith.constant 208 : index
            %swap3A_515 = tpu.vector_load %arg15[%swap3A_513, %swap3A_514] {strides = array<i32>} : memref<161x256xf32, #tpu.memory_space<vmem>>, vector<16xf32>,
            tpu.vector_store %arg15[%swap3A_513, %swap3A_514], %max3A_512 {strides = array<i32>} : memref<161x256xf32, #tpu.memory_space<vmem>>, vector<16xf32>,
            %get3A_516 = arith.index_cast %select_n3A_226 : i32 to index
            %get3A_517 = arith.index_cast %scan3A_283 : i32 to index
            %get3A_518 = arith.constant 224 : index
            %get3A_519 = tpu.vector_load %arg11[%get3A_516, %get3A_517, %get3A_518] {strides = array<i32>} : memref<2x16x384xf32, #tpu.memory_space<vmem>>, vector<16xf32>,
            %mul3A_520 = vector.broadcast %squeeze3A : f32 to vector<16xf32>
            %mul3A_521 = arith.mulf %get3A_519, %mul3A_520 : vector<16xf32>
            %swap3A_522 = arith.index_cast %squeeze3A_290 : i32 to index
            %swap3A_523 = arith.constant 224 : index
            %swap3A_524 = tpu.vector_load %arg14[%swap3A_522, %swap3A_523] {strides = array<i32>} : memref<161x256xf32, #tpu.memory_space<vmem>>, vector<16xf32>,
            tpu.vector_store %arg14[%swap3A_522, %swap3A_523], %mul3A_521 {add = true, strides = array<i32>} : memref<161x256xf32, #tpu.memory_space<vmem>>, vector<16xf32>,
            %get3A_525 = arith.index_cast %squeeze3A_290 : i32 to index
            %get3A_526 = arith.constant 224 : index
            %get3A_527 = tpu.vector_load %arg15[%get3A_525, %get3A_526] {strides = array<i32>} : memref<161x256xf32, #tpu.memory_space<vmem>>, vector<16xf32>,
            %max3A_528 = arith.maximumf %get3A_527, %mul3A_521 : vector<16xf32>
            %swap3A_529 = arith.index_cast %squeeze3A_290 : i32 to index
            %swap3A_530 = arith.constant 224 : index
            %swap3A_531 = tpu.vector_load %arg15[%swap3A_529, %swap3A_530] {strides = array<i32>} : memref<161x256xf32, #tpu.memory_space<vmem>>, vector<16xf32>,
            tpu.vector_store %arg15[%swap3A_529, %swap3A_530], %max3A_528 {strides = array<i32>} : memref<161x256xf32, #tpu.memory_space<vmem>>, vector<16xf32>,
            %get3A_532 = arith.index_cast %select_n3A_226 : i32 to index
            %get3A_533 = arith.index_cast %scan3A_283 : i32 to index
            %get3A_534 = arith.constant 240 : index
            %get3A_535 = tpu.vector_load %arg11[%get3A_532, %get3A_533, %get3A_534] {strides = array<i32>} : memref<2x16x384xf32, #tpu.memory_space<vmem>>, vector<16xf32>,
            %mul3A_536 = vector.broadcast %squeeze3A : f32 to vector<16xf32>
            %mul3A_537 = arith.mulf %get3A_535, %mul3A_536 : vector<16xf32>
            %swap3A_538 = arith.index_cast %squeeze3A_290 : i32 to index
            %swap3A_539 = arith.constant 240 : index
            %swap3A_540 = tpu.vector_load %arg14[%swap3A_538, %swap3A_539] {strides = array<i32>} : memref<161x256xf32, #tpu.memory_space<vmem>>, vector<16xf32>,
            tpu.vector_store %arg14[%swap3A_538, %swap3A_539], %mul3A_537 {add = true, strides = array<i32>} : memref<161x256xf32, #tpu.memory_space<vmem>>, vector<16xf32>,
            %get3A_541 = arith.index_cast %squeeze3A_290 : i32 to index
            %get3A_542 = arith.constant 240 : index
            %get3A_543 = tpu.vector_load %arg15[%get3A_541, %get3A_542] {strides = array<i32>} : memref<161x256xf32, #tpu.memory_space<vmem>>, vector<16xf32>,
            %max3A_544 = arith.maximumf %get3A_543, %mul3A_537 : vector<16xf32>
            %swap3A_545 = arith.index_cast %squeeze3A_290 : i32 to index
            %swap3A_546 = arith.constant 240 : index
            %swap3A_547 = tpu.vector_load %arg15[%swap3A_545, %swap3A_546] {strides = array<i32>} : memref<161x256xf32, #tpu.memory_space<vmem>>, vector<16xf32>,
            tpu.vector_store %arg15[%swap3A_545, %swap3A_546], %max3A_544 {strides = array<i32>} : memref<161x256xf32, #tpu.memory_space<vmem>>, vector<16xf32>,
            %scan3A_548 = arith.constant 0 : i32
            scf.yield %scan3A_548 : i32
          }
          %scan3A_263 = arith.constant 16 : i32
          %add3A_264 = arith.constant 2 : i32
          %add3A_265 = arith.addi %while3A_209, %add3A_264 : i32
          %lt3A_266 = arith.cmpi slt, %add3A_265, %select_n3A_176 : i32
          %eq3A_267 = arith.constant 0 : i32
          %eq3A_268 = arith.cmpi eq, %select_n3A_226, %eq3A_267 : i32
          %and3A_269 = arith.andi %lt3A_266, %eq3A_268 : i1
          %convert_element_type3A_270 = arith.extui %and3A_269 : i1 to i32
          %cond3A_271 = arith.constant 0 : i32
          %cond3A_272 = arith.cmpi ne, %convert_element_type3A_270, %cond3A_271 : i32
          scf.if %cond3A_272 {
            %add3A_283 = arith.constant 2 : i32
            %add3A_284 = arith.addi %while3A_209, %add3A_283 : i32
            %mul3A_285 = arith.constant 16 : i32
            %mul3A_286 = arith.muli %add3A_284, %mul3A_285 : i32
            %get3A_287 = arith.index_cast %mul3A_286 : i32 to index
            %get3A_288 = tpu.vector_load %arg9[%get3A_287] {strides = array<i32>} : memref<3264xi32, #tpu.memory_space<vmem>>, vector<16xi32>,
            %and3A_289 = vector.broadcast %scan3A_42 : i32 to vector<16xi32>
            %and3A_290 = arith.andi %get3A_288, %and3A_289 : vector<16xi32>
            %dma_start3A_291 = arith.constant 0 : i32
            %dma_start3A_292 = arith.constant 0 : i32
            %dma_start3A_293 = arith.constant 0 : i32
            %dma_start3A_294 = tpu.memref_slice %arg11[%dma_start3A_291, %dma_start3A_292, %dma_start3A_293] : memref<2x16x384xf32, #tpu.memory_space<vmem>> -> memref<1x16x384xf32, #tpu.memory_space<vmem>>
            %dma_start3A_295 = tpu.memref_squeeze %dma_start3A_294 : memref<1x16x384xf32, #tpu.memory_space<vmem>> -> memref<16x384xf32, #tpu.memory_space<vmem>>
            %dma_start3A_296 = arith.constant 0 : i32
            %dma_start3A_297 = arith.constant 0 : i32
            %dma_start3A_298 = tpu.memref_slice %arg2[%dma_start3A_296, %dma_start3A_297] : memref<10000x384xf32, #tpu.memory_space<hbm>> -> memref<10000x384xf32, #tpu.memory_space<hbm>>
            tpu.enqueue_indirect_dma source(%dma_start3A_298 : memref<10000x384xf32, #tpu.memory_space<hbm>>) target(%dma_start3A_295 : memref<16x384xf32, #tpu.memory_space<vmem>>) offsets(%and3A_290 : vector<16xi32>) semaphore(%arg18 : memref<!tpu.dma_semaphore, #tpu.memory_space<semaphore_mem>>)
          } else {
          }
          %add3A_273 = arith.constant 2 : i32
          %add3A_274 = arith.addi %while3A_209, %add3A_273 : i32
          %lt3A_275 = arith.cmpi slt, %add3A_274, %select_n3A_176 : i32
          %eq3A_276 = arith.constant 1 : i32
          %eq3A_277 = arith.cmpi eq, %select_n3A_226, %eq3A_276 : i32
          %and3A_278 = arith.andi %lt3A_275, %eq3A_277 : i1
          %convert_element_type3A_279 = arith.extui %and3A_278 : i1 to i32
          %cond3A_280 = arith.constant 0 : i32
          %cond3A_281 = arith.cmpi ne, %convert_element_type3A_279, %cond3A_280 : i32
          scf.if %cond3A_281 {
            %add3A_283 = arith.constant 2 : i32
            %add3A_284 = arith.addi %while3A_209, %add3A_283 : i32
            %mul3A_285 = arith.constant 16 : i32
            %mul3A_286 = arith.muli %add3A_284, %mul3A_285 : i32
            %get3A_287 = arith.index_cast %mul3A_286 : i32 to index
            %get3A_288 = tpu.vector_load %arg9[%get3A_287] {strides = array<i32>} : memref<3264xi32, #tpu.memory_space<vmem>>, vector<16xi32>,
            %and3A_289 = vector.broadcast %scan3A_42 : i32 to vector<16xi32>
            %and3A_290 = arith.andi %get3A_288, %and3A_289 : vector<16xi32>
            %dma_start3A_291 = arith.constant 1 : i32
            %dma_start3A_292 = arith.constant 0 : i32
            %dma_start3A_293 = arith.constant 0 : i32
            %dma_start3A_294 = tpu.memref_slice %arg11[%dma_start3A_291, %dma_start3A_292, %dma_start3A_293] : memref<2x16x384xf32, #tpu.memory_space<vmem>> -> memref<1x16x384xf32, #tpu.memory_space<vmem>>
            %dma_start3A_295 = tpu.memref_squeeze %dma_start3A_294 : memref<1x16x384xf32, #tpu.memory_space<vmem>> -> memref<16x384xf32, #tpu.memory_space<vmem>>
            %dma_start3A_296 = arith.constant 0 : i32
            %dma_start3A_297 = arith.constant 0 : i32
            %dma_start3A_298 = tpu.memref_slice %arg2[%dma_start3A_296, %dma_start3A_297] : memref<10000x384xf32, #tpu.memory_space<hbm>> -> memref<10000x384xf32, #tpu.memory_space<hbm>>
            tpu.enqueue_indirect_dma source(%dma_start3A_298 : memref<10000x384xf32, #tpu.memory_space<hbm>>) target(%dma_start3A_295 : memref<16x384xf32, #tpu.memory_space<vmem>>) offsets(%and3A_290 : vector<16xi32>) semaphore(%arg19 : memref<!tpu.dma_semaphore, #tpu.memory_space<semaphore_mem>>)
          } else {
          }
          %while3A_282 = arith.constant 0 : i32
          scf.yield %while3A_282 : i32
        }
      } else {
      }
      %scan3A_181 = arith.constant 0 : i32
      scf.yield %scan3A_181 : i32
    }
    %scan3A_49 = arith.constant 50 : i32
    %lt3A = arith.constant 62 : i32
    %lt3A_50 = arith.cmpi slt, %add3A_12, %lt3A : i32
    %convert_element_type3A = arith.extui %lt3A_50 : i1 to i32
    %cond3A = arith.constant 0 : i32
    %cond3A_51 = arith.cmpi ne, %convert_element_type3A, %cond3A : i32
    scf.if %cond3A_51 {
      "tpu.region"() ({
        %run_scoped3A = tpu.sem_alloc : memref<!tpu.dma_semaphore, #tpu.memory_space<semaphore_mem>>
        %dma_start3A_111 = arith.constant 0 : i32
        %dma_start3A_112 = arith.constant 0 : i32
        %dma_start3A_113 = tpu.memref_slice %arg14[%dma_start3A_111, %dma_start3A_112] : memref<161x256xf32, #tpu.memory_space<vmem>> -> memref<160x256xf32, #tpu.memory_space<vmem>>
        %dma_start3A_114 = arith.constant 0 : i32
        %dma_start3A_115 = tpu.memref_slice %arg5[%mul3A_14, %dma_start3A_114] : memref<10000x256xf32, #tpu.memory_space<hbm>> -> memref<160x256xf32, #tpu.memory_space<hbm>>
        %dma_start3A_116 = arith.constant 0 : i32
        %dma_start3A_117 = tpu.memref_slice %arg5[%mul3A_14, %dma_start3A_116] : memref<10000x256xf32, #tpu.memory_space<hbm>> -> memref<160x256xf32, #tpu.memory_space<hbm>>
        %dma_start3A_118 = arith.constant 0 : i32
        %dma_start3A_119 = arith.constant 0 : i32
        %dma_start3A_120 = tpu.memref_slice %arg14[%dma_start3A_118, %dma_start3A_119] : memref<161x256xf32, #tpu.memory_space<vmem>> -> memref<160x256xf32, #tpu.memory_space<vmem>>
        tpu.enqueue_dma source(%dma_start3A_120 : memref<160x256xf32, #tpu.memory_space<vmem>>) target(%dma_start3A_117 : memref<160x256xf32, #tpu.memory_space<hbm>>) target_semaphore(%run_scoped3A : memref<!tpu.dma_semaphore, #tpu.memory_space<semaphore_mem>>)
        %dma_wait3A = arith.constant 0 : i32
        %dma_wait3A_121 = arith.constant 0 : i32
        %dma_wait3A_122 = tpu.memref_slice %arg14[%dma_wait3A, %dma_wait3A_121] : memref<161x256xf32, #tpu.memory_space<vmem>> -> memref<160x256xf32, #tpu.memory_space<vmem>>
        %dma_wait3A_123 = arith.constant 0 : i32
        %dma_wait3A_124 = tpu.memref_slice %arg5[%mul3A_14, %dma_wait3A_123] : memref<10000x256xf32, #tpu.memory_space<hbm>> -> memref<160x256xf32, #tpu.memory_space<hbm>>
        %dma_wait3A_125 = arith.constant 0 : i32
        %dma_wait3A_126 = tpu.memref_slice %arg5[%mul3A_14, %dma_wait3A_125] : memref<10000x256xf32, #tpu.memory_space<hbm>> -> memref<160x256xf32, #tpu.memory_space<hbm>>
        %dma_wait3A_127 = arith.constant 0 : i32
        %dma_wait3A_128 = arith.constant 0 : i32
        %dma_wait3A_129 = tpu.memref_slice %arg14[%dma_wait3A_127, %dma_wait3A_128] : memref<161x256xf32, #tpu.memory_space<vmem>> -> memref<160x256xf32, #tpu.memory_space<vmem>>
        tpu.wait_dma2 semaphore(%run_scoped3A : memref<!tpu.dma_semaphore, #tpu.memory_space<semaphore_mem>>) src(%dma_wait3A_129 : memref<160x256xf32, #tpu.memory_space<vmem>>) dst(%dma_wait3A_126 : memref<160x256xf32, #tpu.memory_space<hbm>>)
        tpu.yield
      }) : () -> ()
      "tpu.region"() ({
        %run_scoped3A = tpu.sem_alloc : memref<!tpu.dma_semaphore, #tpu.memory_space<semaphore_mem>>
        %dma_start3A_111 = arith.constant 0 : i32
        %dma_start3A_112 = arith.constant 0 : i32
        %dma_start3A_113 = tpu.memref_slice %arg15[%dma_start3A_111, %dma_start3A_112] : memref<161x256xf32, #tpu.memory_space<vmem>> -> memref<160x256xf32, #tpu.memory_space<vmem>>
        %dma_start3A_114 = arith.constant 0 : i32
        %dma_start3A_115 = tpu.memref_slice %arg6[%mul3A_14, %dma_start3A_114] : memref<10000x256xf32, #tpu.memory_space<hbm>> -> memref<160x256xf32, #tpu.memory_space<hbm>>
        %dma_start3A_116 = arith.constant 0 : i32
        %dma_start3A_117 = tpu.memref_slice %arg6[%mul3A_14, %dma_start3A_116] : memref<10000x256xf32, #tpu.memory_space<hbm>> -> memref<160x256xf32, #tpu.memory_space<hbm>>
        %dma_start3A_118 = arith.constant 0 : i32
        %dma_start3A_119 = arith.constant 0 : i32
        %dma_start3A_120 = tpu.memref_slice %arg15[%dma_start3A_118, %dma_start3A_119] : memref<161x256xf32, #tpu.memory_space<vmem>> -> memref<160x256xf32, #tpu.memory_space<vmem>>
        tpu.enqueue_dma source(%dma_start3A_120 : memref<160x256xf32, #tpu.memory_space<vmem>>) target(%dma_start3A_117 : memref<160x256xf32, #tpu.memory_space<hbm>>) target_semaphore(%run_scoped3A : memref<!tpu.dma_semaphore, #tpu.memory_space<semaphore_mem>>)
        %dma_wait3A = arith.constant 0 : i32
        %dma_wait3A_121 = arith.constant 0 : i32
        %dma_wait3A_122 = tpu.memref_slice %arg15[%dma_wait3A, %dma_wait3A_121] : memref<161x256xf32, #tpu.memory_space<vmem>> -> memref<160x256xf32, #tpu.memory_space<vmem>>
        %dma_wait3A_123 = arith.constant 0 : i32
        %dma_wait3A_124 = tpu.memref_slice %arg6[%mul3A_14, %dma_wait3A_123] : memref<10000x256xf32, #tpu.memory_space<hbm>> -> memref<160x256xf32, #tpu.memory_space<hbm>>
        %dma_wait3A_125 = arith.constant 0 : i32
        %dma_wait3A_126 = tpu.memref_slice %arg6[%mul3A_14, %dma_wait3A_125] : memref<10000x256xf32, #tpu.memory_space<hbm>> -> memref<160x256xf32, #tpu.memory_space<hbm>>
        %dma_wait3A_127 = arith.constant 0 : i32
        %dma_wait3A_128 = arith.constant 0 : i32
        %dma_wait3A_129 = tpu.memref_slice %arg15[%dma_wait3A_127, %dma_wait3A_128] : memref<161x256xf32, #tpu.memory_space<vmem>> -> memref<160x256xf32, #tpu.memory_space<vmem>>
        tpu.wait_dma2 semaphore(%run_scoped3A : memref<!tpu.dma_semaphore, #tpu.memory_space<semaphore_mem>>) src(%dma_wait3A_129 : memref<160x256xf32, #tpu.memory_space<vmem>>) dst(%dma_wait3A_126 : memref<160x256xf32, #tpu.memory_space<hbm>>)
        tpu.yield
      }) : () -> ()
      "tpu.region"() ({
        %run_scoped3A = tpu.sem_alloc : memref<!tpu.dma_semaphore, #tpu.memory_space<semaphore_mem>>
        %dma_start3A_111 = arith.constant 0 : i32
        %dma_start3A_112 = tpu.memref_slice %arg16[%dma_start3A_111] : memref<176xf32, #tpu.memory_space<vmem>> -> memref<160xf32, #tpu.memory_space<vmem>>
        %dma_start3A_113 = tpu.memref_slice %arg7[%mul3A_14] : memref<10000xf32, #tpu.memory_space<hbm>> -> memref<160xf32, #tpu.memory_space<hbm>>
        %dma_start3A_114 = tpu.memref_slice %arg7[%mul3A_14] : memref<10000xf32, #tpu.memory_space<hbm>> -> memref<160xf32, #tpu.memory_space<hbm>>
        %dma_start3A_115 = arith.constant 0 : i32
        %dma_start3A_116 = tpu.memref_slice %arg16[%dma_start3A_115] : memref<176xf32, #tpu.memory_space<vmem>> -> memref<160xf32, #tpu.memory_space<vmem>>
        tpu.enqueue_dma source(%dma_start3A_116 : memref<160xf32, #tpu.memory_space<vmem>>) target(%dma_start3A_114 : memref<160xf32, #tpu.memory_space<hbm>>) target_semaphore(%run_scoped3A : memref<!tpu.dma_semaphore, #tpu.memory_space<semaphore_mem>>)
        %dma_wait3A = arith.constant 0 : i32
        %dma_wait3A_117 = tpu.memref_slice %arg16[%dma_wait3A] : memref<176xf32, #tpu.memory_space<vmem>> -> memref<160xf32, #tpu.memory_space<vmem>>
        %dma_wait3A_118 = tpu.memref_slice %arg7[%mul3A_14] : memref<10000xf32, #tpu.memory_space<hbm>> -> memref<160xf32, #tpu.memory_space<hbm>>
        %dma_wait3A_119 = tpu.memref_slice %arg7[%mul3A_14] : memref<10000xf32, #tpu.memory_space<hbm>> -> memref<160xf32, #tpu.memory_space<hbm>>
        %dma_wait3A_120 = arith.constant 0 : i32
        %dma_wait3A_121 = tpu.memref_slice %arg16[%dma_wait3A_120] : memref<176xf32, #tpu.memory_space<vmem>> -> memref<160xf32, #tpu.memory_space<vmem>>
        tpu.wait_dma2 semaphore(%run_scoped3A : memref<!tpu.dma_semaphore, #tpu.memory_space<semaphore_mem>>) src(%dma_wait3A_121 : memref<160xf32, #tpu.memory_space<vmem>>) dst(%dma_wait3A_119 : memref<160xf32, #tpu.memory_space<hbm>>)
        tpu.yield
      }) : () -> ()
    } else {
    }
    %eq3A_52 = arith.constant 62 : i32
    %eq3A_53 = arith.cmpi eq, %add3A_12, %eq3A_52 : i32
    %convert_element_type3A_54 = arith.extui %eq3A_53 : i1 to i32
    %cond3A_55 = arith.constant 0 : i32
    %cond3A_56 = arith.cmpi ne, %convert_element_type3A_54, %cond3A_55 : i32
    scf.if %cond3A_56 {
      "tpu.region"() ({
        %run_scoped3A = tpu.sem_alloc : memref<!tpu.dma_semaphore, #tpu.memory_space<semaphore_mem>>
        %dma_start3A_111 = arith.constant 0 : i32
        %dma_start3A_112 = arith.constant 0 : i32
        %dma_start3A_113 = tpu.memref_slice %arg14[%dma_start3A_111, %dma_start3A_112] : memref<161x256xf32, #tpu.memory_space<vmem>> -> memref<80x256xf32, #tpu.memory_space<vmem>>
        %dma_start3A_114 = arith.constant 0 : i32
        %dma_start3A_115 = tpu.memref_slice %arg5[%mul3A_14, %dma_start3A_114] : memref<10000x256xf32, #tpu.memory_space<hbm>> -> memref<80x256xf32, #tpu.memory_space<hbm>>
        %dma_start3A_116 = arith.constant 0 : i32
        %dma_start3A_117 = tpu.memref_slice %arg5[%mul3A_14, %dma_start3A_116] : memref<10000x256xf32, #tpu.memory_space<hbm>> -> memref<80x256xf32, #tpu.memory_space<hbm>>
        %dma_start3A_118 = arith.constant 0 : i32
        %dma_start3A_119 = arith.constant 0 : i32
        %dma_start3A_120 = tpu.memref_slice %arg14[%dma_start3A_118, %dma_start3A_119] : memref<161x256xf32, #tpu.memory_space<vmem>> -> memref<80x256xf32, #tpu.memory_space<vmem>>
        tpu.enqueue_dma source(%dma_start3A_120 : memref<80x256xf32, #tpu.memory_space<vmem>>) target(%dma_start3A_117 : memref<80x256xf32, #tpu.memory_space<hbm>>) target_semaphore(%run_scoped3A : memref<!tpu.dma_semaphore, #tpu.memory_space<semaphore_mem>>)
        %dma_wait3A = arith.constant 0 : i32
        %dma_wait3A_121 = arith.constant 0 : i32
        %dma_wait3A_122 = tpu.memref_slice %arg14[%dma_wait3A, %dma_wait3A_121] : memref<161x256xf32, #tpu.memory_space<vmem>> -> memref<80x256xf32, #tpu.memory_space<vmem>>
        %dma_wait3A_123 = arith.constant 0 : i32
        %dma_wait3A_124 = tpu.memref_slice %arg5[%mul3A_14, %dma_wait3A_123] : memref<10000x256xf32, #tpu.memory_space<hbm>> -> memref<80x256xf32, #tpu.memory_space<hbm>>
        %dma_wait3A_125 = arith.constant 0 : i32
        %dma_wait3A_126 = tpu.memref_slice %arg5[%mul3A_14, %dma_wait3A_125] : memref<10000x256xf32, #tpu.memory_space<hbm>> -> memref<80x256xf32, #tpu.memory_space<hbm>>
        %dma_wait3A_127 = arith.constant 0 : i32
        %dma_wait3A_128 = arith.constant 0 : i32
        %dma_wait3A_129 = tpu.memref_slice %arg14[%dma_wait3A_127, %dma_wait3A_128] : memref<161x256xf32, #tpu.memory_space<vmem>> -> memref<80x256xf32, #tpu.memory_space<vmem>>
        tpu.wait_dma2 semaphore(%run_scoped3A : memref<!tpu.dma_semaphore, #tpu.memory_space<semaphore_mem>>) src(%dma_wait3A_129 : memref<80x256xf32, #tpu.memory_space<vmem>>) dst(%dma_wait3A_126 : memref<80x256xf32, #tpu.memory_space<hbm>>)
        tpu.yield
      }) : () -> ()
      "tpu.region"() ({
        %run_scoped3A = tpu.sem_alloc : memref<!tpu.dma_semaphore, #tpu.memory_space<semaphore_mem>>
        %dma_start3A_111 = arith.constant 0 : i32
        %dma_start3A_112 = arith.constant 0 : i32
        %dma_start3A_113 = tpu.memref_slice %arg15[%dma_start3A_111, %dma_start3A_112] : memref<161x256xf32, #tpu.memory_space<vmem>> -> memref<80x256xf32, #tpu.memory_space<vmem>>
        %dma_start3A_114 = arith.constant 0 : i32
        %dma_start3A_115 = tpu.memref_slice %arg6[%mul3A_14, %dma_start3A_114] : memref<10000x256xf32, #tpu.memory_space<hbm>> -> memref<80x256xf32, #tpu.memory_space<hbm>>
        %dma_start3A_116 = arith.constant 0 : i32
        %dma_start3A_117 = tpu.memref_slice %arg6[%mul3A_14, %dma_start3A_116] : memref<10000x256xf32, #tpu.memory_space<hbm>> -> memref<80x256xf32, #tpu.memory_space<hbm>>
        %dma_start3A_118 = arith.constant 0 : i32
        %dma_start3A_119 = arith.constant 0 : i32
        %dma_start3A_120 = tpu.memref_slice %arg15[%dma_start3A_118, %dma_start3A_119] : memref<161x256xf32, #tpu.memory_space<vmem>> -> memref<80x256xf32, #tpu.memory_space<vmem>>
        tpu.enqueue_dma source(%dma_start3A_120 : memref<80x256xf32, #tpu.memory_space<vmem>>) target(%dma_start3A_117 : memref<80x256xf32, #tpu.memory_space<hbm>>) target_semaphore(%run_scoped3A : memref<!tpu.dma_semaphore, #tpu.memory_space<semaphore_mem>>)
        %dma_wait3A = arith.constant 0 : i32
        %dma_wait3A_121 = arith.constant 0 : i32
        %dma_wait3A_122 = tpu.memref_slice %arg15[%dma_wait3A, %dma_wait3A_121] : memref<161x256xf32, #tpu.memory_space<vmem>> -> memref<80x256xf32, #tpu.memory_space<vmem>>
        %dma_wait3A_123 = arith.constant 0 : i32
        %dma_wait3A_124 = tpu.memref_slice %arg6[%mul3A_14, %dma_wait3A_123] : memref<10000x256xf32, #tpu.memory_space<hbm>> -> memref<80x256xf32, #tpu.memory_space<hbm>>
        %dma_wait3A_125 = arith.constant 0 : i32
        %dma_wait3A_126 = tpu.memref_slice %arg6[%mul3A_14, %dma_wait3A_125] : memref<10000x256xf32, #tpu.memory_space<hbm>> -> memref<80x256xf32, #tpu.memory_space<hbm>>
        %dma_wait3A_127 = arith.constant 0 : i32
        %dma_wait3A_128 = arith.constant 0 : i32
        %dma_wait3A_129 = tpu.memref_slice %arg15[%dma_wait3A_127, %dma_wait3A_128] : memref<161x256xf32, #tpu.memory_space<vmem>> -> memref<80x256xf32, #tpu.memory_space<vmem>>
        tpu.wait_dma2 semaphore(%run_scoped3A : memref<!tpu.dma_semaphore, #tpu.memory_space<semaphore_mem>>) src(%dma_wait3A_129 : memref<80x256xf32, #tpu.memory_space<vmem>>) dst(%dma_wait3A_126 : memref<80x256xf32, #tpu.memory_space<hbm>>)
        tpu.yield
      }) : () -> ()
      "tpu.region"() ({
        %run_scoped3A = tpu.sem_alloc : memref<!tpu.dma_semaphore, #tpu.memory_space<semaphore_mem>>
        %dma_start3A_111 = arith.constant 0 : i32
        %dma_start3A_112 = tpu.memref_slice %arg16[%dma_start3A_111] : memref<176xf32, #tpu.memory_space<vmem>> -> memref<80xf32, #tpu.memory_space<vmem>>
        %dma_start3A_113 = tpu.memref_slice %arg7[%mul3A_14] : memref<10000xf32, #tpu.memory_space<hbm>> -> memref<80xf32, #tpu.memory_space<hbm>>
        %dma_start3A_114 = tpu.memref_slice %arg7[%mul3A_14] : memref<10000xf32, #tpu.memory_space<hbm>> -> memref<80xf32, #tpu.memory_space<hbm>>
        %dma_start3A_115 = arith.constant 0 : i32
        %dma_start3A_116 = tpu.memref_slice %arg16[%dma_start3A_115] : memref<176xf32, #tpu.memory_space<vmem>> -> memref<80xf32, #tpu.memory_space<vmem>>
        tpu.enqueue_dma source(%dma_start3A_116 : memref<80xf32, #tpu.memory_space<vmem>>) target(%dma_start3A_114 : memref<80xf32, #tpu.memory_space<hbm>>) target_semaphore(%run_scoped3A : memref<!tpu.dma_semaphore, #tpu.memory_space<semaphore_mem>>)
        %dma_wait3A = arith.constant 0 : i32
        %dma_wait3A_117 = tpu.memref_slice %arg16[%dma_wait3A] : memref<176xf32, #tpu.memory_space<vmem>> -> memref<80xf32, #tpu.memory_space<vmem>>
        %dma_wait3A_118 = tpu.memref_slice %arg7[%mul3A_14] : memref<10000xf32, #tpu.memory_space<hbm>> -> memref<80xf32, #tpu.memory_space<hbm>>
        %dma_wait3A_119 = tpu.memref_slice %arg7[%mul3A_14] : memref<10000xf32, #tpu.memory_space<hbm>> -> memref<80xf32, #tpu.memory_space<hbm>>
        %dma_wait3A_120 = arith.constant 0 : i32
        %dma_wait3A_121 = tpu.memref_slice %arg16[%dma_wait3A_120] : memref<176xf32, #tpu.memory_space<vmem>> -> memref<80xf32, #tpu.memory_space<vmem>>
        tpu.wait_dma2 semaphore(%run_scoped3A : memref<!tpu.dma_semaphore, #tpu.memory_space<semaphore_mem>>) src(%dma_wait3A_121 : memref<80xf32, #tpu.memory_space<vmem>>) dst(%dma_wait3A_119 : memref<80xf32, #tpu.memory_space<hbm>>)
        tpu.yield
      }) : () -> ()
    } else {
    }
    %mul3A_57 = arith.constant 2 : i32
    %mul3A_58 = arith.muli %add3A, %mul3A_57 : i32
    %add3A_59 = arith.constant 1 : i32
    %add3A_60 = arith.addi %mul3A_58, %add3A_59 : i32
    %mul3A_61 = arith.constant 160 : i32
    %mul3A_62 = arith.muli %add3A_60, %mul3A_61 : i32
    %add3A_63 = arith.constant 160 : i32
    %add3A_64 = arith.addi %mul3A_62, %add3A_63 : i32
    %shift_left3A_65 = arith.constant 14 : i32
    %shift_left3A_66 = arith.shli %add3A_64, %shift_left3A_65 : i32
    %broadcast_in_dim3A_67 = vector.broadcast %shift_left3A_66 : i32 to vector<16xi32>
    "tpu.region"() ({
      %run_scoped3A = tpu.sem_alloc : memref<!tpu.dma_semaphore, #tpu.memory_space<semaphore_mem>>
      %dma_start3A_111 = arith.constant 0 : i32
      %dma_start3A_112 = arith.constant 0 : i32
      %dma_start3A_113 = tpu.memref_slice %arg10[%dma_start3A_111, %dma_start3A_112] : memref<161x16xf32, #tpu.memory_space<vmem>> -> memref<160x16xf32, #tpu.memory_space<vmem>>
      %dma_start3A_114 = arith.constant 0 : i32
      %dma_start3A_115 = tpu.memref_slice %arg3[%mul3A_62, %dma_start3A_114] : memref<10240x16xf32, #tpu.memory_space<hbm>> -> memref<160x16xf32, #tpu.memory_space<hbm>>
      %dma_start3A_116 = arith.constant 0 : i32
      %dma_start3A_117 = arith.constant 0 : i32
      %dma_start3A_118 = tpu.memref_slice %arg10[%dma_start3A_116, %dma_start3A_117] : memref<161x16xf32, #tpu.memory_space<vmem>> -> memref<160x16xf32, #tpu.memory_space<vmem>>
      %dma_start3A_119 = arith.constant 0 : i32
      %dma_start3A_120 = tpu.memref_slice %arg3[%mul3A_62, %dma_start3A_119] : memref<10240x16xf32, #tpu.memory_space<hbm>> -> memref<160x16xf32, #tpu.memory_space<hbm>>
      tpu.enqueue_dma source(%dma_start3A_120 : memref<160x16xf32, #tpu.memory_space<hbm>>) target(%dma_start3A_118 : memref<160x16xf32, #tpu.memory_space<vmem>>) target_semaphore(%run_scoped3A : memref<!tpu.dma_semaphore, #tpu.memory_space<semaphore_mem>>)
      %dma_wait3A = arith.constant 0 : i32
      %dma_wait3A_121 = arith.constant 0 : i32
      %dma_wait3A_122 = tpu.memref_slice %arg10[%dma_wait3A, %dma_wait3A_121] : memref<161x16xf32, #tpu.memory_space<vmem>> -> memref<160x16xf32, #tpu.memory_space<vmem>>
      %dma_wait3A_123 = arith.constant 0 : i32
      %dma_wait3A_124 = tpu.memref_slice %arg3[%mul3A_62, %dma_wait3A_123] : memref<10240x16xf32, #tpu.memory_space<hbm>> -> memref<160x16xf32, #tpu.memory_space<hbm>>
      %dma_wait3A_125 = arith.constant 0 : i32
      %dma_wait3A_126 = arith.constant 0 : i32
      %dma_wait3A_127 = tpu.memref_slice %arg10[%dma_wait3A_125, %dma_wait3A_126] : memref<161x16xf32, #tpu.memory_space<vmem>> -> memref<160x16xf32, #tpu.memory_space<vmem>>
      %dma_wait3A_128 = arith.constant 0 : i32
      %dma_wait3A_129 = tpu.memref_slice %arg3[%mul3A_62, %dma_wait3A_128] : memref<10240x16xf32, #tpu.memory_space<hbm>> -> memref<160x16xf32, #tpu.memory_space<hbm>>
      tpu.wait_dma2 semaphore(%run_scoped3A : memref<!tpu.dma_semaphore, #tpu.memory_space<semaphore_mem>>) src(%dma_wait3A_129 : memref<160x16xf32, #tpu.memory_space<hbm>>) dst(%dma_wait3A_127 : memref<160x16xf32, #tpu.memory_space<vmem>>)
      tpu.yield
    }) : () -> ()
    %scan3A_68 = arith.constant 0 : i32
    %scan3A_69 = arith.constant 0 : i32
    %scan3A_70 = arith.constant 161 : i32
    %scan3A_71 = arith.addi %scan3A_69, %scan3A_70 : i32
    %scan3A_72 = arith.constant 1 : i32
    %scan3A_73 = scf.for %scan3A_111 = %scan3A_69 to %scan3A_71 step %scan3A_72 iter_args(%scan3A_112 = %scan3A_68) -> (i32)  : i32 {
      %swap3A = arith.index_cast %scan3A_111 : i32 to index
      %swap3A_113 = arith.constant 0 : index
      %swap3A_114 = tpu.vector_load %arg14[%swap3A, %swap3A_113] {strides = array<i32>} : memref<161x256xf32, #tpu.memory_space<vmem>>, vector<16xf32>,
      tpu.vector_store %arg14[%swap3A, %swap3A_113], %broadcast_in_dim3A_1 {strides = array<i32>} : memref<161x256xf32, #tpu.memory_space<vmem>>, vector<16xf32>,
      %swap3A_115 = arith.index_cast %scan3A_111 : i32 to index
      %swap3A_116 = arith.constant 0 : index
      %swap3A_117 = tpu.vector_load %arg15[%swap3A_115, %swap3A_116] {strides = array<i32>} : memref<161x256xf32, #tpu.memory_space<vmem>>, vector<16xf32>,
      tpu.vector_store %arg15[%swap3A_115, %swap3A_116], %broadcast_in_dim3A_3 {strides = array<i32>} : memref<161x256xf32, #tpu.memory_space<vmem>>, vector<16xf32>,
      %swap3A_118 = arith.index_cast %scan3A_111 : i32 to index
      %swap3A_119 = arith.constant 16 : index
      %swap3A_120 = tpu.vector_load %arg14[%swap3A_118, %swap3A_119] {strides = array<i32>} : memref<161x256xf32, #tpu.memory_space<vmem>>, vector<16xf32>,
      tpu.vector_store %arg14[%swap3A_118, %swap3A_119], %broadcast_in_dim3A_1 {strides = array<i32>} : memref<161x256xf32, #tpu.memory_space<vmem>>, vector<16xf32>,
      %swap3A_121 = arith.index_cast %scan3A_111 : i32 to index
      %swap3A_122 = arith.constant 16 : index
      %swap3A_123 = tpu.vector_load %arg15[%swap3A_121, %swap3A_122] {strides = array<i32>} : memref<161x256xf32, #tpu.memory_space<vmem>>, vector<16xf32>,
      tpu.vector_store %arg15[%swap3A_121, %swap3A_122], %broadcast_in_dim3A_3 {strides = array<i32>} : memref<161x256xf32, #tpu.memory_space<vmem>>, vector<16xf32>,
      %swap3A_124 = arith.index_cast %scan3A_111 : i32 to index
      %swap3A_125 = arith.constant 32 : index
      %swap3A_126 = tpu.vector_load %arg14[%swap3A_124, %swap3A_125] {strides = array<i32>} : memref<161x256xf32, #tpu.memory_space<vmem>>, vector<16xf32>,
      tpu.vector_store %arg14[%swap3A_124, %swap3A_125], %broadcast_in_dim3A_1 {strides = array<i32>} : memref<161x256xf32, #tpu.memory_space<vmem>>, vector<16xf32>,
      %swap3A_127 = arith.index_cast %scan3A_111 : i32 to index
      %swap3A_128 = arith.constant 32 : index
      %swap3A_129 = tpu.vector_load %arg15[%swap3A_127, %swap3A_128] {strides = array<i32>} : memref<161x256xf32, #tpu.memory_space<vmem>>, vector<16xf32>,
      tpu.vector_store %arg15[%swap3A_127, %swap3A_128], %broadcast_in_dim3A_3 {strides = array<i32>} : memref<161x256xf32, #tpu.memory_space<vmem>>, vector<16xf32>,
      %swap3A_130 = arith.index_cast %scan3A_111 : i32 to index
      %swap3A_131 = arith.constant 48 : index
      %swap3A_132 = tpu.vector_load %arg14[%swap3A_130, %swap3A_131] {strides = array<i32>} : memref<161x256xf32, #tpu.memory_space<vmem>>, vector<16xf32>,
      tpu.vector_store %arg14[%swap3A_130, %swap3A_131], %broadcast_in_dim3A_1 {strides = array<i32>} : memref<161x256xf32, #tpu.memory_space<vmem>>, vector<16xf32>,
      %swap3A_133 = arith.index_cast %scan3A_111 : i32 to index
      %swap3A_134 = arith.constant 48 : index
      %swap3A_135 = tpu.vector_load %arg15[%swap3A_133, %swap3A_134] {strides = array<i32>} : memref<161x256xf32, #tpu.memory_space<vmem>>, vector<16xf32>,
      tpu.vector_store %arg15[%swap3A_133, %swap3A_134], %broadcast_in_dim3A_3 {strides = array<i32>} : memref<161x256xf32, #tpu.memory_space<vmem>>, vector<16xf32>,
      %swap3A_136 = arith.index_cast %scan3A_111 : i32 to index
      %swap3A_137 = arith.constant 64 : index
      %swap3A_138 = tpu.vector_load %arg14[%swap3A_136, %swap3A_137] {strides = array<i32>} : memref<161x256xf32, #tpu.memory_space<vmem>>, vector<16xf32>,
      tpu.vector_store %arg14[%swap3A_136, %swap3A_137], %broadcast_in_dim3A_1 {strides = array<i32>} : memref<161x256xf32, #tpu.memory_space<vmem>>, vector<16xf32>,
      %swap3A_139 = arith.index_cast %scan3A_111 : i32 to index
      %swap3A_140 = arith.constant 64 : index
      %swap3A_141 = tpu.vector_load %arg15[%swap3A_139, %swap3A_140] {strides = array<i32>} : memref<161x256xf32, #tpu.memory_space<vmem>>, vector<16xf32>,
      tpu.vector_store %arg15[%swap3A_139, %swap3A_140], %broadcast_in_dim3A_3 {strides = array<i32>} : memref<161x256xf32, #tpu.memory_space<vmem>>, vector<16xf32>,
      %swap3A_142 = arith.index_cast %scan3A_111 : i32 to index
      %swap3A_143 = arith.constant 80 : index
      %swap3A_144 = tpu.vector_load %arg14[%swap3A_142, %swap3A_143] {strides = array<i32>} : memref<161x256xf32, #tpu.memory_space<vmem>>, vector<16xf32>,
      tpu.vector_store %arg14[%swap3A_142, %swap3A_143], %broadcast_in_dim3A_1 {strides = array<i32>} : memref<161x256xf32, #tpu.memory_space<vmem>>, vector<16xf32>,
      %swap3A_145 = arith.index_cast %scan3A_111 : i32 to index
      %swap3A_146 = arith.constant 80 : index
      %swap3A_147 = tpu.vector_load %arg15[%swap3A_145, %swap3A_146] {strides = array<i32>} : memref<161x256xf32, #tpu.memory_space<vmem>>, vector<16xf32>,
      tpu.vector_store %arg15[%swap3A_145, %swap3A_146], %broadcast_in_dim3A_3 {strides = array<i32>} : memref<161x256xf32, #tpu.memory_space<vmem>>, vector<16xf32>,
      %swap3A_148 = arith.index_cast %scan3A_111 : i32 to index
      %swap3A_149 = arith.constant 96 : index
      %swap3A_150 = tpu.vector_load %arg14[%swap3A_148, %swap3A_149] {strides = array<i32>} : memref<161x256xf32, #tpu.memory_space<vmem>>, vector<16xf32>,
      tpu.vector_store %arg14[%swap3A_148, %swap3A_149], %broadcast_in_dim3A_1 {strides = array<i32>} : memref<161x256xf32, #tpu.memory_space<vmem>>, vector<16xf32>,
      %swap3A_151 = arith.index_cast %scan3A_111 : i32 to index
      %swap3A_152 = arith.constant 96 : index
      %swap3A_153 = tpu.vector_load %arg15[%swap3A_151, %swap3A_152] {strides = array<i32>} : memref<161x256xf32, #tpu.memory_space<vmem>>, vector<16xf32>,
      tpu.vector_store %arg15[%swap3A_151, %swap3A_152], %broadcast_in_dim3A_3 {strides = array<i32>} : memref<161x256xf32, #tpu.memory_space<vmem>>, vector<16xf32>,
      %swap3A_154 = arith.index_cast %scan3A_111 : i32 to index
      %swap3A_155 = arith.constant 112 : index
      %swap3A_156 = tpu.vector_load %arg14[%swap3A_154, %swap3A_155] {strides = array<i32>} : memref<161x256xf32, #tpu.memory_space<vmem>>, vector<16xf32>,
      tpu.vector_store %arg14[%swap3A_154, %swap3A_155], %broadcast_in_dim3A_1 {strides = array<i32>} : memref<161x256xf32, #tpu.memory_space<vmem>>, vector<16xf32>,
      %swap3A_157 = arith.index_cast %scan3A_111 : i32 to index
      %swap3A_158 = arith.constant 112 : index
      %swap3A_159 = tpu.vector_load %arg15[%swap3A_157, %swap3A_158] {strides = array<i32>} : memref<161x256xf32, #tpu.memory_space<vmem>>, vector<16xf32>,
      tpu.vector_store %arg15[%swap3A_157, %swap3A_158], %broadcast_in_dim3A_3 {strides = array<i32>} : memref<161x256xf32, #tpu.memory_space<vmem>>, vector<16xf32>,
      %swap3A_160 = arith.index_cast %scan3A_111 : i32 to index
      %swap3A_161 = arith.constant 128 : index
      %swap3A_162 = tpu.vector_load %arg14[%swap3A_160, %swap3A_161] {strides = array<i32>} : memref<161x256xf32, #tpu.memory_space<vmem>>, vector<16xf32>,
      tpu.vector_store %arg14[%swap3A_160, %swap3A_161], %broadcast_in_dim3A_1 {strides = array<i32>} : memref<161x256xf32, #tpu.memory_space<vmem>>, vector<16xf32>,
      %swap3A_163 = arith.index_cast %scan3A_111 : i32 to index
      %swap3A_164 = arith.constant 128 : index
      %swap3A_165 = tpu.vector_load %arg15[%swap3A_163, %swap3A_164] {strides = array<i32>} : memref<161x256xf32, #tpu.memory_space<vmem>>, vector<16xf32>,
      tpu.vector_store %arg15[%swap3A_163, %swap3A_164], %broadcast_in_dim3A_3 {strides = array<i32>} : memref<161x256xf32, #tpu.memory_space<vmem>>, vector<16xf32>,
      %swap3A_166 = arith.index_cast %scan3A_111 : i32 to index
      %swap3A_167 = arith.constant 144 : index
      %swap3A_168 = tpu.vector_load %arg14[%swap3A_166, %swap3A_167] {strides = array<i32>} : memref<161x256xf32, #tpu.memory_space<vmem>>, vector<16xf32>,
      tpu.vector_store %arg14[%swap3A_166, %swap3A_167], %broadcast_in_dim3A_1 {strides = array<i32>} : memref<161x256xf32, #tpu.memory_space<vmem>>, vector<16xf32>,
      %swap3A_169 = arith.index_cast %scan3A_111 : i32 to index
      %swap3A_170 = arith.constant 144 : index
      %swap3A_171 = tpu.vector_load %arg15[%swap3A_169, %swap3A_170] {strides = array<i32>} : memref<161x256xf32, #tpu.memory_space<vmem>>, vector<16xf32>,
      tpu.vector_store %arg15[%swap3A_169, %swap3A_170], %broadcast_in_dim3A_3 {strides = array<i32>} : memref<161x256xf32, #tpu.memory_space<vmem>>, vector<16xf32>,
      %swap3A_172 = arith.index_cast %scan3A_111 : i32 to index
      %swap3A_173 = arith.constant 160 : index
      %swap3A_174 = tpu.vector_load %arg14[%swap3A_172, %swap3A_173] {strides = array<i32>} : memref<161x256xf32, #tpu.memory_space<vmem>>, vector<16xf32>,
      tpu.vector_store %arg14[%swap3A_172, %swap3A_173], %broadcast_in_dim3A_1 {strides = array<i32>} : memref<161x256xf32, #tpu.memory_space<vmem>>, vector<16xf32>,
      %swap3A_175 = arith.index_cast %scan3A_111 : i32 to index
      %swap3A_176 = arith.constant 160 : index
      %swap3A_177 = tpu.vector_load %arg15[%swap3A_175, %swap3A_176] {strides = array<i32>} : memref<161x256xf32, #tpu.memory_space<vmem>>, vector<16xf32>,
      tpu.vector_store %arg15[%swap3A_175, %swap3A_176], %broadcast_in_dim3A_3 {strides = array<i32>} : memref<161x256xf32, #tpu.memory_space<vmem>>, vector<16xf32>,
      %swap3A_178 = arith.index_cast %scan3A_111 : i32 to index
      %swap3A_179 = arith.constant 176 : index
      %swap3A_180 = tpu.vector_load %arg14[%swap3A_178, %swap3A_179] {strides = array<i32>} : memref<161x256xf32, #tpu.memory_space<vmem>>, vector<16xf32>,
      tpu.vector_store %arg14[%swap3A_178, %swap3A_179], %broadcast_in_dim3A_1 {strides = array<i32>} : memref<161x256xf32, #tpu.memory_space<vmem>>, vector<16xf32>,
      %swap3A_181 = arith.index_cast %scan3A_111 : i32 to index
      %swap3A_182 = arith.constant 176 : index
      %swap3A_183 = tpu.vector_load %arg15[%swap3A_181, %swap3A_182] {strides = array<i32>} : memref<161x256xf32, #tpu.memory_space<vmem>>, vector<16xf32>,
      tpu.vector_store %arg15[%swap3A_181, %swap3A_182], %broadcast_in_dim3A_3 {strides = array<i32>} : memref<161x256xf32, #tpu.memory_space<vmem>>, vector<16xf32>,
      %swap3A_184 = arith.index_cast %scan3A_111 : i32 to index
      %swap3A_185 = arith.constant 192 : index
      %swap3A_186 = tpu.vector_load %arg14[%swap3A_184, %swap3A_185] {strides = array<i32>} : memref<161x256xf32, #tpu.memory_space<vmem>>, vector<16xf32>,
      tpu.vector_store %arg14[%swap3A_184, %swap3A_185], %broadcast_in_dim3A_1 {strides = array<i32>} : memref<161x256xf32, #tpu.memory_space<vmem>>, vector<16xf32>,
      %swap3A_187 = arith.index_cast %scan3A_111 : i32 to index
      %swap3A_188 = arith.constant 192 : index
      %swap3A_189 = tpu.vector_load %arg15[%swap3A_187, %swap3A_188] {strides = array<i32>} : memref<161x256xf32, #tpu.memory_space<vmem>>, vector<16xf32>,
      tpu.vector_store %arg15[%swap3A_187, %swap3A_188], %broadcast_in_dim3A_3 {strides = array<i32>} : memref<161x256xf32, #tpu.memory_space<vmem>>, vector<16xf32>,
      %swap3A_190 = arith.index_cast %scan3A_111 : i32 to index
      %swap3A_191 = arith.constant 208 : index
      %swap3A_192 = tpu.vector_load %arg14[%swap3A_190, %swap3A_191] {strides = array<i32>} : memref<161x256xf32, #tpu.memory_space<vmem>>, vector<16xf32>,
      tpu.vector_store %arg14[%swap3A_190, %swap3A_191], %broadcast_in_dim3A_1 {strides = array<i32>} : memref<161x256xf32, #tpu.memory_space<vmem>>, vector<16xf32>,
      %swap3A_193 = arith.index_cast %scan3A_111 : i32 to index
      %swap3A_194 = arith.constant 208 : index
      %swap3A_195 = tpu.vector_load %arg15[%swap3A_193, %swap3A_194] {strides = array<i32>} : memref<161x256xf32, #tpu.memory_space<vmem>>, vector<16xf32>,
      tpu.vector_store %arg15[%swap3A_193, %swap3A_194], %broadcast_in_dim3A_3 {strides = array<i32>} : memref<161x256xf32, #tpu.memory_space<vmem>>, vector<16xf32>,
      %swap3A_196 = arith.index_cast %scan3A_111 : i32 to index
      %swap3A_197 = arith.constant 224 : index
      %swap3A_198 = tpu.vector_load %arg14[%swap3A_196, %swap3A_197] {strides = array<i32>} : memref<161x256xf32, #tpu.memory_space<vmem>>, vector<16xf32>,
      tpu.vector_store %arg14[%swap3A_196, %swap3A_197], %broadcast_in_dim3A_1 {strides = array<i32>} : memref<161x256xf32, #tpu.memory_space<vmem>>, vector<16xf32>,
      %swap3A_199 = arith.index_cast %scan3A_111 : i32 to index
      %swap3A_200 = arith.constant 224 : index
      %swap3A_201 = tpu.vector_load %arg15[%swap3A_199, %swap3A_200] {strides = array<i32>} : memref<161x256xf32, #tpu.memory_space<vmem>>, vector<16xf32>,
      tpu.vector_store %arg15[%swap3A_199, %swap3A_200], %broadcast_in_dim3A_3 {strides = array<i32>} : memref<161x256xf32, #tpu.memory_space<vmem>>, vector<16xf32>,
      %swap3A_202 = arith.index_cast %scan3A_111 : i32 to index
      %swap3A_203 = arith.constant 240 : index
      %swap3A_204 = tpu.vector_load %arg14[%swap3A_202, %swap3A_203] {strides = array<i32>} : memref<161x256xf32, #tpu.memory_space<vmem>>, vector<16xf32>,
      tpu.vector_store %arg14[%swap3A_202, %swap3A_203], %broadcast_in_dim3A_1 {strides = array<i32>} : memref<161x256xf32, #tpu.memory_space<vmem>>, vector<16xf32>,
      %swap3A_205 = arith.index_cast %scan3A_111 : i32 to index
      %swap3A_206 = arith.constant 240 : index
      %swap3A_207 = tpu.vector_load %arg15[%swap3A_205, %swap3A_206] {strides = array<i32>} : memref<161x256xf32, #tpu.memory_space<vmem>>, vector<16xf32>,
      tpu.vector_store %arg15[%swap3A_205, %swap3A_206], %broadcast_in_dim3A_3 {strides = array<i32>} : memref<161x256xf32, #tpu.memory_space<vmem>>, vector<16xf32>,
      %scan3A_208 = arith.constant 0 : i32
      scf.yield %scan3A_208 : i32
    }
    %scan3A_74 = arith.constant 161 : i32
    %scan3A_75 = arith.constant 0 : i32
    %scan3A_76 = arith.constant 0 : i32
    %scan3A_77 = arith.constant 11 : i32
    %scan3A_78 = arith.addi %scan3A_76, %scan3A_77 : i32
    %scan3A_79 = arith.constant 1 : i32
    %scan3A_80 = scf.for %scan3A_111 = %scan3A_76 to %scan3A_78 step %scan3A_79 iter_args(%scan3A_112 = %scan3A_75) -> (i32)  : i32 {
      %mul3A_113 = arith.constant 16 : i32
      %mul3A_114 = arith.muli %scan3A_111, %mul3A_113 : i32
      %swap3A = arith.index_cast %mul3A_114 : i32 to index
      %swap3A_115 = tpu.vector_load %arg16[%swap3A] {strides = array<i32>} : memref<176xf32, #tpu.memory_space<vmem>>, vector<16xf32>,
      tpu.vector_store %arg16[%swap3A], %broadcast_in_dim3A_1 {strides = array<i32>} : memref<176xf32, #tpu.memory_space<vmem>>, vector<16xf32>,
      %scan3A_116 = arith.constant 0 : i32
      scf.yield %scan3A_116 : i32
    }
    %scan3A_81 = arith.constant 11 : i32
    %dma_start3A_82 = arith.constant 0 : i32
    %dma_start3A_83 = arith.constant 0 : i32
    %dma_start3A_84 = tpu.memref_slice %arg8[%dma_start3A_82, %dma_start3A_83] : memref<2x3200xi32, #tpu.memory_space<vmem>> -> memref<1x3200xi32, #tpu.memory_space<vmem>>
    %dma_start3A_85 = tpu.memref_squeeze %dma_start3A_84 : memref<1x3200xi32, #tpu.memory_space<vmem>> -> memref<3200xi32, #tpu.memory_space<vmem>>
    %dma_start3A_86 = arith.constant 0 : i32
    %dma_start3A_87 = tpu.memref_slice %arg4[%dma_start3A_86] : memref<160000xi32, #tpu.memory_space<hbm>> -> memref<3200xi32, #tpu.memory_space<hbm>>
    %dma_start3A_88 = arith.constant 0 : i32
    %dma_start3A_89 = tpu.memref_slice %arg8[%dma_start3A_82, %dma_start3A_88] : memref<2x3200xi32, #tpu.memory_space<vmem>> -> memref<1x3200xi32, #tpu.memory_space<vmem>>
    %dma_start3A_90 = tpu.memref_squeeze %dma_start3A_89 : memref<1x3200xi32, #tpu.memory_space<vmem>> -> memref<3200xi32, #tpu.memory_space<vmem>>
    %dma_start3A_91 = arith.constant 0 : i32
    %dma_start3A_92 = tpu.memref_slice %arg4[%dma_start3A_91] : memref<160000xi32, #tpu.memory_space<hbm>> -> memref<3200xi32, #tpu.memory_space<hbm>>
    tpu.enqueue_dma source(%dma_start3A_92 : memref<3200xi32, #tpu.memory_space<hbm>>) target(%dma_start3A_90 : memref<3200xi32, #tpu.memory_space<vmem>>) target_semaphore(%arg17 : memref<!tpu.dma_semaphore, #tpu.memory_space<semaphore_mem>>)
    %scan3A_93 = arith.constant 16383 : i32
    %scan3A_94 = arith.constant 0 : i32
    %scan3A_95 = arith.constant 0 : i32
    %scan3A_96 = arith.constant 50 : i32
    %scan3A_97 = arith.addi %scan3A_95, %scan3A_96 : i32
    %scan3A_98 = arith.constant 1 : i32
    %scan3A_99 = scf.for %scan3A_111 = %scan3A_95 to %scan3A_97 step %scan3A_98 iter_args(%scan3A_112 = %scan3A_94) -> (i32)  : i32 {
      %jit3A_113 = arith.constant 2 : i32
      %eq3A_114 = arith.constant 0 : i32
      %eq3A_115 = arith.cmpi eq, %jit3A_113, %eq3A_114 : i32
      %jit3A_116 = arith.constant 1 : i32
      %select_n3A_117 = arith.select %eq3A_115, %jit3A_116, %jit3A_113 : i32
      %rem3A = arith.remsi %scan3A_111, %select_n3A_117 : i32
      %ne3A = arith.constant 0 : i32
      %ne3A_118 = arith.cmpi ne, %rem3A, %ne3A : i32
      %lt3A_119 = arith.constant 0 : i32
      %lt3A_120 = arith.cmpi slt, %rem3A, %lt3A_119 : i32
      %lt3A_121 = arith.constant 0 : i32
      %lt3A_122 = arith.cmpi slt, %select_n3A_117, %lt3A_121 : i32
      %ne3A_123 = arith.xori %lt3A_120, %lt3A_122 : i1
      %and3A = arith.andi %ne3A_123, %ne3A_118 : i1
      %add3A_124 = arith.addi %rem3A, %select_n3A_117 : i32
      %select_n3A_125 = arith.select %and3A, %add3A_124, %rem3A : i32
      %mul3A_126 = arith.constant 3200 : i32
      %mul3A_127 = arith.muli %scan3A_111, %mul3A_126 : i32
      %dma_wait3A = arith.constant 0 : i32
      %dma_wait3A_128 = tpu.memref_slice %arg8[%select_n3A_125, %dma_wait3A] : memref<2x3200xi32, #tpu.memory_space<vmem>> -> memref<1x3200xi32, #tpu.memory_space<vmem>>
      %dma_wait3A_129 = tpu.memref_squeeze %dma_wait3A_128 : memref<1x3200xi32, #tpu.memory_space<vmem>> -> memref<3200xi32, #tpu.memory_space<vmem>>
      %dma_wait3A_130 = tpu.memref_slice %arg4[%mul3A_127] : memref<160000xi32, #tpu.memory_space<hbm>> -> memref<3200xi32, #tpu.memory_space<hbm>>
      %dma_wait3A_131 = arith.constant 0 : i32
      %dma_wait3A_132 = tpu.memref_slice %arg8[%select_n3A_125, %dma_wait3A_131] : memref<2x3200xi32, #tpu.memory_space<vmem>> -> memref<1x3200xi32, #tpu.memory_space<vmem>>
      %dma_wait3A_133 = tpu.memref_squeeze %dma_wait3A_132 : memref<1x3200xi32, #tpu.memory_space<vmem>> -> memref<3200xi32, #tpu.memory_space<vmem>>
      %dma_wait3A_134 = tpu.memref_slice %arg4[%mul3A_127] : memref<160000xi32, #tpu.memory_space<hbm>> -> memref<3200xi32, #tpu.memory_space<hbm>>
      tpu.wait_dma2 semaphore(%arg17 : memref<!tpu.dma_semaphore, #tpu.memory_space<semaphore_mem>>) src(%dma_wait3A_134 : memref<3200xi32, #tpu.memory_space<hbm>>) dst(%dma_wait3A_133 : memref<3200xi32, #tpu.memory_space<vmem>>)
      %add3A_135 = arith.constant 1 : i32
      %add3A_136 = arith.addi %scan3A_111, %add3A_135 : i32
      %lt3A_137 = arith.constant 50 : i32
      %lt3A_138 = arith.cmpi slt, %add3A_136, %lt3A_137 : i32
      %convert_element_type3A_139 = arith.extui %lt3A_138 : i1 to i32
      %cond3A_140 = arith.constant 0 : i32
      %cond3A_141 = arith.cmpi ne, %convert_element_type3A_139, %cond3A_140 : i32
      scf.if %cond3A_141 {
        %add3A_182 = arith.constant 1 : i32
        %add3A_183 = arith.addi %scan3A_111, %add3A_182 : i32
        %mul3A_184 = arith.constant 3200 : i32
        %mul3A_185 = arith.muli %add3A_183, %mul3A_184 : i32
        %sub3A_186 = arith.constant 1 : i32
        %sub3A_187 = arith.subi %sub3A_186, %select_n3A_125 : i32
        %dma_start3A_188 = arith.constant 0 : i32
        %dma_start3A_189 = tpu.memref_slice %arg8[%sub3A_187, %dma_start3A_188] : memref<2x3200xi32, #tpu.memory_space<vmem>> -> memref<1x3200xi32, #tpu.memory_space<vmem>>
        %dma_start3A_190 = tpu.memref_squeeze %dma_start3A_189 : memref<1x3200xi32, #tpu.memory_space<vmem>> -> memref<3200xi32, #tpu.memory_space<vmem>>
        %dma_start3A_191 = tpu.memref_slice %arg4[%mul3A_185] : memref<160000xi32, #tpu.memory_space<hbm>> -> memref<3200xi32, #tpu.memory_space<hbm>>
        %dma_start3A_192 = arith.constant 0 : i32
        %dma_start3A_193 = tpu.memref_slice %arg8[%sub3A_187, %dma_start3A_192] : memref<2x3200xi32, #tpu.memory_space<vmem>> -> memref<1x3200xi32, #tpu.memory_space<vmem>>
        %dma_start3A_194 = tpu.memref_squeeze %dma_start3A_193 : memref<1x3200xi32, #tpu.memory_space<vmem>> -> memref<3200xi32, #tpu.memory_space<vmem>>
        %dma_start3A_195 = tpu.memref_slice %arg4[%mul3A_185] : memref<160000xi32, #tpu.memory_space<hbm>> -> memref<3200xi32, #tpu.memory_space<hbm>>
        tpu.enqueue_dma source(%dma_start3A_195 : memref<3200xi32, #tpu.memory_space<hbm>>) target(%dma_start3A_194 : memref<3200xi32, #tpu.memory_space<vmem>>) target_semaphore(%arg17 : memref<!tpu.dma_semaphore, #tpu.memory_space<semaphore_mem>>)
      } else {
      }
      %scan3A_142 = arith.constant 0 : i32
      %scan3A_143 = arith.constant 0 : i32
      %scan3A_144 = arith.constant 200 : i32
      %scan3A_145 = arith.addi %scan3A_143, %scan3A_144 : i32
      %scan3A_146 = arith.constant 1 : i32
      %scan3A_147 = scf.for %scan3A_182 = %scan3A_143 to %scan3A_145 step %scan3A_146 iter_args(%scan3A_183 = %scan3A_142) -> (i32)  : i32 {
        %mul3A_184 = arith.constant 16 : i32
        %mul3A_185 = arith.muli %scan3A_182, %mul3A_184 : i32
        %get3A = arith.index_cast %select_n3A_125 : i32 to index
        %get3A_186 = arith.index_cast %mul3A_185 : i32 to index
        %get3A_187 = tpu.vector_load %arg8[%get3A, %get3A_186] {strides = array<i32>} : memref<2x3200xi32, #tpu.memory_space<vmem>>, vector<16xi32>,
        %shift_right_arithmetic3A = arith.constant 14 : i32
        %shift_right_arithmetic3A_188 = vector.broadcast %shift_right_arithmetic3A : i32 to vector<16xi32>
        %shift_right_arithmetic3A_189 = arith.shrsi %get3A_187, %shift_right_arithmetic3A_188 : vector<16xi32>
        %ge3A = vector.broadcast %mul3A_62 : i32 to vector<16xi32>
        %ge3A_190 = arith.cmpi sge, %shift_right_arithmetic3A_189, %ge3A : vector<16xi32>
        %add3A_191 = arith.constant 160 : i32
        %add3A_192 = arith.addi %mul3A_62, %add3A_191 : i32
        %lt3A_193 = vector.broadcast %add3A_192 : i32 to vector<16xi32>
        %lt3A_194 = arith.cmpi slt, %shift_right_arithmetic3A_189, %lt3A_193 : vector<16xi32>
        %and3A_195 = arith.andi %ge3A_190, %lt3A_194 : vector<16xi1>
        %convert_element_type3A_196 = arith.extui %and3A_195 : vector<16xi1> to vector<16xi32>
        %masked_sort3A = arith.constant dense<true> : vector<16xi1>
        %masked_sort3A_197 = arith.constant -2147483648 : i32
        %masked_sort3A_198 = vector.broadcast %masked_sort3A_197 : i32 to vector<16xi32>
        %masked_sort3A_199 = arith.xori %convert_element_type3A_196, %masked_sort3A_198 : vector<16xi32>
        %masked_sort3A_200, %masked_sort3A_201, %masked_sort3A_202 = tpu.sort %masked_sort3A_199, %get3A_187 masked %masked_sort3A {descending = true} : (vector<16xi32>, vector<16xi32>, vector<16xi1>) -> (vector<16xi1>, vector<16xi32>, vector<16xi32>)
        %masked_sort3A_203 = arith.xori %masked_sort3A_201, %masked_sort3A_198 : vector<16xi32>
        %swap3A_204 = arith.index_cast %scan3A_183 : i32 to index
        %swap3A_205 = tpu.vector_load %arg9[%swap3A_204] {strides = array<i32>} : memref<3264xi32, #tpu.memory_space<vmem>>, vector<16xi32>,
        tpu.vector_store %arg9[%swap3A_204], %masked_sort3A_202 {strides = array<i32>} : memref<3264xi32, #tpu.memory_space<vmem>>, vector<16xi32>,
        %all_reduce_population_count3A = tpu.all_reduce %and3A_195 {dim = 0 : i64, kind = #tpu.reduction_kind<sum>} : vector<16xi1> -> vector<16xi32>
        %slice3A = vector.extract_strided_slice %all_reduce_population_count3A {offsets = [0], sizes = [1], strides = [1]} : vector<16xi32> to vector<1xi32>
        %squeeze3A = vector.extract %slice3A[0] : i32 from vector<1xi32>
        %add3A_206 = arith.addi %scan3A_183, %squeeze3A : i32
        scf.yield %add3A_206 : i32
      }
      %scan3A_148 = arith.constant 200 : i32
      %swap3A = arith.index_cast %scan3A_147 : i32 to index
      %swap3A_149 = tpu.vector_load %arg9[%swap3A] {strides = array<i32>} : memref<3264xi32, #tpu.memory_space<vmem>>, vector<16xi32>,
      tpu.vector_store %arg9[%swap3A], %broadcast_in_dim3A_67 {strides = array<i32>} : memref<3264xi32, #tpu.memory_space<vmem>>, vector<16xi32>,
      %add3A_150 = arith.constant 16 : i32
      %add3A_151 = arith.addi %scan3A_147, %add3A_150 : i32
      %swap3A_152 = arith.index_cast %add3A_151 : i32 to index
      %swap3A_153 = tpu.vector_load %arg9[%swap3A_152] {strides = array<i32>} : memref<3264xi32, #tpu.memory_space<vmem>>, vector<16xi32>,
      tpu.vector_store %arg9[%swap3A_152], %broadcast_in_dim3A_67 {strides = array<i32>} : memref<3264xi32, #tpu.memory_space<vmem>>, vector<16xi32>,
      %add3A_154 = arith.constant 15 : i32
      %add3A_155 = arith.addi %scan3A_147, %add3A_154 : i32
      %jit3A_156 = arith.constant 16 : i32
      %div3A = arith.divsi %add3A_155, %jit3A_156 : i32
      %sign3A = arith.constant 0 : i32
      %sign3A_157 = arith.cmpi sgt, %add3A_155, %sign3A : i32
      %sign3A_158 = arith.extui %sign3A_157 : i1 to i32
      %sign3A_159 = arith.constant 0 : i32
      %sign3A_160 = arith.cmpi slt, %add3A_155, %sign3A_159 : i32
      %sign3A_161 = arith.extui %sign3A_160 : i1 to i32
      %sign3A_162 = arith.subi %sign3A_158, %sign3A_161 : i32
      %sign3A_163 = arith.constant 0 : i32
      %sign3A_164 = arith.cmpi sgt, %jit3A_156, %sign3A_163 : i32
      %sign3A_165 = arith.extui %sign3A_164 : i1 to i32
      %sign3A_166 = arith.constant 0 : i32
      %sign3A_167 = arith.cmpi slt, %jit3A_156, %sign3A_166 : i32
      %sign3A_168 = arith.extui %sign3A_167 : i1 to i32
      %sign3A_169 = arith.subi %sign3A_165, %sign3A_168 : i32
      %ne3A_170 = arith.cmpi ne, %sign3A_162, %sign3A_169 : i32
      %rem3A_171 = arith.remsi %add3A_155, %jit3A_156 : i32
      %ne3A_172 = arith.constant 0 : i32
      %ne3A_173 = arith.cmpi ne, %rem3A_171, %ne3A_172 : i32
      %and3A_174 = arith.andi %ne3A_170, %ne3A_173 : i1
      %sub3A = arith.constant 1 : i32
      %sub3A_175 = arith.subi %div3A, %sub3A : i32
      %select_n3A_176 = arith.select %and3A_174, %sub3A_175, %div3A : i32
      %gt3A = arith.constant 0 : i32
      %gt3A_177 = arith.cmpi sgt, %select_n3A_176, %gt3A : i32
      %convert_element_type3A_178 = arith.extui %gt3A_177 : i1 to i32
      %cond3A_179 = arith.constant 0 : i32
      %cond3A_180 = arith.cmpi ne, %convert_element_type3A_178, %cond3A_179 : i32
      scf.if %cond3A_180 {
        %get3A = arith.constant 0 : index
        %get3A_182 = tpu.vector_load %arg9[%get3A] {strides = array<i32>} : memref<3264xi32, #tpu.memory_space<vmem>>, vector<16xi32>,
        %and3A_183 = vector.broadcast %scan3A_93 : i32 to vector<16xi32>
        %and3A_184 = arith.andi %get3A_182, %and3A_183 : vector<16xi32>
        %dma_start3A_185 = arith.constant 0 : i32
        %dma_start3A_186 = arith.constant 0 : i32
        %dma_start3A_187 = arith.constant 0 : i32
        %dma_start3A_188 = tpu.memref_slice %arg11[%dma_start3A_185, %dma_start3A_186, %dma_start3A_187] : memref<2x16x384xf32, #tpu.memory_space<vmem>> -> memref<1x16x384xf32, #tpu.memory_space<vmem>>
        %dma_start3A_189 = tpu.memref_squeeze %dma_start3A_188 : memref<1x16x384xf32, #tpu.memory_space<vmem>> -> memref<16x384xf32, #tpu.memory_space<vmem>>
        %dma_start3A_190 = arith.constant 0 : i32
        %dma_start3A_191 = arith.constant 0 : i32
        %dma_start3A_192 = tpu.memref_slice %arg2[%dma_start3A_190, %dma_start3A_191] : memref<10000x384xf32, #tpu.memory_space<hbm>> -> memref<10000x384xf32, #tpu.memory_space<hbm>>
        tpu.enqueue_indirect_dma source(%dma_start3A_192 : memref<10000x384xf32, #tpu.memory_space<hbm>>) target(%dma_start3A_189 : memref<16x384xf32, #tpu.memory_space<vmem>>) offsets(%and3A_184 : vector<16xi32>) semaphore(%arg18 : memref<!tpu.dma_semaphore, #tpu.memory_space<semaphore_mem>>)
        %gt3A_193 = arith.constant 1 : i32
        %gt3A_194 = arith.cmpi sgt, %select_n3A_176, %gt3A_193 : i32
        %convert_element_type3A_195 = arith.extui %gt3A_194 : i1 to i32
        %cond3A_196 = arith.constant 0 : i32
        %cond3A_197 = arith.cmpi ne, %convert_element_type3A_195, %cond3A_196 : i32
        scf.if %cond3A_197 {
          %get3A_209 = arith.constant 16 : index
          %get3A_210 = tpu.vector_load %arg9[%get3A_209] {strides = array<i32>} : memref<3264xi32, #tpu.memory_space<vmem>>, vector<16xi32>,
          %and3A_211 = vector.broadcast %scan3A_93 : i32 to vector<16xi32>
          %and3A_212 = arith.andi %get3A_210, %and3A_211 : vector<16xi32>
          %dma_start3A_213 = arith.constant 1 : i32
          %dma_start3A_214 = arith.constant 0 : i32
          %dma_start3A_215 = arith.constant 0 : i32
          %dma_start3A_216 = tpu.memref_slice %arg11[%dma_start3A_213, %dma_start3A_214, %dma_start3A_215] : memref<2x16x384xf32, #tpu.memory_space<vmem>> -> memref<1x16x384xf32, #tpu.memory_space<vmem>>
          %dma_start3A_217 = tpu.memref_squeeze %dma_start3A_216 : memref<1x16x384xf32, #tpu.memory_space<vmem>> -> memref<16x384xf32, #tpu.memory_space<vmem>>
          %dma_start3A_218 = arith.constant 0 : i32
          %dma_start3A_219 = arith.constant 0 : i32
          %dma_start3A_220 = tpu.memref_slice %arg2[%dma_start3A_218, %dma_start3A_219] : memref<10000x384xf32, #tpu.memory_space<hbm>> -> memref<10000x384xf32, #tpu.memory_space<hbm>>
          tpu.enqueue_indirect_dma source(%dma_start3A_220 : memref<10000x384xf32, #tpu.memory_space<hbm>>) target(%dma_start3A_217 : memref<16x384xf32, #tpu.memory_space<vmem>>) offsets(%and3A_212 : vector<16xi32>) semaphore(%arg19 : memref<!tpu.dma_semaphore, #tpu.memory_space<semaphore_mem>>)
        } else {
        }
        %while3A = arith.constant 0 : i32
        %while3A_198 = arith.constant 0 : i32
        %while3A_199 = arith.subi %select_n3A_176, %while3A : i32
        %while3A_200 = arith.addi %while3A, %while3A_199 : i32
        %while3A_201 = arith.constant 1 : i32
        %while3A_202 = arith.divsi %while3A_199, %while3A_201 : i32
        %while3A_203 = arith.muli %while3A_202, %while3A_201 : i32
        %while3A_204 = arith.addi %while3A, %while3A_203 : i32
        %while3A_205 = arith.constant 1 : i32
        %while3A_206 = scf.for %while3A_209 = %while3A to %while3A_204 step %while3A_205 iter_args(%while3A_210 = %while3A_198) -> (i32)  : i32 {
          %jit3A_211 = arith.constant 2 : i32
          %eq3A_212 = arith.constant 0 : i32
          %eq3A_213 = arith.cmpi eq, %jit3A_211, %eq3A_212 : i32
          %jit3A_214 = arith.constant 1 : i32
          %select_n3A_215 = arith.select %eq3A_213, %jit3A_214, %jit3A_211 : i32
          %rem3A_216 = arith.remsi %while3A_209, %select_n3A_215 : i32
          %ne3A_217 = arith.constant 0 : i32
          %ne3A_218 = arith.cmpi ne, %rem3A_216, %ne3A_217 : i32
          %lt3A_219 = arith.constant 0 : i32
          %lt3A_220 = arith.cmpi slt, %rem3A_216, %lt3A_219 : i32
          %lt3A_221 = arith.constant 0 : i32
          %lt3A_222 = arith.cmpi slt, %select_n3A_215, %lt3A_221 : i32
          %ne3A_223 = arith.xori %lt3A_220, %lt3A_222 : i1
          %and3A_224 = arith.andi %ne3A_223, %ne3A_218 : i1
          %add3A_225 = arith.addi %rem3A_216, %select_n3A_215 : i32
          %select_n3A_226 = arith.select %and3A_224, %add3A_225, %rem3A_216 : i32
          %eq3A_227 = arith.constant 0 : i32
          %eq3A_228 = arith.cmpi eq, %select_n3A_226, %eq3A_227 : i32
          %convert_element_type3A_229 = arith.extui %eq3A_228 : i1 to i32
          %cond3A_230 = arith.constant 0 : i32
          %cond3A_231 = arith.cmpi ne, %convert_element_type3A_229, %cond3A_230 : i32
          scf.if %cond3A_231 {
            %dma_wait3A_283 = arith.constant 0 : i32
            %dma_wait3A_284 = arith.constant 0 : i32
            %dma_wait3A_285 = arith.constant 0 : i32
            %dma_wait3A_286 = tpu.memref_slice %arg11[%dma_wait3A_283, %dma_wait3A_284, %dma_wait3A_285] : memref<2x16x384xf32, #tpu.memory_space<vmem>> -> memref<1x16x384xf32, #tpu.memory_space<vmem>>
            %dma_wait3A_287 = tpu.memref_squeeze %dma_wait3A_286 : memref<1x16x384xf32, #tpu.memory_space<vmem>> -> memref<16x384xf32, #tpu.memory_space<vmem>>
            %dma_wait3A_288 = arith.constant 0 : i32
            %dma_wait3A_289 = arith.constant 0 : i32
            %dma_wait3A_290 = tpu.memref_slice %arg2[%dma_wait3A_288, %dma_wait3A_289] : memref<10000x384xf32, #tpu.memory_space<hbm>> -> memref<16x384xf32, #tpu.memory_space<hbm>>
            %dma_wait3A_291 = arith.constant 0 : i32
            %dma_wait3A_292 = arith.constant 0 : i32
            %dma_wait3A_293 = tpu.memref_slice %arg11[%dma_wait3A_283, %dma_wait3A_291, %dma_wait3A_292] : memref<2x16x384xf32, #tpu.memory_space<vmem>> -> memref<1x16x384xf32, #tpu.memory_space<vmem>>
            %dma_wait3A_294 = tpu.memref_squeeze %dma_wait3A_293 : memref<1x16x384xf32, #tpu.memory_space<vmem>> -> memref<16x384xf32, #tpu.memory_space<vmem>>
            %dma_wait3A_295 = arith.constant 0 : i32
            %dma_wait3A_296 = arith.constant 0 : i32
            %dma_wait3A_297 = tpu.memref_slice %arg2[%dma_wait3A_295, %dma_wait3A_296] : memref<10000x384xf32, #tpu.memory_space<hbm>> -> memref<16x384xf32, #tpu.memory_space<hbm>>
            tpu.wait_dma2 semaphore(%arg18 : memref<!tpu.dma_semaphore, #tpu.memory_space<semaphore_mem>>) src(%dma_wait3A_297 : memref<16x384xf32, #tpu.memory_space<hbm>>) dst(%dma_wait3A_294 : memref<16x384xf32, #tpu.memory_space<vmem>>)
          } else {
          }
          %eq3A_232 = arith.constant 1 : i32
          %eq3A_233 = arith.cmpi eq, %select_n3A_226, %eq3A_232 : i32
          %convert_element_type3A_234 = arith.extui %eq3A_233 : i1 to i32
          %cond3A_235 = arith.constant 0 : i32
          %cond3A_236 = arith.cmpi ne, %convert_element_type3A_234, %cond3A_235 : i32
          scf.if %cond3A_236 {
            %dma_wait3A_283 = arith.constant 1 : i32
            %dma_wait3A_284 = arith.constant 0 : i32
            %dma_wait3A_285 = arith.constant 0 : i32
            %dma_wait3A_286 = tpu.memref_slice %arg11[%dma_wait3A_283, %dma_wait3A_284, %dma_wait3A_285] : memref<2x16x384xf32, #tpu.memory_space<vmem>> -> memref<1x16x384xf32, #tpu.memory_space<vmem>>
            %dma_wait3A_287 = tpu.memref_squeeze %dma_wait3A_286 : memref<1x16x384xf32, #tpu.memory_space<vmem>> -> memref<16x384xf32, #tpu.memory_space<vmem>>
            %dma_wait3A_288 = arith.constant 0 : i32
            %dma_wait3A_289 = arith.constant 0 : i32
            %dma_wait3A_290 = tpu.memref_slice %arg2[%dma_wait3A_288, %dma_wait3A_289] : memref<10000x384xf32, #tpu.memory_space<hbm>> -> memref<16x384xf32, #tpu.memory_space<hbm>>
            %dma_wait3A_291 = arith.constant 0 : i32
            %dma_wait3A_292 = arith.constant 0 : i32
            %dma_wait3A_293 = tpu.memref_slice %arg11[%dma_wait3A_283, %dma_wait3A_291, %dma_wait3A_292] : memref<2x16x384xf32, #tpu.memory_space<vmem>> -> memref<1x16x384xf32, #tpu.memory_space<vmem>>
            %dma_wait3A_294 = tpu.memref_squeeze %dma_wait3A_293 : memref<1x16x384xf32, #tpu.memory_space<vmem>> -> memref<16x384xf32, #tpu.memory_space<vmem>>
            %dma_wait3A_295 = arith.constant 0 : i32
            %dma_wait3A_296 = arith.constant 0 : i32
            %dma_wait3A_297 = tpu.memref_slice %arg2[%dma_wait3A_295, %dma_wait3A_296] : memref<10000x384xf32, #tpu.memory_space<hbm>> -> memref<16x384xf32, #tpu.memory_space<hbm>>
            tpu.wait_dma2 semaphore(%arg19 : memref<!tpu.dma_semaphore, #tpu.memory_space<semaphore_mem>>) src(%dma_wait3A_297 : memref<16x384xf32, #tpu.memory_space<hbm>>) dst(%dma_wait3A_294 : memref<16x384xf32, #tpu.memory_space<vmem>>)
          } else {
          }
          %mul3A_237 = arith.constant 16 : i32
          %mul3A_238 = arith.muli %while3A_209, %mul3A_237 : i32
          %get3A_239 = arith.index_cast %mul3A_238 : i32 to index
          %get3A_240 = tpu.vector_load %arg9[%get3A_239] {strides = array<i32>} : memref<3264xi32, #tpu.memory_space<vmem>>, vector<16xi32>,
          %shift_right_arithmetic3A = arith.constant 14 : i32
          %shift_right_arithmetic3A_241 = vector.broadcast %shift_right_arithmetic3A : i32 to vector<16xi32>
          %shift_right_arithmetic3A_242 = arith.shrsi %get3A_240, %shift_right_arithmetic3A_241 : vector<16xi32>
          %sub3A_243 = vector.broadcast %mul3A_62 : i32 to vector<16xi32>
          %sub3A_244 = arith.subi %shift_right_arithmetic3A_242, %sub3A_243 : vector<16xi32>
          %swap3A_245 = arith.constant 0 : index
          %swap3A_246 = tpu.vector_load %arg13[%swap3A_245] {strides = array<i32>} : memref<48xi32, #tpu.memory_space<vmem>>, vector<16xi32>,
          tpu.vector_store %arg13[%swap3A_245], %sub3A_244 {strides = array<i32>} : memref<48xi32, #tpu.memory_space<vmem>>, vector<16xi32>,
          %scan3A_247 = arith.constant 0 : i32
          %scan3A_248 = arith.constant 16 : i32
          %scan3A_249 = arith.addi %scan3A_247, %scan3A_248 : i32
          %scan3A_250 = arith.constant 1 : i32
          %scan3A_251 = scf.for %scan3A_283 = %scan3A_247 to %scan3A_249 step %scan3A_250 iter_args(%scan3A_284 = %broadcast_in_dim3A_1) -> (vector<16xf32>)  : i32 {
            %get3A_285 = arith.index_cast %scan3A_283 : i32 to index
            %get3A_286 = tpu.vector_load %arg13[%get3A_285] {strides = array<i32>} : memref<48xi32, #tpu.memory_space<vmem>>, vector<16xi32>,
            %slice3A = vector.extract_strided_slice %get3A_286 {offsets = [0], sizes = [1], strides = [1]} : vector<16xi32> to vector<1xi32>
            %squeeze3A = vector.extract %slice3A[0] : i32 from vector<1xi32>
            %get3A_287 = arith.index_cast %select_n3A_226 : i32 to index
            %get3A_288 = arith.index_cast %scan3A_283 : i32 to index
            %get3A_289 = arith.constant 256 : index
            %get3A_290 = tpu.vector_load %arg11[%get3A_287, %get3A_288, %get3A_289] {strides = array<i32>} : memref<2x16x384xf32, #tpu.memory_space<vmem>>, vector<16xf32>,
            %get3A_291 = arith.index_cast %squeeze3A : i32 to index
            %get3A_292 = arith.constant 0 : index
            %get3A_293 = tpu.vector_load %arg10[%get3A_291, %get3A_292] {strides = array<i32>} : memref<161x16xf32, #tpu.memory_space<vmem>>, vector<16xf32>,
            %sub3A_294 = arith.subf %get3A_290, %get3A_293 : vector<16xf32>
            %mul3A_295 = arith.mulf %sub3A_294, %sub3A_294 : vector<16xf32>
            %reduce_sum3A = arith.constant true
            %reduce_sum3A_296 = vector.broadcast %reduce_sum3A : i1 to vector<16xi1>
            %reduce_sum3A_297 = tpu.scan <sum>, %mul3A_295 masked %reduce_sum3A_296 : vector<16xf32>, vector<16xi1> -> vector<16xf32>
            %reduce_sum3A_298 = vector.extract %reduce_sum3A_297[15] : f32 from vector<16xf32>
            %eq3A_299 = vector.broadcast %scan3A_283 : i32 to vector<16xi32>
            %eq3A_300 = arith.cmpi eq, %iota3A, %eq3A_299 : vector<16xi32>
            %broadcast_in_dim3A_301 = vector.broadcast %reduce_sum3A_298 : f32 to vector<16xf32>
            %select_n3A_302 = arith.select %eq3A_300, %broadcast_in_dim3A_301, %scan3A_284 : vector<16xi1>, vector<16xf32>
            scf.yield %select_n3A_302 : vector<16xf32>
          }
          %scan3A_252 = arith.constant 16 : i32
          %neg3A = arith.constant 0.000000e+00 : f32
          %neg3A_253 = vector.broadcast %neg3A : f32 to vector<16xf32>
          %neg3A_254 = arith.subf %neg3A_253, %scan3A_251 : vector<16xf32>
          %exp3A = math.exp %neg3A_254 : vector<16xf32>
          %swap3A_255 = arith.constant 0 : index
          %swap3A_256 = tpu.vector_load %arg12[%swap3A_255] {strides = array<i32>} : memref<48xf32, #tpu.memory_space<vmem>>, vector<16xf32>,
          tpu.vector_store %arg12[%swap3A_255], %exp3A {strides = array<i32>} : memref<48xf32, #tpu.memory_space<vmem>>, vector<16xf32>,
          %scan3A_257 = arith.constant 0 : i32
          %scan3A_258 = arith.constant 0 : i32
          %scan3A_259 = arith.constant 16 : i32
          %scan3A_260 = arith.addi %scan3A_258, %scan3A_259 : i32
          %scan3A_261 = arith.constant 1 : i32
          %scan3A_262 = scf.for %scan3A_283 = %scan3A_258 to %scan3A_260 step %scan3A_261 iter_args(%scan3A_284 = %scan3A_257) -> (i32)  : i32 {
            %get3A_285 = arith.index_cast %scan3A_283 : i32 to index
            %get3A_286 = tpu.vector_load %arg12[%get3A_285] {strides = array<i32>} : memref<48xf32, #tpu.memory_space<vmem>>, vector<16xf32>,
            %slice3A = vector.extract_strided_slice %get3A_286 {offsets = [0], sizes = [1], strides = [1]} : vector<16xf32> to vector<1xf32>
            %squeeze3A = vector.extract %slice3A[0] : f32 from vector<1xf32>
            %get3A_287 = arith.index_cast %scan3A_283 : i32 to index
            %get3A_288 = tpu.vector_load %arg13[%get3A_287] {strides = array<i32>} : memref<48xi32, #tpu.memory_space<vmem>>, vector<16xi32>,
            %slice3A_289 = vector.extract_strided_slice %get3A_288 {offsets = [0], sizes = [1], strides = [1]} : vector<16xi32> to vector<1xi32>
            %squeeze3A_290 = vector.extract %slice3A_289[0] : i32 from vector<1xi32>
            %swap3A_291 = arith.index_cast %squeeze3A_290 : i32 to index
            %swap3A_292 = tpu.vector_load %arg16[%swap3A_291] {strides = array<i32>} : memref<176xf32, #tpu.memory_space<vmem>>, vector<16xf32>,
            tpu.vector_store %arg16[%swap3A_291], %select_n3A {add = true, strides = array<i32>} : memref<176xf32, #tpu.memory_space<vmem>>, vector<16xf32>,
            %get3A_293 = arith.index_cast %select_n3A_226 : i32 to index
            %get3A_294 = arith.index_cast %scan3A_283 : i32 to index
            %get3A_295 = arith.constant 0 : index
            %get3A_296 = tpu.vector_load %arg11[%get3A_293, %get3A_294, %get3A_295] {strides = array<i32>} : memref<2x16x384xf32, #tpu.memory_space<vmem>>, vector<16xf32>,
            %mul3A_297 = vector.broadcast %squeeze3A : f32 to vector<16xf32>
            %mul3A_298 = arith.mulf %get3A_296, %mul3A_297 : vector<16xf32>
            %swap3A_299 = arith.index_cast %squeeze3A_290 : i32 to index
            %swap3A_300 = arith.constant 0 : index
            %swap3A_301 = tpu.vector_load %arg14[%swap3A_299, %swap3A_300] {strides = array<i32>} : memref<161x256xf32, #tpu.memory_space<vmem>>, vector<16xf32>,
            tpu.vector_store %arg14[%swap3A_299, %swap3A_300], %mul3A_298 {add = true, strides = array<i32>} : memref<161x256xf32, #tpu.memory_space<vmem>>, vector<16xf32>,
            %get3A_302 = arith.index_cast %squeeze3A_290 : i32 to index
            %get3A_303 = arith.constant 0 : index
            %get3A_304 = tpu.vector_load %arg15[%get3A_302, %get3A_303] {strides = array<i32>} : memref<161x256xf32, #tpu.memory_space<vmem>>, vector<16xf32>,
            %max3A = arith.maximumf %get3A_304, %mul3A_298 : vector<16xf32>
            %swap3A_305 = arith.index_cast %squeeze3A_290 : i32 to index
            %swap3A_306 = arith.constant 0 : index
            %swap3A_307 = tpu.vector_load %arg15[%swap3A_305, %swap3A_306] {strides = array<i32>} : memref<161x256xf32, #tpu.memory_space<vmem>>, vector<16xf32>,
            tpu.vector_store %arg15[%swap3A_305, %swap3A_306], %max3A {strides = array<i32>} : memref<161x256xf32, #tpu.memory_space<vmem>>, vector<16xf32>,
            %get3A_308 = arith.index_cast %select_n3A_226 : i32 to index
            %get3A_309 = arith.index_cast %scan3A_283 : i32 to index
            %get3A_310 = arith.constant 16 : index
            %get3A_311 = tpu.vector_load %arg11[%get3A_308, %get3A_309, %get3A_310] {strides = array<i32>} : memref<2x16x384xf32, #tpu.memory_space<vmem>>, vector<16xf32>,
            %mul3A_312 = vector.broadcast %squeeze3A : f32 to vector<16xf32>
            %mul3A_313 = arith.mulf %get3A_311, %mul3A_312 : vector<16xf32>
            %swap3A_314 = arith.index_cast %squeeze3A_290 : i32 to index
            %swap3A_315 = arith.constant 16 : index
            %swap3A_316 = tpu.vector_load %arg14[%swap3A_314, %swap3A_315] {strides = array<i32>} : memref<161x256xf32, #tpu.memory_space<vmem>>, vector<16xf32>,
            tpu.vector_store %arg14[%swap3A_314, %swap3A_315], %mul3A_313 {add = true, strides = array<i32>} : memref<161x256xf32, #tpu.memory_space<vmem>>, vector<16xf32>,
            %get3A_317 = arith.index_cast %squeeze3A_290 : i32 to index
            %get3A_318 = arith.constant 16 : index
            %get3A_319 = tpu.vector_load %arg15[%get3A_317, %get3A_318] {strides = array<i32>} : memref<161x256xf32, #tpu.memory_space<vmem>>, vector<16xf32>,
            %max3A_320 = arith.maximumf %get3A_319, %mul3A_313 : vector<16xf32>
            %swap3A_321 = arith.index_cast %squeeze3A_290 : i32 to index
            %swap3A_322 = arith.constant 16 : index
            %swap3A_323 = tpu.vector_load %arg15[%swap3A_321, %swap3A_322] {strides = array<i32>} : memref<161x256xf32, #tpu.memory_space<vmem>>, vector<16xf32>,
            tpu.vector_store %arg15[%swap3A_321, %swap3A_322], %max3A_320 {strides = array<i32>} : memref<161x256xf32, #tpu.memory_space<vmem>>, vector<16xf32>,
            %get3A_324 = arith.index_cast %select_n3A_226 : i32 to index
            %get3A_325 = arith.index_cast %scan3A_283 : i32 to index
            %get3A_326 = arith.constant 32 : index
            %get3A_327 = tpu.vector_load %arg11[%get3A_324, %get3A_325, %get3A_326] {strides = array<i32>} : memref<2x16x384xf32, #tpu.memory_space<vmem>>, vector<16xf32>,
            %mul3A_328 = vector.broadcast %squeeze3A : f32 to vector<16xf32>
            %mul3A_329 = arith.mulf %get3A_327, %mul3A_328 : vector<16xf32>
            %swap3A_330 = arith.index_cast %squeeze3A_290 : i32 to index
            %swap3A_331 = arith.constant 32 : index
            %swap3A_332 = tpu.vector_load %arg14[%swap3A_330, %swap3A_331] {strides = array<i32>} : memref<161x256xf32, #tpu.memory_space<vmem>>, vector<16xf32>,
            tpu.vector_store %arg14[%swap3A_330, %swap3A_331], %mul3A_329 {add = true, strides = array<i32>} : memref<161x256xf32, #tpu.memory_space<vmem>>, vector<16xf32>,
            %get3A_333 = arith.index_cast %squeeze3A_290 : i32 to index
            %get3A_334 = arith.constant 32 : index
            %get3A_335 = tpu.vector_load %arg15[%get3A_333, %get3A_334] {strides = array<i32>} : memref<161x256xf32, #tpu.memory_space<vmem>>, vector<16xf32>,
            %max3A_336 = arith.maximumf %get3A_335, %mul3A_329 : vector<16xf32>
            %swap3A_337 = arith.index_cast %squeeze3A_290 : i32 to index
            %swap3A_338 = arith.constant 32 : index
            %swap3A_339 = tpu.vector_load %arg15[%swap3A_337, %swap3A_338] {strides = array<i32>} : memref<161x256xf32, #tpu.memory_space<vmem>>, vector<16xf32>,
            tpu.vector_store %arg15[%swap3A_337, %swap3A_338], %max3A_336 {strides = array<i32>} : memref<161x256xf32, #tpu.memory_space<vmem>>, vector<16xf32>,
            %get3A_340 = arith.index_cast %select_n3A_226 : i32 to index
            %get3A_341 = arith.index_cast %scan3A_283 : i32 to index
            %get3A_342 = arith.constant 48 : index
            %get3A_343 = tpu.vector_load %arg11[%get3A_340, %get3A_341, %get3A_342] {strides = array<i32>} : memref<2x16x384xf32, #tpu.memory_space<vmem>>, vector<16xf32>,
            %mul3A_344 = vector.broadcast %squeeze3A : f32 to vector<16xf32>
            %mul3A_345 = arith.mulf %get3A_343, %mul3A_344 : vector<16xf32>
            %swap3A_346 = arith.index_cast %squeeze3A_290 : i32 to index
            %swap3A_347 = arith.constant 48 : index
            %swap3A_348 = tpu.vector_load %arg14[%swap3A_346, %swap3A_347] {strides = array<i32>} : memref<161x256xf32, #tpu.memory_space<vmem>>, vector<16xf32>,
            tpu.vector_store %arg14[%swap3A_346, %swap3A_347], %mul3A_345 {add = true, strides = array<i32>} : memref<161x256xf32, #tpu.memory_space<vmem>>, vector<16xf32>,
            %get3A_349 = arith.index_cast %squeeze3A_290 : i32 to index
            %get3A_350 = arith.constant 48 : index
            %get3A_351 = tpu.vector_load %arg15[%get3A_349, %get3A_350] {strides = array<i32>} : memref<161x256xf32, #tpu.memory_space<vmem>>, vector<16xf32>,
            %max3A_352 = arith.maximumf %get3A_351, %mul3A_345 : vector<16xf32>
            %swap3A_353 = arith.index_cast %squeeze3A_290 : i32 to index
            %swap3A_354 = arith.constant 48 : index
            %swap3A_355 = tpu.vector_load %arg15[%swap3A_353, %swap3A_354] {strides = array<i32>} : memref<161x256xf32, #tpu.memory_space<vmem>>, vector<16xf32>,
            tpu.vector_store %arg15[%swap3A_353, %swap3A_354], %max3A_352 {strides = array<i32>} : memref<161x256xf32, #tpu.memory_space<vmem>>, vector<16xf32>,
            %get3A_356 = arith.index_cast %select_n3A_226 : i32 to index
            %get3A_357 = arith.index_cast %scan3A_283 : i32 to index
            %get3A_358 = arith.constant 64 : index
            %get3A_359 = tpu.vector_load %arg11[%get3A_356, %get3A_357, %get3A_358] {strides = array<i32>} : memref<2x16x384xf32, #tpu.memory_space<vmem>>, vector<16xf32>,
            %mul3A_360 = vector.broadcast %squeeze3A : f32 to vector<16xf32>
            %mul3A_361 = arith.mulf %get3A_359, %mul3A_360 : vector<16xf32>
            %swap3A_362 = arith.index_cast %squeeze3A_290 : i32 to index
            %swap3A_363 = arith.constant 64 : index
            %swap3A_364 = tpu.vector_load %arg14[%swap3A_362, %swap3A_363] {strides = array<i32>} : memref<161x256xf32, #tpu.memory_space<vmem>>, vector<16xf32>,
            tpu.vector_store %arg14[%swap3A_362, %swap3A_363], %mul3A_361 {add = true, strides = array<i32>} : memref<161x256xf32, #tpu.memory_space<vmem>>, vector<16xf32>,
            %get3A_365 = arith.index_cast %squeeze3A_290 : i32 to index
            %get3A_366 = arith.constant 64 : index
            %get3A_367 = tpu.vector_load %arg15[%get3A_365, %get3A_366] {strides = array<i32>} : memref<161x256xf32, #tpu.memory_space<vmem>>, vector<16xf32>,
            %max3A_368 = arith.maximumf %get3A_367, %mul3A_361 : vector<16xf32>
            %swap3A_369 = arith.index_cast %squeeze3A_290 : i32 to index
            %swap3A_370 = arith.constant 64 : index
            %swap3A_371 = tpu.vector_load %arg15[%swap3A_369, %swap3A_370] {strides = array<i32>} : memref<161x256xf32, #tpu.memory_space<vmem>>, vector<16xf32>,
            tpu.vector_store %arg15[%swap3A_369, %swap3A_370], %max3A_368 {strides = array<i32>} : memref<161x256xf32, #tpu.memory_space<vmem>>, vector<16xf32>,
            %get3A_372 = arith.index_cast %select_n3A_226 : i32 to index
            %get3A_373 = arith.index_cast %scan3A_283 : i32 to index
            %get3A_374 = arith.constant 80 : index
            %get3A_375 = tpu.vector_load %arg11[%get3A_372, %get3A_373, %get3A_374] {strides = array<i32>} : memref<2x16x384xf32, #tpu.memory_space<vmem>>, vector<16xf32>,
            %mul3A_376 = vector.broadcast %squeeze3A : f32 to vector<16xf32>
            %mul3A_377 = arith.mulf %get3A_375, %mul3A_376 : vector<16xf32>
            %swap3A_378 = arith.index_cast %squeeze3A_290 : i32 to index
            %swap3A_379 = arith.constant 80 : index
            %swap3A_380 = tpu.vector_load %arg14[%swap3A_378, %swap3A_379] {strides = array<i32>} : memref<161x256xf32, #tpu.memory_space<vmem>>, vector<16xf32>,
            tpu.vector_store %arg14[%swap3A_378, %swap3A_379], %mul3A_377 {add = true, strides = array<i32>} : memref<161x256xf32, #tpu.memory_space<vmem>>, vector<16xf32>,
            %get3A_381 = arith.index_cast %squeeze3A_290 : i32 to index
            %get3A_382 = arith.constant 80 : index
            %get3A_383 = tpu.vector_load %arg15[%get3A_381, %get3A_382] {strides = array<i32>} : memref<161x256xf32, #tpu.memory_space<vmem>>, vector<16xf32>,
            %max3A_384 = arith.maximumf %get3A_383, %mul3A_377 : vector<16xf32>
            %swap3A_385 = arith.index_cast %squeeze3A_290 : i32 to index
            %swap3A_386 = arith.constant 80 : index
            %swap3A_387 = tpu.vector_load %arg15[%swap3A_385, %swap3A_386] {strides = array<i32>} : memref<161x256xf32, #tpu.memory_space<vmem>>, vector<16xf32>,
            tpu.vector_store %arg15[%swap3A_385, %swap3A_386], %max3A_384 {strides = array<i32>} : memref<161x256xf32, #tpu.memory_space<vmem>>, vector<16xf32>,
            %get3A_388 = arith.index_cast %select_n3A_226 : i32 to index
            %get3A_389 = arith.index_cast %scan3A_283 : i32 to index
            %get3A_390 = arith.constant 96 : index
            %get3A_391 = tpu.vector_load %arg11[%get3A_388, %get3A_389, %get3A_390] {strides = array<i32>} : memref<2x16x384xf32, #tpu.memory_space<vmem>>, vector<16xf32>,
            %mul3A_392 = vector.broadcast %squeeze3A : f32 to vector<16xf32>
            %mul3A_393 = arith.mulf %get3A_391, %mul3A_392 : vector<16xf32>
            %swap3A_394 = arith.index_cast %squeeze3A_290 : i32 to index
            %swap3A_395 = arith.constant 96 : index
            %swap3A_396 = tpu.vector_load %arg14[%swap3A_394, %swap3A_395] {strides = array<i32>} : memref<161x256xf32, #tpu.memory_space<vmem>>, vector<16xf32>,
            tpu.vector_store %arg14[%swap3A_394, %swap3A_395], %mul3A_393 {add = true, strides = array<i32>} : memref<161x256xf32, #tpu.memory_space<vmem>>, vector<16xf32>,
            %get3A_397 = arith.index_cast %squeeze3A_290 : i32 to index
            %get3A_398 = arith.constant 96 : index
            %get3A_399 = tpu.vector_load %arg15[%get3A_397, %get3A_398] {strides = array<i32>} : memref<161x256xf32, #tpu.memory_space<vmem>>, vector<16xf32>,
            %max3A_400 = arith.maximumf %get3A_399, %mul3A_393 : vector<16xf32>
            %swap3A_401 = arith.index_cast %squeeze3A_290 : i32 to index
            %swap3A_402 = arith.constant 96 : index
            %swap3A_403 = tpu.vector_load %arg15[%swap3A_401, %swap3A_402] {strides = array<i32>} : memref<161x256xf32, #tpu.memory_space<vmem>>, vector<16xf32>,
            tpu.vector_store %arg15[%swap3A_401, %swap3A_402], %max3A_400 {strides = array<i32>} : memref<161x256xf32, #tpu.memory_space<vmem>>, vector<16xf32>,
            %get3A_404 = arith.index_cast %select_n3A_226 : i32 to index
            %get3A_405 = arith.index_cast %scan3A_283 : i32 to index
            %get3A_406 = arith.constant 112 : index
            %get3A_407 = tpu.vector_load %arg11[%get3A_404, %get3A_405, %get3A_406] {strides = array<i32>} : memref<2x16x384xf32, #tpu.memory_space<vmem>>, vector<16xf32>,
            %mul3A_408 = vector.broadcast %squeeze3A : f32 to vector<16xf32>
            %mul3A_409 = arith.mulf %get3A_407, %mul3A_408 : vector<16xf32>
            %swap3A_410 = arith.index_cast %squeeze3A_290 : i32 to index
            %swap3A_411 = arith.constant 112 : index
            %swap3A_412 = tpu.vector_load %arg14[%swap3A_410, %swap3A_411] {strides = array<i32>} : memref<161x256xf32, #tpu.memory_space<vmem>>, vector<16xf32>,
            tpu.vector_store %arg14[%swap3A_410, %swap3A_411], %mul3A_409 {add = true, strides = array<i32>} : memref<161x256xf32, #tpu.memory_space<vmem>>, vector<16xf32>,
            %get3A_413 = arith.index_cast %squeeze3A_290 : i32 to index
            %get3A_414 = arith.constant 112 : index
            %get3A_415 = tpu.vector_load %arg15[%get3A_413, %get3A_414] {strides = array<i32>} : memref<161x256xf32, #tpu.memory_space<vmem>>, vector<16xf32>,
            %max3A_416 = arith.maximumf %get3A_415, %mul3A_409 : vector<16xf32>
            %swap3A_417 = arith.index_cast %squeeze3A_290 : i32 to index
            %swap3A_418 = arith.constant 112 : index
            %swap3A_419 = tpu.vector_load %arg15[%swap3A_417, %swap3A_418] {strides = array<i32>} : memref<161x256xf32, #tpu.memory_space<vmem>>, vector<16xf32>,
            tpu.vector_store %arg15[%swap3A_417, %swap3A_418], %max3A_416 {strides = array<i32>} : memref<161x256xf32, #tpu.memory_space<vmem>>, vector<16xf32>,
            %get3A_420 = arith.index_cast %select_n3A_226 : i32 to index
            %get3A_421 = arith.index_cast %scan3A_283 : i32 to index
            %get3A_422 = arith.constant 128 : index
            %get3A_423 = tpu.vector_load %arg11[%get3A_420, %get3A_421, %get3A_422] {strides = array<i32>} : memref<2x16x384xf32, #tpu.memory_space<vmem>>, vector<16xf32>,
            %mul3A_424 = vector.broadcast %squeeze3A : f32 to vector<16xf32>
            %mul3A_425 = arith.mulf %get3A_423, %mul3A_424 : vector<16xf32>
            %swap3A_426 = arith.index_cast %squeeze3A_290 : i32 to index
            %swap3A_427 = arith.constant 128 : index
            %swap3A_428 = tpu.vector_load %arg14[%swap3A_426, %swap3A_427] {strides = array<i32>} : memref<161x256xf32, #tpu.memory_space<vmem>>, vector<16xf32>,
            tpu.vector_store %arg14[%swap3A_426, %swap3A_427], %mul3A_425 {add = true, strides = array<i32>} : memref<161x256xf32, #tpu.memory_space<vmem>>, vector<16xf32>,
            %get3A_429 = arith.index_cast %squeeze3A_290 : i32 to index
            %get3A_430 = arith.constant 128 : index
            %get3A_431 = tpu.vector_load %arg15[%get3A_429, %get3A_430] {strides = array<i32>} : memref<161x256xf32, #tpu.memory_space<vmem>>, vector<16xf32>,
            %max3A_432 = arith.maximumf %get3A_431, %mul3A_425 : vector<16xf32>
            %swap3A_433 = arith.index_cast %squeeze3A_290 : i32 to index
            %swap3A_434 = arith.constant 128 : index
            %swap3A_435 = tpu.vector_load %arg15[%swap3A_433, %swap3A_434] {strides = array<i32>} : memref<161x256xf32, #tpu.memory_space<vmem>>, vector<16xf32>,
            tpu.vector_store %arg15[%swap3A_433, %swap3A_434], %max3A_432 {strides = array<i32>} : memref<161x256xf32, #tpu.memory_space<vmem>>, vector<16xf32>,
            %get3A_436 = arith.index_cast %select_n3A_226 : i32 to index
            %get3A_437 = arith.index_cast %scan3A_283 : i32 to index
            %get3A_438 = arith.constant 144 : index
            %get3A_439 = tpu.vector_load %arg11[%get3A_436, %get3A_437, %get3A_438] {strides = array<i32>} : memref<2x16x384xf32, #tpu.memory_space<vmem>>, vector<16xf32>,
            %mul3A_440 = vector.broadcast %squeeze3A : f32 to vector<16xf32>
            %mul3A_441 = arith.mulf %get3A_439, %mul3A_440 : vector<16xf32>
            %swap3A_442 = arith.index_cast %squeeze3A_290 : i32 to index
            %swap3A_443 = arith.constant 144 : index
            %swap3A_444 = tpu.vector_load %arg14[%swap3A_442, %swap3A_443] {strides = array<i32>} : memref<161x256xf32, #tpu.memory_space<vmem>>, vector<16xf32>,
            tpu.vector_store %arg14[%swap3A_442, %swap3A_443], %mul3A_441 {add = true, strides = array<i32>} : memref<161x256xf32, #tpu.memory_space<vmem>>, vector<16xf32>,
            %get3A_445 = arith.index_cast %squeeze3A_290 : i32 to index
            %get3A_446 = arith.constant 144 : index
            %get3A_447 = tpu.vector_load %arg15[%get3A_445, %get3A_446] {strides = array<i32>} : memref<161x256xf32, #tpu.memory_space<vmem>>, vector<16xf32>,
            %max3A_448 = arith.maximumf %get3A_447, %mul3A_441 : vector<16xf32>
            %swap3A_449 = arith.index_cast %squeeze3A_290 : i32 to index
            %swap3A_450 = arith.constant 144 : index
            %swap3A_451 = tpu.vector_load %arg15[%swap3A_449, %swap3A_450] {strides = array<i32>} : memref<161x256xf32, #tpu.memory_space<vmem>>, vector<16xf32>,
            tpu.vector_store %arg15[%swap3A_449, %swap3A_450], %max3A_448 {strides = array<i32>} : memref<161x256xf32, #tpu.memory_space<vmem>>, vector<16xf32>,
            %get3A_452 = arith.index_cast %select_n3A_226 : i32 to index
            %get3A_453 = arith.index_cast %scan3A_283 : i32 to index
            %get3A_454 = arith.constant 160 : index
            %get3A_455 = tpu.vector_load %arg11[%get3A_452, %get3A_453, %get3A_454] {strides = array<i32>} : memref<2x16x384xf32, #tpu.memory_space<vmem>>, vector<16xf32>,
            %mul3A_456 = vector.broadcast %squeeze3A : f32 to vector<16xf32>
            %mul3A_457 = arith.mulf %get3A_455, %mul3A_456 : vector<16xf32>
            %swap3A_458 = arith.index_cast %squeeze3A_290 : i32 to index
            %swap3A_459 = arith.constant 160 : index
            %swap3A_460 = tpu.vector_load %arg14[%swap3A_458, %swap3A_459] {strides = array<i32>} : memref<161x256xf32, #tpu.memory_space<vmem>>, vector<16xf32>,
            tpu.vector_store %arg14[%swap3A_458, %swap3A_459], %mul3A_457 {add = true, strides = array<i32>} : memref<161x256xf32, #tpu.memory_space<vmem>>, vector<16xf32>,
            %get3A_461 = arith.index_cast %squeeze3A_290 : i32 to index
            %get3A_462 = arith.constant 160 : index
            %get3A_463 = tpu.vector_load %arg15[%get3A_461, %get3A_462] {strides = array<i32>} : memref<161x256xf32, #tpu.memory_space<vmem>>, vector<16xf32>,
            %max3A_464 = arith.maximumf %get3A_463, %mul3A_457 : vector<16xf32>
            %swap3A_465 = arith.index_cast %squeeze3A_290 : i32 to index
            %swap3A_466 = arith.constant 160 : index
            %swap3A_467 = tpu.vector_load %arg15[%swap3A_465, %swap3A_466] {strides = array<i32>} : memref<161x256xf32, #tpu.memory_space<vmem>>, vector<16xf32>,
            tpu.vector_store %arg15[%swap3A_465, %swap3A_466], %max3A_464 {strides = array<i32>} : memref<161x256xf32, #tpu.memory_space<vmem>>, vector<16xf32>,
            %get3A_468 = arith.index_cast %select_n3A_226 : i32 to index
            %get3A_469 = arith.index_cast %scan3A_283 : i32 to index
            %get3A_470 = arith.constant 176 : index
            %get3A_471 = tpu.vector_load %arg11[%get3A_468, %get3A_469, %get3A_470] {strides = array<i32>} : memref<2x16x384xf32, #tpu.memory_space<vmem>>, vector<16xf32>,
            %mul3A_472 = vector.broadcast %squeeze3A : f32 to vector<16xf32>
            %mul3A_473 = arith.mulf %get3A_471, %mul3A_472 : vector<16xf32>
            %swap3A_474 = arith.index_cast %squeeze3A_290 : i32 to index
            %swap3A_475 = arith.constant 176 : index
            %swap3A_476 = tpu.vector_load %arg14[%swap3A_474, %swap3A_475] {strides = array<i32>} : memref<161x256xf32, #tpu.memory_space<vmem>>, vector<16xf32>,
            tpu.vector_store %arg14[%swap3A_474, %swap3A_475], %mul3A_473 {add = true, strides = array<i32>} : memref<161x256xf32, #tpu.memory_space<vmem>>, vector<16xf32>,
            %get3A_477 = arith.index_cast %squeeze3A_290 : i32 to index
            %get3A_478 = arith.constant 176 : index
            %get3A_479 = tpu.vector_load %arg15[%get3A_477, %get3A_478] {strides = array<i32>} : memref<161x256xf32, #tpu.memory_space<vmem>>, vector<16xf32>,
            %max3A_480 = arith.maximumf %get3A_479, %mul3A_473 : vector<16xf32>
            %swap3A_481 = arith.index_cast %squeeze3A_290 : i32 to index
            %swap3A_482 = arith.constant 176 : index
            %swap3A_483 = tpu.vector_load %arg15[%swap3A_481, %swap3A_482] {strides = array<i32>} : memref<161x256xf32, #tpu.memory_space<vmem>>, vector<16xf32>,
            tpu.vector_store %arg15[%swap3A_481, %swap3A_482], %max3A_480 {strides = array<i32>} : memref<161x256xf32, #tpu.memory_space<vmem>>, vector<16xf32>,
            %get3A_484 = arith.index_cast %select_n3A_226 : i32 to index
            %get3A_485 = arith.index_cast %scan3A_283 : i32 to index
            %get3A_486 = arith.constant 192 : index
            %get3A_487 = tpu.vector_load %arg11[%get3A_484, %get3A_485, %get3A_486] {strides = array<i32>} : memref<2x16x384xf32, #tpu.memory_space<vmem>>, vector<16xf32>,
            %mul3A_488 = vector.broadcast %squeeze3A : f32 to vector<16xf32>
            %mul3A_489 = arith.mulf %get3A_487, %mul3A_488 : vector<16xf32>
            %swap3A_490 = arith.index_cast %squeeze3A_290 : i32 to index
            %swap3A_491 = arith.constant 192 : index
            %swap3A_492 = tpu.vector_load %arg14[%swap3A_490, %swap3A_491] {strides = array<i32>} : memref<161x256xf32, #tpu.memory_space<vmem>>, vector<16xf32>,
            tpu.vector_store %arg14[%swap3A_490, %swap3A_491], %mul3A_489 {add = true, strides = array<i32>} : memref<161x256xf32, #tpu.memory_space<vmem>>, vector<16xf32>,
            %get3A_493 = arith.index_cast %squeeze3A_290 : i32 to index
            %get3A_494 = arith.constant 192 : index
            %get3A_495 = tpu.vector_load %arg15[%get3A_493, %get3A_494] {strides = array<i32>} : memref<161x256xf32, #tpu.memory_space<vmem>>, vector<16xf32>,
            %max3A_496 = arith.maximumf %get3A_495, %mul3A_489 : vector<16xf32>
            %swap3A_497 = arith.index_cast %squeeze3A_290 : i32 to index
            %swap3A_498 = arith.constant 192 : index
            %swap3A_499 = tpu.vector_load %arg15[%swap3A_497, %swap3A_498] {strides = array<i32>} : memref<161x256xf32, #tpu.memory_space<vmem>>, vector<16xf32>,
            tpu.vector_store %arg15[%swap3A_497, %swap3A_498], %max3A_496 {strides = array<i32>} : memref<161x256xf32, #tpu.memory_space<vmem>>, vector<16xf32>,
            %get3A_500 = arith.index_cast %select_n3A_226 : i32 to index
            %get3A_501 = arith.index_cast %scan3A_283 : i32 to index
            %get3A_502 = arith.constant 208 : index
            %get3A_503 = tpu.vector_load %arg11[%get3A_500, %get3A_501, %get3A_502] {strides = array<i32>} : memref<2x16x384xf32, #tpu.memory_space<vmem>>, vector<16xf32>,
            %mul3A_504 = vector.broadcast %squeeze3A : f32 to vector<16xf32>
            %mul3A_505 = arith.mulf %get3A_503, %mul3A_504 : vector<16xf32>
            %swap3A_506 = arith.index_cast %squeeze3A_290 : i32 to index
            %swap3A_507 = arith.constant 208 : index
            %swap3A_508 = tpu.vector_load %arg14[%swap3A_506, %swap3A_507] {strides = array<i32>} : memref<161x256xf32, #tpu.memory_space<vmem>>, vector<16xf32>,
            tpu.vector_store %arg14[%swap3A_506, %swap3A_507], %mul3A_505 {add = true, strides = array<i32>} : memref<161x256xf32, #tpu.memory_space<vmem>>, vector<16xf32>,
            %get3A_509 = arith.index_cast %squeeze3A_290 : i32 to index
            %get3A_510 = arith.constant 208 : index
            %get3A_511 = tpu.vector_load %arg15[%get3A_509, %get3A_510] {strides = array<i32>} : memref<161x256xf32, #tpu.memory_space<vmem>>, vector<16xf32>,
            %max3A_512 = arith.maximumf %get3A_511, %mul3A_505 : vector<16xf32>
            %swap3A_513 = arith.index_cast %squeeze3A_290 : i32 to index
            %swap3A_514 = arith.constant 208 : index
            %swap3A_515 = tpu.vector_load %arg15[%swap3A_513, %swap3A_514] {strides = array<i32>} : memref<161x256xf32, #tpu.memory_space<vmem>>, vector<16xf32>,
            tpu.vector_store %arg15[%swap3A_513, %swap3A_514], %max3A_512 {strides = array<i32>} : memref<161x256xf32, #tpu.memory_space<vmem>>, vector<16xf32>,
            %get3A_516 = arith.index_cast %select_n3A_226 : i32 to index
            %get3A_517 = arith.index_cast %scan3A_283 : i32 to index
            %get3A_518 = arith.constant 224 : index
            %get3A_519 = tpu.vector_load %arg11[%get3A_516, %get3A_517, %get3A_518] {strides = array<i32>} : memref<2x16x384xf32, #tpu.memory_space<vmem>>, vector<16xf32>,
            %mul3A_520 = vector.broadcast %squeeze3A : f32 to vector<16xf32>
            %mul3A_521 = arith.mulf %get3A_519, %mul3A_520 : vector<16xf32>
            %swap3A_522 = arith.index_cast %squeeze3A_290 : i32 to index
            %swap3A_523 = arith.constant 224 : index
            %swap3A_524 = tpu.vector_load %arg14[%swap3A_522, %swap3A_523] {strides = array<i32>} : memref<161x256xf32, #tpu.memory_space<vmem>>, vector<16xf32>,
            tpu.vector_store %arg14[%swap3A_522, %swap3A_523], %mul3A_521 {add = true, strides = array<i32>} : memref<161x256xf32, #tpu.memory_space<vmem>>, vector<16xf32>,
            %get3A_525 = arith.index_cast %squeeze3A_290 : i32 to index
            %get3A_526 = arith.constant 224 : index
            %get3A_527 = tpu.vector_load %arg15[%get3A_525, %get3A_526] {strides = array<i32>} : memref<161x256xf32, #tpu.memory_space<vmem>>, vector<16xf32>,
            %max3A_528 = arith.maximumf %get3A_527, %mul3A_521 : vector<16xf32>
            %swap3A_529 = arith.index_cast %squeeze3A_290 : i32 to index
            %swap3A_530 = arith.constant 224 : index
            %swap3A_531 = tpu.vector_load %arg15[%swap3A_529, %swap3A_530] {strides = array<i32>} : memref<161x256xf32, #tpu.memory_space<vmem>>, vector<16xf32>,
            tpu.vector_store %arg15[%swap3A_529, %swap3A_530], %max3A_528 {strides = array<i32>} : memref<161x256xf32, #tpu.memory_space<vmem>>, vector<16xf32>,
            %get3A_532 = arith.index_cast %select_n3A_226 : i32 to index
            %get3A_533 = arith.index_cast %scan3A_283 : i32 to index
            %get3A_534 = arith.constant 240 : index
            %get3A_535 = tpu.vector_load %arg11[%get3A_532, %get3A_533, %get3A_534] {strides = array<i32>} : memref<2x16x384xf32, #tpu.memory_space<vmem>>, vector<16xf32>,
            %mul3A_536 = vector.broadcast %squeeze3A : f32 to vector<16xf32>
            %mul3A_537 = arith.mulf %get3A_535, %mul3A_536 : vector<16xf32>
            %swap3A_538 = arith.index_cast %squeeze3A_290 : i32 to index
            %swap3A_539 = arith.constant 240 : index
            %swap3A_540 = tpu.vector_load %arg14[%swap3A_538, %swap3A_539] {strides = array<i32>} : memref<161x256xf32, #tpu.memory_space<vmem>>, vector<16xf32>,
            tpu.vector_store %arg14[%swap3A_538, %swap3A_539], %mul3A_537 {add = true, strides = array<i32>} : memref<161x256xf32, #tpu.memory_space<vmem>>, vector<16xf32>,
            %get3A_541 = arith.index_cast %squeeze3A_290 : i32 to index
            %get3A_542 = arith.constant 240 : index
            %get3A_543 = tpu.vector_load %arg15[%get3A_541, %get3A_542] {strides = array<i32>} : memref<161x256xf32, #tpu.memory_space<vmem>>, vector<16xf32>,
            %max3A_544 = arith.maximumf %get3A_543, %mul3A_537 : vector<16xf32>
            %swap3A_545 = arith.index_cast %squeeze3A_290 : i32 to index
            %swap3A_546 = arith.constant 240 : index
            %swap3A_547 = tpu.vector_load %arg15[%swap3A_545, %swap3A_546] {strides = array<i32>} : memref<161x256xf32, #tpu.memory_space<vmem>>, vector<16xf32>,
            tpu.vector_store %arg15[%swap3A_545, %swap3A_546], %max3A_544 {strides = array<i32>} : memref<161x256xf32, #tpu.memory_space<vmem>>, vector<16xf32>,
            %scan3A_548 = arith.constant 0 : i32
            scf.yield %scan3A_548 : i32
          }
          %scan3A_263 = arith.constant 16 : i32
          %add3A_264 = arith.constant 2 : i32
          %add3A_265 = arith.addi %while3A_209, %add3A_264 : i32
          %lt3A_266 = arith.cmpi slt, %add3A_265, %select_n3A_176 : i32
          %eq3A_267 = arith.constant 0 : i32
          %eq3A_268 = arith.cmpi eq, %select_n3A_226, %eq3A_267 : i32
          %and3A_269 = arith.andi %lt3A_266, %eq3A_268 : i1
          %convert_element_type3A_270 = arith.extui %and3A_269 : i1 to i32
          %cond3A_271 = arith.constant 0 : i32
          %cond3A_272 = arith.cmpi ne, %convert_element_type3A_270, %cond3A_271 : i32
          scf.if %cond3A_272 {
            %add3A_283 = arith.constant 2 : i32
            %add3A_284 = arith.addi %while3A_209, %add3A_283 : i32
            %mul3A_285 = arith.constant 16 : i32
            %mul3A_286 = arith.muli %add3A_284, %mul3A_285 : i32
            %get3A_287 = arith.index_cast %mul3A_286 : i32 to index
            %get3A_288 = tpu.vector_load %arg9[%get3A_287] {strides = array<i32>} : memref<3264xi32, #tpu.memory_space<vmem>>, vector<16xi32>,
            %and3A_289 = vector.broadcast %scan3A_93 : i32 to vector<16xi32>
            %and3A_290 = arith.andi %get3A_288, %and3A_289 : vector<16xi32>
            %dma_start3A_291 = arith.constant 0 : i32
            %dma_start3A_292 = arith.constant 0 : i32
            %dma_start3A_293 = arith.constant 0 : i32
            %dma_start3A_294 = tpu.memref_slice %arg11[%dma_start3A_291, %dma_start3A_292, %dma_start3A_293] : memref<2x16x384xf32, #tpu.memory_space<vmem>> -> memref<1x16x384xf32, #tpu.memory_space<vmem>>
            %dma_start3A_295 = tpu.memref_squeeze %dma_start3A_294 : memref<1x16x384xf32, #tpu.memory_space<vmem>> -> memref<16x384xf32, #tpu.memory_space<vmem>>
            %dma_start3A_296 = arith.constant 0 : i32
            %dma_start3A_297 = arith.constant 0 : i32
            %dma_start3A_298 = tpu.memref_slice %arg2[%dma_start3A_296, %dma_start3A_297] : memref<10000x384xf32, #tpu.memory_space<hbm>> -> memref<10000x384xf32, #tpu.memory_space<hbm>>
            tpu.enqueue_indirect_dma source(%dma_start3A_298 : memref<10000x384xf32, #tpu.memory_space<hbm>>) target(%dma_start3A_295 : memref<16x384xf32, #tpu.memory_space<vmem>>) offsets(%and3A_290 : vector<16xi32>) semaphore(%arg18 : memref<!tpu.dma_semaphore, #tpu.memory_space<semaphore_mem>>)
          } else {
          }
          %add3A_273 = arith.constant 2 : i32
          %add3A_274 = arith.addi %while3A_209, %add3A_273 : i32
          %lt3A_275 = arith.cmpi slt, %add3A_274, %select_n3A_176 : i32
          %eq3A_276 = arith.constant 1 : i32
          %eq3A_277 = arith.cmpi eq, %select_n3A_226, %eq3A_276 : i32
          %and3A_278 = arith.andi %lt3A_275, %eq3A_277 : i1
          %convert_element_type3A_279 = arith.extui %and3A_278 : i1 to i32
          %cond3A_280 = arith.constant 0 : i32
          %cond3A_281 = arith.cmpi ne, %convert_element_type3A_279, %cond3A_280 : i32
          scf.if %cond3A_281 {
            %add3A_283 = arith.constant 2 : i32
            %add3A_284 = arith.addi %while3A_209, %add3A_283 : i32
            %mul3A_285 = arith.constant 16 : i32
            %mul3A_286 = arith.muli %add3A_284, %mul3A_285 : i32
            %get3A_287 = arith.index_cast %mul3A_286 : i32 to index
            %get3A_288 = tpu.vector_load %arg9[%get3A_287] {strides = array<i32>} : memref<3264xi32, #tpu.memory_space<vmem>>, vector<16xi32>,
            %and3A_289 = vector.broadcast %scan3A_93 : i32 to vector<16xi32>
            %and3A_290 = arith.andi %get3A_288, %and3A_289 : vector<16xi32>
            %dma_start3A_291 = arith.constant 1 : i32
            %dma_start3A_292 = arith.constant 0 : i32
            %dma_start3A_293 = arith.constant 0 : i32
            %dma_start3A_294 = tpu.memref_slice %arg11[%dma_start3A_291, %dma_start3A_292, %dma_start3A_293] : memref<2x16x384xf32, #tpu.memory_space<vmem>> -> memref<1x16x384xf32, #tpu.memory_space<vmem>>
            %dma_start3A_295 = tpu.memref_squeeze %dma_start3A_294 : memref<1x16x384xf32, #tpu.memory_space<vmem>> -> memref<16x384xf32, #tpu.memory_space<vmem>>
            %dma_start3A_296 = arith.constant 0 : i32
            %dma_start3A_297 = arith.constant 0 : i32
            %dma_start3A_298 = tpu.memref_slice %arg2[%dma_start3A_296, %dma_start3A_297] : memref<10000x384xf32, #tpu.memory_space<hbm>> -> memref<10000x384xf32, #tpu.memory_space<hbm>>
            tpu.enqueue_indirect_dma source(%dma_start3A_298 : memref<10000x384xf32, #tpu.memory_space<hbm>>) target(%dma_start3A_295 : memref<16x384xf32, #tpu.memory_space<vmem>>) offsets(%and3A_290 : vector<16xi32>) semaphore(%arg19 : memref<!tpu.dma_semaphore, #tpu.memory_space<semaphore_mem>>)
          } else {
          }
          %while3A_282 = arith.constant 0 : i32
          scf.yield %while3A_282 : i32
        }
        %while3A_207 = arith.constant 1 : i32
        %while3A_208 = scf.for %while3A_209 = %while3A_204 to %while3A_200 step %while3A_207 iter_args(%while3A_210 = %while3A_206) -> (i32)  : i32 {
          %jit3A_211 = arith.constant 2 : i32
          %eq3A_212 = arith.constant 0 : i32
          %eq3A_213 = arith.cmpi eq, %jit3A_211, %eq3A_212 : i32
          %jit3A_214 = arith.constant 1 : i32
          %select_n3A_215 = arith.select %eq3A_213, %jit3A_214, %jit3A_211 : i32
          %rem3A_216 = arith.remsi %while3A_209, %select_n3A_215 : i32
          %ne3A_217 = arith.constant 0 : i32
          %ne3A_218 = arith.cmpi ne, %rem3A_216, %ne3A_217 : i32
          %lt3A_219 = arith.constant 0 : i32
          %lt3A_220 = arith.cmpi slt, %rem3A_216, %lt3A_219 : i32
          %lt3A_221 = arith.constant 0 : i32
          %lt3A_222 = arith.cmpi slt, %select_n3A_215, %lt3A_221 : i32
          %ne3A_223 = arith.xori %lt3A_220, %lt3A_222 : i1
          %and3A_224 = arith.andi %ne3A_223, %ne3A_218 : i1
          %add3A_225 = arith.addi %rem3A_216, %select_n3A_215 : i32
          %select_n3A_226 = arith.select %and3A_224, %add3A_225, %rem3A_216 : i32
          %eq3A_227 = arith.constant 0 : i32
          %eq3A_228 = arith.cmpi eq, %select_n3A_226, %eq3A_227 : i32
          %convert_element_type3A_229 = arith.extui %eq3A_228 : i1 to i32
          %cond3A_230 = arith.constant 0 : i32
          %cond3A_231 = arith.cmpi ne, %convert_element_type3A_229, %cond3A_230 : i32
          scf.if %cond3A_231 {
            %dma_wait3A_283 = arith.constant 0 : i32
            %dma_wait3A_284 = arith.constant 0 : i32
            %dma_wait3A_285 = arith.constant 0 : i32
            %dma_wait3A_286 = tpu.memref_slice %arg11[%dma_wait3A_283, %dma_wait3A_284, %dma_wait3A_285] : memref<2x16x384xf32, #tpu.memory_space<vmem>> -> memref<1x16x384xf32, #tpu.memory_space<vmem>>
            %dma_wait3A_287 = tpu.memref_squeeze %dma_wait3A_286 : memref<1x16x384xf32, #tpu.memory_space<vmem>> -> memref<16x384xf32, #tpu.memory_space<vmem>>
            %dma_wait3A_288 = arith.constant 0 : i32
            %dma_wait3A_289 = arith.constant 0 : i32
            %dma_wait3A_290 = tpu.memref_slice %arg2[%dma_wait3A_288, %dma_wait3A_289] : memref<10000x384xf32, #tpu.memory_space<hbm>> -> memref<16x384xf32, #tpu.memory_space<hbm>>
            %dma_wait3A_291 = arith.constant 0 : i32
            %dma_wait3A_292 = arith.constant 0 : i32
            %dma_wait3A_293 = tpu.memref_slice %arg11[%dma_wait3A_283, %dma_wait3A_291, %dma_wait3A_292] : memref<2x16x384xf32, #tpu.memory_space<vmem>> -> memref<1x16x384xf32, #tpu.memory_space<vmem>>
            %dma_wait3A_294 = tpu.memref_squeeze %dma_wait3A_293 : memref<1x16x384xf32, #tpu.memory_space<vmem>> -> memref<16x384xf32, #tpu.memory_space<vmem>>
            %dma_wait3A_295 = arith.constant 0 : i32
            %dma_wait3A_296 = arith.constant 0 : i32
            %dma_wait3A_297 = tpu.memref_slice %arg2[%dma_wait3A_295, %dma_wait3A_296] : memref<10000x384xf32, #tpu.memory_space<hbm>> -> memref<16x384xf32, #tpu.memory_space<hbm>>
            tpu.wait_dma2 semaphore(%arg18 : memref<!tpu.dma_semaphore, #tpu.memory_space<semaphore_mem>>) src(%dma_wait3A_297 : memref<16x384xf32, #tpu.memory_space<hbm>>) dst(%dma_wait3A_294 : memref<16x384xf32, #tpu.memory_space<vmem>>)
          } else {
          }
          %eq3A_232 = arith.constant 1 : i32
          %eq3A_233 = arith.cmpi eq, %select_n3A_226, %eq3A_232 : i32
          %convert_element_type3A_234 = arith.extui %eq3A_233 : i1 to i32
          %cond3A_235 = arith.constant 0 : i32
          %cond3A_236 = arith.cmpi ne, %convert_element_type3A_234, %cond3A_235 : i32
          scf.if %cond3A_236 {
            %dma_wait3A_283 = arith.constant 1 : i32
            %dma_wait3A_284 = arith.constant 0 : i32
            %dma_wait3A_285 = arith.constant 0 : i32
            %dma_wait3A_286 = tpu.memref_slice %arg11[%dma_wait3A_283, %dma_wait3A_284, %dma_wait3A_285] : memref<2x16x384xf32, #tpu.memory_space<vmem>> -> memref<1x16x384xf32, #tpu.memory_space<vmem>>
            %dma_wait3A_287 = tpu.memref_squeeze %dma_wait3A_286 : memref<1x16x384xf32, #tpu.memory_space<vmem>> -> memref<16x384xf32, #tpu.memory_space<vmem>>
            %dma_wait3A_288 = arith.constant 0 : i32
            %dma_wait3A_289 = arith.constant 0 : i32
            %dma_wait3A_290 = tpu.memref_slice %arg2[%dma_wait3A_288, %dma_wait3A_289] : memref<10000x384xf32, #tpu.memory_space<hbm>> -> memref<16x384xf32, #tpu.memory_space<hbm>>
            %dma_wait3A_291 = arith.constant 0 : i32
            %dma_wait3A_292 = arith.constant 0 : i32
            %dma_wait3A_293 = tpu.memref_slice %arg11[%dma_wait3A_283, %dma_wait3A_291, %dma_wait3A_292] : memref<2x16x384xf32, #tpu.memory_space<vmem>> -> memref<1x16x384xf32, #tpu.memory_space<vmem>>
            %dma_wait3A_294 = tpu.memref_squeeze %dma_wait3A_293 : memref<1x16x384xf32, #tpu.memory_space<vmem>> -> memref<16x384xf32, #tpu.memory_space<vmem>>
            %dma_wait3A_295 = arith.constant 0 : i32
            %dma_wait3A_296 = arith.constant 0 : i32
            %dma_wait3A_297 = tpu.memref_slice %arg2[%dma_wait3A_295, %dma_wait3A_296] : memref<10000x384xf32, #tpu.memory_space<hbm>> -> memref<16x384xf32, #tpu.memory_space<hbm>>
            tpu.wait_dma2 semaphore(%arg19 : memref<!tpu.dma_semaphore, #tpu.memory_space<semaphore_mem>>) src(%dma_wait3A_297 : memref<16x384xf32, #tpu.memory_space<hbm>>) dst(%dma_wait3A_294 : memref<16x384xf32, #tpu.memory_space<vmem>>)
          } else {
          }
          %mul3A_237 = arith.constant 16 : i32
          %mul3A_238 = arith.muli %while3A_209, %mul3A_237 : i32
          %get3A_239 = arith.index_cast %mul3A_238 : i32 to index
          %get3A_240 = tpu.vector_load %arg9[%get3A_239] {strides = array<i32>} : memref<3264xi32, #tpu.memory_space<vmem>>, vector<16xi32>,
          %shift_right_arithmetic3A = arith.constant 14 : i32
          %shift_right_arithmetic3A_241 = vector.broadcast %shift_right_arithmetic3A : i32 to vector<16xi32>
          %shift_right_arithmetic3A_242 = arith.shrsi %get3A_240, %shift_right_arithmetic3A_241 : vector<16xi32>
          %sub3A_243 = vector.broadcast %mul3A_62 : i32 to vector<16xi32>
          %sub3A_244 = arith.subi %shift_right_arithmetic3A_242, %sub3A_243 : vector<16xi32>
          %swap3A_245 = arith.constant 0 : index
          %swap3A_246 = tpu.vector_load %arg13[%swap3A_245] {strides = array<i32>} : memref<48xi32, #tpu.memory_space<vmem>>, vector<16xi32>,
          tpu.vector_store %arg13[%swap3A_245], %sub3A_244 {strides = array<i32>} : memref<48xi32, #tpu.memory_space<vmem>>, vector<16xi32>,
          %scan3A_247 = arith.constant 0 : i32
          %scan3A_248 = arith.constant 16 : i32
          %scan3A_249 = arith.addi %scan3A_247, %scan3A_248 : i32
          %scan3A_250 = arith.constant 1 : i32
          %scan3A_251 = scf.for %scan3A_283 = %scan3A_247 to %scan3A_249 step %scan3A_250 iter_args(%scan3A_284 = %broadcast_in_dim3A_1) -> (vector<16xf32>)  : i32 {
            %get3A_285 = arith.index_cast %scan3A_283 : i32 to index
            %get3A_286 = tpu.vector_load %arg13[%get3A_285] {strides = array<i32>} : memref<48xi32, #tpu.memory_space<vmem>>, vector<16xi32>,
            %slice3A = vector.extract_strided_slice %get3A_286 {offsets = [0], sizes = [1], strides = [1]} : vector<16xi32> to vector<1xi32>
            %squeeze3A = vector.extract %slice3A[0] : i32 from vector<1xi32>
            %get3A_287 = arith.index_cast %select_n3A_226 : i32 to index
            %get3A_288 = arith.index_cast %scan3A_283 : i32 to index
            %get3A_289 = arith.constant 256 : index
            %get3A_290 = tpu.vector_load %arg11[%get3A_287, %get3A_288, %get3A_289] {strides = array<i32>} : memref<2x16x384xf32, #tpu.memory_space<vmem>>, vector<16xf32>,
            %get3A_291 = arith.index_cast %squeeze3A : i32 to index
            %get3A_292 = arith.constant 0 : index
            %get3A_293 = tpu.vector_load %arg10[%get3A_291, %get3A_292] {strides = array<i32>} : memref<161x16xf32, #tpu.memory_space<vmem>>, vector<16xf32>,
            %sub3A_294 = arith.subf %get3A_290, %get3A_293 : vector<16xf32>
            %mul3A_295 = arith.mulf %sub3A_294, %sub3A_294 : vector<16xf32>
            %reduce_sum3A = arith.constant true
            %reduce_sum3A_296 = vector.broadcast %reduce_sum3A : i1 to vector<16xi1>
            %reduce_sum3A_297 = tpu.scan <sum>, %mul3A_295 masked %reduce_sum3A_296 : vector<16xf32>, vector<16xi1> -> vector<16xf32>
            %reduce_sum3A_298 = vector.extract %reduce_sum3A_297[15] : f32 from vector<16xf32>
            %eq3A_299 = vector.broadcast %scan3A_283 : i32 to vector<16xi32>
            %eq3A_300 = arith.cmpi eq, %iota3A, %eq3A_299 : vector<16xi32>
            %broadcast_in_dim3A_301 = vector.broadcast %reduce_sum3A_298 : f32 to vector<16xf32>
            %select_n3A_302 = arith.select %eq3A_300, %broadcast_in_dim3A_301, %scan3A_284 : vector<16xi1>, vector<16xf32>
            scf.yield %select_n3A_302 : vector<16xf32>
          }
          %scan3A_252 = arith.constant 16 : i32
          %neg3A = arith.constant 0.000000e+00 : f32
          %neg3A_253 = vector.broadcast %neg3A : f32 to vector<16xf32>
          %neg3A_254 = arith.subf %neg3A_253, %scan3A_251 : vector<16xf32>
          %exp3A = math.exp %neg3A_254 : vector<16xf32>
          %swap3A_255 = arith.constant 0 : index
          %swap3A_256 = tpu.vector_load %arg12[%swap3A_255] {strides = array<i32>} : memref<48xf32, #tpu.memory_space<vmem>>, vector<16xf32>,
          tpu.vector_store %arg12[%swap3A_255], %exp3A {strides = array<i32>} : memref<48xf32, #tpu.memory_space<vmem>>, vector<16xf32>,
          %scan3A_257 = arith.constant 0 : i32
          %scan3A_258 = arith.constant 0 : i32
          %scan3A_259 = arith.constant 16 : i32
          %scan3A_260 = arith.addi %scan3A_258, %scan3A_259 : i32
          %scan3A_261 = arith.constant 1 : i32
          %scan3A_262 = scf.for %scan3A_283 = %scan3A_258 to %scan3A_260 step %scan3A_261 iter_args(%scan3A_284 = %scan3A_257) -> (i32)  : i32 {
            %get3A_285 = arith.index_cast %scan3A_283 : i32 to index
            %get3A_286 = tpu.vector_load %arg12[%get3A_285] {strides = array<i32>} : memref<48xf32, #tpu.memory_space<vmem>>, vector<16xf32>,
            %slice3A = vector.extract_strided_slice %get3A_286 {offsets = [0], sizes = [1], strides = [1]} : vector<16xf32> to vector<1xf32>
            %squeeze3A = vector.extract %slice3A[0] : f32 from vector<1xf32>
            %get3A_287 = arith.index_cast %scan3A_283 : i32 to index
            %get3A_288 = tpu.vector_load %arg13[%get3A_287] {strides = array<i32>} : memref<48xi32, #tpu.memory_space<vmem>>, vector<16xi32>,
            %slice3A_289 = vector.extract_strided_slice %get3A_288 {offsets = [0], sizes = [1], strides = [1]} : vector<16xi32> to vector<1xi32>
            %squeeze3A_290 = vector.extract %slice3A_289[0] : i32 from vector<1xi32>
            %swap3A_291 = arith.index_cast %squeeze3A_290 : i32 to index
            %swap3A_292 = tpu.vector_load %arg16[%swap3A_291] {strides = array<i32>} : memref<176xf32, #tpu.memory_space<vmem>>, vector<16xf32>,
            tpu.vector_store %arg16[%swap3A_291], %select_n3A {add = true, strides = array<i32>} : memref<176xf32, #tpu.memory_space<vmem>>, vector<16xf32>,
            %get3A_293 = arith.index_cast %select_n3A_226 : i32 to index
            %get3A_294 = arith.index_cast %scan3A_283 : i32 to index
            %get3A_295 = arith.constant 0 : index
            %get3A_296 = tpu.vector_load %arg11[%get3A_293, %get3A_294, %get3A_295] {strides = array<i32>} : memref<2x16x384xf32, #tpu.memory_space<vmem>>, vector<16xf32>,
            %mul3A_297 = vector.broadcast %squeeze3A : f32 to vector<16xf32>
            %mul3A_298 = arith.mulf %get3A_296, %mul3A_297 : vector<16xf32>
            %swap3A_299 = arith.index_cast %squeeze3A_290 : i32 to index
            %swap3A_300 = arith.constant 0 : index
            %swap3A_301 = tpu.vector_load %arg14[%swap3A_299, %swap3A_300] {strides = array<i32>} : memref<161x256xf32, #tpu.memory_space<vmem>>, vector<16xf32>,
            tpu.vector_store %arg14[%swap3A_299, %swap3A_300], %mul3A_298 {add = true, strides = array<i32>} : memref<161x256xf32, #tpu.memory_space<vmem>>, vector<16xf32>,
            %get3A_302 = arith.index_cast %squeeze3A_290 : i32 to index
            %get3A_303 = arith.constant 0 : index
            %get3A_304 = tpu.vector_load %arg15[%get3A_302, %get3A_303] {strides = array<i32>} : memref<161x256xf32, #tpu.memory_space<vmem>>, vector<16xf32>,
            %max3A = arith.maximumf %get3A_304, %mul3A_298 : vector<16xf32>
            %swap3A_305 = arith.index_cast %squeeze3A_290 : i32 to index
            %swap3A_306 = arith.constant 0 : index
            %swap3A_307 = tpu.vector_load %arg15[%swap3A_305, %swap3A_306] {strides = array<i32>} : memref<161x256xf32, #tpu.memory_space<vmem>>, vector<16xf32>,
            tpu.vector_store %arg15[%swap3A_305, %swap3A_306], %max3A {strides = array<i32>} : memref<161x256xf32, #tpu.memory_space<vmem>>, vector<16xf32>,
            %get3A_308 = arith.index_cast %select_n3A_226 : i32 to index
            %get3A_309 = arith.index_cast %scan3A_283 : i32 to index
            %get3A_310 = arith.constant 16 : index
            %get3A_311 = tpu.vector_load %arg11[%get3A_308, %get3A_309, %get3A_310] {strides = array<i32>} : memref<2x16x384xf32, #tpu.memory_space<vmem>>, vector<16xf32>,
            %mul3A_312 = vector.broadcast %squeeze3A : f32 to vector<16xf32>
            %mul3A_313 = arith.mulf %get3A_311, %mul3A_312 : vector<16xf32>
            %swap3A_314 = arith.index_cast %squeeze3A_290 : i32 to index
            %swap3A_315 = arith.constant 16 : index
            %swap3A_316 = tpu.vector_load %arg14[%swap3A_314, %swap3A_315] {strides = array<i32>} : memref<161x256xf32, #tpu.memory_space<vmem>>, vector<16xf32>,
            tpu.vector_store %arg14[%swap3A_314, %swap3A_315], %mul3A_313 {add = true, strides = array<i32>} : memref<161x256xf32, #tpu.memory_space<vmem>>, vector<16xf32>,
            %get3A_317 = arith.index_cast %squeeze3A_290 : i32 to index
            %get3A_318 = arith.constant 16 : index
            %get3A_319 = tpu.vector_load %arg15[%get3A_317, %get3A_318] {strides = array<i32>} : memref<161x256xf32, #tpu.memory_space<vmem>>, vector<16xf32>,
            %max3A_320 = arith.maximumf %get3A_319, %mul3A_313 : vector<16xf32>
            %swap3A_321 = arith.index_cast %squeeze3A_290 : i32 to index
            %swap3A_322 = arith.constant 16 : index
            %swap3A_323 = tpu.vector_load %arg15[%swap3A_321, %swap3A_322] {strides = array<i32>} : memref<161x256xf32, #tpu.memory_space<vmem>>, vector<16xf32>,
            tpu.vector_store %arg15[%swap3A_321, %swap3A_322], %max3A_320 {strides = array<i32>} : memref<161x256xf32, #tpu.memory_space<vmem>>, vector<16xf32>,
            %get3A_324 = arith.index_cast %select_n3A_226 : i32 to index
            %get3A_325 = arith.index_cast %scan3A_283 : i32 to index
            %get3A_326 = arith.constant 32 : index
            %get3A_327 = tpu.vector_load %arg11[%get3A_324, %get3A_325, %get3A_326] {strides = array<i32>} : memref<2x16x384xf32, #tpu.memory_space<vmem>>, vector<16xf32>,
            %mul3A_328 = vector.broadcast %squeeze3A : f32 to vector<16xf32>
            %mul3A_329 = arith.mulf %get3A_327, %mul3A_328 : vector<16xf32>
            %swap3A_330 = arith.index_cast %squeeze3A_290 : i32 to index
            %swap3A_331 = arith.constant 32 : index
            %swap3A_332 = tpu.vector_load %arg14[%swap3A_330, %swap3A_331] {strides = array<i32>} : memref<161x256xf32, #tpu.memory_space<vmem>>, vector<16xf32>,
            tpu.vector_store %arg14[%swap3A_330, %swap3A_331], %mul3A_329 {add = true, strides = array<i32>} : memref<161x256xf32, #tpu.memory_space<vmem>>, vector<16xf32>,
            %get3A_333 = arith.index_cast %squeeze3A_290 : i32 to index
            %get3A_334 = arith.constant 32 : index
            %get3A_335 = tpu.vector_load %arg15[%get3A_333, %get3A_334] {strides = array<i32>} : memref<161x256xf32, #tpu.memory_space<vmem>>, vector<16xf32>,
            %max3A_336 = arith.maximumf %get3A_335, %mul3A_329 : vector<16xf32>
            %swap3A_337 = arith.index_cast %squeeze3A_290 : i32 to index
            %swap3A_338 = arith.constant 32 : index
            %swap3A_339 = tpu.vector_load %arg15[%swap3A_337, %swap3A_338] {strides = array<i32>} : memref<161x256xf32, #tpu.memory_space<vmem>>, vector<16xf32>,
            tpu.vector_store %arg15[%swap3A_337, %swap3A_338], %max3A_336 {strides = array<i32>} : memref<161x256xf32, #tpu.memory_space<vmem>>, vector<16xf32>,
            %get3A_340 = arith.index_cast %select_n3A_226 : i32 to index
            %get3A_341 = arith.index_cast %scan3A_283 : i32 to index
            %get3A_342 = arith.constant 48 : index
            %get3A_343 = tpu.vector_load %arg11[%get3A_340, %get3A_341, %get3A_342] {strides = array<i32>} : memref<2x16x384xf32, #tpu.memory_space<vmem>>, vector<16xf32>,
            %mul3A_344 = vector.broadcast %squeeze3A : f32 to vector<16xf32>
            %mul3A_345 = arith.mulf %get3A_343, %mul3A_344 : vector<16xf32>
            %swap3A_346 = arith.index_cast %squeeze3A_290 : i32 to index
            %swap3A_347 = arith.constant 48 : index
            %swap3A_348 = tpu.vector_load %arg14[%swap3A_346, %swap3A_347] {strides = array<i32>} : memref<161x256xf32, #tpu.memory_space<vmem>>, vector<16xf32>,
            tpu.vector_store %arg14[%swap3A_346, %swap3A_347], %mul3A_345 {add = true, strides = array<i32>} : memref<161x256xf32, #tpu.memory_space<vmem>>, vector<16xf32>,
            %get3A_349 = arith.index_cast %squeeze3A_290 : i32 to index
            %get3A_350 = arith.constant 48 : index
            %get3A_351 = tpu.vector_load %arg15[%get3A_349, %get3A_350] {strides = array<i32>} : memref<161x256xf32, #tpu.memory_space<vmem>>, vector<16xf32>,
            %max3A_352 = arith.maximumf %get3A_351, %mul3A_345 : vector<16xf32>
            %swap3A_353 = arith.index_cast %squeeze3A_290 : i32 to index
            %swap3A_354 = arith.constant 48 : index
            %swap3A_355 = tpu.vector_load %arg15[%swap3A_353, %swap3A_354] {strides = array<i32>} : memref<161x256xf32, #tpu.memory_space<vmem>>, vector<16xf32>,
            tpu.vector_store %arg15[%swap3A_353, %swap3A_354], %max3A_352 {strides = array<i32>} : memref<161x256xf32, #tpu.memory_space<vmem>>, vector<16xf32>,
            %get3A_356 = arith.index_cast %select_n3A_226 : i32 to index
            %get3A_357 = arith.index_cast %scan3A_283 : i32 to index
            %get3A_358 = arith.constant 64 : index
            %get3A_359 = tpu.vector_load %arg11[%get3A_356, %get3A_357, %get3A_358] {strides = array<i32>} : memref<2x16x384xf32, #tpu.memory_space<vmem>>, vector<16xf32>,
            %mul3A_360 = vector.broadcast %squeeze3A : f32 to vector<16xf32>
            %mul3A_361 = arith.mulf %get3A_359, %mul3A_360 : vector<16xf32>
            %swap3A_362 = arith.index_cast %squeeze3A_290 : i32 to index
            %swap3A_363 = arith.constant 64 : index
            %swap3A_364 = tpu.vector_load %arg14[%swap3A_362, %swap3A_363] {strides = array<i32>} : memref<161x256xf32, #tpu.memory_space<vmem>>, vector<16xf32>,
            tpu.vector_store %arg14[%swap3A_362, %swap3A_363], %mul3A_361 {add = true, strides = array<i32>} : memref<161x256xf32, #tpu.memory_space<vmem>>, vector<16xf32>,
            %get3A_365 = arith.index_cast %squeeze3A_290 : i32 to index
            %get3A_366 = arith.constant 64 : index
            %get3A_367 = tpu.vector_load %arg15[%get3A_365, %get3A_366] {strides = array<i32>} : memref<161x256xf32, #tpu.memory_space<vmem>>, vector<16xf32>,
            %max3A_368 = arith.maximumf %get3A_367, %mul3A_361 : vector<16xf32>
            %swap3A_369 = arith.index_cast %squeeze3A_290 : i32 to index
            %swap3A_370 = arith.constant 64 : index
            %swap3A_371 = tpu.vector_load %arg15[%swap3A_369, %swap3A_370] {strides = array<i32>} : memref<161x256xf32, #tpu.memory_space<vmem>>, vector<16xf32>,
            tpu.vector_store %arg15[%swap3A_369, %swap3A_370], %max3A_368 {strides = array<i32>} : memref<161x256xf32, #tpu.memory_space<vmem>>, vector<16xf32>,
            %get3A_372 = arith.index_cast %select_n3A_226 : i32 to index
            %get3A_373 = arith.index_cast %scan3A_283 : i32 to index
            %get3A_374 = arith.constant 80 : index
            %get3A_375 = tpu.vector_load %arg11[%get3A_372, %get3A_373, %get3A_374] {strides = array<i32>} : memref<2x16x384xf32, #tpu.memory_space<vmem>>, vector<16xf32>,
            %mul3A_376 = vector.broadcast %squeeze3A : f32 to vector<16xf32>
            %mul3A_377 = arith.mulf %get3A_375, %mul3A_376 : vector<16xf32>
            %swap3A_378 = arith.index_cast %squeeze3A_290 : i32 to index
            %swap3A_379 = arith.constant 80 : index
            %swap3A_380 = tpu.vector_load %arg14[%swap3A_378, %swap3A_379] {strides = array<i32>} : memref<161x256xf32, #tpu.memory_space<vmem>>, vector<16xf32>,
            tpu.vector_store %arg14[%swap3A_378, %swap3A_379], %mul3A_377 {add = true, strides = array<i32>} : memref<161x256xf32, #tpu.memory_space<vmem>>, vector<16xf32>,
            %get3A_381 = arith.index_cast %squeeze3A_290 : i32 to index
            %get3A_382 = arith.constant 80 : index
            %get3A_383 = tpu.vector_load %arg15[%get3A_381, %get3A_382] {strides = array<i32>} : memref<161x256xf32, #tpu.memory_space<vmem>>, vector<16xf32>,
            %max3A_384 = arith.maximumf %get3A_383, %mul3A_377 : vector<16xf32>
            %swap3A_385 = arith.index_cast %squeeze3A_290 : i32 to index
            %swap3A_386 = arith.constant 80 : index
            %swap3A_387 = tpu.vector_load %arg15[%swap3A_385, %swap3A_386] {strides = array<i32>} : memref<161x256xf32, #tpu.memory_space<vmem>>, vector<16xf32>,
            tpu.vector_store %arg15[%swap3A_385, %swap3A_386], %max3A_384 {strides = array<i32>} : memref<161x256xf32, #tpu.memory_space<vmem>>, vector<16xf32>,
            %get3A_388 = arith.index_cast %select_n3A_226 : i32 to index
            %get3A_389 = arith.index_cast %scan3A_283 : i32 to index
            %get3A_390 = arith.constant 96 : index
            %get3A_391 = tpu.vector_load %arg11[%get3A_388, %get3A_389, %get3A_390] {strides = array<i32>} : memref<2x16x384xf32, #tpu.memory_space<vmem>>, vector<16xf32>,
            %mul3A_392 = vector.broadcast %squeeze3A : f32 to vector<16xf32>
            %mul3A_393 = arith.mulf %get3A_391, %mul3A_392 : vector<16xf32>
            %swap3A_394 = arith.index_cast %squeeze3A_290 : i32 to index
            %swap3A_395 = arith.constant 96 : index
            %swap3A_396 = tpu.vector_load %arg14[%swap3A_394, %swap3A_395] {strides = array<i32>} : memref<161x256xf32, #tpu.memory_space<vmem>>, vector<16xf32>,
            tpu.vector_store %arg14[%swap3A_394, %swap3A_395], %mul3A_393 {add = true, strides = array<i32>} : memref<161x256xf32, #tpu.memory_space<vmem>>, vector<16xf32>,
            %get3A_397 = arith.index_cast %squeeze3A_290 : i32 to index
            %get3A_398 = arith.constant 96 : index
            %get3A_399 = tpu.vector_load %arg15[%get3A_397, %get3A_398] {strides = array<i32>} : memref<161x256xf32, #tpu.memory_space<vmem>>, vector<16xf32>,
            %max3A_400 = arith.maximumf %get3A_399, %mul3A_393 : vector<16xf32>
            %swap3A_401 = arith.index_cast %squeeze3A_290 : i32 to index
            %swap3A_402 = arith.constant 96 : index
            %swap3A_403 = tpu.vector_load %arg15[%swap3A_401, %swap3A_402] {strides = array<i32>} : memref<161x256xf32, #tpu.memory_space<vmem>>, vector<16xf32>,
            tpu.vector_store %arg15[%swap3A_401, %swap3A_402], %max3A_400 {strides = array<i32>} : memref<161x256xf32, #tpu.memory_space<vmem>>, vector<16xf32>,
            %get3A_404 = arith.index_cast %select_n3A_226 : i32 to index
            %get3A_405 = arith.index_cast %scan3A_283 : i32 to index
            %get3A_406 = arith.constant 112 : index
            %get3A_407 = tpu.vector_load %arg11[%get3A_404, %get3A_405, %get3A_406] {strides = array<i32>} : memref<2x16x384xf32, #tpu.memory_space<vmem>>, vector<16xf32>,
            %mul3A_408 = vector.broadcast %squeeze3A : f32 to vector<16xf32>
            %mul3A_409 = arith.mulf %get3A_407, %mul3A_408 : vector<16xf32>
            %swap3A_410 = arith.index_cast %squeeze3A_290 : i32 to index
            %swap3A_411 = arith.constant 112 : index
            %swap3A_412 = tpu.vector_load %arg14[%swap3A_410, %swap3A_411] {strides = array<i32>} : memref<161x256xf32, #tpu.memory_space<vmem>>, vector<16xf32>,
            tpu.vector_store %arg14[%swap3A_410, %swap3A_411], %mul3A_409 {add = true, strides = array<i32>} : memref<161x256xf32, #tpu.memory_space<vmem>>, vector<16xf32>,
            %get3A_413 = arith.index_cast %squeeze3A_290 : i32 to index
            %get3A_414 = arith.constant 112 : index
            %get3A_415 = tpu.vector_load %arg15[%get3A_413, %get3A_414] {strides = array<i32>} : memref<161x256xf32, #tpu.memory_space<vmem>>, vector<16xf32>,
            %max3A_416 = arith.maximumf %get3A_415, %mul3A_409 : vector<16xf32>
            %swap3A_417 = arith.index_cast %squeeze3A_290 : i32 to index
            %swap3A_418 = arith.constant 112 : index
            %swap3A_419 = tpu.vector_load %arg15[%swap3A_417, %swap3A_418] {strides = array<i32>} : memref<161x256xf32, #tpu.memory_space<vmem>>, vector<16xf32>,
            tpu.vector_store %arg15[%swap3A_417, %swap3A_418], %max3A_416 {strides = array<i32>} : memref<161x256xf32, #tpu.memory_space<vmem>>, vector<16xf32>,
            %get3A_420 = arith.index_cast %select_n3A_226 : i32 to index
            %get3A_421 = arith.index_cast %scan3A_283 : i32 to index
            %get3A_422 = arith.constant 128 : index
            %get3A_423 = tpu.vector_load %arg11[%get3A_420, %get3A_421, %get3A_422] {strides = array<i32>} : memref<2x16x384xf32, #tpu.memory_space<vmem>>, vector<16xf32>,
            %mul3A_424 = vector.broadcast %squeeze3A : f32 to vector<16xf32>
            %mul3A_425 = arith.mulf %get3A_423, %mul3A_424 : vector<16xf32>
            %swap3A_426 = arith.index_cast %squeeze3A_290 : i32 to index
            %swap3A_427 = arith.constant 128 : index
            %swap3A_428 = tpu.vector_load %arg14[%swap3A_426, %swap3A_427] {strides = array<i32>} : memref<161x256xf32, #tpu.memory_space<vmem>>, vector<16xf32>,
            tpu.vector_store %arg14[%swap3A_426, %swap3A_427], %mul3A_425 {add = true, strides = array<i32>} : memref<161x256xf32, #tpu.memory_space<vmem>>, vector<16xf32>,
            %get3A_429 = arith.index_cast %squeeze3A_290 : i32 to index
            %get3A_430 = arith.constant 128 : index
            %get3A_431 = tpu.vector_load %arg15[%get3A_429, %get3A_430] {strides = array<i32>} : memref<161x256xf32, #tpu.memory_space<vmem>>, vector<16xf32>,
            %max3A_432 = arith.maximumf %get3A_431, %mul3A_425 : vector<16xf32>
            %swap3A_433 = arith.index_cast %squeeze3A_290 : i32 to index
            %swap3A_434 = arith.constant 128 : index
            %swap3A_435 = tpu.vector_load %arg15[%swap3A_433, %swap3A_434] {strides = array<i32>} : memref<161x256xf32, #tpu.memory_space<vmem>>, vector<16xf32>,
            tpu.vector_store %arg15[%swap3A_433, %swap3A_434], %max3A_432 {strides = array<i32>} : memref<161x256xf32, #tpu.memory_space<vmem>>, vector<16xf32>,
            %get3A_436 = arith.index_cast %select_n3A_226 : i32 to index
            %get3A_437 = arith.index_cast %scan3A_283 : i32 to index
            %get3A_438 = arith.constant 144 : index
            %get3A_439 = tpu.vector_load %arg11[%get3A_436, %get3A_437, %get3A_438] {strides = array<i32>} : memref<2x16x384xf32, #tpu.memory_space<vmem>>, vector<16xf32>,
            %mul3A_440 = vector.broadcast %squeeze3A : f32 to vector<16xf32>
            %mul3A_441 = arith.mulf %get3A_439, %mul3A_440 : vector<16xf32>
            %swap3A_442 = arith.index_cast %squeeze3A_290 : i32 to index
            %swap3A_443 = arith.constant 144 : index
            %swap3A_444 = tpu.vector_load %arg14[%swap3A_442, %swap3A_443] {strides = array<i32>} : memref<161x256xf32, #tpu.memory_space<vmem>>, vector<16xf32>,
            tpu.vector_store %arg14[%swap3A_442, %swap3A_443], %mul3A_441 {add = true, strides = array<i32>} : memref<161x256xf32, #tpu.memory_space<vmem>>, vector<16xf32>,
            %get3A_445 = arith.index_cast %squeeze3A_290 : i32 to index
            %get3A_446 = arith.constant 144 : index
            %get3A_447 = tpu.vector_load %arg15[%get3A_445, %get3A_446] {strides = array<i32>} : memref<161x256xf32, #tpu.memory_space<vmem>>, vector<16xf32>,
            %max3A_448 = arith.maximumf %get3A_447, %mul3A_441 : vector<16xf32>
            %swap3A_449 = arith.index_cast %squeeze3A_290 : i32 to index
            %swap3A_450 = arith.constant 144 : index
            %swap3A_451 = tpu.vector_load %arg15[%swap3A_449, %swap3A_450] {strides = array<i32>} : memref<161x256xf32, #tpu.memory_space<vmem>>, vector<16xf32>,
            tpu.vector_store %arg15[%swap3A_449, %swap3A_450], %max3A_448 {strides = array<i32>} : memref<161x256xf32, #tpu.memory_space<vmem>>, vector<16xf32>,
            %get3A_452 = arith.index_cast %select_n3A_226 : i32 to index
            %get3A_453 = arith.index_cast %scan3A_283 : i32 to index
            %get3A_454 = arith.constant 160 : index
            %get3A_455 = tpu.vector_load %arg11[%get3A_452, %get3A_453, %get3A_454] {strides = array<i32>} : memref<2x16x384xf32, #tpu.memory_space<vmem>>, vector<16xf32>,
            %mul3A_456 = vector.broadcast %squeeze3A : f32 to vector<16xf32>
            %mul3A_457 = arith.mulf %get3A_455, %mul3A_456 : vector<16xf32>
            %swap3A_458 = arith.index_cast %squeeze3A_290 : i32 to index
            %swap3A_459 = arith.constant 160 : index
            %swap3A_460 = tpu.vector_load %arg14[%swap3A_458, %swap3A_459] {strides = array<i32>} : memref<161x256xf32, #tpu.memory_space<vmem>>, vector<16xf32>,
            tpu.vector_store %arg14[%swap3A_458, %swap3A_459], %mul3A_457 {add = true, strides = array<i32>} : memref<161x256xf32, #tpu.memory_space<vmem>>, vector<16xf32>,
            %get3A_461 = arith.index_cast %squeeze3A_290 : i32 to index
            %get3A_462 = arith.constant 160 : index
            %get3A_463 = tpu.vector_load %arg15[%get3A_461, %get3A_462] {strides = array<i32>} : memref<161x256xf32, #tpu.memory_space<vmem>>, vector<16xf32>,
            %max3A_464 = arith.maximumf %get3A_463, %mul3A_457 : vector<16xf32>
            %swap3A_465 = arith.index_cast %squeeze3A_290 : i32 to index
            %swap3A_466 = arith.constant 160 : index
            %swap3A_467 = tpu.vector_load %arg15[%swap3A_465, %swap3A_466] {strides = array<i32>} : memref<161x256xf32, #tpu.memory_space<vmem>>, vector<16xf32>,
            tpu.vector_store %arg15[%swap3A_465, %swap3A_466], %max3A_464 {strides = array<i32>} : memref<161x256xf32, #tpu.memory_space<vmem>>, vector<16xf32>,
            %get3A_468 = arith.index_cast %select_n3A_226 : i32 to index
            %get3A_469 = arith.index_cast %scan3A_283 : i32 to index
            %get3A_470 = arith.constant 176 : index
            %get3A_471 = tpu.vector_load %arg11[%get3A_468, %get3A_469, %get3A_470] {strides = array<i32>} : memref<2x16x384xf32, #tpu.memory_space<vmem>>, vector<16xf32>,
            %mul3A_472 = vector.broadcast %squeeze3A : f32 to vector<16xf32>
            %mul3A_473 = arith.mulf %get3A_471, %mul3A_472 : vector<16xf32>
            %swap3A_474 = arith.index_cast %squeeze3A_290 : i32 to index
            %swap3A_475 = arith.constant 176 : index
            %swap3A_476 = tpu.vector_load %arg14[%swap3A_474, %swap3A_475] {strides = array<i32>} : memref<161x256xf32, #tpu.memory_space<vmem>>, vector<16xf32>,
            tpu.vector_store %arg14[%swap3A_474, %swap3A_475], %mul3A_473 {add = true, strides = array<i32>} : memref<161x256xf32, #tpu.memory_space<vmem>>, vector<16xf32>,
            %get3A_477 = arith.index_cast %squeeze3A_290 : i32 to index
            %get3A_478 = arith.constant 176 : index
            %get3A_479 = tpu.vector_load %arg15[%get3A_477, %get3A_478] {strides = array<i32>} : memref<161x256xf32, #tpu.memory_space<vmem>>, vector<16xf32>,
            %max3A_480 = arith.maximumf %get3A_479, %mul3A_473 : vector<16xf32>
            %swap3A_481 = arith.index_cast %squeeze3A_290 : i32 to index
            %swap3A_482 = arith.constant 176 : index
            %swap3A_483 = tpu.vector_load %arg15[%swap3A_481, %swap3A_482] {strides = array<i32>} : memref<161x256xf32, #tpu.memory_space<vmem>>, vector<16xf32>,
            tpu.vector_store %arg15[%swap3A_481, %swap3A_482], %max3A_480 {strides = array<i32>} : memref<161x256xf32, #tpu.memory_space<vmem>>, vector<16xf32>,
            %get3A_484 = arith.index_cast %select_n3A_226 : i32 to index
            %get3A_485 = arith.index_cast %scan3A_283 : i32 to index
            %get3A_486 = arith.constant 192 : index
            %get3A_487 = tpu.vector_load %arg11[%get3A_484, %get3A_485, %get3A_486] {strides = array<i32>} : memref<2x16x384xf32, #tpu.memory_space<vmem>>, vector<16xf32>,
            %mul3A_488 = vector.broadcast %squeeze3A : f32 to vector<16xf32>
            %mul3A_489 = arith.mulf %get3A_487, %mul3A_488 : vector<16xf32>
            %swap3A_490 = arith.index_cast %squeeze3A_290 : i32 to index
            %swap3A_491 = arith.constant 192 : index
            %swap3A_492 = tpu.vector_load %arg14[%swap3A_490, %swap3A_491] {strides = array<i32>} : memref<161x256xf32, #tpu.memory_space<vmem>>, vector<16xf32>,
            tpu.vector_store %arg14[%swap3A_490, %swap3A_491], %mul3A_489 {add = true, strides = array<i32>} : memref<161x256xf32, #tpu.memory_space<vmem>>, vector<16xf32>,
            %get3A_493 = arith.index_cast %squeeze3A_290 : i32 to index
            %get3A_494 = arith.constant 192 : index
            %get3A_495 = tpu.vector_load %arg15[%get3A_493, %get3A_494] {strides = array<i32>} : memref<161x256xf32, #tpu.memory_space<vmem>>, vector<16xf32>,
            %max3A_496 = arith.maximumf %get3A_495, %mul3A_489 : vector<16xf32>
            %swap3A_497 = arith.index_cast %squeeze3A_290 : i32 to index
            %swap3A_498 = arith.constant 192 : index
            %swap3A_499 = tpu.vector_load %arg15[%swap3A_497, %swap3A_498] {strides = array<i32>} : memref<161x256xf32, #tpu.memory_space<vmem>>, vector<16xf32>,
            tpu.vector_store %arg15[%swap3A_497, %swap3A_498], %max3A_496 {strides = array<i32>} : memref<161x256xf32, #tpu.memory_space<vmem>>, vector<16xf32>,
            %get3A_500 = arith.index_cast %select_n3A_226 : i32 to index
            %get3A_501 = arith.index_cast %scan3A_283 : i32 to index
            %get3A_502 = arith.constant 208 : index
            %get3A_503 = tpu.vector_load %arg11[%get3A_500, %get3A_501, %get3A_502] {strides = array<i32>} : memref<2x16x384xf32, #tpu.memory_space<vmem>>, vector<16xf32>,
            %mul3A_504 = vector.broadcast %squeeze3A : f32 to vector<16xf32>
            %mul3A_505 = arith.mulf %get3A_503, %mul3A_504 : vector<16xf32>
            %swap3A_506 = arith.index_cast %squeeze3A_290 : i32 to index
            %swap3A_507 = arith.constant 208 : index
            %swap3A_508 = tpu.vector_load %arg14[%swap3A_506, %swap3A_507] {strides = array<i32>} : memref<161x256xf32, #tpu.memory_space<vmem>>, vector<16xf32>,
            tpu.vector_store %arg14[%swap3A_506, %swap3A_507], %mul3A_505 {add = true, strides = array<i32>} : memref<161x256xf32, #tpu.memory_space<vmem>>, vector<16xf32>,
            %get3A_509 = arith.index_cast %squeeze3A_290 : i32 to index
            %get3A_510 = arith.constant 208 : index
            %get3A_511 = tpu.vector_load %arg15[%get3A_509, %get3A_510] {strides = array<i32>} : memref<161x256xf32, #tpu.memory_space<vmem>>, vector<16xf32>,
            %max3A_512 = arith.maximumf %get3A_511, %mul3A_505 : vector<16xf32>
            %swap3A_513 = arith.index_cast %squeeze3A_290 : i32 to index
            %swap3A_514 = arith.constant 208 : index
            %swap3A_515 = tpu.vector_load %arg15[%swap3A_513, %swap3A_514] {strides = array<i32>} : memref<161x256xf32, #tpu.memory_space<vmem>>, vector<16xf32>,
            tpu.vector_store %arg15[%swap3A_513, %swap3A_514], %max3A_512 {strides = array<i32>} : memref<161x256xf32, #tpu.memory_space<vmem>>, vector<16xf32>,
            %get3A_516 = arith.index_cast %select_n3A_226 : i32 to index
            %get3A_517 = arith.index_cast %scan3A_283 : i32 to index
            %get3A_518 = arith.constant 224 : index
            %get3A_519 = tpu.vector_load %arg11[%get3A_516, %get3A_517, %get3A_518] {strides = array<i32>} : memref<2x16x384xf32, #tpu.memory_space<vmem>>, vector<16xf32>,
            %mul3A_520 = vector.broadcast %squeeze3A : f32 to vector<16xf32>
            %mul3A_521 = arith.mulf %get3A_519, %mul3A_520 : vector<16xf32>
            %swap3A_522 = arith.index_cast %squeeze3A_290 : i32 to index
            %swap3A_523 = arith.constant 224 : index
            %swap3A_524 = tpu.vector_load %arg14[%swap3A_522, %swap3A_523] {strides = array<i32>} : memref<161x256xf32, #tpu.memory_space<vmem>>, vector<16xf32>,
            tpu.vector_store %arg14[%swap3A_522, %swap3A_523], %mul3A_521 {add = true, strides = array<i32>} : memref<161x256xf32, #tpu.memory_space<vmem>>, vector<16xf32>,
            %get3A_525 = arith.index_cast %squeeze3A_290 : i32 to index
            %get3A_526 = arith.constant 224 : index
            %get3A_527 = tpu.vector_load %arg15[%get3A_525, %get3A_526] {strides = array<i32>} : memref<161x256xf32, #tpu.memory_space<vmem>>, vector<16xf32>,
            %max3A_528 = arith.maximumf %get3A_527, %mul3A_521 : vector<16xf32>
            %swap3A_529 = arith.index_cast %squeeze3A_290 : i32 to index
            %swap3A_530 = arith.constant 224 : index
            %swap3A_531 = tpu.vector_load %arg15[%swap3A_529, %swap3A_530] {strides = array<i32>} : memref<161x256xf32, #tpu.memory_space<vmem>>, vector<16xf32>,
            tpu.vector_store %arg15[%swap3A_529, %swap3A_530], %max3A_528 {strides = array<i32>} : memref<161x256xf32, #tpu.memory_space<vmem>>, vector<16xf32>,
            %get3A_532 = arith.index_cast %select_n3A_226 : i32 to index
            %get3A_533 = arith.index_cast %scan3A_283 : i32 to index
            %get3A_534 = arith.constant 240 : index
            %get3A_535 = tpu.vector_load %arg11[%get3A_532, %get3A_533, %get3A_534] {strides = array<i32>} : memref<2x16x384xf32, #tpu.memory_space<vmem>>, vector<16xf32>,
            %mul3A_536 = vector.broadcast %squeeze3A : f32 to vector<16xf32>
            %mul3A_537 = arith.mulf %get3A_535, %mul3A_536 : vector<16xf32>
            %swap3A_538 = arith.index_cast %squeeze3A_290 : i32 to index
            %swap3A_539 = arith.constant 240 : index
            %swap3A_540 = tpu.vector_load %arg14[%swap3A_538, %swap3A_539] {strides = array<i32>} : memref<161x256xf32, #tpu.memory_space<vmem>>, vector<16xf32>,
            tpu.vector_store %arg14[%swap3A_538, %swap3A_539], %mul3A_537 {add = true, strides = array<i32>} : memref<161x256xf32, #tpu.memory_space<vmem>>, vector<16xf32>,
            %get3A_541 = arith.index_cast %squeeze3A_290 : i32 to index
            %get3A_542 = arith.constant 240 : index
            %get3A_543 = tpu.vector_load %arg15[%get3A_541, %get3A_542] {strides = array<i32>} : memref<161x256xf32, #tpu.memory_space<vmem>>, vector<16xf32>,
            %max3A_544 = arith.maximumf %get3A_543, %mul3A_537 : vector<16xf32>
            %swap3A_545 = arith.index_cast %squeeze3A_290 : i32 to index
            %swap3A_546 = arith.constant 240 : index
            %swap3A_547 = tpu.vector_load %arg15[%swap3A_545, %swap3A_546] {strides = array<i32>} : memref<161x256xf32, #tpu.memory_space<vmem>>, vector<16xf32>,
            tpu.vector_store %arg15[%swap3A_545, %swap3A_546], %max3A_544 {strides = array<i32>} : memref<161x256xf32, #tpu.memory_space<vmem>>, vector<16xf32>,
            %scan3A_548 = arith.constant 0 : i32
            scf.yield %scan3A_548 : i32
          }
          %scan3A_263 = arith.constant 16 : i32
          %add3A_264 = arith.constant 2 : i32
          %add3A_265 = arith.addi %while3A_209, %add3A_264 : i32
          %lt3A_266 = arith.cmpi slt, %add3A_265, %select_n3A_176 : i32
          %eq3A_267 = arith.constant 0 : i32
          %eq3A_268 = arith.cmpi eq, %select_n3A_226, %eq3A_267 : i32
          %and3A_269 = arith.andi %lt3A_266, %eq3A_268 : i1
          %convert_element_type3A_270 = arith.extui %and3A_269 : i1 to i32
          %cond3A_271 = arith.constant 0 : i32
          %cond3A_272 = arith.cmpi ne, %convert_element_type3A_270, %cond3A_271 : i32
          scf.if %cond3A_272 {
            %add3A_283 = arith.constant 2 : i32
            %add3A_284 = arith.addi %while3A_209, %add3A_283 : i32
            %mul3A_285 = arith.constant 16 : i32
            %mul3A_286 = arith.muli %add3A_284, %mul3A_285 : i32
            %get3A_287 = arith.index_cast %mul3A_286 : i32 to index
            %get3A_288 = tpu.vector_load %arg9[%get3A_287] {strides = array<i32>} : memref<3264xi32, #tpu.memory_space<vmem>>, vector<16xi32>,
            %and3A_289 = vector.broadcast %scan3A_93 : i32 to vector<16xi32>
            %and3A_290 = arith.andi %get3A_288, %and3A_289 : vector<16xi32>
            %dma_start3A_291 = arith.constant 0 : i32
            %dma_start3A_292 = arith.constant 0 : i32
            %dma_start3A_293 = arith.constant 0 : i32
            %dma_start3A_294 = tpu.memref_slice %arg11[%dma_start3A_291, %dma_start3A_292, %dma_start3A_293] : memref<2x16x384xf32, #tpu.memory_space<vmem>> -> memref<1x16x384xf32, #tpu.memory_space<vmem>>
            %dma_start3A_295 = tpu.memref_squeeze %dma_start3A_294 : memref<1x16x384xf32, #tpu.memory_space<vmem>> -> memref<16x384xf32, #tpu.memory_space<vmem>>
            %dma_start3A_296 = arith.constant 0 : i32
            %dma_start3A_297 = arith.constant 0 : i32
            %dma_start3A_298 = tpu.memref_slice %arg2[%dma_start3A_296, %dma_start3A_297] : memref<10000x384xf32, #tpu.memory_space<hbm>> -> memref<10000x384xf32, #tpu.memory_space<hbm>>
            tpu.enqueue_indirect_dma source(%dma_start3A_298 : memref<10000x384xf32, #tpu.memory_space<hbm>>) target(%dma_start3A_295 : memref<16x384xf32, #tpu.memory_space<vmem>>) offsets(%and3A_290 : vector<16xi32>) semaphore(%arg18 : memref<!tpu.dma_semaphore, #tpu.memory_space<semaphore_mem>>)
          } else {
          }
          %add3A_273 = arith.constant 2 : i32
          %add3A_274 = arith.addi %while3A_209, %add3A_273 : i32
          %lt3A_275 = arith.cmpi slt, %add3A_274, %select_n3A_176 : i32
          %eq3A_276 = arith.constant 1 : i32
          %eq3A_277 = arith.cmpi eq, %select_n3A_226, %eq3A_276 : i32
          %and3A_278 = arith.andi %lt3A_275, %eq3A_277 : i1
          %convert_element_type3A_279 = arith.extui %and3A_278 : i1 to i32
          %cond3A_280 = arith.constant 0 : i32
          %cond3A_281 = arith.cmpi ne, %convert_element_type3A_279, %cond3A_280 : i32
          scf.if %cond3A_281 {
            %add3A_283 = arith.constant 2 : i32
            %add3A_284 = arith.addi %while3A_209, %add3A_283 : i32
            %mul3A_285 = arith.constant 16 : i32
            %mul3A_286 = arith.muli %add3A_284, %mul3A_285 : i32
            %get3A_287 = arith.index_cast %mul3A_286 : i32 to index
            %get3A_288 = tpu.vector_load %arg9[%get3A_287] {strides = array<i32>} : memref<3264xi32, #tpu.memory_space<vmem>>, vector<16xi32>,
            %and3A_289 = vector.broadcast %scan3A_93 : i32 to vector<16xi32>
            %and3A_290 = arith.andi %get3A_288, %and3A_289 : vector<16xi32>
            %dma_start3A_291 = arith.constant 1 : i32
            %dma_start3A_292 = arith.constant 0 : i32
            %dma_start3A_293 = arith.constant 0 : i32
            %dma_start3A_294 = tpu.memref_slice %arg11[%dma_start3A_291, %dma_start3A_292, %dma_start3A_293] : memref<2x16x384xf32, #tpu.memory_space<vmem>> -> memref<1x16x384xf32, #tpu.memory_space<vmem>>
            %dma_start3A_295 = tpu.memref_squeeze %dma_start3A_294 : memref<1x16x384xf32, #tpu.memory_space<vmem>> -> memref<16x384xf32, #tpu.memory_space<vmem>>
            %dma_start3A_296 = arith.constant 0 : i32
            %dma_start3A_297 = arith.constant 0 : i32
            %dma_start3A_298 = tpu.memref_slice %arg2[%dma_start3A_296, %dma_start3A_297] : memref<10000x384xf32, #tpu.memory_space<hbm>> -> memref<10000x384xf32, #tpu.memory_space<hbm>>
            tpu.enqueue_indirect_dma source(%dma_start3A_298 : memref<10000x384xf32, #tpu.memory_space<hbm>>) target(%dma_start3A_295 : memref<16x384xf32, #tpu.memory_space<vmem>>) offsets(%and3A_290 : vector<16xi32>) semaphore(%arg19 : memref<!tpu.dma_semaphore, #tpu.memory_space<semaphore_mem>>)
          } else {
          }
          %while3A_282 = arith.constant 0 : i32
          scf.yield %while3A_282 : i32
        }
      } else {
      }
      %scan3A_181 = arith.constant 0 : i32
      scf.yield %scan3A_181 : i32
    }
    %scan3A_100 = arith.constant 50 : i32
    %lt3A_101 = arith.constant 62 : i32
    %lt3A_102 = arith.cmpi slt, %add3A_60, %lt3A_101 : i32
    %convert_element_type3A_103 = arith.extui %lt3A_102 : i1 to i32
    %cond3A_104 = arith.constant 0 : i32
    %cond3A_105 = arith.cmpi ne, %convert_element_type3A_103, %cond3A_104 : i32
    scf.if %cond3A_105 {
      "tpu.region"() ({
        %run_scoped3A = tpu.sem_alloc : memref<!tpu.dma_semaphore, #tpu.memory_space<semaphore_mem>>
        %dma_start3A_111 = arith.constant 0 : i32
        %dma_start3A_112 = arith.constant 0 : i32
        %dma_start3A_113 = tpu.memref_slice %arg14[%dma_start3A_111, %dma_start3A_112] : memref<161x256xf32, #tpu.memory_space<vmem>> -> memref<160x256xf32, #tpu.memory_space<vmem>>
        %dma_start3A_114 = arith.constant 0 : i32
        %dma_start3A_115 = tpu.memref_slice %arg5[%mul3A_62, %dma_start3A_114] : memref<10000x256xf32, #tpu.memory_space<hbm>> -> memref<160x256xf32, #tpu.memory_space<hbm>>
        %dma_start3A_116 = arith.constant 0 : i32
        %dma_start3A_117 = tpu.memref_slice %arg5[%mul3A_62, %dma_start3A_116] : memref<10000x256xf32, #tpu.memory_space<hbm>> -> memref<160x256xf32, #tpu.memory_space<hbm>>
        %dma_start3A_118 = arith.constant 0 : i32
        %dma_start3A_119 = arith.constant 0 : i32
        %dma_start3A_120 = tpu.memref_slice %arg14[%dma_start3A_118, %dma_start3A_119] : memref<161x256xf32, #tpu.memory_space<vmem>> -> memref<160x256xf32, #tpu.memory_space<vmem>>
        tpu.enqueue_dma source(%dma_start3A_120 : memref<160x256xf32, #tpu.memory_space<vmem>>) target(%dma_start3A_117 : memref<160x256xf32, #tpu.memory_space<hbm>>) target_semaphore(%run_scoped3A : memref<!tpu.dma_semaphore, #tpu.memory_space<semaphore_mem>>)
        %dma_wait3A = arith.constant 0 : i32
        %dma_wait3A_121 = arith.constant 0 : i32
        %dma_wait3A_122 = tpu.memref_slice %arg14[%dma_wait3A, %dma_wait3A_121] : memref<161x256xf32, #tpu.memory_space<vmem>> -> memref<160x256xf32, #tpu.memory_space<vmem>>
        %dma_wait3A_123 = arith.constant 0 : i32
        %dma_wait3A_124 = tpu.memref_slice %arg5[%mul3A_62, %dma_wait3A_123] : memref<10000x256xf32, #tpu.memory_space<hbm>> -> memref<160x256xf32, #tpu.memory_space<hbm>>
        %dma_wait3A_125 = arith.constant 0 : i32
        %dma_wait3A_126 = tpu.memref_slice %arg5[%mul3A_62, %dma_wait3A_125] : memref<10000x256xf32, #tpu.memory_space<hbm>> -> memref<160x256xf32, #tpu.memory_space<hbm>>
        %dma_wait3A_127 = arith.constant 0 : i32
        %dma_wait3A_128 = arith.constant 0 : i32
        %dma_wait3A_129 = tpu.memref_slice %arg14[%dma_wait3A_127, %dma_wait3A_128] : memref<161x256xf32, #tpu.memory_space<vmem>> -> memref<160x256xf32, #tpu.memory_space<vmem>>
        tpu.wait_dma2 semaphore(%run_scoped3A : memref<!tpu.dma_semaphore, #tpu.memory_space<semaphore_mem>>) src(%dma_wait3A_129 : memref<160x256xf32, #tpu.memory_space<vmem>>) dst(%dma_wait3A_126 : memref<160x256xf32, #tpu.memory_space<hbm>>)
        tpu.yield
      }) : () -> ()
      "tpu.region"() ({
        %run_scoped3A = tpu.sem_alloc : memref<!tpu.dma_semaphore, #tpu.memory_space<semaphore_mem>>
        %dma_start3A_111 = arith.constant 0 : i32
        %dma_start3A_112 = arith.constant 0 : i32
        %dma_start3A_113 = tpu.memref_slice %arg15[%dma_start3A_111, %dma_start3A_112] : memref<161x256xf32, #tpu.memory_space<vmem>> -> memref<160x256xf32, #tpu.memory_space<vmem>>
        %dma_start3A_114 = arith.constant 0 : i32
        %dma_start3A_115 = tpu.memref_slice %arg6[%mul3A_62, %dma_start3A_114] : memref<10000x256xf32, #tpu.memory_space<hbm>> -> memref<160x256xf32, #tpu.memory_space<hbm>>
        %dma_start3A_116 = arith.constant 0 : i32
        %dma_start3A_117 = tpu.memref_slice %arg6[%mul3A_62, %dma_start3A_116] : memref<10000x256xf32, #tpu.memory_space<hbm>> -> memref<160x256xf32, #tpu.memory_space<hbm>>
        %dma_start3A_118 = arith.constant 0 : i32
        %dma_start3A_119 = arith.constant 0 : i32
        %dma_start3A_120 = tpu.memref_slice %arg15[%dma_start3A_118, %dma_start3A_119] : memref<161x256xf32, #tpu.memory_space<vmem>> -> memref<160x256xf32, #tpu.memory_space<vmem>>
        tpu.enqueue_dma source(%dma_start3A_120 : memref<160x256xf32, #tpu.memory_space<vmem>>) target(%dma_start3A_117 : memref<160x256xf32, #tpu.memory_space<hbm>>) target_semaphore(%run_scoped3A : memref<!tpu.dma_semaphore, #tpu.memory_space<semaphore_mem>>)
        %dma_wait3A = arith.constant 0 : i32
        %dma_wait3A_121 = arith.constant 0 : i32
        %dma_wait3A_122 = tpu.memref_slice %arg15[%dma_wait3A, %dma_wait3A_121] : memref<161x256xf32, #tpu.memory_space<vmem>> -> memref<160x256xf32, #tpu.memory_space<vmem>>
        %dma_wait3A_123 = arith.constant 0 : i32
        %dma_wait3A_124 = tpu.memref_slice %arg6[%mul3A_62, %dma_wait3A_123] : memref<10000x256xf32, #tpu.memory_space<hbm>> -> memref<160x256xf32, #tpu.memory_space<hbm>>
        %dma_wait3A_125 = arith.constant 0 : i32
        %dma_wait3A_126 = tpu.memref_slice %arg6[%mul3A_62, %dma_wait3A_125] : memref<10000x256xf32, #tpu.memory_space<hbm>> -> memref<160x256xf32, #tpu.memory_space<hbm>>
        %dma_wait3A_127 = arith.constant 0 : i32
        %dma_wait3A_128 = arith.constant 0 : i32
        %dma_wait3A_129 = tpu.memref_slice %arg15[%dma_wait3A_127, %dma_wait3A_128] : memref<161x256xf32, #tpu.memory_space<vmem>> -> memref<160x256xf32, #tpu.memory_space<vmem>>
        tpu.wait_dma2 semaphore(%run_scoped3A : memref<!tpu.dma_semaphore, #tpu.memory_space<semaphore_mem>>) src(%dma_wait3A_129 : memref<160x256xf32, #tpu.memory_space<vmem>>) dst(%dma_wait3A_126 : memref<160x256xf32, #tpu.memory_space<hbm>>)
        tpu.yield
      }) : () -> ()
      "tpu.region"() ({
        %run_scoped3A = tpu.sem_alloc : memref<!tpu.dma_semaphore, #tpu.memory_space<semaphore_mem>>
        %dma_start3A_111 = arith.constant 0 : i32
        %dma_start3A_112 = tpu.memref_slice %arg16[%dma_start3A_111] : memref<176xf32, #tpu.memory_space<vmem>> -> memref<160xf32, #tpu.memory_space<vmem>>
        %dma_start3A_113 = tpu.memref_slice %arg7[%mul3A_62] : memref<10000xf32, #tpu.memory_space<hbm>> -> memref<160xf32, #tpu.memory_space<hbm>>
        %dma_start3A_114 = tpu.memref_slice %arg7[%mul3A_62] : memref<10000xf32, #tpu.memory_space<hbm>> -> memref<160xf32, #tpu.memory_space<hbm>>
        %dma_start3A_115 = arith.constant 0 : i32
        %dma_start3A_116 = tpu.memref_slice %arg16[%dma_start3A_115] : memref<176xf32, #tpu.memory_space<vmem>> -> memref<160xf32, #tpu.memory_space<vmem>>
        tpu.enqueue_dma source(%dma_start3A_116 : memref<160xf32, #tpu.memory_space<vmem>>) target(%dma_start3A_114 : memref<160xf32, #tpu.memory_space<hbm>>) target_semaphore(%run_scoped3A : memref<!tpu.dma_semaphore, #tpu.memory_space<semaphore_mem>>)
        %dma_wait3A = arith.constant 0 : i32
        %dma_wait3A_117 = tpu.memref_slice %arg16[%dma_wait3A] : memref<176xf32, #tpu.memory_space<vmem>> -> memref<160xf32, #tpu.memory_space<vmem>>
        %dma_wait3A_118 = tpu.memref_slice %arg7[%mul3A_62] : memref<10000xf32, #tpu.memory_space<hbm>> -> memref<160xf32, #tpu.memory_space<hbm>>
        %dma_wait3A_119 = tpu.memref_slice %arg7[%mul3A_62] : memref<10000xf32, #tpu.memory_space<hbm>> -> memref<160xf32, #tpu.memory_space<hbm>>
        %dma_wait3A_120 = arith.constant 0 : i32
        %dma_wait3A_121 = tpu.memref_slice %arg16[%dma_wait3A_120] : memref<176xf32, #tpu.memory_space<vmem>> -> memref<160xf32, #tpu.memory_space<vmem>>
        tpu.wait_dma2 semaphore(%run_scoped3A : memref<!tpu.dma_semaphore, #tpu.memory_space<semaphore_mem>>) src(%dma_wait3A_121 : memref<160xf32, #tpu.memory_space<vmem>>) dst(%dma_wait3A_119 : memref<160xf32, #tpu.memory_space<hbm>>)
        tpu.yield
      }) : () -> ()
    } else {
    }
    %eq3A_106 = arith.constant 62 : i32
    %eq3A_107 = arith.cmpi eq, %add3A_60, %eq3A_106 : i32
    %convert_element_type3A_108 = arith.extui %eq3A_107 : i1 to i32
    %cond3A_109 = arith.constant 0 : i32
    %cond3A_110 = arith.cmpi ne, %convert_element_type3A_108, %cond3A_109 : i32
    scf.if %cond3A_110 {
      "tpu.region"() ({
        %run_scoped3A = tpu.sem_alloc : memref<!tpu.dma_semaphore, #tpu.memory_space<semaphore_mem>>
        %dma_start3A_111 = arith.constant 0 : i32
        %dma_start3A_112 = arith.constant 0 : i32
        %dma_start3A_113 = tpu.memref_slice %arg14[%dma_start3A_111, %dma_start3A_112] : memref<161x256xf32, #tpu.memory_space<vmem>> -> memref<80x256xf32, #tpu.memory_space<vmem>>
        %dma_start3A_114 = arith.constant 0 : i32
        %dma_start3A_115 = tpu.memref_slice %arg5[%mul3A_62, %dma_start3A_114] : memref<10000x256xf32, #tpu.memory_space<hbm>> -> memref<80x256xf32, #tpu.memory_space<hbm>>
        %dma_start3A_116 = arith.constant 0 : i32
        %dma_start3A_117 = tpu.memref_slice %arg5[%mul3A_62, %dma_start3A_116] : memref<10000x256xf32, #tpu.memory_space<hbm>> -> memref<80x256xf32, #tpu.memory_space<hbm>>
        %dma_start3A_118 = arith.constant 0 : i32
        %dma_start3A_119 = arith.constant 0 : i32
        %dma_start3A_120 = tpu.memref_slice %arg14[%dma_start3A_118, %dma_start3A_119] : memref<161x256xf32, #tpu.memory_space<vmem>> -> memref<80x256xf32, #tpu.memory_space<vmem>>
        tpu.enqueue_dma source(%dma_start3A_120 : memref<80x256xf32, #tpu.memory_space<vmem>>) target(%dma_start3A_117 : memref<80x256xf32, #tpu.memory_space<hbm>>) target_semaphore(%run_scoped3A : memref<!tpu.dma_semaphore, #tpu.memory_space<semaphore_mem>>)
        %dma_wait3A = arith.constant 0 : i32
        %dma_wait3A_121 = arith.constant 0 : i32
        %dma_wait3A_122 = tpu.memref_slice %arg14[%dma_wait3A, %dma_wait3A_121] : memref<161x256xf32, #tpu.memory_space<vmem>> -> memref<80x256xf32, #tpu.memory_space<vmem>>
        %dma_wait3A_123 = arith.constant 0 : i32
        %dma_wait3A_124 = tpu.memref_slice %arg5[%mul3A_62, %dma_wait3A_123] : memref<10000x256xf32, #tpu.memory_space<hbm>> -> memref<80x256xf32, #tpu.memory_space<hbm>>
        %dma_wait3A_125 = arith.constant 0 : i32
        %dma_wait3A_126 = tpu.memref_slice %arg5[%mul3A_62, %dma_wait3A_125] : memref<10000x256xf32, #tpu.memory_space<hbm>> -> memref<80x256xf32, #tpu.memory_space<hbm>>
        %dma_wait3A_127 = arith.constant 0 : i32
        %dma_wait3A_128 = arith.constant 0 : i32
        %dma_wait3A_129 = tpu.memref_slice %arg14[%dma_wait3A_127, %dma_wait3A_128] : memref<161x256xf32, #tpu.memory_space<vmem>> -> memref<80x256xf32, #tpu.memory_space<vmem>>
        tpu.wait_dma2 semaphore(%run_scoped3A : memref<!tpu.dma_semaphore, #tpu.memory_space<semaphore_mem>>) src(%dma_wait3A_129 : memref<80x256xf32, #tpu.memory_space<vmem>>) dst(%dma_wait3A_126 : memref<80x256xf32, #tpu.memory_space<hbm>>)
        tpu.yield
      }) : () -> ()
      "tpu.region"() ({
        %run_scoped3A = tpu.sem_alloc : memref<!tpu.dma_semaphore, #tpu.memory_space<semaphore_mem>>
        %dma_start3A_111 = arith.constant 0 : i32
        %dma_start3A_112 = arith.constant 0 : i32
        %dma_start3A_113 = tpu.memref_slice %arg15[%dma_start3A_111, %dma_start3A_112] : memref<161x256xf32, #tpu.memory_space<vmem>> -> memref<80x256xf32, #tpu.memory_space<vmem>>
        %dma_start3A_114 = arith.constant 0 : i32
        %dma_start3A_115 = tpu.memref_slice %arg6[%mul3A_62, %dma_start3A_114] : memref<10000x256xf32, #tpu.memory_space<hbm>> -> memref<80x256xf32, #tpu.memory_space<hbm>>
        %dma_start3A_116 = arith.constant 0 : i32
        %dma_start3A_117 = tpu.memref_slice %arg6[%mul3A_62, %dma_start3A_116] : memref<10000x256xf32, #tpu.memory_space<hbm>> -> memref<80x256xf32, #tpu.memory_space<hbm>>
        %dma_start3A_118 = arith.constant 0 : i32
        %dma_start3A_119 = arith.constant 0 : i32
        %dma_start3A_120 = tpu.memref_slice %arg15[%dma_start3A_118, %dma_start3A_119] : memref<161x256xf32, #tpu.memory_space<vmem>> -> memref<80x256xf32, #tpu.memory_space<vmem>>
        tpu.enqueue_dma source(%dma_start3A_120 : memref<80x256xf32, #tpu.memory_space<vmem>>) target(%dma_start3A_117 : memref<80x256xf32, #tpu.memory_space<hbm>>) target_semaphore(%run_scoped3A : memref<!tpu.dma_semaphore, #tpu.memory_space<semaphore_mem>>)
        %dma_wait3A = arith.constant 0 : i32
        %dma_wait3A_121 = arith.constant 0 : i32
        %dma_wait3A_122 = tpu.memref_slice %arg15[%dma_wait3A, %dma_wait3A_121] : memref<161x256xf32, #tpu.memory_space<vmem>> -> memref<80x256xf32, #tpu.memory_space<vmem>>
        %dma_wait3A_123 = arith.constant 0 : i32
        %dma_wait3A_124 = tpu.memref_slice %arg6[%mul3A_62, %dma_wait3A_123] : memref<10000x256xf32, #tpu.memory_space<hbm>> -> memref<80x256xf32, #tpu.memory_space<hbm>>
        %dma_wait3A_125 = arith.constant 0 : i32
        %dma_wait3A_126 = tpu.memref_slice %arg6[%mul3A_62, %dma_wait3A_125] : memref<10000x256xf32, #tpu.memory_space<hbm>> -> memref<80x256xf32, #tpu.memory_space<hbm>>
        %dma_wait3A_127 = arith.constant 0 : i32
        %dma_wait3A_128 = arith.constant 0 : i32
        %dma_wait3A_129 = tpu.memref_slice %arg15[%dma_wait3A_127, %dma_wait3A_128] : memref<161x256xf32, #tpu.memory_space<vmem>> -> memref<80x256xf32, #tpu.memory_space<vmem>>
        tpu.wait_dma2 semaphore(%run_scoped3A : memref<!tpu.dma_semaphore, #tpu.memory_space<semaphore_mem>>) src(%dma_wait3A_129 : memref<80x256xf32, #tpu.memory_space<vmem>>) dst(%dma_wait3A_126 : memref<80x256xf32, #tpu.memory_space<hbm>>)
        tpu.yield
      }) : () -> ()
      "tpu.region"() ({
        %run_scoped3A = tpu.sem_alloc : memref<!tpu.dma_semaphore, #tpu.memory_space<semaphore_mem>>
        %dma_start3A_111 = arith.constant 0 : i32
        %dma_start3A_112 = tpu.memref_slice %arg16[%dma_start3A_111] : memref<176xf32, #tpu.memory_space<vmem>> -> memref<80xf32, #tpu.memory_space<vmem>>
        %dma_start3A_113 = tpu.memref_slice %arg7[%mul3A_62] : memref<10000xf32, #tpu.memory_space<hbm>> -> memref<80xf32, #tpu.memory_space<hbm>>
        %dma_start3A_114 = tpu.memref_slice %arg7[%mul3A_62] : memref<10000xf32, #tpu.memory_space<hbm>> -> memref<80xf32, #tpu.memory_space<hbm>>
        %dma_start3A_115 = arith.constant 0 : i32
        %dma_start3A_116 = tpu.memref_slice %arg16[%dma_start3A_115] : memref<176xf32, #tpu.memory_space<vmem>> -> memref<80xf32, #tpu.memory_space<vmem>>
        tpu.enqueue_dma source(%dma_start3A_116 : memref<80xf32, #tpu.memory_space<vmem>>) target(%dma_start3A_114 : memref<80xf32, #tpu.memory_space<hbm>>) target_semaphore(%run_scoped3A : memref<!tpu.dma_semaphore, #tpu.memory_space<semaphore_mem>>)
        %dma_wait3A = arith.constant 0 : i32
        %dma_wait3A_117 = tpu.memref_slice %arg16[%dma_wait3A] : memref<176xf32, #tpu.memory_space<vmem>> -> memref<80xf32, #tpu.memory_space<vmem>>
        %dma_wait3A_118 = tpu.memref_slice %arg7[%mul3A_62] : memref<10000xf32, #tpu.memory_space<hbm>> -> memref<80xf32, #tpu.memory_space<hbm>>
        %dma_wait3A_119 = tpu.memref_slice %arg7[%mul3A_62] : memref<10000xf32, #tpu.memory_space<hbm>> -> memref<80xf32, #tpu.memory_space<hbm>>
        %dma_wait3A_120 = arith.constant 0 : i32
        %dma_wait3A_121 = tpu.memref_slice %arg16[%dma_wait3A_120] : memref<176xf32, #tpu.memory_space<vmem>> -> memref<80xf32, #tpu.memory_space<vmem>>
        tpu.wait_dma2 semaphore(%run_scoped3A : memref<!tpu.dma_semaphore, #tpu.memory_space<semaphore_mem>>) src(%dma_wait3A_121 : memref<80xf32, #tpu.memory_space<vmem>>) dst(%dma_wait3A_119 : memref<80xf32, #tpu.memory_space<hbm>>)
        tpu.yield
      }) : () -> ()
    } else {
    }
    return
  }
}

module attributes {stable_mosaic.version = 14 : i64} {
  func.func @_spatial_body(%arg0: i32, %arg1: memref<1000x256xf32, #tpu.memory_space<vmem>>, %arg2: memref<256x256xf32, #tpu.memory_space<vmem>>, %arg3: memref<256xf32, #tpu.memory_space<vmem>>, %arg4: memref<256xf32, #tpu.memory_space<vmem>>, %arg5: memref<256xf32, #tpu.memory_space<vmem>>, %arg6: memref<256x256xf32, #tpu.memory_space<vmem>>, %arg7: memref<256xf32, #tpu.memory_space<vmem>>, %arg8: memref<256xf32, #tpu.memory_space<vmem>>, %arg9: memref<256xf32, #tpu.memory_space<vmem>>, %arg10: memref<256x256xf32, #tpu.memory_space<vmem>>, %arg11: memref<256xf32, #tpu.memory_space<vmem>>, %arg12: memref<256xf32, #tpu.memory_space<vmem>>, %arg13: memref<256xf32, #tpu.memory_space<vmem>>, %arg14: memref<256x16xf32, #tpu.memory_space<vmem>>, %arg15: memref<16xf32, #tpu.memory_space<vmem>>, %arg16: memref<1000x16xf32, #tpu.memory_space<vmem>>) attributes {dimension_semantics = [#tpu.dimension_semantics<arbitrary>], iteration_bounds = array<i64: 10>, scalar_prefetch = 0 : i64, scratch_operands = 0 : i64, tpu.core_type = #tpu.core_type<tc>, window_params = [{transform_indices = @transform_0, window_bounds = array<i64: 1000, 256>}, {pipeline_mode = #tpu.pipeline_mode<synchronous>, transform_indices = @transform_1, window_bounds = array<i64: 256, 256>}, {pipeline_mode = #tpu.pipeline_mode<synchronous>, transform_indices = @transform_2, window_bounds = array<i64: 256>}, {pipeline_mode = #tpu.pipeline_mode<synchronous>, transform_indices = @transform_3, window_bounds = array<i64: 256>}, {pipeline_mode = #tpu.pipeline_mode<synchronous>, transform_indices = @transform_4, window_bounds = array<i64: 256>}, {pipeline_mode = #tpu.pipeline_mode<synchronous>, transform_indices = @transform_5, window_bounds = array<i64: 256, 256>}, {pipeline_mode = #tpu.pipeline_mode<synchronous>, transform_indices = @transform_6, window_bounds = array<i64: 256>}, {pipeline_mode = #tpu.pipeline_mode<synchronous>, transform_indices = @transform_7, window_bounds = array<i64: 256>}, {pipeline_mode = #tpu.pipeline_mode<synchronous>, transform_indices = @transform_8, window_bounds = array<i64: 256>}, {pipeline_mode = #tpu.pipeline_mode<synchronous>, transform_indices = @transform_9, window_bounds = array<i64: 256, 256>}, {pipeline_mode = #tpu.pipeline_mode<synchronous>, transform_indices = @transform_10, window_bounds = array<i64: 256>}, {pipeline_mode = #tpu.pipeline_mode<synchronous>, transform_indices = @transform_11, window_bounds = array<i64: 256>}, {pipeline_mode = #tpu.pipeline_mode<synchronous>, transform_indices = @transform_12, window_bounds = array<i64: 256>}, {pipeline_mode = #tpu.pipeline_mode<synchronous>, transform_indices = @transform_13, window_bounds = array<i64: 256, 16>}, {pipeline_mode = #tpu.pipeline_mode<synchronous>, transform_indices = @transform_14, window_bounds = array<i64: 16>}, {transform_indices = @transform_15, window_bounds = array<i64: 1000, 16>}]} {
    %get3A = arith.constant 0 : index
    %get3A_0 = arith.constant 0 : index
    %get3A_1 = vector.load %arg1[%get3A, %get3A_0] : memref<1000x256xf32, #tpu.memory_space<vmem>>, vector<1000x256xf32>
    %get3A_2 = arith.constant 0 : index
    %get3A_3 = arith.constant 0 : index
    %get3A_4 = vector.load %arg2[%get3A_2, %get3A_3] : memref<256x256xf32, #tpu.memory_space<vmem>>, vector<256x256xf32>
    %dot_general3A = arith.constant dense<0.000000e+00> : vector<1000x256xf32>
    %dot_general3A_5 = tpu.matmul %get3A_1, %get3A_4, %dot_general3A {dimension_numbers = #tpu.dot_dimension_numbers<[1], [0], [0], [1], [0, 0, 1, 1], [], []>, transpose_lhs_hint = false} : vector<1000x256xf32>, vector<256x256xf32>, vector<1000x256xf32> -> vector<1000x256xf32>
    %get3A_6 = arith.constant 0 : index
    %get3A_7 = vector.load %arg3[%get3A_6] : memref<256xf32, #tpu.memory_space<vmem>>, vector<256xf32>
    %broadcast_in_dim3A = vector.shape_cast %get3A_7 : vector<256xf32> to vector<1x256xf32>
    %add3A = vector.broadcast %broadcast_in_dim3A : vector<1x256xf32> to vector<1000x256xf32>
    %add3A_8 = arith.addf %dot_general3A_5, %add3A : vector<1000x256xf32>
    %get3A_9 = arith.constant 0 : index
    %get3A_10 = vector.load %arg4[%get3A_9] : memref<256xf32, #tpu.memory_space<vmem>>, vector<256xf32>
    %get3A_11 = arith.constant 0 : index
    %get3A_12 = vector.load %arg5[%get3A_11] : memref<256xf32, #tpu.memory_space<vmem>>, vector<256xf32>
    %reduce_sum3A = arith.constant dense<0.000000e+00> : vector<1000xf32>
    %reduce_sum3A_13 = vector.multi_reduction <add>, %add3A_8, %reduce_sum3A [1] : vector<1000x256xf32> to vector<1000xf32>
    %broadcast_in_dim3A_14 = vector.shape_cast %reduce_sum3A_13 : vector<1000xf32> to vector<1000x1xf32>
    %div3A = arith.constant 2.560000e+02 : f32
    %div3A_15 = vector.broadcast %div3A : f32 to vector<1000x1xf32>
    %div3A_16 = arith.divf %broadcast_in_dim3A_14, %div3A_15 : vector<1000x1xf32>
    %sub3A = vector.broadcast %div3A_16 : vector<1000x1xf32> to vector<1000x256xf32>
    %sub3A_17 = arith.subf %add3A_8, %sub3A : vector<1000x256xf32>
    %integer_pow3A = arith.mulf %sub3A_17, %sub3A_17 : vector<1000x256xf32>
    %reduce_sum3A_18 = arith.constant dense<0.000000e+00> : vector<1000xf32>
    %reduce_sum3A_19 = vector.multi_reduction <add>, %integer_pow3A, %reduce_sum3A_18 [1] : vector<1000x256xf32> to vector<1000xf32>
    %broadcast_in_dim3A_20 = vector.shape_cast %reduce_sum3A_19 : vector<1000xf32> to vector<1000x1xf32>
    %div3A_21 = arith.constant 2.560000e+02 : f32
    %div3A_22 = vector.broadcast %div3A_21 : f32 to vector<1000x1xf32>
    %div3A_23 = arith.divf %broadcast_in_dim3A_20, %div3A_22 : vector<1000x1xf32>
    %sub3A_24 = vector.broadcast %div3A_16 : vector<1000x1xf32> to vector<1000x256xf32>
    %sub3A_25 = arith.subf %add3A_8, %sub3A_24 : vector<1000x256xf32>
    %add3A_26 = arith.constant 9.99999974E-6 : f32
    %add3A_27 = vector.broadcast %add3A_26 : f32 to vector<1000x1xf32>
    %add3A_28 = arith.addf %div3A_23, %add3A_27 : vector<1000x1xf32>
    %rsqrt3A = math.rsqrt %add3A_28 : vector<1000x1xf32>
    %mul3A = vector.broadcast %rsqrt3A : vector<1000x1xf32> to vector<1000x256xf32>
    %mul3A_29 = arith.mulf %sub3A_25, %mul3A : vector<1000x256xf32>
    %broadcast_in_dim3A_30 = vector.shape_cast %get3A_10 : vector<256xf32> to vector<1x256xf32>
    %mul3A_31 = vector.broadcast %broadcast_in_dim3A_30 : vector<1x256xf32> to vector<1000x256xf32>
    %mul3A_32 = arith.mulf %mul3A_29, %mul3A_31 : vector<1000x256xf32>
    %broadcast_in_dim3A_33 = vector.shape_cast %get3A_12 : vector<256xf32> to vector<1x256xf32>
    %add3A_34 = vector.broadcast %broadcast_in_dim3A_33 : vector<1x256xf32> to vector<1000x256xf32>
    %add3A_35 = arith.addf %mul3A_32, %add3A_34 : vector<1000x256xf32>
    %tanh3A = math.tanh %add3A_35 : vector<1000x256xf32>
    %get3A_36 = arith.constant 0 : index
    %get3A_37 = arith.constant 0 : index
    %get3A_38 = vector.load %arg6[%get3A_36, %get3A_37] : memref<256x256xf32, #tpu.memory_space<vmem>>, vector<256x256xf32>
    %dot_general3A_39 = arith.constant dense<0.000000e+00> : vector<1000x256xf32>
    %dot_general3A_40 = tpu.matmul %tanh3A, %get3A_38, %dot_general3A_39 {dimension_numbers = #tpu.dot_dimension_numbers<[1], [0], [0], [1], [0, 0, 1, 1], [], []>, transpose_lhs_hint = false} : vector<1000x256xf32>, vector<256x256xf32>, vector<1000x256xf32> -> vector<1000x256xf32>
    %get3A_41 = arith.constant 0 : index
    %get3A_42 = vector.load %arg7[%get3A_41] : memref<256xf32, #tpu.memory_space<vmem>>, vector<256xf32>
    %broadcast_in_dim3A_43 = vector.shape_cast %get3A_42 : vector<256xf32> to vector<1x256xf32>
    %add3A_44 = vector.broadcast %broadcast_in_dim3A_43 : vector<1x256xf32> to vector<1000x256xf32>
    %add3A_45 = arith.addf %dot_general3A_40, %add3A_44 : vector<1000x256xf32>
    %get3A_46 = arith.constant 0 : index
    %get3A_47 = vector.load %arg8[%get3A_46] : memref<256xf32, #tpu.memory_space<vmem>>, vector<256xf32>
    %get3A_48 = arith.constant 0 : index
    %get3A_49 = vector.load %arg9[%get3A_48] : memref<256xf32, #tpu.memory_space<vmem>>, vector<256xf32>
    %reduce_sum3A_50 = arith.constant dense<0.000000e+00> : vector<1000xf32>
    %reduce_sum3A_51 = vector.multi_reduction <add>, %add3A_45, %reduce_sum3A_50 [1] : vector<1000x256xf32> to vector<1000xf32>
    %broadcast_in_dim3A_52 = vector.shape_cast %reduce_sum3A_51 : vector<1000xf32> to vector<1000x1xf32>
    %div3A_53 = arith.constant 2.560000e+02 : f32
    %div3A_54 = vector.broadcast %div3A_53 : f32 to vector<1000x1xf32>
    %div3A_55 = arith.divf %broadcast_in_dim3A_52, %div3A_54 : vector<1000x1xf32>
    %sub3A_56 = vector.broadcast %div3A_55 : vector<1000x1xf32> to vector<1000x256xf32>
    %sub3A_57 = arith.subf %add3A_45, %sub3A_56 : vector<1000x256xf32>
    %integer_pow3A_58 = arith.mulf %sub3A_57, %sub3A_57 : vector<1000x256xf32>
    %reduce_sum3A_59 = arith.constant dense<0.000000e+00> : vector<1000xf32>
    %reduce_sum3A_60 = vector.multi_reduction <add>, %integer_pow3A_58, %reduce_sum3A_59 [1] : vector<1000x256xf32> to vector<1000xf32>
    %broadcast_in_dim3A_61 = vector.shape_cast %reduce_sum3A_60 : vector<1000xf32> to vector<1000x1xf32>
    %div3A_62 = arith.constant 2.560000e+02 : f32
    %div3A_63 = vector.broadcast %div3A_62 : f32 to vector<1000x1xf32>
    %div3A_64 = arith.divf %broadcast_in_dim3A_61, %div3A_63 : vector<1000x1xf32>
    %sub3A_65 = vector.broadcast %div3A_55 : vector<1000x1xf32> to vector<1000x256xf32>
    %sub3A_66 = arith.subf %add3A_45, %sub3A_65 : vector<1000x256xf32>
    %add3A_67 = arith.constant 9.99999974E-6 : f32
    %add3A_68 = vector.broadcast %add3A_67 : f32 to vector<1000x1xf32>
    %add3A_69 = arith.addf %div3A_64, %add3A_68 : vector<1000x1xf32>
    %rsqrt3A_70 = math.rsqrt %add3A_69 : vector<1000x1xf32>
    %mul3A_71 = vector.broadcast %rsqrt3A_70 : vector<1000x1xf32> to vector<1000x256xf32>
    %mul3A_72 = arith.mulf %sub3A_66, %mul3A_71 : vector<1000x256xf32>
    %broadcast_in_dim3A_73 = vector.shape_cast %get3A_47 : vector<256xf32> to vector<1x256xf32>
    %mul3A_74 = vector.broadcast %broadcast_in_dim3A_73 : vector<1x256xf32> to vector<1000x256xf32>
    %mul3A_75 = arith.mulf %mul3A_72, %mul3A_74 : vector<1000x256xf32>
    %broadcast_in_dim3A_76 = vector.shape_cast %get3A_49 : vector<256xf32> to vector<1x256xf32>
    %add3A_77 = vector.broadcast %broadcast_in_dim3A_76 : vector<1x256xf32> to vector<1000x256xf32>
    %add3A_78 = arith.addf %mul3A_75, %add3A_77 : vector<1000x256xf32>
    %tanh3A_79 = math.tanh %add3A_78 : vector<1000x256xf32>
    %get3A_80 = arith.constant 0 : index
    %get3A_81 = arith.constant 0 : index
    %get3A_82 = vector.load %arg10[%get3A_80, %get3A_81] : memref<256x256xf32, #tpu.memory_space<vmem>>, vector<256x256xf32>
    %dot_general3A_83 = arith.constant dense<0.000000e+00> : vector<1000x256xf32>
    %dot_general3A_84 = tpu.matmul %tanh3A_79, %get3A_82, %dot_general3A_83 {dimension_numbers = #tpu.dot_dimension_numbers<[1], [0], [0], [1], [0, 0, 1, 1], [], []>, transpose_lhs_hint = false} : vector<1000x256xf32>, vector<256x256xf32>, vector<1000x256xf32> -> vector<1000x256xf32>
    %get3A_85 = arith.constant 0 : index
    %get3A_86 = vector.load %arg11[%get3A_85] : memref<256xf32, #tpu.memory_space<vmem>>, vector<256xf32>
    %broadcast_in_dim3A_87 = vector.shape_cast %get3A_86 : vector<256xf32> to vector<1x256xf32>
    %add3A_88 = vector.broadcast %broadcast_in_dim3A_87 : vector<1x256xf32> to vector<1000x256xf32>
    %add3A_89 = arith.addf %dot_general3A_84, %add3A_88 : vector<1000x256xf32>
    %get3A_90 = arith.constant 0 : index
    %get3A_91 = vector.load %arg12[%get3A_90] : memref<256xf32, #tpu.memory_space<vmem>>, vector<256xf32>
    %get3A_92 = arith.constant 0 : index
    %get3A_93 = vector.load %arg13[%get3A_92] : memref<256xf32, #tpu.memory_space<vmem>>, vector<256xf32>
    %reduce_sum3A_94 = arith.constant dense<0.000000e+00> : vector<1000xf32>
    %reduce_sum3A_95 = vector.multi_reduction <add>, %add3A_89, %reduce_sum3A_94 [1] : vector<1000x256xf32> to vector<1000xf32>
    %broadcast_in_dim3A_96 = vector.shape_cast %reduce_sum3A_95 : vector<1000xf32> to vector<1000x1xf32>
    %div3A_97 = arith.constant 2.560000e+02 : f32
    %div3A_98 = vector.broadcast %div3A_97 : f32 to vector<1000x1xf32>
    %div3A_99 = arith.divf %broadcast_in_dim3A_96, %div3A_98 : vector<1000x1xf32>
    %sub3A_100 = vector.broadcast %div3A_99 : vector<1000x1xf32> to vector<1000x256xf32>
    %sub3A_101 = arith.subf %add3A_89, %sub3A_100 : vector<1000x256xf32>
    %integer_pow3A_102 = arith.mulf %sub3A_101, %sub3A_101 : vector<1000x256xf32>
    %reduce_sum3A_103 = arith.constant dense<0.000000e+00> : vector<1000xf32>
    %reduce_sum3A_104 = vector.multi_reduction <add>, %integer_pow3A_102, %reduce_sum3A_103 [1] : vector<1000x256xf32> to vector<1000xf32>
    %broadcast_in_dim3A_105 = vector.shape_cast %reduce_sum3A_104 : vector<1000xf32> to vector<1000x1xf32>
    %div3A_106 = arith.constant 2.560000e+02 : f32
    %div3A_107 = vector.broadcast %div3A_106 : f32 to vector<1000x1xf32>
    %div3A_108 = arith.divf %broadcast_in_dim3A_105, %div3A_107 : vector<1000x1xf32>
    %sub3A_109 = vector.broadcast %div3A_99 : vector<1000x1xf32> to vector<1000x256xf32>
    %sub3A_110 = arith.subf %add3A_89, %sub3A_109 : vector<1000x256xf32>
    %add3A_111 = arith.constant 9.99999974E-6 : f32
    %add3A_112 = vector.broadcast %add3A_111 : f32 to vector<1000x1xf32>
    %add3A_113 = arith.addf %div3A_108, %add3A_112 : vector<1000x1xf32>
    %rsqrt3A_114 = math.rsqrt %add3A_113 : vector<1000x1xf32>
    %mul3A_115 = vector.broadcast %rsqrt3A_114 : vector<1000x1xf32> to vector<1000x256xf32>
    %mul3A_116 = arith.mulf %sub3A_110, %mul3A_115 : vector<1000x256xf32>
    %broadcast_in_dim3A_117 = vector.shape_cast %get3A_91 : vector<256xf32> to vector<1x256xf32>
    %mul3A_118 = vector.broadcast %broadcast_in_dim3A_117 : vector<1x256xf32> to vector<1000x256xf32>
    %mul3A_119 = arith.mulf %mul3A_116, %mul3A_118 : vector<1000x256xf32>
    %broadcast_in_dim3A_120 = vector.shape_cast %get3A_93 : vector<256xf32> to vector<1x256xf32>
    %add3A_121 = vector.broadcast %broadcast_in_dim3A_120 : vector<1x256xf32> to vector<1000x256xf32>
    %add3A_122 = arith.addf %mul3A_119, %add3A_121 : vector<1000x256xf32>
    %tanh3A_123 = math.tanh %add3A_122 : vector<1000x256xf32>
    %get3A_124 = arith.constant 0 : index
    %get3A_125 = arith.constant 0 : index
    %get3A_126 = vector.load %arg14[%get3A_124, %get3A_125] : memref<256x16xf32, #tpu.memory_space<vmem>>, vector<256x16xf32>
    %dot_general3A_127 = arith.constant dense<0.000000e+00> : vector<1000x16xf32>
    %dot_general3A_128 = tpu.matmul %tanh3A_123, %get3A_126, %dot_general3A_127 {dimension_numbers = #tpu.dot_dimension_numbers<[1], [0], [0], [1], [0, 0, 1, 1], [], []>, transpose_lhs_hint = false} : vector<1000x256xf32>, vector<256x16xf32>, vector<1000x16xf32> -> vector<1000x16xf32>
    %get3A_129 = arith.constant 0 : index
    %get3A_130 = vector.load %arg15[%get3A_129] : memref<16xf32, #tpu.memory_space<vmem>>, vector<16xf32>
    %broadcast_in_dim3A_131 = vector.shape_cast %get3A_130 : vector<16xf32> to vector<1x16xf32>
    %add3A_132 = vector.broadcast %broadcast_in_dim3A_131 : vector<1x16xf32> to vector<1000x16xf32>
    %add3A_133 = arith.addf %dot_general3A_128, %add3A_132 : vector<1000x16xf32>
    %swap3A = arith.constant 0 : index
    %swap3A_134 = arith.constant 0 : index
    %swap3A_135 = vector.load %arg16[%swap3A, %swap3A_134] : memref<1000x16xf32, #tpu.memory_space<vmem>>, vector<1000x16xf32>
    tpu.vector_store %arg16[%swap3A, %swap3A_134], %add3A_133 {strides = array<i32>} : memref<1000x16xf32, #tpu.memory_space<vmem>>, vector<1000x16xf32>,
    return
  }
  func.func @transform_0(%arg0: i32) -> (i32, i32) {
    %c0_i32 = arith.constant 0 : i32
    %c0_i32_0 = arith.constant 0 : i32
    return %arg0, %c0_i32 : i32, i32
  }
  func.func @transform_1(%arg0: i32) -> (i32, i32) {
    %c0_i32 = arith.constant 0 : i32
    %c0_i32_0 = arith.constant 0 : i32
    %c0_i32_1 = arith.constant 0 : i32
    return %c0_i32, %c0_i32_0 : i32, i32
  }
  func.func @transform_2(%arg0: i32) -> i32 {
    %c0_i32 = arith.constant 0 : i32
    %c0_i32_0 = arith.constant 0 : i32
    return %c0_i32 : i32
  }
  func.func @transform_3(%arg0: i32) -> i32 {
    %c0_i32 = arith.constant 0 : i32
    %c0_i32_0 = arith.constant 0 : i32
    return %c0_i32 : i32
  }
  func.func @transform_4(%arg0: i32) -> i32 {
    %c0_i32 = arith.constant 0 : i32
    %c0_i32_0 = arith.constant 0 : i32
    return %c0_i32 : i32
  }
  func.func @transform_5(%arg0: i32) -> (i32, i32) {
    %c0_i32 = arith.constant 0 : i32
    %c0_i32_0 = arith.constant 0 : i32
    %c0_i32_1 = arith.constant 0 : i32
    return %c0_i32, %c0_i32_0 : i32, i32
  }
  func.func @transform_6(%arg0: i32) -> i32 {
    %c0_i32 = arith.constant 0 : i32
    %c0_i32_0 = arith.constant 0 : i32
    return %c0_i32 : i32
  }
  func.func @transform_7(%arg0: i32) -> i32 {
    %c0_i32 = arith.constant 0 : i32
    %c0_i32_0 = arith.constant 0 : i32
    return %c0_i32 : i32
  }
  func.func @transform_8(%arg0: i32) -> i32 {
    %c0_i32 = arith.constant 0 : i32
    %c0_i32_0 = arith.constant 0 : i32
    return %c0_i32 : i32
  }
  func.func @transform_9(%arg0: i32) -> (i32, i32) {
    %c0_i32 = arith.constant 0 : i32
    %c0_i32_0 = arith.constant 0 : i32
    %c0_i32_1 = arith.constant 0 : i32
    return %c0_i32, %c0_i32_0 : i32, i32
  }
  func.func @transform_10(%arg0: i32) -> i32 {
    %c0_i32 = arith.constant 0 : i32
    %c0_i32_0 = arith.constant 0 : i32
    return %c0_i32 : i32
  }
  func.func @transform_11(%arg0: i32) -> i32 {
    %c0_i32 = arith.constant 0 : i32
    %c0_i32_0 = arith.constant 0 : i32
    return %c0_i32 : i32
  }
  func.func @transform_12(%arg0: i32) -> i32 {
    %c0_i32 = arith.constant 0 : i32
    %c0_i32_0 = arith.constant 0 : i32
    return %c0_i32 : i32
  }
  func.func @transform_13(%arg0: i32) -> (i32, i32) {
    %c0_i32 = arith.constant 0 : i32
    %c0_i32_0 = arith.constant 0 : i32
    %c0_i32_1 = arith.constant 0 : i32
    return %c0_i32, %c0_i32_0 : i32, i32
  }
  func.func @transform_14(%arg0: i32) -> i32 {
    %c0_i32 = arith.constant 0 : i32
    %c0_i32_0 = arith.constant 0 : i32
    return %c0_i32 : i32
  }
  func.func @transform_15(%arg0: i32) -> (i32, i32) {
    %c0_i32 = arith.constant 0 : i32
    %c0_i32_0 = arith.constant 0 : i32
    return %arg0, %c0_i32 : i32, i32
  }
}

module attributes {stable_mosaic.version = 14 : i64} {
  func.func @_feature_body(%arg0: i32, %arg1: memref<1000x256xf32, #tpu.memory_space<vmem>>, %arg2: memref<1000x256xf32, #tpu.memory_space<vmem>>, %arg3: memref<1000x256xf32, #tpu.memory_space<vmem>>, %arg4: memref<1000x1xf32, #tpu.memory_space<vmem>>, %arg5: memref<1024x256xf32, #tpu.memory_space<vmem>>, %arg6: memref<256xf32, #tpu.memory_space<vmem>>, %arg7: memref<256xf32, #tpu.memory_space<vmem>>, %arg8: memref<256xf32, #tpu.memory_space<vmem>>, %arg9: memref<256x256xf32, #tpu.memory_space<vmem>>, %arg10: memref<256xf32, #tpu.memory_space<vmem>>, %arg11: memref<256xf32, #tpu.memory_space<vmem>>, %arg12: memref<256xf32, #tpu.memory_space<vmem>>, %arg13: memref<256x256xf32, #tpu.memory_space<vmem>>, %arg14: memref<256xf32, #tpu.memory_space<vmem>>, %arg15: memref<1000x256xf32, #tpu.memory_space<vmem>>) attributes {dimension_semantics = [#tpu.dimension_semantics<arbitrary>], iteration_bounds = array<i64: 10>, scalar_prefetch = 0 : i64, scratch_operands = 0 : i64, tpu.core_type = #tpu.core_type<tc>, window_params = [{transform_indices = @transform_0, window_bounds = array<i64: 1000, 256>}, {transform_indices = @transform_1, window_bounds = array<i64: 1000, 256>}, {transform_indices = @transform_2, window_bounds = array<i64: 1000, 256>}, {transform_indices = @transform_3, window_bounds = array<i64: 1000, 1>}, {pipeline_mode = #tpu.pipeline_mode<synchronous>, transform_indices = @transform_4, window_bounds = array<i64: 1024, 256>}, {pipeline_mode = #tpu.pipeline_mode<synchronous>, transform_indices = @transform_5, window_bounds = array<i64: 256>}, {pipeline_mode = #tpu.pipeline_mode<synchronous>, transform_indices = @transform_6, window_bounds = array<i64: 256>}, {pipeline_mode = #tpu.pipeline_mode<synchronous>, transform_indices = @transform_7, window_bounds = array<i64: 256>}, {pipeline_mode = #tpu.pipeline_mode<synchronous>, transform_indices = @transform_8, window_bounds = array<i64: 256, 256>}, {pipeline_mode = #tpu.pipeline_mode<synchronous>, transform_indices = @transform_9, window_bounds = array<i64: 256>}, {pipeline_mode = #tpu.pipeline_mode<synchronous>, transform_indices = @transform_10, window_bounds = array<i64: 256>}, {pipeline_mode = #tpu.pipeline_mode<synchronous>, transform_indices = @transform_11, window_bounds = array<i64: 256>}, {pipeline_mode = #tpu.pipeline_mode<synchronous>, transform_indices = @transform_12, window_bounds = array<i64: 256, 256>}, {pipeline_mode = #tpu.pipeline_mode<synchronous>, transform_indices = @transform_13, window_bounds = array<i64: 256>}, {transform_indices = @transform_14, window_bounds = array<i64: 1000, 256>}]} {
    %get3A = arith.constant 0 : index
    %get3A_0 = arith.constant 0 : index
    %get3A_1 = vector.load %arg1[%get3A, %get3A_0] : memref<1000x256xf32, #tpu.memory_space<vmem>>, vector<1000x256xf32>
    %get3A_2 = arith.constant 0 : index
    %get3A_3 = arith.constant 0 : index
    %get3A_4 = vector.load %arg2[%get3A_2, %get3A_3] : memref<1000x256xf32, #tpu.memory_space<vmem>>, vector<1000x256xf32>
    %get3A_5 = arith.constant 0 : index
    %get3A_6 = arith.constant 0 : index
    %get3A_7 = vector.load %arg4[%get3A_5, %get3A_6] : memref<1000x1xf32, #tpu.memory_space<vmem>>, vector<1000x1xf32>
    %max3A = arith.constant 1.000000e+00 : f32
    %max3A_8 = vector.broadcast %max3A : f32 to vector<1000x1xf32>
    %max3A_9 = arith.maximumf %get3A_7, %max3A_8 : vector<1000x1xf32>
    %div3A = arith.constant 1.000000e+00 : f32
    %div3A_10 = vector.broadcast %div3A : f32 to vector<1000x1xf32>
    %div3A_11 = arith.divf %div3A_10, %max3A_9 : vector<1000x1xf32>
    %mul3A = vector.broadcast %div3A_11 : vector<1000x1xf32> to vector<1000x256xf32>
    %mul3A_12 = arith.mulf %get3A_4, %mul3A : vector<1000x256xf32>
    %get3A_13 = arith.constant 0 : index
    %get3A_14 = arith.constant 0 : index
    %get3A_15 = vector.load %arg3[%get3A_13, %get3A_14] : memref<1000x256xf32, #tpu.memory_space<vmem>>, vector<1000x256xf32>
    %gt3A = arith.constant 0.000000e+00 : f32
    %gt3A_16 = vector.broadcast %gt3A : f32 to vector<1000x1xf32>
    %gt3A_17 = arith.cmpf ogt, %get3A_7, %gt3A_16 : vector<1000x1xf32>
    %jit3A = arith.constant 0.000000e+00 : f32
    %broadcast_in_dim3A = vector.shape_cast %gt3A_17 : vector<1000x1xi1> to vector<1000x1xi1>
    %broadcast_in_dim3A_18 = vector.broadcast %broadcast_in_dim3A : vector<1000x1xi1> to vector<1000x256xi1>
    %broadcast_in_dim3A_19 = vector.broadcast %jit3A : f32 to vector<1000x256xf32>
    %select_n3A = arith.select %broadcast_in_dim3A_18, %get3A_15, %broadcast_in_dim3A_19 : vector<1000x256xi1>, vector<1000x256xf32>
    %get3A_20 = arith.constant 0 : index
    %get3A_21 = arith.constant 0 : index
    %get3A_22 = vector.load %arg5[%get3A_20, %get3A_21] : memref<1024x256xf32, #tpu.memory_space<vmem>>, vector<1024x256xf32>
    %slice3A = vector.extract_strided_slice %get3A_22 {offsets = [0, 0], sizes = [256, 256], strides = [1, 1]} : vector<1024x256xf32> to vector<256x256xf32>
    %dot_general3A = arith.constant dense<0.000000e+00> : vector<1000x256xf32>
    %dot_general3A_23 = tpu.matmul %get3A_1, %slice3A, %dot_general3A {dimension_numbers = #tpu.dot_dimension_numbers<[1], [0], [0], [1], [0, 0, 1, 1], [], []>, transpose_lhs_hint = false} : vector<1000x256xf32>, vector<256x256xf32>, vector<1000x256xf32> -> vector<1000x256xf32>
    %slice3A_24 = vector.extract_strided_slice %get3A_22 {offsets = [256, 0], sizes = [256, 256], strides = [1, 1]} : vector<1024x256xf32> to vector<256x256xf32>
    %dot_general3A_25 = arith.constant dense<0.000000e+00> : vector<1000x256xf32>
    %dot_general3A_26 = tpu.matmul %get3A_4, %slice3A_24, %dot_general3A_25 {dimension_numbers = #tpu.dot_dimension_numbers<[1], [0], [0], [1], [0, 0, 1, 1], [], []>, transpose_lhs_hint = false} : vector<1000x256xf32>, vector<256x256xf32>, vector<1000x256xf32> -> vector<1000x256xf32>
    %add3A = arith.addf %dot_general3A_23, %dot_general3A_26 : vector<1000x256xf32>
    %slice3A_27 = vector.extract_strided_slice %get3A_22 {offsets = [512, 0], sizes = [256, 256], strides = [1, 1]} : vector<1024x256xf32> to vector<256x256xf32>
    %dot_general3A_28 = arith.constant dense<0.000000e+00> : vector<1000x256xf32>
    %dot_general3A_29 = tpu.matmul %mul3A_12, %slice3A_27, %dot_general3A_28 {dimension_numbers = #tpu.dot_dimension_numbers<[1], [0], [0], [1], [0, 0, 1, 1], [], []>, transpose_lhs_hint = false} : vector<1000x256xf32>, vector<256x256xf32>, vector<1000x256xf32> -> vector<1000x256xf32>
    %add3A_30 = arith.addf %add3A, %dot_general3A_29 : vector<1000x256xf32>
    %slice3A_31 = vector.extract_strided_slice %get3A_22 {offsets = [768, 0], sizes = [256, 256], strides = [1, 1]} : vector<1024x256xf32> to vector<256x256xf32>
    %dot_general3A_32 = arith.constant dense<0.000000e+00> : vector<1000x256xf32>
    %dot_general3A_33 = tpu.matmul %select_n3A, %slice3A_31, %dot_general3A_32 {dimension_numbers = #tpu.dot_dimension_numbers<[1], [0], [0], [1], [0, 0, 1, 1], [], []>, transpose_lhs_hint = false} : vector<1000x256xf32>, vector<256x256xf32>, vector<1000x256xf32> -> vector<1000x256xf32>
    %add3A_34 = arith.addf %add3A_30, %dot_general3A_33 : vector<1000x256xf32>
    %get3A_35 = arith.constant 0 : index
    %get3A_36 = vector.load %arg6[%get3A_35] : memref<256xf32, #tpu.memory_space<vmem>>, vector<256xf32>
    %broadcast_in_dim3A_37 = vector.shape_cast %get3A_36 : vector<256xf32> to vector<1x256xf32>
    %add3A_38 = vector.broadcast %broadcast_in_dim3A_37 : vector<1x256xf32> to vector<1000x256xf32>
    %add3A_39 = arith.addf %add3A_34, %add3A_38 : vector<1000x256xf32>
    %get3A_40 = arith.constant 0 : index
    %get3A_41 = vector.load %arg7[%get3A_40] : memref<256xf32, #tpu.memory_space<vmem>>, vector<256xf32>
    %get3A_42 = arith.constant 0 : index
    %get3A_43 = vector.load %arg8[%get3A_42] : memref<256xf32, #tpu.memory_space<vmem>>, vector<256xf32>
    %reduce_sum3A = arith.constant dense<0.000000e+00> : vector<1000xf32>
    %reduce_sum3A_44 = vector.multi_reduction <add>, %add3A_39, %reduce_sum3A [1] : vector<1000x256xf32> to vector<1000xf32>
    %broadcast_in_dim3A_45 = vector.shape_cast %reduce_sum3A_44 : vector<1000xf32> to vector<1000x1xf32>
    %div3A_46 = arith.constant 2.560000e+02 : f32
    %div3A_47 = vector.broadcast %div3A_46 : f32 to vector<1000x1xf32>
    %div3A_48 = arith.divf %broadcast_in_dim3A_45, %div3A_47 : vector<1000x1xf32>
    %sub3A = vector.broadcast %div3A_48 : vector<1000x1xf32> to vector<1000x256xf32>
    %sub3A_49 = arith.subf %add3A_39, %sub3A : vector<1000x256xf32>
    %integer_pow3A = arith.mulf %sub3A_49, %sub3A_49 : vector<1000x256xf32>
    %reduce_sum3A_50 = arith.constant dense<0.000000e+00> : vector<1000xf32>
    %reduce_sum3A_51 = vector.multi_reduction <add>, %integer_pow3A, %reduce_sum3A_50 [1] : vector<1000x256xf32> to vector<1000xf32>
    %broadcast_in_dim3A_52 = vector.shape_cast %reduce_sum3A_51 : vector<1000xf32> to vector<1000x1xf32>
    %div3A_53 = arith.constant 2.560000e+02 : f32
    %div3A_54 = vector.broadcast %div3A_53 : f32 to vector<1000x1xf32>
    %div3A_55 = arith.divf %broadcast_in_dim3A_52, %div3A_54 : vector<1000x1xf32>
    %sub3A_56 = vector.broadcast %div3A_48 : vector<1000x1xf32> to vector<1000x256xf32>
    %sub3A_57 = arith.subf %add3A_39, %sub3A_56 : vector<1000x256xf32>
    %add3A_58 = arith.constant 9.99999974E-6 : f32
    %add3A_59 = vector.broadcast %add3A_58 : f32 to vector<1000x1xf32>
    %add3A_60 = arith.addf %div3A_55, %add3A_59 : vector<1000x1xf32>
    %rsqrt3A = math.rsqrt %add3A_60 : vector<1000x1xf32>
    %mul3A_61 = vector.broadcast %rsqrt3A : vector<1000x1xf32> to vector<1000x256xf32>
    %mul3A_62 = arith.mulf %sub3A_57, %mul3A_61 : vector<1000x256xf32>
    %broadcast_in_dim3A_63 = vector.shape_cast %get3A_41 : vector<256xf32> to vector<1x256xf32>
    %mul3A_64 = vector.broadcast %broadcast_in_dim3A_63 : vector<1x256xf32> to vector<1000x256xf32>
    %mul3A_65 = arith.mulf %mul3A_62, %mul3A_64 : vector<1000x256xf32>
    %broadcast_in_dim3A_66 = vector.shape_cast %get3A_43 : vector<256xf32> to vector<1x256xf32>
    %add3A_67 = vector.broadcast %broadcast_in_dim3A_66 : vector<1x256xf32> to vector<1000x256xf32>
    %add3A_68 = arith.addf %mul3A_65, %add3A_67 : vector<1000x256xf32>
    %tanh3A = math.tanh %add3A_68 : vector<1000x256xf32>
    %get3A_69 = arith.constant 0 : index
    %get3A_70 = arith.constant 0 : index
    %get3A_71 = vector.load %arg9[%get3A_69, %get3A_70] : memref<256x256xf32, #tpu.memory_space<vmem>>, vector<256x256xf32>
    %dot_general3A_72 = arith.constant dense<0.000000e+00> : vector<1000x256xf32>
    %dot_general3A_73 = tpu.matmul %tanh3A, %get3A_71, %dot_general3A_72 {dimension_numbers = #tpu.dot_dimension_numbers<[1], [0], [0], [1], [0, 0, 1, 1], [], []>, transpose_lhs_hint = false} : vector<1000x256xf32>, vector<256x256xf32>, vector<1000x256xf32> -> vector<1000x256xf32>
    %get3A_74 = arith.constant 0 : index
    %get3A_75 = vector.load %arg10[%get3A_74] : memref<256xf32, #tpu.memory_space<vmem>>, vector<256xf32>
    %broadcast_in_dim3A_76 = vector.shape_cast %get3A_75 : vector<256xf32> to vector<1x256xf32>
    %add3A_77 = vector.broadcast %broadcast_in_dim3A_76 : vector<1x256xf32> to vector<1000x256xf32>
    %add3A_78 = arith.addf %dot_general3A_73, %add3A_77 : vector<1000x256xf32>
    %get3A_79 = arith.constant 0 : index
    %get3A_80 = vector.load %arg11[%get3A_79] : memref<256xf32, #tpu.memory_space<vmem>>, vector<256xf32>
    %get3A_81 = arith.constant 0 : index
    %get3A_82 = vector.load %arg12[%get3A_81] : memref<256xf32, #tpu.memory_space<vmem>>, vector<256xf32>
    %reduce_sum3A_83 = arith.constant dense<0.000000e+00> : vector<1000xf32>
    %reduce_sum3A_84 = vector.multi_reduction <add>, %add3A_78, %reduce_sum3A_83 [1] : vector<1000x256xf32> to vector<1000xf32>
    %broadcast_in_dim3A_85 = vector.shape_cast %reduce_sum3A_84 : vector<1000xf32> to vector<1000x1xf32>
    %div3A_86 = arith.constant 2.560000e+02 : f32
    %div3A_87 = vector.broadcast %div3A_86 : f32 to vector<1000x1xf32>
    %div3A_88 = arith.divf %broadcast_in_dim3A_85, %div3A_87 : vector<1000x1xf32>
    %sub3A_89 = vector.broadcast %div3A_88 : vector<1000x1xf32> to vector<1000x256xf32>
    %sub3A_90 = arith.subf %add3A_78, %sub3A_89 : vector<1000x256xf32>
    %integer_pow3A_91 = arith.mulf %sub3A_90, %sub3A_90 : vector<1000x256xf32>
    %reduce_sum3A_92 = arith.constant dense<0.000000e+00> : vector<1000xf32>
    %reduce_sum3A_93 = vector.multi_reduction <add>, %integer_pow3A_91, %reduce_sum3A_92 [1] : vector<1000x256xf32> to vector<1000xf32>
    %broadcast_in_dim3A_94 = vector.shape_cast %reduce_sum3A_93 : vector<1000xf32> to vector<1000x1xf32>
    %div3A_95 = arith.constant 2.560000e+02 : f32
    %div3A_96 = vector.broadcast %div3A_95 : f32 to vector<1000x1xf32>
    %div3A_97 = arith.divf %broadcast_in_dim3A_94, %div3A_96 : vector<1000x1xf32>
    %sub3A_98 = vector.broadcast %div3A_88 : vector<1000x1xf32> to vector<1000x256xf32>
    %sub3A_99 = arith.subf %add3A_78, %sub3A_98 : vector<1000x256xf32>
    %add3A_100 = arith.constant 9.99999974E-6 : f32
    %add3A_101 = vector.broadcast %add3A_100 : f32 to vector<1000x1xf32>
    %add3A_102 = arith.addf %div3A_97, %add3A_101 : vector<1000x1xf32>
    %rsqrt3A_103 = math.rsqrt %add3A_102 : vector<1000x1xf32>
    %mul3A_104 = vector.broadcast %rsqrt3A_103 : vector<1000x1xf32> to vector<1000x256xf32>
    %mul3A_105 = arith.mulf %sub3A_99, %mul3A_104 : vector<1000x256xf32>
    %broadcast_in_dim3A_106 = vector.shape_cast %get3A_80 : vector<256xf32> to vector<1x256xf32>
    %mul3A_107 = vector.broadcast %broadcast_in_dim3A_106 : vector<1x256xf32> to vector<1000x256xf32>
    %mul3A_108 = arith.mulf %mul3A_105, %mul3A_107 : vector<1000x256xf32>
    %broadcast_in_dim3A_109 = vector.shape_cast %get3A_82 : vector<256xf32> to vector<1x256xf32>
    %add3A_110 = vector.broadcast %broadcast_in_dim3A_109 : vector<1x256xf32> to vector<1000x256xf32>
    %add3A_111 = arith.addf %mul3A_108, %add3A_110 : vector<1000x256xf32>
    %tanh3A_112 = math.tanh %add3A_111 : vector<1000x256xf32>
    %get3A_113 = arith.constant 0 : index
    %get3A_114 = arith.constant 0 : index
    %get3A_115 = vector.load %arg13[%get3A_113, %get3A_114] : memref<256x256xf32, #tpu.memory_space<vmem>>, vector<256x256xf32>
    %dot_general3A_116 = arith.constant dense<0.000000e+00> : vector<1000x256xf32>
    %dot_general3A_117 = tpu.matmul %tanh3A_112, %get3A_115, %dot_general3A_116 {dimension_numbers = #tpu.dot_dimension_numbers<[1], [0], [0], [1], [0, 0, 1, 1], [], []>, transpose_lhs_hint = false} : vector<1000x256xf32>, vector<256x256xf32>, vector<1000x256xf32> -> vector<1000x256xf32>
    %get3A_118 = arith.constant 0 : index
    %get3A_119 = vector.load %arg14[%get3A_118] : memref<256xf32, #tpu.memory_space<vmem>>, vector<256xf32>
    %broadcast_in_dim3A_120 = vector.shape_cast %get3A_119 : vector<256xf32> to vector<1x256xf32>
    %add3A_121 = vector.broadcast %broadcast_in_dim3A_120 : vector<1x256xf32> to vector<1000x256xf32>
    %add3A_122 = arith.addf %dot_general3A_117, %add3A_121 : vector<1000x256xf32>
    %swap3A = arith.constant 0 : index
    %swap3A_123 = arith.constant 0 : index
    %swap3A_124 = vector.load %arg15[%swap3A, %swap3A_123] : memref<1000x256xf32, #tpu.memory_space<vmem>>, vector<1000x256xf32>
    tpu.vector_store %arg15[%swap3A, %swap3A_123], %add3A_122 {strides = array<i32>} : memref<1000x256xf32, #tpu.memory_space<vmem>>, vector<1000x256xf32>,
    return
  }
  func.func @transform_0(%arg0: i32) -> (i32, i32) {
    %c0_i32 = arith.constant 0 : i32
    %c0_i32_0 = arith.constant 0 : i32
    return %arg0, %c0_i32 : i32, i32
  }
  func.func @transform_1(%arg0: i32) -> (i32, i32) {
    %c0_i32 = arith.constant 0 : i32
    %c0_i32_0 = arith.constant 0 : i32
    return %arg0, %c0_i32 : i32, i32
  }
  func.func @transform_2(%arg0: i32) -> (i32, i32) {
    %c0_i32 = arith.constant 0 : i32
    %c0_i32_0 = arith.constant 0 : i32
    return %arg0, %c0_i32 : i32, i32
  }
  func.func @transform_3(%arg0: i32) -> (i32, i32) {
    %c0_i32 = arith.constant 0 : i32
    %c0_i32_0 = arith.constant 0 : i32
    return %arg0, %c0_i32 : i32, i32
  }
  func.func @transform_4(%arg0: i32) -> (i32, i32) {
    %c0_i32 = arith.constant 0 : i32
    %c0_i32_0 = arith.constant 0 : i32
    %c0_i32_1 = arith.constant 0 : i32
    return %c0_i32, %c0_i32_0 : i32, i32
  }
  func.func @transform_5(%arg0: i32) -> i32 {
    %c0_i32 = arith.constant 0 : i32
    %c0_i32_0 = arith.constant 0 : i32
    return %c0_i32 : i32
  }
  func.func @transform_6(%arg0: i32) -> i32 {
    %c0_i32 = arith.constant 0 : i32
    %c0_i32_0 = arith.constant 0 : i32
    return %c0_i32 : i32
  }
  func.func @transform_7(%arg0: i32) -> i32 {
    %c0_i32 = arith.constant 0 : i32
    %c0_i32_0 = arith.constant 0 : i32
    return %c0_i32 : i32
  }
  func.func @transform_8(%arg0: i32) -> (i32, i32) {
    %c0_i32 = arith.constant 0 : i32
    %c0_i32_0 = arith.constant 0 : i32
    %c0_i32_1 = arith.constant 0 : i32
    return %c0_i32, %c0_i32_0 : i32, i32
  }
  func.func @transform_9(%arg0: i32) -> i32 {
    %c0_i32 = arith.constant 0 : i32
    %c0_i32_0 = arith.constant 0 : i32
    return %c0_i32 : i32
  }
  func.func @transform_10(%arg0: i32) -> i32 {
    %c0_i32 = arith.constant 0 : i32
    %c0_i32_0 = arith.constant 0 : i32
    return %c0_i32 : i32
  }
  func.func @transform_11(%arg0: i32) -> i32 {
    %c0_i32 = arith.constant 0 : i32
    %c0_i32_0 = arith.constant 0 : i32
    return %c0_i32 : i32
  }
  func.func @transform_12(%arg0: i32) -> (i32, i32) {
    %c0_i32 = arith.constant 0 : i32
    %c0_i32_0 = arith.constant 0 : i32
    %c0_i32_1 = arith.constant 0 : i32
    return %c0_i32, %c0_i32_0 : i32, i32
  }
  func.func @transform_13(%arg0: i32) -> i32 {
    %c0_i32 = arith.constant 0 : i32
    %c0_i32_0 = arith.constant 0 : i32
    return %c0_i32 : i32
  }
  func.func @transform_14(%arg0: i32) -> (i32, i32) {
    %c0_i32 = arith.constant 0 : i32
    %c0_i32_0 = arith.constant 0 : i32
    return %arg0, %c0_i32 : i32, i32
  }
}

</mosaic_0001>

<sc_bundles>
// kernel: kernel.5.cloned.1.call-start
scs
__scs_entry_jumppad:
0x0: {  	(pc) =	sbr.rel $0x88, $3  }
0x1: {  	(tag) =	ssettag $0x0;
	lr =	simm.s32 $0x1  }
0x2: {  	[smem:$0x3F87] =	sst lr;
	_ =	strace $0xD0000000  }
0x3: {  	_ = 	snop  }
0x4: {  	_ = 	snop  }
0x5: {  	_ = 	snop  }
0x6: {  	_ = 	snop  }
0x7: {  	_ = 	snop  }
__scs_overlays_trampoline_lowered:
0x8: {  	[smem:$0x3F96] =	sst s0  }
0x9: {  	[smem:$0x3F97] =	sst s1  }
0xa: {  	[smem:$0x3F98] =	sst s2  }
0xb: {  	[smem:$0x3F99] =	sst s3  }
0xc: {  	[smem:$0x3F9A] =	sst s4  }
0xd: {  	[smem:$0x3F9B] =	sst s5  }
0xe: {  	[smem:$0x3F9C] =	sst s6  }
0xf: {  	[smem:$0x3F9D] =	sst s7  }
0x10: {  	[smem:$0x3F9E] =	sst s8  }
0x11: {  	[smem:$0x3F9F] =	sst s9;
	s0 =	simm.s32 @!p0 $0x0  }
0x12: {  	s1 =	sld [smem:$0x3F85];
	s0 =	simm.s32 @p0 $0x1  }
0x13: {  	[smem:$0x3FA0] =	sst s0;
	s0 =	simm.s32 @!p1 $0x0  }
0x14: {  	s2 =	sld [smem:$0x3F84];
	s0 =	simm.s32 @p1 $0x1  }
0x15: {  	[smem:$0x3FA1] =	sst s0;
	s0 =	simm.s32 @!p2 $0x0  }
0x16: {  	s3 =	sld [smem:$0x3FDB];
	s0 =	simm.s32 @p2 $0x1  }
0x17: {  	s4 =	simm.s32 $0x1BF5;
	[smem:$0x3FA3] =	sst s0  }
0x18: {  	s0 =	sld [smem:$0x3F86];
	_ =	swait.ge [sflag:s4], $0x0  }
0x19: {  	s7 =	sld [smem:$0x3F87]  }
0x1a: {  	s8 =	sadd.s32 $0xFFFFE003, lr  }
0x1b: {  	s9 =	sadd.s32 $0xFFFFFEF7, lr;
	s5 =	simm.s32 $0xFFFFFFFF;
	p2 =	slt.u32 s8, $0xFFFFF086  }
0x1c: {  	p1 =	slt.u32 s9, $0xF7A;
	s5 =	simm.s32 @!p2 $0x0  }
0x1d: {  	s5 =	simm.s32 @p1 $0x1;
	p0 =	seq.s32 s7, s2  }
0x1e: {  	s7 =	smul.u32 @!p0 $0xF7A, s2;
	p2 =	seq.s32 @!p0 s5, $0x0  }
0x1f: {  	s9 =	smul.u32 $0xF7A, s1;
	s8 =	simm.s32 @!p0 $0x1BF5;
	p2 =	por !p2, p0  }
0x20: {  	[sflag:s8] =	ssyncset.s32 @!p0 $0xFFFFF086;
	s6 =	sadd.s32 @!p0 s3, s7;
	s7 =	simm.s32 @!p0 $0x108  }
0x21: {  	s3 =	sadd.s32 s3, s9;
	s6 =	sadd.s32 @!p0 $0x88, s6;
	s7 =	simm.s32 @p2 $0x1082  }
0x22: {  	[simem:s7], [sflag:s8] =	dma.local @!p0 [hbm:s6], $0xF7A  }
0x23: {  	s9 =	sor.u32 $0xD0000000, s2;
	s6 =	simm.s32 $0x108;
	_ =	swait.ge @!p0 [sflag:s8], $0x0  }
0x24: {  	s3 =	sadd.s32 $0x88, s3;
	s6 =	simm.s32 @!p1 $0x1082;
	[sflag:s4] =	ssyncset.s32 $0xFFFFF086  }
0x25: {  	[simem:s6], [sflag:s4] =	dma.local [hbm:s3], $0xF7A  }
0x26: {  	[smem:$0x3F87] =	sst s1;
	(tag) =	ssettag s2;
	_ =	strace s9  }
0x27: {  	s1 =	sld [smem:$0x3F97]  }
0x28: {  	s2 =	sld [smem:$0x3F98]  }
0x29: {  	s4 =	sld [smem:$0x3F9A]  }
0x2a: {  	p0 =	seq.s32 s5, $0x0;
	s5 =	sld [smem:$0x3F9B]  }
0x2b: {  	s6 =	sld [smem:$0x3F9C]  }
0x2c: {  	s7 =	sld [smem:$0x3F9D]  }
0x2d: {  	s3 =	simm.s32 $0x108;
	s8 =	sld [smem:$0x3F9E]  }
0x2e: {  	s3 =	simm.s32 @!p0 $0x1082;
	s9 =	sld [smem:$0x3F9F]  }
0x2f: {  	lr =	sadd.s32 s0, s3;
	s0 =	sld [smem:$0x3F96]  }
0x30: {  	s3 =	sld [smem:$0x3F99]  }
0x31: {  	[smem:$0x3FA2] =	sst s10  }
0x32: {  	s10 =	sld [smem:$0x3FA0];
	_ =	sdelay $0x3  }
0x33: {  	p0 =	seq.s32 s10, $0x1;
	s10 =	sld [smem:$0x3FA2];
	_ =	sdelay $0x3  }
0x34: {  	[smem:$0x3FA2] =	sst s10  }
0x35: {  	s10 =	sld [smem:$0x3FA1];
	_ =	sdelay $0x3  }
0x36: {  	p1 =	seq.s32 s10, $0x1;
	s10 =	sld [smem:$0x3FA2];
	_ =	sdelay $0x3  }
0x37: {  	[smem:$0x3FA2] =	sst s10  }
0x38: {  	s10 =	sld [smem:$0x3FA3]  }
0x39: {  	_ = 	snop;
	(pc) =	sbr.ind lr, $3  }
0x3a: {  	_ = 	snop  }
0x3b: {  	_ = 	snop  }
0x3c: {  	p2 =	seq.s32 s10, $0x1;
	s10 =	sld [smem:$0x3FA2]  }
0x3d: {  	_ =	shalt  }
0x3e: {  	_ =	shalt  }
0x3f: {  	_ =	shalt  }
0x40: {  	_ =	shalt  }
0x41: {  	_ =	shalt  }
0x42: {  	_ =	shalt  }
0x43: {  	_ =	shalt  }
0x44: {  	_ =	shalt  }
0x45: {  	_ =	shalt  }
0x46: {  	_ =	shalt  }
0x47: {  	_ =	shalt  }
0x48: {  	_ =	shalt  }
0x49: {  	_ =	shalt  }
0x4a: {  	_ =	shalt  }
0x4b: {  	_ =	shalt  }
0x4c: {  	_ =	shalt  }
0x4d: {  	_ =	shalt  }
0x4e: {  	_ =	shalt  }
0x4f: {  	_ =	shalt  }
0x50: {  	_ =	shalt  }
0x51: {  	_ =	shalt  }
0x52: {  	_ =	shalt  }
0x53: {  	_ =	shalt  }
0x54: {  	_ =	shalt  }
0x55: {  	_ =	shalt  }
0x56: {  	_ =	shalt  }
0x57: {  	_ =	shalt  }
0x58: {  	_ =	shalt  }
0x59: {  	_ =	shalt  }
0x5a: {  	_ =	shalt  }
0x5b: {  	_ =	shalt  }
0x5c: {  	_ =	shalt  }
0x5d: {  	_ =	shalt  }
0x5e: {  	_ =	shalt  }
0x5f: {  	_ =	shalt  }
0x60: {  	_ =	shalt  }
0x61: {  	_ =	shalt  }
0x62: {  	_ =	shalt  }
0x63: {  	_ =	shalt  }
0x64: {  	_ =	shalt  }
0x65: {  	_ =	shalt  }
0x66: {  	_ =	shalt  }
0x67: {  	_ =	shalt  }
0x68: {  	_ =	shalt  }
0x69: {  	_ =	shalt  }
0x6a: {  	_ =	shalt  }
0x6b: {  	_ =	shalt  }
0x6c: {  	_ =	shalt  }
0x6d: {  	_ =	shalt  }
0x6e: {  	_ =	shalt  }
0x6f: {  	_ =	shalt  }
0x70: {  	_ =	shalt  }
0x71: {  	_ =	shalt  }
0x72: {  	_ =	shalt  }
0x73: {  	_ =	shalt  }
0x74: {  	_ =	shalt  }
0x75: {  	_ =	shalt  }
0x76: {  	_ =	shalt  }
0x77: {  	_ =	shalt  }
0x78: {  	_ =	shalt  }
0x79: {  	_ =	shalt  }
0x7a: {  	_ =	shalt  }
0x7b: {  	_ =	shalt  }
0x7c: {  	_ =	shalt  }
0x7d: {  	_ =	shalt  }
0x7e: {  	_ =	shalt  }
0x7f: {  	_ =	shalt  }
0x80: {  	_ =	shalt  }
0x81: {  	_ =	shalt  }
0x82: {  	_ =	shalt  }
0x83: {  	_ =	shalt  }
0x84: {  	_ =	shalt  }
0x85: {  	_ =	shalt  }
0x86: {  	_ =	shalt  }
0x87: {  	_ =	shalt  }
.Lfunc_end0:
.L_simem_size_0:
called_computation_lowered:
.L_overlay_start_0:
0x88: {  	s2 =	sld [smem:$0x3FD9]  }
0x89: {  	s3 =	sld [smem:$0x3FFE];
	_ =	sdelay $0x1  }
0x8a: {  	s1 =	srdreg.scid  }
0x8b: {  	s0 =	sand.u32 $0x1, s1  }
0x8c: {  	s17 =	sshll.u32 s0, $0xA;
	s2 =	sadd.s32 s3, s2  }
0x8d: {  	s2 =	sadd.s32 s2, s17  }
0x8e: {  	[smem:$0x3FAE] =	sst s2  }
0x8f: {  	_ = 	snop  }
0x90: {  	s2 =	sld [smem:$0x3FD0];
	(tm) =	ssettm $0x1  }
0x91: {  	s18 =	sld [smem:$0x3FFB];
	_ =	sdelay $0x3  }
0x92: {  	_ =	strace s18  }
0x93: {  	s3 =	sld [smem:$0x3FFC];
	_ =	sdelay $0x3  }
0x94: {  	_ =	strace s3  }
0x95: {  	s3 =	sld [smem:$0x3FFD];
	_ =	sdelay $0x3  }
0x96: {  	_ =	strace s3  }
0x97: {  	_ =	strace $0x8FFFFFFF  }
0x98: {  	s19 =	sld [smem:$0x3FDB];
	_ =	sdelay $0x1  }
0x99: {  	s4 =	simm.s32 $_scs_section_size  }
0x9a: {  	s5 =	simm.s32 $_size__tile_overlayer_lowered;
	s6 =	simm.s32 $_tile_overlayer_lowered  }
0x9b: {  	s22 =	simm.s32 $0x1BFF;
	s21 =	sshll.u32 s6, $0x1;
	s3 =	sadd.s32 s4, s19  }
0x9c: {  	s7 =	simm.s32 $0x0;
	s20 =	sshll.u32 s5, $0x1;
	s5 =	sadd.s32 s21, s3  }
0x9d: {  	[timem:s7], [sflag:s22] =	dma.local [hbm:s5], s20  }
0x9e: {  	_ =	swait.ge [sflag:s22], s20  }
0x9f: {  	s4 =	ssub.s32 $0x0, s20;
	[sflag:s22] =	ssyncset.done $0x0  }
0xa0: {  	[sflag:s22] =	ssyncadd.s32 s4;
	_ =	sdelay $0x1  }
0xa1: {  	s23 =	simm.s32 $0x1B8B  }
0xa2: {  	_ =	swait.ge [sflag:s23], $0x1  }
0xa3: {  	[sflag:s23] =	ssyncset.done $0x0  }
0xa4: {  	s25 =	simm.s32 $0x1B8E;
	s24 =	sld [smem:$0x3FFE];
	[sflag:s23] =	ssyncadd.s32 $0xFFFFFFFF  }
0xa5: {  	s26 =	simm.s32 $execute0_lowered;
	[smem:$0x3FD2] =	sst s25  }
0xa6: {  	s5 =	sshll.u32 s26, $0x1;
	_ =	strace $0x80000046;
	[dreg:$0x1] =	wrdreg $0xFFFFFFFF  }
0xa7: {  	s28 =	simm.s32 $_size_execute0_lowered;
	s3 =	sadd.s32 s3, s5;
	[dreg:$0x0] =	wrdreg $0x0  }
0xa8: {  	s5 =	sshll.u32 s28, $0x1;
	[dreg:$0x2] =	wrdreg s3  }
0xa9: {  	[dreg:$0x3] =	wrdreg s5  }
0xaa: {  	[dreg:$0x4] =	wrdreg $0xC0  }
0xab: {  	_ =	task [dreg:s7], $0x5FFFF  }
0xac: {  	[dreg:$0x1] =	wrdreg $0xFFFFFFFF  }
0xad: {  	[dreg:$0x0] =	wrdreg $0x60  }
0xae: {  	[dreg:$0x2] =	wrdreg s24  }
0xaf: {  	[dreg:$0x3] =	wrdreg s2  }
0xb0: {  	[dreg:$0x4] =	wrdreg $0x9  }
0xb1: {  	_ =	task.clear_ibuf [dreg:s7], $0x5FFFF;
	_ =	strace $0x90000046  }
0xb2: {  	s29 =	simm.s32 $0x9;
	_ =	strace $0x80000048  }
0xb3: {  	_ =	swait.ge [sflag:s29], $0x1  }
0xb4: {  	[sflag:s29] =	ssyncadd.s32 $0xFFFFFFFF  }
0xb5: {  	_ =	strace $0x90000048  }
0xb6: {  	_ =	sfence  }
0xb7: {  	s30 =	sld [smem:$0x0];
	_ =	sdelay $0x2  }
0xb8: {  	s31 =	sshll.u32 s1, $0xD;
	s1 =	sshrl.u32 s1, $0x2  }
0xb9: {  	s3 =	sand.u32 $0x4000, s31;
	s1 =	sadd.s32 s1, s30  }
0xba: {  	s0 =	sor.u32 s3, s0;
	s1 =	sshll.u32 s1, $0x11  }
0xbb: {  	s0 =	sor.u32 s1, s0  }
0xbc: {  	s0 =	sadd.s32 $0x8F2B, s0  }
0xbd: {  	[sflag:s0] =	ssyncadd.remote.s32 $0x1  }
0xbe: {  	_ =	sfence.sel $0xFFFF  }
0xbf: {  	[dreg:$0x0] =	wrdreg $0xFFFFFFFF;
	(pc) =	sbr.abs _section_cstart, $3  }
0xc0: {  	[dreg:$0x1] =	wrdreg $0xFFFFFFFF  }
0xc1: {  	_ =	task.clear_ibuf [dreg:s7], $0x2FFFF;
	_ =	strace $0x9FFFFFFF  }
0xc2: {  	(tm) =	ssettm $0x7FFFFFFF  }
0xc3: {  	_ =	shalt  }
tec
execute0_lowered:
.L_overlay_start_1:
0x0: {  	(tag) =	ssettag $0x1  }
0x1: {  	s0 =	rddreg [dreg:$0x0]  }
0x2: {  	s1 =	rddreg [dreg:$0x1]  }
0x3: {  	s2 =	simm.s32 $0x0;
	s3 =	srdreg.scid;
	s4 =	stileid.u32  }
0x4: {  	[smem:$0x7FF] =	sst s2;
	s5 =	sand.u32 $0x1, s3;
	s4 =	sshll.u32 s4, $0x1  }
0x5: {  	s3 =	sadd.s32 $0x8400, s0;
	s8 =	sadd.s32 $0x7DE00, s0;
	s10 =	sadd.s32 $0xCC000, s0  }
0x6: {  	s11 =	sadd.s32 $0x7D800, s0;
	s22 =	sadd.s32 $0xCB600, s0;
	s24 =	sadd.s32 $0x119800, s0  }
0x7: {  	_ =	strace $0x80000047;
	s7 =	sor.u32 s5, s4;
	s4 =	sadd.s32 $0x3400, s0  }
0x8: {  	s5 =	ssub.s32 $0x2, s5;
	[dreg:$0x7] =	wrdreg s22;
	s9 =	smul.u32 $0x140, s7  }
0x9: {  	[dreg:$0x8] =	wrdreg s24;
	s22 =	simm.s32 $0x8200;
	s13 =	smul.u32 $0x1400, s7  }
0xa: {  	s24 =	simm.s32 $0x8E00;
	s6 =	sshrl.u32 s5, $0x1;
	s15 =	smul.u32 $0x2800, s7  }
0xb: {  	s18 =	sshllo.u32 s7, $0x1;
	p0 =	seq.s32 s7, $0x1F;
	s5 =	ssub.s32 s5, s6  }
0xc: {  	s6 =	sadd.s32 $0x8500, s0;
	s21 =	smul.u32 $0xA00, s18;
	s0 =	sadd.s32 $0x7DCD8, s0  }
0xd: {  	s12 =	sadd.s32 $0xA0, s9;
	s17 =	sadd.s32 s1, s13;
	[dreg:$0x9] =	wrdreg s0  }
0xe: {  	s16 =	sadd.s32 s8, s15;
	s19 =	sshrl.u32 s9, $0x3;
	[dreg:$0x3] =	wrdreg s17  }
0xf: {  	s15 =	sadd.s32 s10, s15;
	s13 =	smul.u32 $0x1400, s18;
	[dreg:$0x4] =	wrdreg s16  }
0x10: {  	s31 =	smax.u32 s5, $0x1;
	s14 =	sshll.u32 s12, $0xE;
	[dreg:$0x5] =	wrdreg s15  }
0x11: {  	s17 =	smul.u32 $0xA0, s18;
	s20 =	sadd.s32 s11, s19;
	[dreg:$0xe] =	wrdreg s31  }
0x12: {  	v6 =	vimm.f32 $0.0e+00;
	v7 =	vimm.f32 $-3.000000010e+38;
	v8 =	vlaneseq.u32;
	s26 =	sadd.s32 s1, s21;
	s19 =	simm.s32 $0x4;
	[dreg:$0x6] =	wrdreg s20  }
.Ltmp0:
0x13: {  	v9 =	vimm.s32 $0x0;
	vm0 =	vmmov $0xffff;
	vm2 =	vcmask $0x300;
	s21 =	simm.s32 $0x7A00;
	[dreg:$0xa] =	wrdreg s26;
	(pc) =	sbr.rel .LBB2_1-.Ltmp0, $4  }
0x14: {  	vm1 =	vmmov $0xff;
	v10 =	vand.u32 $0x7, v8;
	v11 =	vshrl.u32 v8, $0x3;
	s28 =	sadd.s32 s8, s13;
	s30 =	sadd.s32 s10, s13;
	s20 =	simm.s32 $0x1  }
0x15: {  	v12 =	vor.u32 $0x8, v8;
	v13 =	vsel vm2, $0x3F800000, v6;
	v11 =	vmul.u32 $0x8, v11;
	s23 =	sadd.s32 $0xA0, s17;
	[dreg:$0xb] =	wrdreg s28;
	s29 =	sshrl.u32 s17, $0x3  }
0x16: {  	v1 =	vmov s9;
	v2 =	vmov s12;
	v0 =	vmov s14;
	[dreg:$0xc] =	wrdreg s30;
	s25 =	sshll.u32 s23, $0xE;
	s0 =	sadd.s32 s11, s29  }
0x17: {  	v4 =	vmov s17;
	v5 =	vmov s23;
	s23 =	simm.s32 $0x8600;
	v3 =	vmov s25;
	[dreg:$0xd] =	wrdreg s0;
	s25 =	simm.s32 $0x0  }
.LBB2_39:
0x18: {  	s0 =	simm.s32 @!p0 $0x0;
	s1 =	simm.s32 @!p0 $0xAB00;
	s5 =	rddreg [dreg:$0xb]  }
0x19: {  	[hbm4b:s5+s0] =	stream.linear.scatter @!p0 [tilespmem:s1], [sflag:$0x4], $0xA000, $0x38;
	[tilespmem:$0x1FC00] =	vst v63  }
0x1a: {  	s1 =	simm.s32 @!p0 $0x4  }
0x1b: {  	_ =	swait.ge @!p0 [sflag:s1], $0xA000  }
0x1c: {  	[sflag:s1] =	ssyncset.done @!p0 $0x0  }
0x1d: {  	s5 =	simm.s32 @!p0 $0x15300;
	s7 =	rddreg [dreg:$0xc];
	[sflag:s1] =	ssyncadd.s32 @!p0 $0xFFFF6000  }
0x1e: {  	[hbm4b:s7+s0] =	stream.linear.scatter @!p0 [tilespmem:s5], [sflag:$0x4], $0xA000, $0x38;
	[tilespmem:$0x1FC00] =	vst v63  }
0x1f: {  	_ =	swait.ge @!p0 [sflag:s1], $0xA000  }
0x20: {  	[sflag:s1] =	ssyncset.done @!p0 $0x0  }
0x21: {  	s5 =	simm.s32 @!p0 $0x1FB00;
	s7 =	rddreg [dreg:$0xd];
	[sflag:s1] =	ssyncadd.s32 @!p0 $0xFFFF6000  }
0x22: {  	[hbm4b:s7+s0] =	stream.linear.scatter @!p0 [tilespmem:s5], [sflag:$0x4], $0xA0, $0x38;
	[tilespmem:$0x1FC00] =	vst v63  }
0x23: {  	_ =	swait.ge @!p0 [sflag:s1], $0xA0  }
0x24: {  	s25 =	sadd.s32 $0x1, s25;
	s31 =	rddreg [dreg:$0xe]  }
0x25: {  	p1 =	sne.s32 s25, s31  }
.Ltmp1:
0x26: {  	_ = 	snop;
	(pc) =	sbr.rel @!p1 .LBB2_40-.Ltmp1, $3  }
0x27: {  	_ =	sdelay $0x1  }
0x28: {  	[sflag:s1] =	ssyncset.done @!p0 $0x0  }
0x29: {  	[sflag:s1] =	ssyncadd.s32 @!p0 $0xFFFFFF60  }
.LBB2_1:
0x2a: {  	s0 =	rddreg [dreg:$0x3];
	s1 =	simm.s32 $0x2600  }
0x2b: {  	[tilespmem:s1], [sflag:$0x4] =	stream.linear.gather [hbm4b:s0+s2], $0x5000, $0x38;
	[tilespmem:$0x1FC00] =	vst v63  }
0x2c: {  	_ =	swait.ge [sflag:s19], $0x5000  }
0x2d: {  	s30 =	sand.u32 $0xF800, s2;
	s31 =	sand.u32 $0x380, s2;
	[sflag:s19] =	ssyncset.done $0x0  }
0x2e: {  	s0 =	sor.u32 s31, s30;
	[sflag:s19] =	ssyncadd.s32 $0xFFFFB000  }
0x2f: {  	[tilespmem:s0+$0x15770] =	vst v7  }
0x30: {  	[tilespmem:s0+$0xAB00] =	vst v6  }
0x31: {  	[tilespmem:s0+$0x15300] =	vst v7  }
0x32: {  	[tilespmem:s0+$0xAB10] =	vst v6  }
0x33: {  	[tilespmem:s0+$0x15310] =	vst v7  }
0x34: {  	[tilespmem:s0+$0xAB20] =	vst v6  }
0x35: {  	[tilespmem:s0+$0x15320] =	vst v7  }
0x36: {  	[tilespmem:s0+$0xAB30] =	vst v6  }
0x37: {  	[tilespmem:s0+$0x15330] =	vst v7  }
0x38: {  	[tilespmem:s0+$0xAB40] =	vst v6  }
0x39: {  	[tilespmem:s0+$0x15340] =	vst v7  }
0x3a: {  	[tilespmem:s0+$0xAB50] =	vst v6  }
0x3b: {  	[tilespmem:s0+$0x15350] =	vst v7  }
0x3c: {  	[tilespmem:s0+$0xAB60] =	vst v6  }
0x3d: {  	[tilespmem:s0+$0x15360] =	vst v7  }
0x3e: {  	[tilespmem:s0+$0xAB70] =	vst v6  }
0x3f: {  	[tilespmem:s0+$0x15370] =	vst v7  }
0x40: {  	[tilespmem:s0+$0xAF00] =	vst v6  }
0x41: {  	[tilespmem:s0+$0x15700] =	vst v7  }
0x42: {  	[tilespmem:s0+$0xAF10] =	vst v6  }
0x43: {  	[tilespmem:s0+$0x15710] =	vst v7  }
0x44: {  	[tilespmem:s0+$0xAF20] =	vst v6  }
0x45: {  	[tilespmem:s0+$0x15720] =	vst v7  }
0x46: {  	[tilespmem:s0+$0xAF30] =	vst v6  }
0x47: {  	[tilespmem:s0+$0x15730] =	vst v7  }
0x48: {  	[tilespmem:s0+$0xAF40] =	vst v6  }
0x49: {  	[tilespmem:s0+$0x15740] =	vst v7  }
0x4a: {  	[tilespmem:s0+$0xAF50] =	vst v6  }
0x4b: {  	[tilespmem:s0+$0x15750] =	vst v7  }
0x4c: {  	s5 =	simm.s32 $0x100;
	s1 =	simm.s32 $0x80;
	[tilespmem:s0+$0xAF60] =	vst v6  }
0x4d: {  	s7 =	sand.u32 $0xF800, s5;
	s5 =	simm.s32 $0x200;
	s8 =	sand.u32 $0x380, s1;
	[tilespmem:s0+$0x15760] =	vst v7  }
.LBB2_2:
0x4e: {  	p1 =	sne.s32 s5, $0xA000;
	[tilespmem:s0+$0xAF70] =	vst v6;
	s0 =	sor.u32 s8, s7  }
0x4f: {  	[tilespmem:s0+$0x15770] =	vst v7  }
0x50: {  	[tilespmem:s0+$0xAB00] =	vst v6  }
0x51: {  	[tilespmem:s0+$0x15300] =	vst v7  }
0x52: {  	[tilespmem:s0+$0xAB10] =	vst v6  }
0x53: {  	[tilespmem:s0+$0x15310] =	vst v7  }
0x54: {  	[tilespmem:s0+$0xAB20] =	vst v6  }
0x55: {  	[tilespmem:s0+$0x15320] =	vst v7  }
0x56: {  	[tilespmem:s0+$0xAB30] =	vst v6  }
0x57: {  	[tilespmem:s0+$0x15330] =	vst v7  }
0x58: {  	[tilespmem:s0+$0xAB40] =	vst v6  }
0x59: {  	[tilespmem:s0+$0x15340] =	vst v7  }
0x5a: {  	[tilespmem:s0+$0xAB50] =	vst v6  }
0x5b: {  	[tilespmem:s0+$0x15350] =	vst v7  }
0x5c: {  	[tilespmem:s0+$0xAB60] =	vst v6  }
0x5d: {  	[tilespmem:s0+$0x15360] =	vst v7  }
0x5e: {  	[tilespmem:s0+$0xAB70] =	vst v6  }
0x5f: {  	[tilespmem:s0+$0x15370] =	vst v7  }
0x60: {  	[tilespmem:s0+$0xAF00] =	vst v6  }
0x61: {  	[tilespmem:s0+$0x15700] =	vst v7  }
0x62: {  	[tilespmem:s0+$0xAF10] =	vst v6  }
0x63: {  	[tilespmem:s0+$0x15710] =	vst v7  }
0x64: {  	[tilespmem:s0+$0xAF20] =	vst v6  }
0x65: {  	[tilespmem:s0+$0x15720] =	vst v7  }
0x66: {  	[tilespmem:s0+$0xAF30] =	vst v6  }
0x67: {  	[tilespmem:s0+$0x15730] =	vst v7  }
0x68: {  	[tilespmem:s0+$0xAF40] =	vst v6  }
.Ltmp2:
0x69: {  	[tilespmem:s0+$0x15740] =	vst v7;
	(pc) =	sbr.rel @p1 .LBB2_2-.Ltmp2, $4  }
0x6a: {  	[tilespmem:s0+$0xAF50] =	vst v6  }
0x6b: {  	[tilespmem:s0+$0x15750] =	vst v7  }
0x6c: {  	s1 =	sadd.s32 $0x80, s1;
	[tilespmem:s0+$0xAF60] =	vst v6  }
0x6d: {  	s7 =	sand.u32 $0xF800, s5;
	s5 =	sadd.s32 $0x100, s5;
	s8 =	sand.u32 $0x380, s1;
	[tilespmem:s0+$0x15760] =	vst v7  }
0x6e: {  	s1 =	sor.u32 s8, s7;
	[tilespmem:s0+$0xAF70] =	vst v6  }
0x6f: {  	[tilespmem:s1+$0x15770] =	vst v7  }
0x70: {  	[tilespmem:s1+$0xAB00] =	vst v6  }
0x71: {  	[tilespmem:s1+$0x15300] =	vst v7  }
0x72: {  	[tilespmem:s1+$0xAB10] =	vst v6  }
0x73: {  	[tilespmem:s1+$0x15310] =	vst v7  }
0x74: {  	[tilespmem:s1+$0xAB20] =	vst v6  }
0x75: {  	[tilespmem:s1+$0x15320] =	vst v7  }
0x76: {  	[tilespmem:s1+$0xAB30] =	vst v6  }
0x77: {  	[tilespmem:s1+$0x15330] =	vst v7  }
0x78: {  	[tilespmem:s1+$0xAB40] =	vst v6  }
0x79: {  	[tilespmem:s1+$0x15340] =	vst v7  }
0x7a: {  	[tilespmem:s1+$0xAB50] =	vst v6  }
0x7b: {  	[tilespmem:s1+$0x15350] =	vst v7  }
0x7c: {  	[tilespmem:s1+$0xAB60] =	vst v6  }
0x7d: {  	[tilespmem:s1+$0x15360] =	vst v7  }
0x7e: {  	[tilespmem:s1+$0xAB70] =	vst v6  }
0x7f: {  	[tilespmem:s1+$0x15370] =	vst v7  }
0x80: {  	[tilespmem:s1+$0xAF00] =	vst v6  }
0x81: {  	[tilespmem:s1+$0x15700] =	vst v7  }
0x82: {  	[tilespmem:s1+$0xAF10] =	vst v6  }
0x83: {  	[tilespmem:s1+$0x15710] =	vst v7  }
0x84: {  	[tilespmem:s1+$0xAF20] =	vst v6  }
0x85: {  	[tilespmem:s1+$0x15720] =	vst v7  }
0x86: {  	[tilespmem:s1+$0xAF30] =	vst v6  }
0x87: {  	[tilespmem:s1+$0x15730] =	vst v7  }
0x88: {  	[tilespmem:s1+$0xAF40] =	vst v6  }
0x89: {  	[tilespmem:s1+$0x15740] =	vst v7  }
0x8a: {  	[tilespmem:s1+$0xAF50] =	vst v6  }
0x8b: {  	[tilespmem:s1+$0x15750] =	vst v7  }
0x8c: {  	[tilespmem:s1+$0xAF60] =	vst v6  }
0x8d: {  	[tilespmem:s1+$0x15760] =	vst v7  }
0x8e: {  	[tilespmem:s1+$0xAF70] =	vst v6  }
0x8f: {  	[tilespmem:$0x1FB00] =	vst v6  }
0x90: {  	[tilespmem:$0x1FB10] =	vst v6  }
0x91: {  	[tilespmem:$0x1FB20] =	vst v6  }
0x92: {  	[tilespmem:$0x1FB30] =	vst v6  }
0x93: {  	[tilespmem:$0x1FB40] =	vst v6  }
0x94: {  	[tilespmem:$0x1FB50] =	vst v6  }
0x95: {  	[tilespmem:$0x1FB60] =	vst v6  }
0x96: {  	[tilespmem:$0x1FB70] =	vst v6  }
0x97: {  	[tilespmem:$0x1FB80] =	vst v6  }
0x98: {  	s26 =	simm.s32 $0x0;
	s0 =	simm.s32 $0x10;
	[tilespmem:$0x1FB90] =	vst v6  }
0x99: {  	s7 =	sadd.s32 $0x0, s4;
	s5 =	simm.s32 $0x0;
	s1 =	simm.s32 $0x100;
	[tilespmem:$0x1FBA0] =	vst v6  }
.LBB2_4:
0x9a: {  	[tilespmem:s5], [sflag:$0x1] =	stream.linear.gather [hbm4b:s7+s26], $0x80, $0x38;
	[tilespmem:$0x1FC00] =	vst v63  }
0x9b: {  	s7 =	smov.u32 s0;
	s5 =	smov.u32 s1;
	p1 =	sne.s32 s0, $0x180  }
.Ltmp3:
0x9c: {  	s0 =	sadd.s32 $0x10, s0;
	(pc) =	sbr.rel @p1 .LBB2_4-.Ltmp3, $2  }
0x9d: {  	_ =	sdelay $0x2  }
0x9e: {  	s1 =	sadd.s32 $0x100, s1;
	s7 =	sadd.s32 s7, s4  }
.Ltmp4:
0x9f: {  	(pc) =	sbr.rel .LBB2_6-.Ltmp4, $2  }
0xa0: {  	_ =	sdelay $0x2  }
0xa1: {  	[tilespmem:s5], [sflag:$0x1] =	stream.linear.gather [hbm4b:s7+s26], $0x80, $0x38;
	[tilespmem:$0x1FC00] =	vst v63  }
.LBB2_19:
0xa2: {  	p1 =	sne.s32 s26, $0x32  }
.Ltmp5:
0xa3: {  	_ = 	snop;
	(pc) =	sbr.rel @!p1 .LBB2_20-.Ltmp5, $1  }
0xa4: {  	_ =	sdelay $0x3  }
.LBB2_6:
0xa5: {  	p1 =	seq.s32 s26, $0x31  }
.Ltmp6:
0xa6: {  	_ = 	snop;
	(pc) =	sbr.rel @p1 .LBB2_10-.Ltmp6, $4  }
0xa7: {  	_ = 	snop  }
0xa8: {  	_ =	swait.ge [sflag:s20], $0xC80  }
0xa9: {  	[sflag:s20] =	ssyncset.done $0x0  }
0xaa: {  	s1 =	sand.u32 $0x1, s26;
	s26 =	sadd.s32 $0x1, s26;
	[sflag:s20] =	ssyncadd.s32 $0xFFFFF380  }
0xab: {  	s5 =	smul.u32 $0x190, s26  }
0xac: {  	s0 =	sshll.u32 s1, $0x7  }
0xad: {  	s0 =	sxor.u32 $0x80, s0;
	s5 =	sadd.s32 s4, s5  }
0xae: {  	s7 =	simm.s32 $0x10;
	s8 =	sadd.s32 $0x100, s0;
	s9 =	sadd.s32 $0x0, s5  }
.LBB2_8:
0xaf: {  	[tilespmem:s0], [sflag:$0x1] =	stream.linear.gather [hbm4b:s9+s2], $0x80, $0x38;
	[tilespmem:$0x1FC00] =	vst v63  }
0xb0: {  	s9 =	smov.u32 s7;
	s0 =	smov.u32 s8;
	p1 =	sne.s32 s7, $0x180  }
.Ltmp7:
0xb1: {  	s7 =	sadd.s32 $0x10, s7;
	(pc) =	sbr.rel @p1 .LBB2_8-.Ltmp7, $2  }
0xb2: {  	_ =	sdelay $0x2  }
0xb3: {  	s8 =	sadd.s32 $0x100, s8;
	s9 =	sadd.s32 s9, s5  }
0xb4: {  	[tilespmem:s0], [sflag:$0x1] =	stream.linear.gather [hbm4b:s9+s2], $0x80, $0x38;
	[tilespmem:$0x1FC00] =	vst v63  }
.LBB2_10:
0xb5: {  	s0 =	simm.s32 $0x0  }
0xb6: {  	s1 =	sshll.u32 s1, $0x7;
	s5 =	sand.u32 $0x1F00, s0  }
0xb7: {  	s7 =	sand.u32 $0x70, s0;
	s5 =	sor.u32 s5, s1  }
0xb8: {  	s5 =	sadd.s32 s7, s5  }
0xb9: {  	v14 =	vld [tilespmem:s5+$0x0];
	_ =	sdelay $0x4  }
0xba: {  	v15 =	vshra.s32 v14, $0xE  }
0xbb: {  	vm2 =	vge.s32 v15, v1;
	vm3 =	vlt.s32 v15, v2  }
0xbc: {  	vm2 =	vmand vm2, vm3  }
0xbd: {  	v15 =	vsel vm2, $0x1, v9;
	v16 =	vmpcnt.ones.xlane vm2  }
0xbe: {  	v15 =	vor.u32 $0x80000000, v15  }
0xbf: {  	(xrf1) =	vsort.dscd.msk.u32 $0xffff, v15, v14;
	(v2sf) =	vpush v16, $0x0;
	_ =	sdelay $0xb  }
0xc0: {  	s8 =	simm.s32 $0x20;
	s7 =	simm.s32 $0x20;
	s5 =	simm.s32 $0x10  }
.LBB2_11:
0xc1: {  	p1 =	sne.s32 s8, $0xC70;
	s9 =	sand.u32 $0x1F00, s7  }
0xc2: {  	s10 =	sand.u32 $0x70, s5;
	s5 =	smov.u32 s8;
	s9 =	sor.u32 s9, s1;
	_, v14, _ =	vpop (xrf1)  }
0xc3: {  	s9 =	sadd.s32 s10, s9;
	[tilespmem:s0+$0x1900] =	vst v14;
	s10 =	spop (v2sf)  }
0xc4: {  	v14 =	vld [tilespmem:s9+$0x0];
	s0 =	sadd.s32 s0, s10;
	_ =	sdelay $0x4  }
0xc5: {  	v15 =	vshra.s32 v14, $0xE  }
0xc6: {  	vm2 =	vge.s32 v15, v1;
	vm3 =	vlt.s32 v15, v2  }
0xc7: {  	vm2 =	vmand vm2, vm3  }
0xc8: {  	v15 =	vsel vm2, $0x1, v9;
	v16 =	vmpcnt.ones.xlane vm2  }
0xc9: {  	v15 =	vor.u32 $0x80000000, v15  }
0xca: {  	(xrf1) =	vsort.dscd.msk.u32 $0xffff, v15, v14;
	(v2sf) =	vpush v16, $0x0;
	_ =	sdelay $0x7  }
.Ltmp8:
0xcb: {  	(pc) =	sbr.rel @p1 .LBB2_11-.Ltmp8, $2  }
0xcc: {  	_ =	sdelay $0x2  }
0xcd: {  	s8 =	sadd.s32 $0x10, s8;
	s7 =	sadd.s32 $0x20, s7  }
0xce: {  	s7 =	sand.u32 $0x1F00, s7  }
0xcf: {  	s5 =	sand.u32 $0x70, s5;
	s1 =	sor.u32 s7, s1;
	_, v14, _ =	vpop (xrf1)  }
0xd0: {  	s1 =	sadd.s32 s5, s1;
	[tilespmem:s0+$0x1900] =	vst v14  }
0xd1: {  	v14 =	vld [tilespmem:s1+$0x0];
	_ =	sdelay $0x4  }
0xd2: {  	v15 =	vshra.s32 v14, $0xE  }
0xd3: {  	vm2 =	vge.s32 v15, v1;
	vm3 =	vlt.s32 v15, v2  }
0xd4: {  	vm2 =	vmand vm2, vm3  }
0xd5: {  	v15 =	vmpcnt.ones.xlane vm2;
	_ =	sdelay $0x1  }
0xd6: {  	(v2sf) =	vpush v15, $0x0;
	_ =	sdelay $0x9  }
0xd7: {  	v15 =	vsel vm2, $0x1, v9  }
0xd8: {  	v15 =	vor.u32 $0x80000000, v15  }
0xd9: {  	(xrf1) =	vsort.dscd.msk.u32 $0xffff, v15, v14;
	_ =	sdelay $0x1  }
0xda: {  	s16 =	spop (v2sf)  }
0xdb: {  	s17 =	sadd.s32 s0, s16;
	s18 =	spop (v2sf)  }
0xdc: {  	s1 =	sadd.s32 s17, s18  }
0xdd: {  	s29 =	sadd.s32 $0xF, s1  }
0xde: {  	s30 =	sand.u32 $0xF, s29  }
0xdf: {  	s31 =	sshra.s32 s29, $0x1F;
	p2 =	slt.s32 s29, $0x1;
	p1 =	sne.s32 s30, $0x0  }
0xe0: {  	s7 =	sshrl.u32 s31, $0x1C;
	p1 =	por !p2, !p1  }
0xe1: {  	s5 =	sadd.s32 s7, s29;
	s7 =	simm.s32 $0x1;
	p1 =	por !p1, !p1  }
0xe2: {  	s5 =	sshra.s32 s5, $0x4;
	s7 =	simm.s32 @!p1 $0x0  }
0xe3: {  	s28 =	ssub.s32 s5, s7  }
0xe4: {  	p1 =	slt.s32 s28, $0x1  }
.Ltmp9:
0xe5: {  	_ = 	snop;
	(pc) =	sbr.rel @p1 .LBB2_19-.Ltmp9, $4  }
0xe6: {  	_, v14, _ =	vpop (xrf1)  }
0xe7: {  	[tilespmem:s17+$0x1900] =	vst v14  }
0xe8: {  	[tilespmem:s1+$0x1900] =	vst v0  }
0xe9: {  	[tilespmem:s1+$0x1910] =	vst v0  }
0xea: {  	v14 =	vld [tilespmem:$0x1900];
	_ =	sdelay $0x4  }
0xeb: {  	v15 =	vshrl.u32 v14, $0x3  }
0xec: {  	v15 =	vand.u32 $0x7FF, v15  }
0xed: {  	v15 =	vmul.u32 $0x18, v15  }
0xee: {  	v14 =	vand.u32 $0x7, v14  }
0xef: {  	v14 =	vor.u32 v14, v15  }
0xf0: {  	v15 =	vperm.xlane v14, v10;
	_ =	sdelay $0x1  }
0xf1: {  	v15 =	vadd.s32 v11, v15;
	_ =	sdelay $0x1  }
0xf2: {  	v14 =	vperm.xlane v14, v12;
	_ =	sdelay $0x1  }
0xf3: {  	v14 =	vadd.s32 v11, v14  }
0xf4: {  	[tilespmem:s21], [sflag:$0x2] =	stream.indirect_vreg.gather [hbm4b:s3+s2], $0x80, v15, vm0, $0xb8;
	[tilespmem:$0x1FC00] =	vst v63  }
0xf5: {  	_ = 	snop  }
0xf6: {  	[tilespmem:s22], [sflag:$0x2] =	stream.indirect_vreg.gather [hbm4b:s6+s2], $0x80, v15, vm1, $0xb8;
	[tilespmem:$0x1FC00] =	vst v63  }
0xf7: {  	_ = 	snop  }
0xf8: {  	[tilespmem:s23], [sflag:$0x2] =	stream.indirect_vreg.gather [hbm4b:s3+s2], $0x80, v14, vm0, $0xb8;
	[tilespmem:$0x1FC00] =	vst v63  }
0xf9: {  	p1 =	seq.s32 s28, $0x1  }
0xfa: {  	[tilespmem:s24], [sflag:$0x2] =	stream.indirect_vreg.gather [hbm4b:s6+s2], $0x80, v14, vm1, $0xb8;
	[tilespmem:$0x1FC00] =	vst v63  }
0xfb: {  	v14 =	vld @!p1 [tilespmem:$0x1910];
	_ =	sdelay $0x4  }
0xfc: {  	v15 =	vshrl.u32 @!p1 v14, $0x3  }
0xfd: {  	v15 =	vand.u32 @!p1 $0x7FF, v15  }
0xfe: {  	v15 =	vmul.u32 @!p1 $0x18, v15  }
0xff: {  	v16 =	vlaneseq.u32 @!p1;
	v14 =	vand.u32 @!p1 $0x7, v14  }
0x100: {  	v17 =	vshrl.u32 @!p1 v16, $0x3;
	v14 =	vor.u32 @!p1 v14, v15;
	v15 =	vand.u32 @!p1 $0x7, v16  }
0x101: {  	v17 =	vmul.u32 @!p1 $0x8, v17;
	v15 =	vperm.xlane @!p1 v14, v15;
	_ =	sdelay $0x1  }
0x102: {  	v15 =	vadd.s32 @!p1 v17, v15  }
0x103: {  	v16 =	vor.u32 @!p1 $0x8, v16  }
0x104: {  	v14 =	vperm.xlane @!p1 v14, v16;
	_ =	sdelay $0x1  }
0x105: {  	vm2 =	vmmov @!p1 $0xffff;
	s0 =	simm.s32 @!p1 $0x0;
	s1 =	simm.s32 @!p1 $0x9200;
	v14 =	vadd.s32 @!p1 v17, v14  }
0x106: {  	[tilespmem:s1], [sflag:$0x3] =	stream.indirect_vreg.gather @!p1 [hbm4b:s3+s0], $0x80, v15, vm2, $0xb8;
	[tilespmem:$0x1FC00] =	vst v63  }
0x107: {  	vm3 =	vmmov @!p1 $0xff;
	s1 =	simm.s32 @!p1 $0x9A00  }
0x108: {  	[tilespmem:s1], [sflag:$0x3] =	stream.indirect_vreg.gather @!p1 [hbm4b:s6+s0], $0x80, v15, vm3, $0xb8;
	[tilespmem:$0x1FC00] =	vst v63  }
0x109: {  	s1 =	simm.s32 @!p1 $0x9E00  }
0x10a: {  	[tilespmem:s1], [sflag:$0x3] =	stream.indirect_vreg.gather @!p1 [hbm4b:s3+s0], $0x80, v14, vm2, $0xb8;
	[tilespmem:$0x1FC00] =	vst v63  }
0x10b: {  	s29 =	simm.s32 $0x0;
	s30 =	simm.s32 $0x0;
	s1 =	simm.s32 @!p1 $0xA600  }
0x10c: {  	[tilespmem:s1], [sflag:$0x3] =	stream.indirect_vreg.gather @!p1 [hbm4b:s6+s0], $0x80, v14, vm3, $0xb8;
	[tilespmem:$0x1FC00] =	vst v63  }
.LBB2_14:
0x10d: {  	s31 =	sand.u32 $0x1, s30  }
0x10e: {  	p1 =	seq.s32 s31, $0x1  }
0x10f: {  	s0 =	simm.s32 @!p1 $0x2  }
0x110: {  	_ =	swait.ge @!p1 [sflag:s0], $0x1800  }
0x111: {  	p2 =	seq.s32 s31, $0x0;
	[sflag:s0] =	ssyncset.done @!p1 $0x0  }
0x112: {  	[sflag:s0] =	ssyncadd.s32 @!p1 $0xFFFFE800;
	s0 =	simm.s32 @!p2 $0x3  }
0x113: {  	_ =	swait.ge @!p2 [sflag:s0], $0x1800  }
0x114: {  	s1 =	sshll.u32 s30, $0x6;
	[sflag:s0] =	ssyncset.done @!p2 $0x0  }
0x115: {  	s18 =	sshra.s32 s1, $0x2;
	[sflag:s0] =	ssyncadd.s32 @!p2 $0xFFFFE800  }
0x116: {  	v14 =	vld [tilespmem:s18+$0x1900];
	_ =	sdelay $0x4  }
0x117: {  	v14 =	vshra.s32 v14, $0xE  }
0x118: {  	v14 =	vsub.s32 v14, v1  }
0x119: {  	s1 =	simm.s32 $0xAA80;
	[tilespmem:$0xAA80] =	vst v14  }
0x11a: {  	v14 =	vld [tilespmem:s1+$0x0];
	_ =	sdelay $0x4  }
0x11b: {  	(v2sf) =	vpush v14, $0x0;
	_ =	sdelay $0x2  }
0x11c: {  	s5 =	simm.s32 $0xAA81  }
0x11d: {  	v14 =	vld [tilespmem:s5+$0x0];
	_ =	sdelay $0x4  }
0x11e: {  	s7 =	simm.s32 $0xAA82;
	(v2sf) =	vpush v14, $0x0  }
0x11f: {  	v15 =	vld [tilespmem:s7+$0x0]  }
0x120: {  	s9 =	simm.s32 $0x0;
	s8 =	smul.u32 $0x6000, s31  }
0x121: {  	s1 =	smul.u32 $0x3000, s9  }
0x122: {  	s0 =	sshrl.u32 s8, $0x2  }
0x123: {  	s0 =	sadd.s32 $0x7A00, s0;
	s7 =	sand.u32 $0x380, s29;
	s1 =	sshra.s32 s1, $0x2  }
0x124: {  	s1 =	sadd.s32 s1, s0;
	s5 =	simm.s32 $0xAA83;
	(v2sf) =	vpush v15, $0x0;
	s8 =	spop (v2sf)  }
0x125: {  	s1 =	sadd.s32 s7, s1;
	v14 =	vld [tilespmem:s5+$0x0];
	s10 =	sshll.u32 s8, $0x9  }
0x126: {  	v15 =	vld [tilespmem:s1+$0x800];
	s11 =	sshra.s32 s10, $0x2  }
0x127: {  	v16 =	vld [tilespmem:s11+$0x2600]  }
0x128: {  	s12 =	simm.s32 $0x0  }
0x129: {  	s1 =	smul.u32 $0x3000, s12;
	_ =	sdelay $0x1  }
0x12a: {  	s13 =	simm.s32 $0x80;
	s1 =	sshra.s32 s1, $0x2;
	(v2sf) =	vpush v14, $0x0  }
0x12b: {  	s5 =	sand.u32 $0x380, s13;
	s1 =	sadd.s32 s1, s0;
	s10 =	simm.s32 $0xAA85;
	v14 =	vsub.f32 v15, v16  }
0x12c: {  	s1 =	sadd.s32 s5, s1;
	v17 =	vld [tilespmem:s10+$0x0];
	s14 =	spop (v2sf)  }
0x12d: {  	s18 =	simm.s32 $0xAA84;
	s16 =	sshll.u32 s14, $0x9;
	v15 =	vld [tilespmem:s1+$0x800];
	v14 =	vmul.f32 v14, v14  }
0x12e: {  	s15 =	simm.s32 $0x0;
	s9 =	sshra.s32 s16, $0x2;
	v16 =	vld [tilespmem:s18+$0x0]  }
0x12f: {  	s17 =	smul.u32 $0x3000, s15;
	(xrf2) =	vadd.scan.msk.f32 $0xffff, v14;
	v14 =	vld [tilespmem:s9+$0x2600];
	_ =	sdelay $0x1  }
0x130: {  	s12 =	simm.s32 $0x100;
	s11 =	sshra.s32 s17, $0x2  }
0x131: {  	s7 =	sand.u32 $0x380, s12;
	s5 =	sadd.s32 s11, s0;
	s13 =	spop (v2sf)  }
0x132: {  	s14 =	sadd.s32 s7, s5;
	s15 =	sshll.u32 s13, $0x9;
	(v2sf) =	vpush v16, $0x0  }
0x133: {  	s17 =	simm.s32 $0x0;
	v18 =	vld [tilespmem:s14+$0x800];
	s16 =	sshra.s32 s15, $0x2;
	(v2sf) =	vpush v17, $0x0;
	v14 =	vsub.f32 v15, v14  }
0x134: {  	s12 =	simm.s32 $0xAA86;
	s10 =	smul.u32 $0x3000, s17;
	v19 =	vld [tilespmem:s16+$0x2600]  }
0x135: {  	s8 =	simm.s32 $0x2;
	s11 =	simm.s32 $0x180;
	s7 =	simm.s32 $0x3;
	v15 =	vmul.f32 v14, v14  }
0x136: {  	s5 =	simm.s32 $0x6;
	s10 =	sshra.s32 s10, $0x2;
	s14 =	sand.u32 $0x380, s11  }
0x137: {  	s10 =	sadd.s32 s10, s0;
	s13 =	simm.s32 $0x7;
	s18 =	simm.s32 $0x1  }
0x138: {  	s1 =	simm.s32 $0x5;
	s14 =	sadd.s32 s14, s10;
	s15 =	spop (v2sf);
	(xrf2) =	vadd.scan.msk.f32 $0xffff, v15  }
0x139: {  	s10 =	simm.s32 $0x0;
	s15 =	sshll.u32 s15, $0x9;
	s9 =	simm.s32 $0x4;
	v17 =	vld [tilespmem:s12+$0x0];
	v16 =	vsub.f32 v18, v19;
	v14 =	vimm.f32 $0.0e+00;
	v15, _, _ =	vpop (xrf2)  }
.LBB2_15:
0x13a: {  	v19 =	vmov s10;
	s10 =	smov.u32 s18  }
0x13b: {  	s18 =	smov.u32 s8;
	s8 =	smov.u32 s7;
	s7 =	smov.u32 s9  }
0x13c: {  	p2 =	sne.s32 s13, $0xF;
	v18 =	vld [tilespmem:s14+$0x800];
	s14 =	sshra.s32 s15, $0x2;
	v15 =	vbroadcast v15, $0xF;
	s15 =	sshrl.u32 s7, $0x3  }
0x13d: {  	s9 =	smov.u32 s1;
	s1 =	smov.u32 s5;
	v20 =	vld [tilespmem:s14+$0x2600];
	v16 =	vmul.f32 v16, v16;
	vm2 =	veq.s32 v19, v8;
	s14 =	smul.u32 $0x3000, s15  }
.Ltmp10:
0x13e: {  	v14 =	vsel vm2, v15, v14;
	(pc) =	sbr.rel @p2 .LBB2_15-.Ltmp10, $4  }
0x13f: {  	s5 =	smov.u32 s13;
	(xrf2) =	vadd.scan.msk.f32 $0xffff, v16  }
0x140: {  	s12 =	sadd.s32 $0x1, s12;
	s11 =	sadd.s32 $0x80, s11;
	(v2sf) =	vpush v17, $0x0;
	s14 =	sshra.s32 s14, $0x2  }
0x141: {  	s15 =	sand.u32 $0x380, s11;
	s14 =	sadd.s32 s14, s0;
	s16 =	spop (v2sf)  }
0x142: {  	s13 =	sadd.s32 $0x1, s13;
	v17 =	vld [tilespmem:s12+$0x0];
	s14 =	sadd.s32 s15, s14;
	s15 =	sshll.u32 s16, $0x9;
	v16 =	vsub.f32 v18, v20;
	v15, _, _ =	vpop (xrf2)  }
0x143: {  	_ =	sdelay $0x3  }
0x144: {  	(v2sf) =	vpush v17, $0x0;
	_ =	sdelay $0x4  }
0x145: {  	s12 =	sshrl.u32 s9, $0x3  }
0x146: {  	s12 =	smul.u32 $0x3000, s12  }
0x147: {  	s13 =	sshra.s32 s15, $0x2;
	s11 =	sadd.s32 $0x80, s11  }
0x148: {  	s16 =	sshrl.u32 s1, $0x3;
	s17 =	spop (v2sf);
	s12 =	sshra.s32 s12, $0x2  }
0x149: {  	s15 =	sand.u32 $0x380, s11;
	s16 =	smul.u32 $0x3000, s16;
	s12 =	sadd.s32 s12, s0  }
0x14a: {  	s12 =	sadd.s32 s15, s12;
	s15 =	sshll.u32 s17, $0x9;
	s17 =	sshrl.u32 s5, $0x3  }
0x14b: {  	v34 =	vld [tilespmem:s14+$0x800];
	s11 =	sadd.s32 $0x80, s11;
	s14 =	sshra.s32 s16, $0x2;
	s17 =	smul.u32 $0x3000, s17  }
0x14c: {  	v18 =	vld [tilespmem:s13+$0x2600];
	s16 =	sand.u32 $0x380, s11;
	s11 =	sadd.s32 $0x80, s11;
	s13 =	sadd.s32 s14, s0  }
0x14d: {  	v19 =	vld [tilespmem:s12+$0x800];
	s12 =	sadd.s32 s16, s13;
	s16 =	sshra.s32 s15, $0x2;
	s17 =	sshra.s32 s17, $0x2  }
0x14e: {  	s11 =	sand.u32 $0x380, s11;
	v20 =	vld [tilespmem:s16+$0x2600];
	s15 =	sadd.s32 s17, s0;
	s14 =	spop (v2sf)  }
0x14f: {  	v21 =	vld [tilespmem:s12+$0x800];
	s11 =	sadd.s32 s11, s15;
	s14 =	sshll.u32 s14, $0x9;
	s16 =	spop (v2sf)  }
0x150: {  	v23 =	vld [tilespmem:s11+$0x800];
	s13 =	sshra.s32 s14, $0x2;
	s17 =	sshll.u32 s16, $0x9  }
0x151: {  	v22 =	vld [tilespmem:s13+$0x2600];
	s12 =	sshra.s32 s17, $0x2  }
0x152: {  	v24 =	vld [tilespmem:s12+$0x2600]  }
0x153: {  	v17 =	vsub.f32 v34, v18  }
0x154: {  	v16 =	vmul.f32 v16, v16;
	v35 =	vsub.f32 v19, v20  }
0x155: {  	v36 =	vmul.f32 v17, v17  }
0x156: {  	(xrf2) =	vadd.scan.msk.f32 $0xffff, v16;
	v18 =	vmul.f32 v35, v35;
	v37 =	vsub.f32 v21, v22  }
0x157: {  	(xrf2) =	vadd.scan.msk.f32 $0xffff, v36;
	v38 =	vsub.f32 v23, v24  }
0x158: {  	(xrf2) =	vadd.scan.msk.f32 $0xffff, v18;
	v17 =	vmul.f32 v37, v37  }
0x159: {  	v16 =	vmul.f32 v38, v38  }
0x15a: {  	(xrf2) =	vadd.scan.msk.f32 $0xffff, v17  }
0x15b: {  	(xrf2) =	vadd.scan.msk.f32 $0xffff, v16  }
0x15c: {  	v39 =	vmov s10;
	v15 =	vbroadcast v15, $0xF  }
0x15d: {  	vm2 =	veq.s32 v39, v8  }
0x15e: {  	v14 =	vsel vm2, v15, v14;
	v15 =	vmov s18  }
0x15f: {  	vm2 =	veq.s32 v15, v8;
	v15 =	vmov s8;
	v40, _, _ =	vpop (xrf2)  }
0x160: {  	v41, _, _ =	vpop (xrf2);
	v17 =	vbroadcast v40, $0xF  }
0x161: {  	v43 =	vmov s7;
	v45 =	vmov s9;
	v42, _, _ =	vpop (xrf2);
	v16 =	vbroadcast v41, $0xF  }
0x162: {  	v44 =	vbroadcast v42, $0xF;
	v14 =	vsel vm2, v17, v14;
	vm2 =	veq.s32 v15, v8;
	v15, _, _ =	vpop (xrf2)  }
0x163: {  	v15 =	vbroadcast v15, $0xF;
	v14 =	vsel vm2, v16, v14;
	vm2 =	veq.s32 v43, v8  }
0x164: {  	v14 =	vsel vm2, v44, v14;
	vm2 =	veq.s32 v45, v8;
	v46, _, _ =	vpop (xrf2)  }
0x165: {  	v14 =	vsel vm2, v15, v14;
	v15 =	vmov s1;
	v16 =	vbroadcast v46, $0xF;
	v47, _, _ =	vpop (xrf2)  }
0x166: {  	vm2 =	veq.s32 v15, v8;
	v15 =	vmov s5;
	v17 =	vbroadcast v47, $0xF  }
0x167: {  	v14 =	vsel vm2, v16, v14;
	vm2 =	veq.s32 v15, v8  }
0x168: {  	v14 =	vsel vm2, v17, v14  }
0x169: {  	v14 =	vsub.f32 $0.0e+00, v14;
	_ =	sdelay $0x1  }
0x16a: {  	v14 =	vmul.f32 $1.442695020e+00, v14;
	_ =	sdelay $0x1  }
0x16b: {  	(erf) = vpow2.f32 v14;
	_ =	sdelay $0x8  }
0x16c: {  	v14 =	vpop (erf)  }
0x16d: {  	s1 =	simm.s32 $0xAA80;
	[tilespmem:$0xAA00] =	vst v14  }
0x16e: {  	v14 =	vld [tilespmem:s1+$0x0];
	_ =	sdelay $0x4  }
0x16f: {  	(v2sf) =	vpush v14, $0x0;
	_ =	sdelay $0xa  }
0x170: {  	s13 =	simm.s32 $0x0  }
0x171: {  	s14 =	smul.u32 $0x3000, s13;
	_ =	sdelay $0x1  }
0x172: {  	s18 =	simm.s32 $0x0;
	s7 =	sshra.s32 s14, $0x2;
	s5 =	simm.s32 $0xAA00  }
0x173: {  	s15 =	sand.u32 $0x380, s18;
	s7 =	sadd.s32 s7, s0;
	v14 =	vld.msk [tilespmem:s5+$0x0 ss:$0x0], $0xffff;
	s16 =	spop (v2sf)  }
0x174: {  	s8 =	sadd.s32 s15, s7;
	[tilespmem:s16+$0x1FB00] =	vst.add.f32.msk $0xffff, v13;
	s17 =	sshll.u32 s16, $0x8;
	s9 =	sshll.u32 s16, $0x7  }
0x175: {  	v15 =	vld [tilespmem:s8+$0x0];
	s7 =	sand.u32 $0xFFFFF800, s17;
	s9 =	sand.u32 $0x380, s9  }
0x176: {  	s7 =	sor.u32 s9, s7  }
0x177: {  	v48 =	vld [tilespmem:s7+$0x15300];
	_ =	sdelay $0x2  }
0x178: {  	v15 =	vmul.f32 v15, v14;
	_ =	sdelay $0x1  }
0x179: {  	[tilespmem:s7+$0xAB00] =	vst.add.f32.msk $0xffff, v15;
	v15 =	vmax.f32 v48, v15  }
0x17a: {  	[tilespmem:s7+$0x15300] =	vst v15  }
0x17b: {  	v15 =	vld [tilespmem:s8+$0x10];
	_ =	sdelay $0x1  }
0x17c: {  	v49 =	vld [tilespmem:s7+$0x15310];
	_ =	sdelay $0x2  }
0x17d: {  	v15 =	vmul.f32 v15, v14;
	_ =	sdelay $0x1  }
0x17e: {  	[tilespmem:s7+$0xAB10] =	vst.add.f32.msk $0xffff, v15;
	v15 =	vmax.f32 v49, v15  }
0x17f: {  	[tilespmem:s7+$0x15310] =	vst v15  }
0x180: {  	v15 =	vld [tilespmem:s8+$0x20];
	_ =	sdelay $0x1  }
0x181: {  	v50 =	vld [tilespmem:s7+$0x15320];
	_ =	sdelay $0x2  }
0x182: {  	v15 =	vmul.f32 v15, v14;
	_ =	sdelay $0x1  }
0x183: {  	[tilespmem:s7+$0xAB20] =	vst.add.f32.msk $0xffff, v15;
	v15 =	vmax.f32 v50, v15  }
0x184: {  	[tilespmem:s7+$0x15320] =	vst v15  }
0x185: {  	v15 =	vld [tilespmem:s8+$0x30];
	_ =	sdelay $0x1  }
0x186: {  	v51 =	vld [tilespmem:s7+$0x15330];
	_ =	sdelay $0x2  }
0x187: {  	v15 =	vmul.f32 v15, v14;
	_ =	sdelay $0x1  }
0x188: {  	[tilespmem:s7+$0xAB30] =	vst.add.f32.msk $0xffff, v15;
	v15 =	vmax.f32 v51, v15  }
0x189: {  	[tilespmem:s7+$0x15330] =	vst v15  }
0x18a: {  	v15 =	vld [tilespmem:s8+$0x40];
	_ =	sdelay $0x1  }
0x18b: {  	v52 =	vld [tilespmem:s7+$0x15340];
	_ =	sdelay $0x2  }
0x18c: {  	v15 =	vmul.f32 v15, v14;
	_ =	sdelay $0x1  }
0x18d: {  	[tilespmem:s7+$0xAB40] =	vst.add.f32.msk $0xffff, v15;
	v15 =	vmax.f32 v52, v15  }
0x18e: {  	[tilespmem:s7+$0x15340] =	vst v15  }
0x18f: {  	v15 =	vld [tilespmem:s8+$0x50];
	_ =	sdelay $0x1  }
0x190: {  	v53 =	vld [tilespmem:s7+$0x15350];
	_ =	sdelay $0x2  }
0x191: {  	v15 =	vmul.f32 v15, v14;
	_ =	sdelay $0x1  }
0x192: {  	[tilespmem:s7+$0xAB50] =	vst.add.f32.msk $0xffff, v15;
	v15 =	vmax.f32 v53, v15  }
0x193: {  	[tilespmem:s7+$0x15350] =	vst v15  }
0x194: {  	v15 =	vld [tilespmem:s8+$0x60];
	_ =	sdelay $0x1  }
0x195: {  	v54 =	vld [tilespmem:s7+$0x15360];
	_ =	sdelay $0x2  }
0x196: {  	v15 =	vmul.f32 v15, v14;
	_ =	sdelay $0x1  }
0x197: {  	[tilespmem:s7+$0xAB60] =	vst.add.f32.msk $0xffff, v15;
	v15 =	vmax.f32 v54, v15  }
0x198: {  	[tilespmem:s7+$0x15360] =	vst v15  }
0x199: {  	v15 =	vld [tilespmem:s8+$0x70];
	_ =	sdelay $0x1  }
0x19a: {  	v55 =	vld [tilespmem:s7+$0x15370];
	_ =	sdelay $0x2  }
0x19b: {  	v15 =	vmul.f32 v15, v14;
	_ =	sdelay $0x1  }
0x19c: {  	[tilespmem:s7+$0xAB70] =	vst.add.f32.msk $0xffff, v15;
	v15 =	vmax.f32 v55, v15  }
0x19d: {  	[tilespmem:s7+$0x15370] =	vst v15  }
0x19e: {  	v15 =	vld [tilespmem:s8+$0x400];
	_ =	sdelay $0x1  }
0x19f: {  	v56 =	vld [tilespmem:s7+$0x15700];
	_ =	sdelay $0x2  }
0x1a0: {  	v15 =	vmul.f32 v15, v14;
	_ =	sdelay $0x1  }
0x1a1: {  	[tilespmem:s7+$0xAF00] =	vst.add.f32.msk $0xffff, v15;
	v15 =	vmax.f32 v56, v15  }
0x1a2: {  	[tilespmem:s7+$0x15700] =	vst v15  }
0x1a3: {  	v15 =	vld [tilespmem:s8+$0x410];
	_ =	sdelay $0x1  }
0x1a4: {  	v57 =	vld [tilespmem:s7+$0x15710];
	_ =	sdelay $0x2  }
0x1a5: {  	v15 =	vmul.f32 v15, v14;
	_ =	sdelay $0x1  }
0x1a6: {  	[tilespmem:s7+$0xAF10] =	vst.add.f32.msk $0xffff, v15;
	v15 =	vmax.f32 v57, v15  }
0x1a7: {  	[tilespmem:s7+$0x15710] =	vst v15  }
0x1a8: {  	v15 =	vld [tilespmem:s8+$0x420];
	_ =	sdelay $0x1  }
0x1a9: {  	v58 =	vld [tilespmem:s7+$0x15720];
	_ =	sdelay $0x2  }
0x1aa: {  	v15 =	vmul.f32 v15, v14;
	_ =	sdelay $0x1  }
0x1ab: {  	[tilespmem:s7+$0xAF20] =	vst.add.f32.msk $0xffff, v15;
	v15 =	vmax.f32 v58, v15  }
0x1ac: {  	[tilespmem:s7+$0x15720] =	vst v15  }
0x1ad: {  	v15 =	vld [tilespmem:s8+$0x430];
	_ =	sdelay $0x1  }
0x1ae: {  	v59 =	vld [tilespmem:s7+$0x15730];
	_ =	sdelay $0x2  }
0x1af: {  	v15 =	vmul.f32 v15, v14;
	_ =	sdelay $0x1  }
0x1b0: {  	[tilespmem:s7+$0xAF30] =	vst.add.f32.msk $0xffff, v15;
	v15 =	vmax.f32 v59, v15  }
0x1b1: {  	[tilespmem:s7+$0x15730] =	vst v15  }
0x1b2: {  	v15 =	vld [tilespmem:s8+$0x440];
	_ =	sdelay $0x1  }
0x1b3: {  	v60 =	vld [tilespmem:s7+$0x15740];
	_ =	sdelay $0x2  }
0x1b4: {  	v15 =	vmul.f32 v15, v14;
	_ =	sdelay $0x1  }
0x1b5: {  	[tilespmem:s7+$0xAF40] =	vst.add.f32.msk $0xffff, v15;
	v15 =	vmax.f32 v60, v15  }
0x1b6: {  	[tilespmem:s7+$0x15740] =	vst v15  }
0x1b7: {  	v15 =	vld [tilespmem:s8+$0x450];
	_ =	sdelay $0x1  }
0x1b8: {  	v61 =	vld [tilespmem:s7+$0x15750];
	_ =	sdelay $0x2  }
0x1b9: {  	v15 =	vmul.f32 v15, v14;
	_ =	sdelay $0x1  }
0x1ba: {  	[tilespmem:s7+$0xAF50] =	vst.add.f32.msk $0xffff, v15;
	v15 =	vmax.f32 v61, v15  }
0x1bb: {  	[tilespmem:s7+$0x15750] =	vst v15  }
0x1bc: {  	v15 =	vld [tilespmem:s8+$0x460];
	_ =	sdelay $0x1  }
0x1bd: {  	v62 =	vld [tilespmem:s7+$0x15760];
	_ =	sdelay $0x2  }
0x1be: {  	v15 =	vmul.f32 v15, v14;
	_ =	sdelay $0x1  }
0x1bf: {  	[tilespmem:s7+$0xAF60] =	vst.add.f32.msk $0xffff, v15;
	v15 =	vmax.f32 v62, v15  }
0x1c0: {  	[tilespmem:s7+$0x15760] =	vst v15  }
0x1c1: {  	v15 =	vld [tilespmem:s8+$0x470];
	_ =	sdelay $0x1  }
0x1c2: {  	v63 =	vld [tilespmem:s7+$0x15770];
	_ =	sdelay $0x2  }
0x1c3: {  	v14 =	vmul.f32 v15, v14;
	_ =	sdelay $0x1  }
0x1c4: {  	s8 =	simm.s32 $0x1;
	[tilespmem:s7+$0xAF70] =	vst.add.f32.msk $0xffff, v14;
	v14 =	vmax.f32 v63, v14  }
.LBB2_17:
0x1c5: {  	[tilespmem:s7+$0x15770] =	vst v14;
	s18 =	sadd.s32 $0x80, s18;
	s1 =	sadd.s32 $0x1, s1;
	s5 =	sadd.s32 $0x1, s5  }
0x1c6: {  	p2 =	sne.s32 s8, $0xF;
	s7 =	smov.u32 s8;
	s8 =	sadd.s32 $0x1, s8;
	v14 =	vld [tilespmem:s1+$0x0]  }
0x1c7: {  	_ =	sdelay $0x3  }
0x1c8: {  	(v2sf) =	vpush v14, $0x0;
	_ =	sdelay $0xa  }
0x1c9: {  	s7 =	sshrl.u32 s7, $0x3  }
0x1ca: {  	s7 =	smul.u32 $0x3000, s7;
	_ =	sdelay $0x1  }
0x1cb: {  	s7 =	sshra.s32 s7, $0x2  }
0x1cc: {  	s9 =	sand.u32 $0x380, s18;
	s7 =	sadd.s32 s7, s0;
	v14 =	vld.msk [tilespmem:s5+$0x0 ss:$0x0], $0xffff;
	s10 =	spop (v2sf)  }
0x1cd: {  	s9 =	sadd.s32 s9, s7;
	[tilespmem:s10+$0x1FB00] =	vst.add.f32.msk $0xffff, v13;
	s7 =	sshll.u32 s10, $0x8;
	s10 =	sshll.u32 s10, $0x7  }
0x1ce: {  	v15 =	vld [tilespmem:s9+$0x0];
	s7 =	sand.u32 $0xFFFFF800, s7;
	s10 =	sand.u32 $0x380, s10  }
0x1cf: {  	s7 =	sor.u32 s10, s7  }
0x1d0: {  	v16 =	vld [tilespmem:s7+$0x15300];
	_ =	sdelay $0x2  }
0x1d1: {  	v15 =	vmul.f32 v15, v14;
	_ =	sdelay $0x1  }
0x1d2: {  	[tilespmem:s7+$0xAB00] =	vst.add.f32.msk $0xffff, v15;
	v15 =	vmax.f32 v16, v15  }
0x1d3: {  	[tilespmem:s7+$0x15300] =	vst v15  }
0x1d4: {  	v15 =	vld [tilespmem:s9+$0x10];
	_ =	sdelay $0x1  }
0x1d5: {  	v16 =	vld [tilespmem:s7+$0x15310];
	_ =	sdelay $0x2  }
0x1d6: {  	v15 =	vmul.f32 v15, v14;
	_ =	sdelay $0x1  }
0x1d7: {  	[tilespmem:s7+$0xAB10] =	vst.add.f32.msk $0xffff, v15;
	v15 =	vmax.f32 v16, v15  }
0x1d8: {  	[tilespmem:s7+$0x15310] =	vst v15  }
0x1d9: {  	v15 =	vld [tilespmem:s9+$0x20];
	_ =	sdelay $0x1  }
0x1da: {  	v16 =	vld [tilespmem:s7+$0x15320];
	_ =	sdelay $0x2  }
0x1db: {  	v15 =	vmul.f32 v15, v14;
	_ =	sdelay $0x1  }
0x1dc: {  	[tilespmem:s7+$0xAB20] =	vst.add.f32.msk $0xffff, v15;
	v15 =	vmax.f32 v16, v15  }
0x1dd: {  	[tilespmem:s7+$0x15320] =	vst v15  }
0x1de: {  	v15 =	vld [tilespmem:s9+$0x30];
	_ =	sdelay $0x1  }
0x1df: {  	v16 =	vld [tilespmem:s7+$0x15330];
	_ =	sdelay $0x2  }
0x1e0: {  	v15 =	vmul.f32 v15, v14;
	_ =	sdelay $0x1  }
0x1e1: {  	[tilespmem:s7+$0xAB30] =	vst.add.f32.msk $0xffff, v15;
	v15 =	vmax.f32 v16, v15  }
0x1e2: {  	[tilespmem:s7+$0x15330] =	vst v15  }
0x1e3: {  	v15 =	vld [tilespmem:s9+$0x40];
	_ =	sdelay $0x1  }
0x1e4: {  	v16 =	vld [tilespmem:s7+$0x15340];
	_ =	sdelay $0x2  }
0x1e5: {  	v15 =	vmul.f32 v15, v14;
	_ =	sdelay $0x1  }
0x1e6: {  	[tilespmem:s7+$0xAB40] =	vst.add.f32.msk $0xffff, v15;
	v15 =	vmax.f32 v16, v15  }
0x1e7: {  	[tilespmem:s7+$0x15340] =	vst v15  }
0x1e8: {  	v15 =	vld [tilespmem:s9+$0x50];
	_ =	sdelay $0x1  }
0x1e9: {  	v16 =	vld [tilespmem:s7+$0x15350];
	_ =	sdelay $0x2  }
0x1ea: {  	v15 =	vmul.f32 v15, v14;
	_ =	sdelay $0x1  }
0x1eb: {  	[tilespmem:s7+$0xAB50] =	vst.add.f32.msk $0xffff, v15;
	v15 =	vmax.f32 v16, v15  }
0x1ec: {  	[tilespmem:s7+$0x15350] =	vst v15  }
0x1ed: {  	v15 =	vld [tilespmem:s9+$0x60];
	_ =	sdelay $0x1  }
0x1ee: {  	v16 =	vld [tilespmem:s7+$0x15360];
	_ =	sdelay $0x2  }
0x1ef: {  	v15 =	vmul.f32 v15, v14;
	_ =	sdelay $0x1  }
0x1f0: {  	[tilespmem:s7+$0xAB60] =	vst.add.f32.msk $0xffff, v15;
	v15 =	vmax.f32 v16, v15  }
0x1f1: {  	[tilespmem:s7+$0x15360] =	vst v15  }
0x1f2: {  	v15 =	vld [tilespmem:s9+$0x70];
	_ =	sdelay $0x1  }
0x1f3: {  	v16 =	vld [tilespmem:s7+$0x15370];
	_ =	sdelay $0x2  }
0x1f4: {  	v15 =	vmul.f32 v15, v14;
	_ =	sdelay $0x1  }
0x1f5: {  	[tilespmem:s7+$0xAB70] =	vst.add.f32.msk $0xffff, v15;
	v15 =	vmax.f32 v16, v15  }
0x1f6: {  	[tilespmem:s7+$0x15370] =	vst v15  }
0x1f7: {  	v15 =	vld [tilespmem:s9+$0x400];
	_ =	sdelay $0x1  }
0x1f8: {  	v16 =	vld [tilespmem:s7+$0x15700];
	_ =	sdelay $0x2  }
0x1f9: {  	v15 =	vmul.f32 v15, v14;
	_ =	sdelay $0x1  }
0x1fa: {  	[tilespmem:s7+$0xAF00] =	vst.add.f32.msk $0xffff, v15;
	v15 =	vmax.f32 v16, v15  }
0x1fb: {  	[tilespmem:s7+$0x15700] =	vst v15  }
0x1fc: {  	v15 =	vld [tilespmem:s9+$0x410];
	_ =	sdelay $0x1  }
0x1fd: {  	v16 =	vld [tilespmem:s7+$0x15710];
	_ =	sdelay $0x2  }
0x1fe: {  	v15 =	vmul.f32 v15, v14;
	_ =	sdelay $0x1  }
0x1ff: {  	[tilespmem:s7+$0xAF10] =	vst.add.f32.msk $0xffff, v15;
	v15 =	vmax.f32 v16, v15  }
0x200: {  	[tilespmem:s7+$0x15710] =	vst v15  }
0x201: {  	v15 =	vld [tilespmem:s9+$0x420];
	_ =	sdelay $0x1  }
0x202: {  	v16 =	vld [tilespmem:s7+$0x15720];
	_ =	sdelay $0x2  }
0x203: {  	v15 =	vmul.f32 v15, v14;
	_ =	sdelay $0x1  }
0x204: {  	[tilespmem:s7+$0xAF20] =	vst.add.f32.msk $0xffff, v15;
	v15 =	vmax.f32 v16, v15  }
0x205: {  	[tilespmem:s7+$0x15720] =	vst v15  }
0x206: {  	v15 =	vld [tilespmem:s9+$0x430];
	_ =	sdelay $0x1  }
0x207: {  	v16 =	vld [tilespmem:s7+$0x15730];
	_ =	sdelay $0x2  }
0x208: {  	v15 =	vmul.f32 v15, v14;
	_ =	sdelay $0x1  }
0x209: {  	[tilespmem:s7+$0xAF30] =	vst.add.f32.msk $0xffff, v15;
	v15 =	vmax.f32 v16, v15  }
0x20a: {  	[tilespmem:s7+$0x15730] =	vst v15  }
0x20b: {  	v15 =	vld [tilespmem:s9+$0x440];
	_ =	sdelay $0x1  }
0x20c: {  	v16 =	vld [tilespmem:s7+$0x15740];
	_ =	sdelay $0x2  }
0x20d: {  	v15 =	vmul.f32 v15, v14;
	_ =	sdelay $0x1  }
0x20e: {  	[tilespmem:s7+$0xAF40] =	vst.add.f32.msk $0xffff, v15;
	v15 =	vmax.f32 v16, v15  }
0x20f: {  	[tilespmem:s7+$0x15740] =	vst v15  }
0x210: {  	v15 =	vld [tilespmem:s9+$0x450];
	_ =	sdelay $0x1  }
0x211: {  	v16 =	vld [tilespmem:s7+$0x15750];
	_ =	sdelay $0x2  }
0x212: {  	v15 =	vmul.f32 v15, v14;
	_ =	sdelay $0x1  }
0x213: {  	[tilespmem:s7+$0xAF50] =	vst.add.f32.msk $0xffff, v15;
	v15 =	vmax.f32 v16, v15  }
0x214: {  	[tilespmem:s7+$0x15750] =	vst v15  }
0x215: {  	v15 =	vld [tilespmem:s9+$0x460];
	_ =	sdelay $0x1  }
0x216: {  	v16 =	vld [tilespmem:s7+$0x15760];
	_ =	sdelay $0x2  }
0x217: {  	v15 =	vmul.f32 v15, v14;
	_ =	sdelay $0x1  }
0x218: {  	[tilespmem:s7+$0xAF60] =	vst.add.f32.msk $0xffff, v15;
	v15 =	vmax.f32 v16, v15  }
0x219: {  	[tilespmem:s7+$0x15760] =	vst v15  }
0x21a: {  	v15 =	vld [tilespmem:s9+$0x470];
	_ =	sdelay $0x1  }
0x21b: {  	v16 =	vld [tilespmem:s7+$0x15770]  }
.Ltmp11:
0x21c: {  	(pc) =	sbr.rel @p2 .LBB2_17-.Ltmp11, $3  }
0x21d: {  	_ = 	snop  }
0x21e: {  	v14 =	vmul.f32 v15, v14;
	_ =	sdelay $0x1  }
0x21f: {  	[tilespmem:s7+$0xAF70] =	vst.add.f32.msk $0xffff, v14;
	v14 =	vmax.f32 v16, v14  }
0x220: {  	s0 =	sadd.s32 $0x2, s30  }
0x221: {  	p2 =	sge.s32 s0, s28  }
0x222: {  	p3 =	sne.s32 @!p2 s31, $0x0  }
0x223: {  	p3 =	por p3, p2  }
0x224: {  	s1 =	sshll.u32 @!p3 s0, $0x6  }
0x225: {  	[tilespmem:s7+$0x15770] =	vst v14;
	s1 =	sshra.s32 @!p3 s1, $0x2  }
0x226: {  	v14 =	vld @!p3 [tilespmem:s1+$0x1900];
	_ =	sdelay $0x4  }
0x227: {  	v15 =	vshrl.u32 @!p3 v14, $0x3  }
0x228: {  	v15 =	vand.u32 @!p3 $0x7FF, v15  }
0x229: {  	v15 =	vmul.u32 @!p3 $0x18, v15  }
0x22a: {  	v16 =	vlaneseq.u32 @!p3;
	v14 =	vand.u32 @!p3 $0x7, v14  }
0x22b: {  	v17 =	vshrl.u32 @!p3 v16, $0x3;
	v14 =	vor.u32 @!p3 v14, v15;
	v15 =	vand.u32 @!p3 $0x7, v16  }
0x22c: {  	v17 =	vmul.u32 @!p3 $0x8, v17;
	v15 =	vperm.xlane @!p3 v14, v15;
	_ =	sdelay $0x1  }
0x22d: {  	v15 =	vadd.s32 @!p3 v17, v15  }
0x22e: {  	v16 =	vor.u32 @!p3 $0x8, v16  }
0x22f: {  	v14 =	vperm.xlane @!p3 v14, v16;
	_ =	sdelay $0x1  }
0x230: {  	p1 =	por !p1, !p1;
	vm2 =	vmmov @!p3 $0xffff;
	s5 =	simm.s32 @!p3 $0x7A00;
	s1 =	simm.s32 @!p3 $0x0;
	v14 =	vadd.s32 @!p3 v17, v14  }
0x231: {  	[tilespmem:s5], [sflag:$0x2] =	stream.indirect_vreg.gather @!p3 [hbm4b:s3+s1], $0x80, v15, vm2, $0xb8;
	[tilespmem:$0x1FC00] =	vst v63  }
0x232: {  	p1 =	por p2, p1;
	vm3 =	vmmov @!p3 $0xff;
	s5 =	simm.s32 @!p3 $0x8200  }
0x233: {  	[tilespmem:s5], [sflag:$0x2] =	stream.indirect_vreg.gather @!p3 [hbm4b:s6+s1], $0x80, v15, vm3, $0xb8;
	[tilespmem:$0x1FC00] =	vst v63  }
0x234: {  	s0 =	sshll.u32 @!p1 s0, $0x6;
	s5 =	simm.s32 @!p3 $0x8600  }
0x235: {  	[tilespmem:s5], [sflag:$0x2] =	stream.indirect_vreg.gather @!p3 [hbm4b:s3+s1], $0x80, v14, vm2, $0xb8;
	[tilespmem:$0x1FC00] =	vst v63  }
0x236: {  	s0 =	sshra.s32 @!p1 s0, $0x2;
	s5 =	simm.s32 @!p3 $0x8E00  }
0x237: {  	[tilespmem:s5], [sflag:$0x2] =	stream.indirect_vreg.gather @!p3 [hbm4b:s6+s1], $0x80, v14, vm3, $0xb8;
	[tilespmem:$0x1FC00] =	vst v63  }
0x238: {  	v14 =	vld @!p1 [tilespmem:s0+$0x1900];
	_ =	sdelay $0x4  }
0x239: {  	v15 =	vshrl.u32 @!p1 v14, $0x3  }
0x23a: {  	v15 =	vand.u32 @!p1 $0x7FF, v15  }
0x23b: {  	v15 =	vmul.u32 @!p1 $0x18, v15  }
0x23c: {  	v16 =	vlaneseq.u32 @!p1;
	v14 =	vand.u32 @!p1 $0x7, v14  }
0x23d: {  	v17 =	vshrl.u32 @!p1 v16, $0x3;
	v14 =	vor.u32 @!p1 v14, v15;
	v15 =	vand.u32 @!p1 $0x7, v16  }
0x23e: {  	v17 =	vmul.u32 @!p1 $0x8, v17;
	v15 =	vperm.xlane @!p1 v14, v15;
	_ =	sdelay $0x1  }
0x23f: {  	v15 =	vadd.s32 @!p1 v17, v15  }
0x240: {  	v16 =	vor.u32 @!p1 $0x8, v16  }
0x241: {  	v14 =	vperm.xlane @!p1 v14, v16;
	_ =	sdelay $0x1  }
0x242: {  	vm2 =	vmmov @!p1 $0xffff;
	s1 =	simm.s32 @!p1 $0x9200;
	s0 =	simm.s32 @!p1 $0x0;
	v14 =	vadd.s32 @!p1 v17, v14  }
0x243: {  	[tilespmem:s1], [sflag:$0x3] =	stream.indirect_vreg.gather @!p1 [hbm4b:s3+s0], $0x80, v15, vm2, $0xb8;
	[tilespmem:$0x1FC00] =	vst v63  }
0x244: {  	vm3 =	vmmov @!p1 $0xff;
	s1 =	simm.s32 @!p1 $0x9A00  }
0x245: {  	[tilespmem:s1], [sflag:$0x3] =	stream.indirect_vreg.gather @!p1 [hbm4b:s6+s0], $0x80, v15, vm3, $0xb8;
	[tilespmem:$0x1FC00] =	vst v63  }
0x246: {  	s1 =	simm.s32 @!p1 $0x9E00  }
0x247: {  	[tilespmem:s1], [sflag:$0x3] =	stream.indirect_vreg.gather @!p1 [hbm4b:s3+s0], $0x80, v14, vm2, $0xb8;
	[tilespmem:$0x1FC00] =	vst v63  }
0x248: {  	s30 =	sadd.s32 $0x1, s30;
	s1 =	simm.s32 @!p1 $0xA600  }
0x249: {  	[tilespmem:s1], [sflag:$0x3] =	stream.indirect_vreg.gather @!p1 [hbm4b:s6+s0], $0x80, v14, vm3, $0xb8;
	[tilespmem:$0x1FC00] =	vst v63  }
0x24a: {  	p1 =	sne.s32 s30, s28  }
.Ltmp12:
0x24b: {  	_ = 	snop;
	(pc) =	sbr.rel @p1 .LBB2_14-.Ltmp12, $4  }
.Ltmp13:
0x24c: {  	_ = 	snop;
	(pc) =	sbr.rel @!p1 .LBB2_19-.Ltmp13, $4  }
0x24d: {  	_ = 	snop  }
0x24e: {  	_ = 	snop  }
0x24f: {  	_ = 	snop  }
0x250: {  	_ = 	snop  }
.LBB2_20:
0x251: {  	s0 =	simm.s32 @p0 $0x0;
	s1 =	simm.s32 @p0 $0xAB00;
	s5 =	rddreg [dreg:$0x7]  }
0x252: {  	[hbm4b:s5+s0] =	stream.linear.scatter @p0 [tilespmem:s1], [sflag:$0x4], $0x5000, $0x38;
	[tilespmem:$0x1FC00] =	vst v63  }
0x253: {  	s1 =	simm.s32 @p0 $0x4  }
0x254: {  	_ =	swait.ge @p0 [sflag:s1], $0x5000  }
0x255: {  	[sflag:s1] =	ssyncset.done @p0 $0x0  }
0x256: {  	s5 =	simm.s32 @p0 $0x15300;
	s7 =	rddreg [dreg:$0x8];
	[sflag:s1] =	ssyncadd.s32 @p0 $0xFFFFB000  }
0x257: {  	[hbm4b:s7+s0] =	stream.linear.scatter @p0 [tilespmem:s5], [sflag:$0x4], $0x5000, $0x38;
	[tilespmem:$0x1FC00] =	vst v63  }
0x258: {  	_ =	swait.ge @p0 [sflag:s1], $0x5000  }
0x259: {  	[sflag:s1] =	ssyncset.done @p0 $0x0  }
0x25a: {  	s5 =	simm.s32 @p0 $0x1FB00;
	s7 =	rddreg [dreg:$0x9];
	[sflag:s1] =	ssyncadd.s32 @p0 $0xFFFFB000  }
0x25b: {  	[hbm4b:s7+s0] =	stream.linear.scatter @p0 [tilespmem:s5], [sflag:$0x4], $0x50, $0x38;
	[tilespmem:$0x1FC00] =	vst v63  }
0x25c: {  	_ =	swait.ge @p0 [sflag:s1], $0x50  }
0x25d: {  	s0 =	simm.s32 @!p0 $0x0;
	[sflag:s1] =	ssyncset.done @p0 $0x0  }
0x25e: {  	s5 =	rddreg [dreg:$0x4];
	[sflag:s1] =	ssyncadd.s32 @p0 $0xFFFFFFB0;
	s1 =	simm.s32 @!p0 $0xAB00  }
0x25f: {  	[hbm4b:s5+s0] =	stream.linear.scatter @!p0 [tilespmem:s1], [sflag:$0x4], $0xA000, $0x38;
	[tilespmem:$0x1FC00] =	vst v63  }
0x260: {  	s1 =	simm.s32 @!p0 $0x4  }
0x261: {  	_ =	swait.ge @!p0 [sflag:s1], $0xA000  }
0x262: {  	[sflag:s1] =	ssyncset.done @!p0 $0x0  }
0x263: {  	s5 =	simm.s32 @!p0 $0x15300;
	s7 =	rddreg [dreg:$0x5];
	[sflag:s1] =	ssyncadd.s32 @!p0 $0xFFFF6000  }
0x264: {  	[hbm4b:s7+s0] =	stream.linear.scatter @!p0 [tilespmem:s5], [sflag:$0x4], $0xA000, $0x38;
	[tilespmem:$0x1FC00] =	vst v63  }
0x265: {  	_ =	swait.ge @!p0 [sflag:s1], $0xA000  }
0x266: {  	[sflag:s1] =	ssyncset.done @!p0 $0x0  }
0x267: {  	s5 =	simm.s32 @!p0 $0x1FB00;
	s7 =	rddreg [dreg:$0x6];
	[sflag:s1] =	ssyncadd.s32 @!p0 $0xFFFF6000  }
0x268: {  	[hbm4b:s7+s0] =	stream.linear.scatter @!p0 [tilespmem:s5], [sflag:$0x4], $0xA0, $0x38;
	[tilespmem:$0x1FC00] =	vst v63  }
0x269: {  	_ =	swait.ge @!p0 [sflag:s1], $0xA0  }
0x26a: {  	s26 =	simm.s32 $0x0;
	[sflag:s1] =	ssyncset.done @!p0 $0x0  }
0x26b: {  	s29 =	simm.s32 $0x2600;
	s28 =	rddreg [dreg:$0xa];
	[sflag:s1] =	ssyncadd.s32 @!p0 $0xFFFFFF60  }
0x26c: {  	[tilespmem:s29], [sflag:$0x4] =	stream.linear.gather [hbm4b:s28+s26], $0x5000, $0x38;
	[tilespmem:$0x1FC00] =	vst v63  }
0x26d: {  	_ =	swait.ge [sflag:s19], $0x5000  }
0x26e: {  	s30 =	sand.u32 $0xF800, s26;
	s0 =	sand.u32 $0x380, s26;
	[sflag:s19] =	ssyncset.done $0x0  }
0x26f: {  	s0 =	sor.u32 s0, s30;
	[sflag:s19] =	ssyncadd.s32 $0xFFFFB000  }
0x270: {  	[tilespmem:s0+$0x15770] =	vst v7  }
0x271: {  	[tilespmem:s0+$0xAB00] =	vst v6  }
0x272: {  	[tilespmem:s0+$0x15300] =	vst v7  }
0x273: {  	[tilespmem:s0+$0xAB10] =	vst v6  }
0x274: {  	[tilespmem:s0+$0x15310] =	vst v7  }
0x275: {  	[tilespmem:s0+$0xAB20] =	vst v6  }
0x276: {  	[tilespmem:s0+$0x15320] =	vst v7  }
0x277: {  	[tilespmem:s0+$0xAB30] =	vst v6  }
0x278: {  	[tilespmem:s0+$0x15330] =	vst v7  }
0x279: {  	[tilespmem:s0+$0xAB40] =	vst v6  }
0x27a: {  	[tilespmem:s0+$0x15340] =	vst v7  }
0x27b: {  	[tilespmem:s0+$0xAB50] =	vst v6  }
0x27c: {  	[tilespmem:s0+$0x15350] =	vst v7  }
0x27d: {  	[tilespmem:s0+$0xAB60] =	vst v6  }
0x27e: {  	[tilespmem:s0+$0x15360] =	vst v7  }
0x27f: {  	[tilespmem:s0+$0xAB70] =	vst v6  }
0x280: {  	[tilespmem:s0+$0x15370] =	vst v7  }
0x281: {  	[tilespmem:s0+$0xAF00] =	vst v6  }
0x282: {  	[tilespmem:s0+$0x15700] =	vst v7  }
0x283: {  	[tilespmem:s0+$0xAF10] =	vst v6  }
0x284: {  	[tilespmem:s0+$0x15710] =	vst v7  }
0x285: {  	[tilespmem:s0+$0xAF20] =	vst v6  }
0x286: {  	[tilespmem:s0+$0x15720] =	vst v7  }
0x287: {  	[tilespmem:s0+$0xAF30] =	vst v6  }
0x288: {  	[tilespmem:s0+$0x15730] =	vst v7  }
0x289: {  	[tilespmem:s0+$0xAF40] =	vst v6  }
0x28a: {  	[tilespmem:s0+$0x15740] =	vst v7  }
0x28b: {  	[tilespmem:s0+$0xAF50] =	vst v6  }
0x28c: {  	[tilespmem:s0+$0x15750] =	vst v7  }
0x28d: {  	s31 =	simm.s32 $0x100;
	s1 =	simm.s32 $0x80;
	[tilespmem:s0+$0xAF60] =	vst v6  }
0x28e: {  	s7 =	sand.u32 $0xF800, s31;
	s5 =	simm.s32 $0x200;
	s8 =	sand.u32 $0x380, s1;
	[tilespmem:s0+$0x15760] =	vst v7  }
.LBB2_21:
0x28f: {  	p1 =	sne.s32 s5, $0xA000;
	[tilespmem:s0+$0xAF70] =	vst v6;
	s0 =	sor.u32 s8, s7  }
0x290: {  	[tilespmem:s0+$0x15770] =	vst v7  }
0x291: {  	[tilespmem:s0+$0xAB00] =	vst v6  }
0x292: {  	[tilespmem:s0+$0x15300] =	vst v7  }
0x293: {  	[tilespmem:s0+$0xAB10] =	vst v6  }
0x294: {  	[tilespmem:s0+$0x15310] =	vst v7  }
0x295: {  	[tilespmem:s0+$0xAB20] =	vst v6  }
0x296: {  	[tilespmem:s0+$0x15320] =	vst v7  }
0x297: {  	[tilespmem:s0+$0xAB30] =	vst v6  }
0x298: {  	[tilespmem:s0+$0x15330] =	vst v7  }
0x299: {  	[tilespmem:s0+$0xAB40] =	vst v6  }
0x29a: {  	[tilespmem:s0+$0x15340] =	vst v7  }
0x29b: {  	[tilespmem:s0+$0xAB50] =	vst v6  }
0x29c: {  	[tilespmem:s0+$0x15350] =	vst v7  }
0x29d: {  	[tilespmem:s0+$0xAB60] =	vst v6  }
0x29e: {  	[tilespmem:s0+$0x15360] =	vst v7  }
0x29f: {  	[tilespmem:s0+$0xAB70] =	vst v6  }
0x2a0: {  	[tilespmem:s0+$0x15370] =	vst v7  }
0x2a1: {  	[tilespmem:s0+$0xAF00] =	vst v6  }
0x2a2: {  	[tilespmem:s0+$0x15700] =	vst v7  }
0x2a3: {  	[tilespmem:s0+$0xAF10] =	vst v6  }
0x2a4: {  	[tilespmem:s0+$0x15710] =	vst v7  }
0x2a5: {  	[tilespmem:s0+$0xAF20] =	vst v6  }
0x2a6: {  	[tilespmem:s0+$0x15720] =	vst v7  }
0x2a7: {  	[tilespmem:s0+$0xAF30] =	vst v6  }
0x2a8: {  	[tilespmem:s0+$0x15730] =	vst v7  }
0x2a9: {  	[tilespmem:s0+$0xAF40] =	vst v6  }
.Ltmp14:
0x2aa: {  	[tilespmem:s0+$0x15740] =	vst v7;
	(pc) =	sbr.rel @p1 .LBB2_21-.Ltmp14, $4  }
0x2ab: {  	[tilespmem:s0+$0xAF50] =	vst v6  }
0x2ac: {  	[tilespmem:s0+$0x15750] =	vst v7  }
0x2ad: {  	s1 =	sadd.s32 $0x80, s1;
	[tilespmem:s0+$0xAF60] =	vst v6  }
0x2ae: {  	s7 =	sand.u32 $0xF800, s5;
	s5 =	sadd.s32 $0x100, s5;
	s8 =	sand.u32 $0x380, s1;
	[tilespmem:s0+$0x15760] =	vst v7  }
0x2af: {  	s1 =	sor.u32 s8, s7;
	[tilespmem:s0+$0xAF70] =	vst v6  }
0x2b0: {  	[tilespmem:s1+$0x15770] =	vst v7  }
0x2b1: {  	[tilespmem:s1+$0xAB00] =	vst v6  }
0x2b2: {  	[tilespmem:s1+$0x15300] =	vst v7  }
0x2b3: {  	[tilespmem:s1+$0xAB10] =	vst v6  }
0x2b4: {  	[tilespmem:s1+$0x15310] =	vst v7  }
0x2b5: {  	[tilespmem:s1+$0xAB20] =	vst v6  }
0x2b6: {  	[tilespmem:s1+$0x15320] =	vst v7  }
0x2b7: {  	[tilespmem:s1+$0xAB30] =	vst v6  }
0x2b8: {  	[tilespmem:s1+$0x15330] =	vst v7  }
0x2b9: {  	[tilespmem:s1+$0xAB40] =	vst v6  }
0x2ba: {  	[tilespmem:s1+$0x15340] =	vst v7  }
0x2bb: {  	[tilespmem:s1+$0xAB50] =	vst v6  }
0x2bc: {  	[tilespmem:s1+$0x15350] =	vst v7  }
0x2bd: {  	[tilespmem:s1+$0xAB60] =	vst v6  }
0x2be: {  	[tilespmem:s1+$0x15360] =	vst v7  }
0x2bf: {  	[tilespmem:s1+$0xAB70] =	vst v6  }
0x2c0: {  	[tilespmem:s1+$0x15370] =	vst v7  }
0x2c1: {  	[tilespmem:s1+$0xAF00] =	vst v6  }
0x2c2: {  	[tilespmem:s1+$0x15700] =	vst v7  }
0x2c3: {  	[tilespmem:s1+$0xAF10] =	vst v6  }
0x2c4: {  	[tilespmem:s1+$0x15710] =	vst v7  }
0x2c5: {  	[tilespmem:s1+$0xAF20] =	vst v6  }
0x2c6: {  	[tilespmem:s1+$0x15720] =	vst v7  }
0x2c7: {  	[tilespmem:s1+$0xAF30] =	vst v6  }
0x2c8: {  	[tilespmem:s1+$0x15730] =	vst v7  }
0x2c9: {  	[tilespmem:s1+$0xAF40] =	vst v6  }
0x2ca: {  	[tilespmem:s1+$0x15740] =	vst v7  }
0x2cb: {  	[tilespmem:s1+$0xAF50] =	vst v6  }
0x2cc: {  	[tilespmem:s1+$0x15750] =	vst v7  }
0x2cd: {  	[tilespmem:s1+$0xAF60] =	vst v6  }
0x2ce: {  	[tilespmem:s1+$0x15760] =	vst v7  }
0x2cf: {  	[tilespmem:s1+$0xAF70] =	vst v6  }
0x2d0: {  	[tilespmem:$0x1FB00] =	vst v6  }
0x2d1: {  	[tilespmem:$0x1FB10] =	vst v6  }
0x2d2: {  	[tilespmem:$0x1FB20] =	vst v6  }
0x2d3: {  	[tilespmem:$0x1FB30] =	vst v6  }
0x2d4: {  	[tilespmem:$0x1FB40] =	vst v6  }
0x2d5: {  	[tilespmem:$0x1FB50] =	vst v6  }
0x2d6: {  	[tilespmem:$0x1FB60] =	vst v6  }
0x2d7: {  	[tilespmem:$0x1FB70] =	vst v6  }
0x2d8: {  	[tilespmem:$0x1FB80] =	vst v6  }
0x2d9: {  	s26 =	simm.s32 $0x0;
	s0 =	simm.s32 $0x10;
	[tilespmem:$0x1FB90] =	vst v6  }
0x2da: {  	s7 =	sadd.s32 $0x0, s4;
	s5 =	simm.s32 $0x0;
	s1 =	simm.s32 $0x100;
	[tilespmem:$0x1FBA0] =	vst v6  }
.LBB2_23:
0x2db: {  	[tilespmem:s5], [sflag:$0x1] =	stream.linear.gather [hbm4b:s7+s26], $0x80, $0x38;
	[tilespmem:$0x1FC00] =	vst v63  }
0x2dc: {  	s7 =	smov.u32 s0;
	s5 =	smov.u32 s1;
	p1 =	sne.s32 s0, $0x180  }
.Ltmp15:
0x2dd: {  	s0 =	sadd.s32 $0x10, s0;
	(pc) =	sbr.rel @p1 .LBB2_23-.Ltmp15, $2  }
0x2de: {  	_ =	sdelay $0x2  }
0x2df: {  	s1 =	sadd.s32 $0x100, s1;
	s7 =	sadd.s32 s7, s4  }
.Ltmp16:
0x2e0: {  	(pc) =	sbr.rel .LBB2_25-.Ltmp16, $2  }
0x2e1: {  	_ =	sdelay $0x2  }
0x2e2: {  	[tilespmem:s5], [sflag:$0x1] =	stream.linear.gather [hbm4b:s7+s26], $0x80, $0x38;
	[tilespmem:$0x1FC00] =	vst v63  }
.LBB2_38:
0x2e3: {  	p1 =	sne.s32 s26, $0x32  }
.Ltmp17:
0x2e4: {  	_ = 	snop;
	(pc) =	sbr.rel @!p1 .LBB2_39-.Ltmp17, $1  }
0x2e5: {  	_ =	sdelay $0x3  }
.LBB2_25:
0x2e6: {  	p1 =	seq.s32 s26, $0x31  }
.Ltmp18:
0x2e7: {  	_ = 	snop;
	(pc) =	sbr.rel @p1 .LBB2_29-.Ltmp18, $4  }
0x2e8: {  	_ = 	snop  }
0x2e9: {  	_ =	swait.ge [sflag:s20], $0xC80  }
0x2ea: {  	[sflag:s20] =	ssyncset.done $0x0  }
0x2eb: {  	s1 =	sand.u32 $0x1, s26;
	s26 =	sadd.s32 $0x1, s26;
	[sflag:s20] =	ssyncadd.s32 $0xFFFFF380  }
0x2ec: {  	s5 =	smul.u32 $0x190, s26  }
0x2ed: {  	s0 =	sshll.u32 s1, $0x7  }
0x2ee: {  	s0 =	sxor.u32 $0x80, s0;
	s5 =	sadd.s32 s4, s5  }
0x2ef: {  	s7 =	simm.s32 $0x10;
	s8 =	sadd.s32 $0x100, s0;
	s9 =	sadd.s32 $0x0, s5  }
.LBB2_27:
0x2f0: {  	[tilespmem:s0], [sflag:$0x1] =	stream.linear.gather [hbm4b:s9+s2], $0x80, $0x38;
	[tilespmem:$0x1FC00] =	vst v63  }
0x2f1: {  	s9 =	smov.u32 s7;
	s0 =	smov.u32 s8;
	p1 =	sne.s32 s7, $0x180  }
.Ltmp19:
0x2f2: {  	s7 =	sadd.s32 $0x10, s7;
	(pc) =	sbr.rel @p1 .LBB2_27-.Ltmp19, $2  }
0x2f3: {  	_ =	sdelay $0x2  }
0x2f4: {  	s8 =	sadd.s32 $0x100, s8;
	s9 =	sadd.s32 s9, s5  }
0x2f5: {  	[tilespmem:s0], [sflag:$0x1] =	stream.linear.gather [hbm4b:s9+s2], $0x80, $0x38;
	[tilespmem:$0x1FC00] =	vst v63  }
.LBB2_29:
0x2f6: {  	s0 =	simm.s32 $0x0  }
0x2f7: {  	s1 =	sshll.u32 s1, $0x7;
	s5 =	sand.u32 $0x1F00, s0  }
0x2f8: {  	s7 =	sand.u32 $0x70, s0;
	s5 =	sor.u32 s5, s1  }
0x2f9: {  	s5 =	sadd.s32 s7, s5  }
0x2fa: {  	v14 =	vld [tilespmem:s5+$0x0];
	_ =	sdelay $0x4  }
0x2fb: {  	v15 =	vshra.s32 v14, $0xE  }
0x2fc: {  	vm2 =	vge.s32 v15, v4;
	vm3 =	vlt.s32 v15, v5  }
0x2fd: {  	vm2 =	vmand vm2, vm3  }
0x2fe: {  	v15 =	vsel vm2, $0x1, v9;
	v16 =	vmpcnt.ones.xlane vm2  }
0x2ff: {  	v15 =	vor.u32 $0x80000000, v15  }
0x300: {  	(xrf1) =	vsort.dscd.msk.u32 $0xffff, v15, v14;
	(v2sf) =	vpush v16, $0x0;
	_ =	sdelay $0xb  }
0x301: {  	s8 =	simm.s32 $0x20;
	s7 =	simm.s32 $0x20;
	s5 =	simm.s32 $0x10  }
.LBB2_30:
0x302: {  	p1 =	sne.s32 s8, $0xC70;
	s9 =	sand.u32 $0x1F00, s7  }
0x303: {  	s10 =	sand.u32 $0x70, s5;
	s5 =	smov.u32 s8;
	s9 =	sor.u32 s9, s1;
	_, v14, _ =	vpop (xrf1)  }
0x304: {  	s9 =	sadd.s32 s10, s9;
	[tilespmem:s0+$0x1900] =	vst v14;
	s10 =	spop (v2sf)  }
0x305: {  	v14 =	vld [tilespmem:s9+$0x0];
	s0 =	sadd.s32 s0, s10;
	_ =	sdelay $0x4  }
0x306: {  	v15 =	vshra.s32 v14, $0xE  }
0x307: {  	vm2 =	vge.s32 v15, v4;
	vm3 =	vlt.s32 v15, v5  }
0x308: {  	vm2 =	vmand vm2, vm3  }
0x309: {  	v15 =	vsel vm2, $0x1, v9;
	v16 =	vmpcnt.ones.xlane vm2  }
0x30a: {  	v15 =	vor.u32 $0x80000000, v15  }
0x30b: {  	(xrf1) =	vsort.dscd.msk.u32 $0xffff, v15, v14;
	(v2sf) =	vpush v16, $0x0;
	_ =	sdelay $0x7  }
.Ltmp20:
0x30c: {  	(pc) =	sbr.rel @p1 .LBB2_30-.Ltmp20, $2  }
0x30d: {  	_ =	sdelay $0x2  }
0x30e: {  	s8 =	sadd.s32 $0x10, s8;
	s7 =	sadd.s32 $0x20, s7  }
0x30f: {  	s7 =	sand.u32 $0x1F00, s7  }
0x310: {  	s5 =	sand.u32 $0x70, s5;
	s1 =	sor.u32 s7, s1;
	_, v14, _ =	vpop (xrf1)  }
0x311: {  	s1 =	sadd.s32 s5, s1;
	[tilespmem:s0+$0x1900] =	vst v14  }
0x312: {  	v14 =	vld [tilespmem:s1+$0x0];
	_ =	sdelay $0x4  }
0x313: {  	v15 =	vshra.s32 v14, $0xE  }
0x314: {  	vm2 =	vge.s32 v15, v4;
	vm3 =	vlt.s32 v15, v5  }
0x315: {  	vm2 =	vmand vm2, vm3  }
0x316: {  	v15 =	vmpcnt.ones.xlane vm2;
	_ =	sdelay $0x1  }
0x317: {  	(v2sf) =	vpush v15, $0x0;
	_ =	sdelay $0x9  }
0x318: {  	v15 =	vsel vm2, $0x1, v9  }
0x319: {  	v15 =	vor.u32 $0x80000000, v15  }
0x31a: {  	(xrf1) =	vsort.dscd.msk.u32 $0xffff, v15, v14;
	_ =	sdelay $0x1  }
0x31b: {  	s16 =	spop (v2sf)  }
0x31c: {  	s17 =	sadd.s32 s0, s16;
	s18 =	spop (v2sf)  }
0x31d: {  	s1 =	sadd.s32 s17, s18  }
0x31e: {  	s29 =	sadd.s32 $0xF, s1  }
0x31f: {  	s30 =	sand.u32 $0xF, s29  }
0x320: {  	s31 =	sshra.s32 s29, $0x1F;
	p2 =	slt.s32 s29, $0x1;
	p1 =	sne.s32 s30, $0x0  }
0x321: {  	s7 =	sshrl.u32 s31, $0x1C;
	p1 =	por !p2, !p1  }
0x322: {  	s5 =	sadd.s32 s7, s29;
	s7 =	simm.s32 $0x1;
	p1 =	por !p1, !p1  }
0x323: {  	s5 =	sshra.s32 s5, $0x4;
	s7 =	simm.s32 @!p1 $0x0  }
0x324: {  	s28 =	ssub.s32 s5, s7  }
0x325: {  	p1 =	slt.s32 s28, $0x1  }
.Ltmp21:
0x326: {  	_ = 	snop;
	(pc) =	sbr.rel @p1 .LBB2_38-.Ltmp21, $4  }
0x327: {  	_, v14, _ =	vpop (xrf1)  }
0x328: {  	[tilespmem:s17+$0x1900] =	vst v14  }
0x329: {  	[tilespmem:s1+$0x1900] =	vst v3  }
0x32a: {  	[tilespmem:s1+$0x1910] =	vst v3  }
0x32b: {  	v14 =	vld [tilespmem:$0x1900];
	_ =	sdelay $0x4  }
0x32c: {  	v15 =	vshrl.u32 v14, $0x3  }
0x32d: {  	v15 =	vand.u32 $0x7FF, v15  }
0x32e: {  	v15 =	vmul.u32 $0x18, v15  }
0x32f: {  	v14 =	vand.u32 $0x7, v14  }
0x330: {  	v14 =	vor.u32 v14, v15  }
0x331: {  	v15 =	vperm.xlane v14, v10;
	_ =	sdelay $0x1  }
0x332: {  	v15 =	vadd.s32 v11, v15;
	_ =	sdelay $0x1  }
0x333: {  	v14 =	vperm.xlane v14, v12;
	_ =	sdelay $0x1  }
0x334: {  	v14 =	vadd.s32 v11, v14  }
0x335: {  	[tilespmem:s21], [sflag:$0x2] =	stream.indirect_vreg.gather [hbm4b:s3+s2], $0x80, v15, vm0, $0xb8;
	[tilespmem:$0x1FC00] =	vst v63  }
0x336: {  	_ = 	snop  }
0x337: {  	[tilespmem:s22], [sflag:$0x2] =	stream.indirect_vreg.gather [hbm4b:s6+s2], $0x80, v15, vm1, $0xb8;
	[tilespmem:$0x1FC00] =	vst v63  }
0x338: {  	_ = 	snop  }
0x339: {  	[tilespmem:s23], [sflag:$0x2] =	stream.indirect_vreg.gather [hbm4b:s3+s2], $0x80, v14, vm0, $0xb8;
	[tilespmem:$0x1FC00] =	vst v63  }
0x33a: {  	p1 =	seq.s32 s28, $0x1  }
0x33b: {  	[tilespmem:s24], [sflag:$0x2] =	stream.indirect_vreg.gather [hbm4b:s6+s2], $0x80, v14, vm1, $0xb8;
	[tilespmem:$0x1FC00] =	vst v63  }
0x33c: {  	v14 =	vld @!p1 [tilespmem:$0x1910];
	_ =	sdelay $0x4  }
0x33d: {  	v15 =	vshrl.u32 @!p1 v14, $0x3  }
0x33e: {  	v15 =	vand.u32 @!p1 $0x7FF, v15  }
0x33f: {  	v15 =	vmul.u32 @!p1 $0x18, v15  }
0x340: {  	v16 =	vlaneseq.u32 @!p1;
	v14 =	vand.u32 @!p1 $0x7, v14  }
0x341: {  	v17 =	vshrl.u32 @!p1 v16, $0x3;
	v14 =	vor.u32 @!p1 v14, v15;
	v15 =	vand.u32 @!p1 $0x7, v16  }
0x342: {  	v17 =	vmul.u32 @!p1 $0x8, v17;
	v15 =	vperm.xlane @!p1 v14, v15;
	_ =	sdelay $0x1  }
0x343: {  	v15 =	vadd.s32 @!p1 v17, v15  }
0x344: {  	v16 =	vor.u32 @!p1 $0x8, v16  }
0x345: {  	v14 =	vperm.xlane @!p1 v14, v16;
	_ =	sdelay $0x1  }
0x346: {  	vm2 =	vmmov @!p1 $0xffff;
	s0 =	simm.s32 @!p1 $0x0;
	s1 =	simm.s32 @!p1 $0x9200;
	v14 =	vadd.s32 @!p1 v17, v14  }
0x347: {  	[tilespmem:s1], [sflag:$0x3] =	stream.indirect_vreg.gather @!p1 [hbm4b:s3+s0], $0x80, v15, vm2, $0xb8;
	[tilespmem:$0x1FC00] =	vst v63  }
0x348: {  	vm3 =	vmmov @!p1 $0xff;
	s1 =	simm.s32 @!p1 $0x9A00  }
0x349: {  	[tilespmem:s1], [sflag:$0x3] =	stream.indirect_vreg.gather @!p1 [hbm4b:s6+s0], $0x80, v15, vm3, $0xb8;
	[tilespmem:$0x1FC00] =	vst v63  }
0x34a: {  	s1 =	simm.s32 @!p1 $0x9E00  }
0x34b: {  	[tilespmem:s1], [sflag:$0x3] =	stream.indirect_vreg.gather @!p1 [hbm4b:s3+s0], $0x80, v14, vm2, $0xb8;
	[tilespmem:$0x1FC00] =	vst v63  }
0x34c: {  	s29 =	simm.s32 $0x0;
	s30 =	simm.s32 $0x0;
	s1 =	simm.s32 @!p1 $0xA600  }
0x34d: {  	[tilespmem:s1], [sflag:$0x3] =	stream.indirect_vreg.gather @!p1 [hbm4b:s6+s0], $0x80, v14, vm3, $0xb8;
	[tilespmem:$0x1FC00] =	vst v63  }
.LBB2_33:
0x34e: {  	s31 =	sand.u32 $0x1, s30  }
0x34f: {  	p1 =	seq.s32 s31, $0x1  }
0x350: {  	s0 =	simm.s32 @!p1 $0x2  }
0x351: {  	_ =	swait.ge @!p1 [sflag:s0], $0x1800  }
0x352: {  	p2 =	seq.s32 s31, $0x0;
	[sflag:s0] =	ssyncset.done @!p1 $0x0  }
0x353: {  	[sflag:s0] =	ssyncadd.s32 @!p1 $0xFFFFE800;
	s0 =	simm.s32 @!p2 $0x3  }
0x354: {  	_ =	swait.ge @!p2 [sflag:s0], $0x1800  }
0x355: {  	s1 =	sshll.u32 s30, $0x6;
	[sflag:s0] =	ssyncset.done @!p2 $0x0  }
0x356: {  	s18 =	sshra.s32 s1, $0x2;
	[sflag:s0] =	ssyncadd.s32 @!p2 $0xFFFFE800  }
0x357: {  	v14 =	vld [tilespmem:s18+$0x1900];
	_ =	sdelay $0x4  }
0x358: {  	v14 =	vshra.s32 v14, $0xE  }
0x359: {  	v14 =	vsub.s32 v14, v4  }
0x35a: {  	s1 =	simm.s32 $0xAA80;
	[tilespmem:$0xAA80] =	vst v14  }
0x35b: {  	v14 =	vld [tilespmem:s1+$0x0];
	_ =	sdelay $0x4  }
0x35c: {  	(v2sf) =	vpush v14, $0x0;
	_ =	sdelay $0x2  }
0x35d: {  	s5 =	simm.s32 $0xAA81  }
0x35e: {  	v14 =	vld [tilespmem:s5+$0x0];
	_ =	sdelay $0x4  }
0x35f: {  	s7 =	simm.s32 $0xAA82;
	(v2sf) =	vpush v14, $0x0  }
0x360: {  	v15 =	vld [tilespmem:s7+$0x0]  }
0x361: {  	s9 =	simm.s32 $0x0;
	s8 =	smul.u32 $0x6000, s31  }
0x362: {  	s1 =	smul.u32 $0x3000, s9  }
0x363: {  	s0 =	sshrl.u32 s8, $0x2  }
0x364: {  	s0 =	sadd.s32 $0x7A00, s0;
	s7 =	sand.u32 $0x380, s29;
	s1 =	sshra.s32 s1, $0x2  }
0x365: {  	s1 =	sadd.s32 s1, s0;
	s5 =	simm.s32 $0xAA83;
	(v2sf) =	vpush v15, $0x0;
	s8 =	spop (v2sf)  }
0x366: {  	s1 =	sadd.s32 s7, s1;
	v14 =	vld [tilespmem:s5+$0x0];
	s10 =	sshll.u32 s8, $0x9  }
0x367: {  	v15 =	vld [tilespmem:s1+$0x800];
	s11 =	sshra.s32 s10, $0x2  }
0x368: {  	v16 =	vld [tilespmem:s11+$0x2600]  }
0x369: {  	s12 =	simm.s32 $0x0  }
0x36a: {  	s1 =	smul.u32 $0x3000, s12;
	_ =	sdelay $0x1  }
0x36b: {  	s13 =	simm.s32 $0x80;
	s1 =	sshra.s32 s1, $0x2;
	(v2sf) =	vpush v14, $0x0  }
0x36c: {  	s5 =	sand.u32 $0x380, s13;
	s1 =	sadd.s32 s1, s0;
	s10 =	simm.s32 $0xAA85;
	v14 =	vsub.f32 v15, v16  }
0x36d: {  	s1 =	sadd.s32 s5, s1;
	v17 =	vld [tilespmem:s10+$0x0];
	s14 =	spop (v2sf)  }
0x36e: {  	s18 =	simm.s32 $0xAA84;
	s16 =	sshll.u32 s14, $0x9;
	v15 =	vld [tilespmem:s1+$0x800];
	v14 =	vmul.f32 v14, v14  }
0x36f: {  	s15 =	simm.s32 $0x0;
	s9 =	sshra.s32 s16, $0x2;
	v16 =	vld [tilespmem:s18+$0x0]  }
0x370: {  	s17 =	smul.u32 $0x3000, s15;
	(xrf2) =	vadd.scan.msk.f32 $0xffff, v14;
	v14 =	vld [tilespmem:s9+$0x2600];
	_ =	sdelay $0x1  }
0x371: {  	s12 =	simm.s32 $0x100;
	s11 =	sshra.s32 s17, $0x2  }
0x372: {  	s7 =	sand.u32 $0x380, s12;
	s5 =	sadd.s32 s11, s0;
	s13 =	spop (v2sf)  }
0x373: {  	s14 =	sadd.s32 s7, s5;
	s15 =	sshll.u32 s13, $0x9;
	(v2sf) =	vpush v16, $0x0  }
0x374: {  	s17 =	simm.s32 $0x0;
	v18 =	vld [tilespmem:s14+$0x800];
	s16 =	sshra.s32 s15, $0x2;
	(v2sf) =	vpush v17, $0x0;
	v14 =	vsub.f32 v15, v14  }
0x375: {  	s12 =	simm.s32 $0xAA86;
	s10 =	smul.u32 $0x3000, s17;
	v19 =	vld [tilespmem:s16+$0x2600]  }
0x376: {  	s8 =	simm.s32 $0x2;
	s11 =	simm.s32 $0x180;
	s7 =	simm.s32 $0x3;
	v15 =	vmul.f32 v14, v14  }
0x377: {  	s5 =	simm.s32 $0x6;
	s10 =	sshra.s32 s10, $0x2;
	s14 =	sand.u32 $0x380, s11  }
0x378: {  	s10 =	sadd.s32 s10, s0;
	s13 =	simm.s32 $0x7;
	s18 =	simm.s32 $0x1  }
0x379: {  	s1 =	simm.s32 $0x5;
	s14 =	sadd.s32 s14, s10;
	s15 =	spop (v2sf);
	(xrf2) =	vadd.scan.msk.f32 $0xffff, v15  }
0x37a: {  	s10 =	simm.s32 $0x0;
	s15 =	sshll.u32 s15, $0x9;
	s9 =	simm.s32 $0x4;
	v17 =	vld [tilespmem:s12+$0x0];
	v16 =	vsub.f32 v18, v19;
	v14 =	vimm.f32 $0.0e+00;
	v15, _, _ =	vpop (xrf2)  }
.LBB2_34:
0x37b: {  	v19 =	vmov s10;
	s10 =	smov.u32 s18  }
0x37c: {  	s18 =	smov.u32 s8;
	s8 =	smov.u32 s7;
	s7 =	smov.u32 s9  }
0x37d: {  	p2 =	sne.s32 s13, $0xF;
	v18 =	vld [tilespmem:s14+$0x800];
	s14 =	sshra.s32 s15, $0x2;
	v15 =	vbroadcast v15, $0xF;
	s15 =	sshrl.u32 s7, $0x3  }
0x37e: {  	s9 =	smov.u32 s1;
	s1 =	smov.u32 s5;
	v20 =	vld [tilespmem:s14+$0x2600];
	v16 =	vmul.f32 v16, v16;
	vm2 =	veq.s32 v19, v8;
	s14 =	smul.u32 $0x3000, s15  }
.Ltmp22:
0x37f: {  	v14 =	vsel vm2, v15, v14;
	(pc) =	sbr.rel @p2 .LBB2_34-.Ltmp22, $4  }
0x380: {  	s5 =	smov.u32 s13;
	(xrf2) =	vadd.scan.msk.f32 $0xffff, v16  }
0x381: {  	s12 =	sadd.s32 $0x1, s12;
	s11 =	sadd.s32 $0x80, s11;
	(v2sf) =	vpush v17, $0x0;
	s14 =	sshra.s32 s14, $0x2  }
0x382: {  	s15 =	sand.u32 $0x380, s11;
	s14 =	sadd.s32 s14, s0;
	s16 =	spop (v2sf)  }
0x383: {  	s13 =	sadd.s32 $0x1, s13;
	v17 =	vld [tilespmem:s12+$0x0];
	s14 =	sadd.s32 s15, s14;
	s15 =	sshll.u32 s16, $0x9;
	v16 =	vsub.f32 v18, v20;
	v15, _, _ =	vpop (xrf2)  }
0x384: {  	_ =	sdelay $0x3  }
0x385: {  	(v2sf) =	vpush v17, $0x0;
	_ =	sdelay $0x4  }
0x386: {  	s12 =	sshrl.u32 s9, $0x3  }
0x387: {  	s12 =	smul.u32 $0x3000, s12  }
0x388: {  	s13 =	sshra.s32 s15, $0x2;
	s11 =	sadd.s32 $0x80, s11  }
0x389: {  	s16 =	sshrl.u32 s1, $0x3;
	s17 =	spop (v2sf);
	s12 =	sshra.s32 s12, $0x2  }
0x38a: {  	s15 =	sand.u32 $0x380, s11;
	s16 =	smul.u32 $0x3000, s16;
	s12 =	sadd.s32 s12, s0  }
0x38b: {  	s12 =	sadd.s32 s15, s12;
	s15 =	sshll.u32 s17, $0x9;
	s17 =	sshrl.u32 s5, $0x3  }
0x38c: {  	v34 =	vld [tilespmem:s14+$0x800];
	s11 =	sadd.s32 $0x80, s11;
	s14 =	sshra.s32 s16, $0x2;
	s17 =	smul.u32 $0x3000, s17  }
0x38d: {  	v18 =	vld [tilespmem:s13+$0x2600];
	s16 =	sand.u32 $0x380, s11;
	s11 =	sadd.s32 $0x80, s11;
	s13 =	sadd.s32 s14, s0  }
0x38e: {  	v19 =	vld [tilespmem:s12+$0x800];
	s12 =	sadd.s32 s16, s13;
	s16 =	sshra.s32 s15, $0x2;
	s17 =	sshra.s32 s17, $0x2  }
0x38f: {  	s11 =	sand.u32 $0x380, s11;
	v20 =	vld [tilespmem:s16+$0x2600];
	s15 =	sadd.s32 s17, s0;
	s14 =	spop (v2sf)  }
0x390: {  	v21 =	vld [tilespmem:s12+$0x800];
	s11 =	sadd.s32 s11, s15;
	s14 =	sshll.u32 s14, $0x9;
	s16 =	spop (v2sf)  }
0x391: {  	v23 =	vld [tilespmem:s11+$0x800];
	s13 =	sshra.s32 s14, $0x2;
	s17 =	sshll.u32 s16, $0x9  }
0x392: {  	v22 =	vld [tilespmem:s13+$0x2600];
	s12 =	sshra.s32 s17, $0x2  }
0x393: {  	v24 =	vld [tilespmem:s12+$0x2600]  }
0x394: {  	v17 =	vsub.f32 v34, v18  }
0x395: {  	v16 =	vmul.f32 v16, v16;
	v35 =	vsub.f32 v19, v20  }
0x396: {  	v36 =	vmul.f32 v17, v17  }
0x397: {  	(xrf2) =	vadd.scan.msk.f32 $0xffff, v16;
	v18 =	vmul.f32 v35, v35;
	v37 =	vsub.f32 v21, v22  }
0x398: {  	(xrf2) =	vadd.scan.msk.f32 $0xffff, v36;
	v38 =	vsub.f32 v23, v24  }
0x399: {  	(xrf2) =	vadd.scan.msk.f32 $0xffff, v18;
	v17 =	vmul.f32 v37, v37  }
0x39a: {  	v16 =	vmul.f32 v38, v38  }
0x39b: {  	(xrf2) =	vadd.scan.msk.f32 $0xffff, v17  }
0x39c: {  	(xrf2) =	vadd.scan.msk.f32 $0xffff, v16  }
0x39d: {  	v39 =	vmov s10;
	v15 =	vbroadcast v15, $0xF  }
0x39e: {  	vm2 =	veq.s32 v39, v8  }
0x39f: {  	v14 =	vsel vm2, v15, v14;
	v15 =	vmov s18  }
0x3a0: {  	vm2 =	veq.s32 v15, v8;
	v15 =	vmov s8;
	v40, _, _ =	vpop (xrf2)  }
0x3a1: {  	v41, _, _ =	vpop (xrf2);
	v17 =	vbroadcast v40, $0xF  }
0x3a2: {  	v43 =	vmov s7;
	v45 =	vmov s9;
	v42, _, _ =	vpop (xrf2);
	v16 =	vbroadcast v41, $0xF  }
0x3a3: {  	v44 =	vbroadcast v42, $0xF;
	v14 =	vsel vm2, v17, v14;
	vm2 =	veq.s32 v15, v8;
	v15, _, _ =	vpop (xrf2)  }
0x3a4: {  	v15 =	vbroadcast v15, $0xF;
	v14 =	vsel vm2, v16, v14;
	vm2 =	veq.s32 v43, v8  }
0x3a5: {  	v14 =	vsel vm2, v44, v14;
	vm2 =	veq.s32 v45, v8;
	v46, _, _ =	vpop (xrf2)  }
0x3a6: {  	v14 =	vsel vm2, v15, v14;
	v15 =	vmov s1;
	v16 =	vbroadcast v46, $0xF;
	v47, _, _ =	vpop (xrf2)  }
0x3a7: {  	vm2 =	veq.s32 v15, v8;
	v15 =	vmov s5;
	v17 =	vbroadcast v47, $0xF  }
0x3a8: {  	v14 =	vsel vm2, v16, v14;
	vm2 =	veq.s32 v15, v8  }
0x3a9: {  	v14 =	vsel vm2, v17, v14  }
0x3aa: {  	v14 =	vsub.f32 $0.0e+00, v14;
	_ =	sdelay $0x1  }
0x3ab: {  	v14 =	vmul.f32 $1.442695020e+00, v14;
	_ =	sdelay $0x1  }
0x3ac: {  	(erf) = vpow2.f32 v14;
	_ =	sdelay $0x8  }
0x3ad: {  	v14 =	vpop (erf)  }
0x3ae: {  	s1 =	simm.s32 $0xAA80;
	[tilespmem:$0xAA00] =	vst v14  }
0x3af: {  	v14 =	vld [tilespmem:s1+$0x0];
	_ =	sdelay $0x4  }
0x3b0: {  	(v2sf) =	vpush v14, $0x0;
	_ =	sdelay $0xa  }
0x3b1: {  	s13 =	simm.s32 $0x0  }
0x3b2: {  	s14 =	smul.u32 $0x3000, s13;
	_ =	sdelay $0x1  }
0x3b3: {  	s18 =	simm.s32 $0x0;
	s7 =	sshra.s32 s14, $0x2;
	s5 =	simm.s32 $0xAA00  }
0x3b4: {  	s15 =	sand.u32 $0x380, s18;
	s7 =	sadd.s32 s7, s0;
	v14 =	vld.msk [tilespmem:s5+$0x0 ss:$0x0], $0xffff;
	s16 =	spop (v2sf)  }
0x3b5: {  	s8 =	sadd.s32 s15, s7;
	[tilespmem:s16+$0x1FB00] =	vst.add.f32.msk $0xffff, v13;
	s17 =	sshll.u32 s16, $0x8;
	s9 =	sshll.u32 s16, $0x7  }
0x3b6: {  	v15 =	vld [tilespmem:s8+$0x0];
	s7 =	sand.u32 $0xFFFFF800, s17;
	s9 =	sand.u32 $0x380, s9  }
0x3b7: {  	s7 =	sor.u32 s9, s7  }
0x3b8: {  	v48 =	vld [tilespmem:s7+$0x15300];
	_ =	sdelay $0x2  }
0x3b9: {  	v15 =	vmul.f32 v15, v14;
	_ =	sdelay $0x1  }
0x3ba: {  	[tilespmem:s7+$0xAB00] =	vst.add.f32.msk $0xffff, v15;
	v15 =	vmax.f32 v48, v15  }
0x3bb: {  	[tilespmem:s7+$0x15300] =	vst v15  }
0x3bc: {  	v15 =	vld [tilespmem:s8+$0x10];
	_ =	sdelay $0x1  }
0x3bd: {  	v49 =	vld [tilespmem:s7+$0x15310];
	_ =	sdelay $0x2  }
0x3be: {  	v15 =	vmul.f32 v15, v14;
	_ =	sdelay $0x1  }
0x3bf: {  	[tilespmem:s7+$0xAB10] =	vst.add.f32.msk $0xffff, v15;
	v15 =	vmax.f32 v49, v15  }
0x3c0: {  	[tilespmem:s7+$0x15310] =	vst v15  }
0x3c1: {  	v15 =	vld [tilespmem:s8+$0x20];
	_ =	sdelay $0x1  }
0x3c2: {  	v50 =	vld [tilespmem:s7+$0x15320];
	_ =	sdelay $0x2  }
0x3c3: {  	v15 =	vmul.f32 v15, v14;
	_ =	sdelay $0x1  }
0x3c4: {  	[tilespmem:s7+$0xAB20] =	vst.add.f32.msk $0xffff, v15;
	v15 =	vmax.f32 v50, v15  }
0x3c5: {  	[tilespmem:s7+$0x15320] =	vst v15  }
0x3c6: {  	v15 =	vld [tilespmem:s8+$0x30];
	_ =	sdelay $0x1  }
0x3c7: {  	v51 =	vld [tilespmem:s7+$0x15330];
	_ =	sdelay $0x2  }
0x3c8: {  	v15 =	vmul.f32 v15, v14;
	_ =	sdelay $0x1  }
0x3c9: {  	[tilespmem:s7+$0xAB30] =	vst.add.f32.msk $0xffff, v15;
	v15 =	vmax.f32 v51, v15  }
0x3ca: {  	[tilespmem:s7+$0x15330] =	vst v15  }
0x3cb: {  	v15 =	vld [tilespmem:s8+$0x40];
	_ =	sdelay $0x1  }
0x3cc: {  	v52 =	vld [tilespmem:s7+$0x15340];
	_ =	sdelay $0x2  }
0x3cd: {  	v15 =	vmul.f32 v15, v14;
	_ =	sdelay $0x1  }
0x3ce: {  	[tilespmem:s7+$0xAB40] =	vst.add.f32.msk $0xffff, v15;
	v15 =	vmax.f32 v52, v15  }
0x3cf: {  	[tilespmem:s7+$0x15340] =	vst v15  }
0x3d0: {  	v15 =	vld [tilespmem:s8+$0x50];
	_ =	sdelay $0x1  }
0x3d1: {  	v53 =	vld [tilespmem:s7+$0x15350];
	_ =	sdelay $0x2  }
0x3d2: {  	v15 =	vmul.f32 v15, v14;
	_ =	sdelay $0x1  }
0x3d3: {  	[tilespmem:s7+$0xAB50] =	vst.add.f32.msk $0xffff, v15;
	v15 =	vmax.f32 v53, v15  }
0x3d4: {  	[tilespmem:s7+$0x15350] =	vst v15  }
0x3d5: {  	v15 =	vld [tilespmem:s8+$0x60];
	_ =	sdelay $0x1  }
0x3d6: {  	v54 =	vld [tilespmem:s7+$0x15360];
	_ =	sdelay $0x2  }
0x3d7: {  	v15 =	vmul.f32 v15, v14;
	_ =	sdelay $0x1  }
0x3d8: {  	[tilespmem:s7+$0xAB60] =	vst.add.f32.msk $0xffff, v15;
	v15 =	vmax.f32 v54, v15  }
0x3d9: {  	[tilespmem:s7+$0x15360] =	vst v15  }
0x3da: {  	v15 =	vld [tilespmem:s8+$0x70];
	_ =	sdelay $0x1  }
0x3db: {  	v55 =	vld [tilespmem:s7+$0x15370];
	_ =	sdelay $0x2  }
0x3dc: {  	v15 =	vmul.f32 v15, v14;
	_ =	sdelay $0x1  }
0x3dd: {  	[tilespmem:s7+$0xAB70] =	vst.add.f32.msk $0xffff, v15;
	v15 =	vmax.f32 v55, v15  }
0x3de: {  	[tilespmem:s7+$0x15370] =	vst v15  }
0x3df: {  	v15 =	vld [tilespmem:s8+$0x400];
	_ =	sdelay $0x1  }
0x3e0: {  	v56 =	vld [tilespmem:s7+$0x15700];
	_ =	sdelay $0x2  }
0x3e1: {  	v15 =	vmul.f32 v15, v14;
	_ =	sdelay $0x1  }
0x3e2: {  	[tilespmem:s7+$0xAF00] =	vst.add.f32.msk $0xffff, v15;
	v15 =	vmax.f32 v56, v15  }
0x3e3: {  	[tilespmem:s7+$0x15700] =	vst v15  }
0x3e4: {  	v15 =	vld [tilespmem:s8+$0x410];
	_ =	sdelay $0x1  }
0x3e5: {  	v57 =	vld [tilespmem:s7+$0x15710];
	_ =	sdelay $0x2  }
0x3e6: {  	v15 =	vmul.f32 v15, v14;
	_ =	sdelay $0x1  }
0x3e7: {  	[tilespmem:s7+$0xAF10] =	vst.add.f32.msk $0xffff, v15;
	v15 =	vmax.f32 v57, v15  }
0x3e8: {  	[tilespmem:s7+$0x15710] =	vst v15  }
0x3e9: {  	v15 =	vld [tilespmem:s8+$0x420];
	_ =	sdelay $0x1  }
0x3ea: {  	v58 =	vld [tilespmem:s7+$0x15720];
	_ =	sdelay $0x2  }
0x3eb: {  	v15 =	vmul.f32 v15, v14;
	_ =	sdelay $0x1  }
0x3ec: {  	[tilespmem:s7+$0xAF20] =	vst.add.f32.msk $0xffff, v15;
	v15 =	vmax.f32 v58, v15  }
0x3ed: {  	[tilespmem:s7+$0x15720] =	vst v15  }
0x3ee: {  	v15 =	vld [tilespmem:s8+$0x430];
	_ =	sdelay $0x1  }
0x3ef: {  	v59 =	vld [tilespmem:s7+$0x15730];
	_ =	sdelay $0x2  }
0x3f0: {  	v15 =	vmul.f32 v15, v14;
	_ =	sdelay $0x1  }
0x3f1: {  	[tilespmem:s7+$0xAF30] =	vst.add.f32.msk $0xffff, v15;
	v15 =	vmax.f32 v59, v15  }
0x3f2: {  	[tilespmem:s7+$0x15730] =	vst v15  }
0x3f3: {  	v15 =	vld [tilespmem:s8+$0x440];
	_ =	sdelay $0x1  }
0x3f4: {  	v60 =	vld [tilespmem:s7+$0x15740];
	_ =	sdelay $0x2  }
0x3f5: {  	v15 =	vmul.f32 v15, v14;
	_ =	sdelay $0x1  }
0x3f6: {  	[tilespmem:s7+$0xAF40] =	vst.add.f32.msk $0xffff, v15;
	v15 =	vmax.f32 v60, v15  }
0x3f7: {  	[tilespmem:s7+$0x15740] =	vst v15  }
0x3f8: {  	v15 =	vld [tilespmem:s8+$0x450];
	_ =	sdelay $0x1  }
0x3f9: {  	v61 =	vld [tilespmem:s7+$0x15750];
	_ =	sdelay $0x2  }
0x3fa: {  	v15 =	vmul.f32 v15, v14;
	_ =	sdelay $0x1  }
0x3fb: {  	[tilespmem:s7+$0xAF50] =	vst.add.f32.msk $0xffff, v15;
	v15 =	vmax.f32 v61, v15  }
0x3fc: {  	[tilespmem:s7+$0x15750] =	vst v15  }
0x3fd: {  	v15 =	vld [tilespmem:s8+$0x460];
	_ =	sdelay $0x1  }
0x3fe: {  	v62 =	vld [tilespmem:s7+$0x15760];
	_ =	sdelay $0x2  }
0x3ff: {  	v15 =	vmul.f32 v15, v14;
	_ =	sdelay $0x1  }
0x400: {  	[tilespmem:s7+$0xAF60] =	vst.add.f32.msk $0xffff, v15;
	v15 =	vmax.f32 v62, v15  }
0x401: {  	[tilespmem:s7+$0x15760] =	vst v15  }
0x402: {  	v15 =	vld [tilespmem:s8+$0x470];
	_ =	sdelay $0x1  }
0x403: {  	v63 =	vld [tilespmem:s7+$0x15770];
	_ =	sdelay $0x2  }
0x404: {  	v14 =	vmul.f32 v15, v14;
	_ =	sdelay $0x1  }
0x405: {  	s8 =	simm.s32 $0x1;
	[tilespmem:s7+$0xAF70] =	vst.add.f32.msk $0xffff, v14;
	v14 =	vmax.f32 v63, v14  }
.LBB2_36:
0x406: {  	[tilespmem:s7+$0x15770] =	vst v14;
	s18 =	sadd.s32 $0x80, s18;
	s1 =	sadd.s32 $0x1, s1;
	s5 =	sadd.s32 $0x1, s5  }
0x407: {  	p2 =	sne.s32 s8, $0xF;
	s7 =	smov.u32 s8;
	s8 =	sadd.s32 $0x1, s8;
	v14 =	vld [tilespmem:s1+$0x0]  }
0x408: {  	_ =	sdelay $0x3  }
0x409: {  	(v2sf) =	vpush v14, $0x0;
	_ =	sdelay $0xa  }
0x40a: {  	s7 =	sshrl.u32 s7, $0x3  }
0x40b: {  	s7 =	smul.u32 $0x3000, s7;
	_ =	sdelay $0x1  }
0x40c: {  	s7 =	sshra.s32 s7, $0x2  }
0x40d: {  	s9 =	sand.u32 $0x380, s18;
	s7 =	sadd.s32 s7, s0;
	v14 =	vld.msk [tilespmem:s5+$0x0 ss:$0x0], $0xffff;
	s10 =	spop (v2sf)  }
0x40e: {  	s9 =	sadd.s32 s9, s7;
	[tilespmem:s10+$0x1FB00] =	vst.add.f32.msk $0xffff, v13;
	s7 =	sshll.u32 s10, $0x8;
	s10 =	sshll.u32 s10, $0x7  }
0x40f: {  	v15 =	vld [tilespmem:s9+$0x0];
	s7 =	sand.u32 $0xFFFFF800, s7;
	s10 =	sand.u32 $0x380, s10  }
0x410: {  	s7 =	sor.u32 s10, s7  }
0x411: {  	v16 =	vld [tilespmem:s7+$0x15300];
	_ =	sdelay $0x2  }
0x412: {  	v15 =	vmul.f32 v15, v14;
	_ =	sdelay $0x1  }
0x413: {  	[tilespmem:s7+$0xAB00] =	vst.add.f32.msk $0xffff, v15;
	v15 =	vmax.f32 v16, v15  }
0x414: {  	[tilespmem:s7+$0x15300] =	vst v15  }
0x415: {  	v15 =	vld [tilespmem:s9+$0x10];
	_ =	sdelay $0x1  }
0x416: {  	v16 =	vld [tilespmem:s7+$0x15310];
	_ =	sdelay $0x2  }
0x417: {  	v15 =	vmul.f32 v15, v14;
	_ =	sdelay $0x1  }
0x418: {  	[tilespmem:s7+$0xAB10] =	vst.add.f32.msk $0xffff, v15;
	v15 =	vmax.f32 v16, v15  }
0x419: {  	[tilespmem:s7+$0x15310] =	vst v15  }
0x41a: {  	v15 =	vld [tilespmem:s9+$0x20];
	_ =	sdelay $0x1  }
0x41b: {  	v16 =	vld [tilespmem:s7+$0x15320];
	_ =	sdelay $0x2  }
0x41c: {  	v15 =	vmul.f32 v15, v14;
	_ =	sdelay $0x1  }
0x41d: {  	[tilespmem:s7+$0xAB20] =	vst.add.f32.msk $0xffff, v15;
	v15 =	vmax.f32 v16, v15  }
0x41e: {  	[tilespmem:s7+$0x15320] =	vst v15  }
0x41f: {  	v15 =	vld [tilespmem:s9+$0x30];
	_ =	sdelay $0x1  }
0x420: {  	v16 =	vld [tilespmem:s7+$0x15330];
	_ =	sdelay $0x2  }
0x421: {  	v15 =	vmul.f32 v15, v14;
	_ =	sdelay $0x1  }
0x422: {  	[tilespmem:s7+$0xAB30] =	vst.add.f32.msk $0xffff, v15;
	v15 =	vmax.f32 v16, v15  }
0x423: {  	[tilespmem:s7+$0x15330] =	vst v15  }
0x424: {  	v15 =	vld [tilespmem:s9+$0x40];
	_ =	sdelay $0x1  }
0x425: {  	v16 =	vld [tilespmem:s7+$0x15340];
	_ =	sdelay $0x2  }
0x426: {  	v15 =	vmul.f32 v15, v14;
	_ =	sdelay $0x1  }
0x427: {  	[tilespmem:s7+$0xAB40] =	vst.add.f32.msk $0xffff, v15;
	v15 =	vmax.f32 v16, v15  }
0x428: {  	[tilespmem:s7+$0x15340] =	vst v15  }
0x429: {  	v15 =	vld [tilespmem:s9+$0x50];
	_ =	sdelay $0x1  }
0x42a: {  	v16 =	vld [tilespmem:s7+$0x15350];
	_ =	sdelay $0x2  }
0x42b: {  	v15 =	vmul.f32 v15, v14;
	_ =	sdelay $0x1  }
0x42c: {  	[tilespmem:s7+$0xAB50] =	vst.add.f32.msk $0xffff, v15;
	v15 =	vmax.f32 v16, v15  }
0x42d: {  	[tilespmem:s7+$0x15350] =	vst v15  }
0x42e: {  	v15 =	vld [tilespmem:s9+$0x60];
	_ =	sdelay $0x1  }
0x42f: {  	v16 =	vld [tilespmem:s7+$0x15360];
	_ =	sdelay $0x2  }
0x430: {  	v15 =	vmul.f32 v15, v14;
	_ =	sdelay $0x1  }
0x431: {  	[tilespmem:s7+$0xAB60] =	vst.add.f32.msk $0xffff, v15;
	v15 =	vmax.f32 v16, v15  }
0x432: {  	[tilespmem:s7+$0x15360] =	vst v15  }
0x433: {  	v15 =	vld [tilespmem:s9+$0x70];
	_ =	sdelay $0x1  }
0x434: {  	v16 =	vld [tilespmem:s7+$0x15370];
	_ =	sdelay $0x2  }
0x435: {  	v15 =	vmul.f32 v15, v14;
	_ =	sdelay $0x1  }
0x436: {  	[tilespmem:s7+$0xAB70] =	vst.add.f32.msk $0xffff, v15;
	v15 =	vmax.f32 v16, v15  }
0x437: {  	[tilespmem:s7+$0x15370] =	vst v15  }
0x438: {  	v15 =	vld [tilespmem:s9+$0x400];
	_ =	sdelay $0x1  }
0x439: {  	v16 =	vld [tilespmem:s7+$0x15700];
	_ =	sdelay $0x2  }
0x43a: {  	v15 =	vmul.f32 v15, v14;
	_ =	sdelay $0x1  }
0x43b: {  	[tilespmem:s7+$0xAF00] =	vst.add.f32.msk $0xffff, v15;
	v15 =	vmax.f32 v16, v15  }
0x43c: {  	[tilespmem:s7+$0x15700] =	vst v15  }
0x43d: {  	v15 =	vld [tilespmem:s9+$0x410];
	_ =	sdelay $0x1  }
0x43e: {  	v16 =	vld [tilespmem:s7+$0x15710];
	_ =	sdelay $0x2  }
0x43f: {  	v15 =	vmul.f32 v15, v14;
	_ =	sdelay $0x1  }
0x440: {  	[tilespmem:s7+$0xAF10] =	vst.add.f32.msk $0xffff, v15;
	v15 =	vmax.f32 v16, v15  }
0x441: {  	[tilespmem:s7+$0x15710] =	vst v15  }
0x442: {  	v15 =	vld [tilespmem:s9+$0x420];
	_ =	sdelay $0x1  }
0x443: {  	v16 =	vld [tilespmem:s7+$0x15720];
	_ =	sdelay $0x2  }
0x444: {  	v15 =	vmul.f32 v15, v14;
	_ =	sdelay $0x1  }
0x445: {  	[tilespmem:s7+$0xAF20] =	vst.add.f32.msk $0xffff, v15;
	v15 =	vmax.f32 v16, v15  }
0x446: {  	[tilespmem:s7+$0x15720] =	vst v15  }
0x447: {  	v15 =	vld [tilespmem:s9+$0x430];
	_ =	sdelay $0x1  }
0x448: {  	v16 =	vld [tilespmem:s7+$0x15730];
	_ =	sdelay $0x2  }
0x449: {  	v15 =	vmul.f32 v15, v14;
	_ =	sdelay $0x1  }
0x44a: {  	[tilespmem:s7+$0xAF30] =	vst.add.f32.msk $0xffff, v15;
	v15 =	vmax.f32 v16, v15  }
0x44b: {  	[tilespmem:s7+$0x15730] =	vst v15  }
0x44c: {  	v15 =	vld [tilespmem:s9+$0x440];
	_ =	sdelay $0x1  }
0x44d: {  	v16 =	vld [tilespmem:s7+$0x15740];
	_ =	sdelay $0x2  }
0x44e: {  	v15 =	vmul.f32 v15, v14;
	_ =	sdelay $0x1  }
0x44f: {  	[tilespmem:s7+$0xAF40] =	vst.add.f32.msk $0xffff, v15;
	v15 =	vmax.f32 v16, v15  }
0x450: {  	[tilespmem:s7+$0x15740] =	vst v15  }
0x451: {  	v15 =	vld [tilespmem:s9+$0x450];
	_ =	sdelay $0x1  }
0x452: {  	v16 =	vld [tilespmem:s7+$0x15750];
	_ =	sdelay $0x2  }
0x453: {  	v15 =	vmul.f32 v15, v14;
	_ =	sdelay $0x1  }
0x454: {  	[tilespmem:s7+$0xAF50] =	vst.add.f32.msk $0xffff, v15;
	v15 =	vmax.f32 v16, v15  }
0x455: {  	[tilespmem:s7+$0x15750] =	vst v15  }
0x456: {  	v15 =	vld [tilespmem:s9+$0x460];
	_ =	sdelay $0x1  }
0x457: {  	v16 =	vld [tilespmem:s7+$0x15760];
	_ =	sdelay $0x2  }
0x458: {  	v15 =	vmul.f32 v15, v14;
	_ =	sdelay $0x1  }
0x459: {  	[tilespmem:s7+$0xAF60] =	vst.add.f32.msk $0xffff, v15;
	v15 =	vmax.f32 v16, v15  }
0x45a: {  	[tilespmem:s7+$0x15760] =	vst v15  }
0x45b: {  	v15 =	vld [tilespmem:s9+$0x470];
	_ =	sdelay $0x1  }
0x45c: {  	v16 =	vld [tilespmem:s7+$0x15770]  }
.Ltmp23:
0x45d: {  	(pc) =	sbr.rel @p2 .LBB2_36-.Ltmp23, $3  }
0x45e: {  	_ = 	snop  }
0x45f: {  	v14 =	vmul.f32 v15, v14;
	_ =	sdelay $0x1  }
0x460: {  	[tilespmem:s7+$0xAF70] =	vst.add.f32.msk $0xffff, v14;
	v14 =	vmax.f32 v16, v14  }
0x461: {  	s0 =	sadd.s32 $0x2, s30  }
0x462: {  	p2 =	sge.s32 s0, s28  }
0x463: {  	p3 =	sne.s32 @!p2 s31, $0x0  }
0x464: {  	p3 =	por p3, p2  }
0x465: {  	s1 =	sshll.u32 @!p3 s0, $0x6  }
0x466: {  	[tilespmem:s7+$0x15770] =	vst v14;
	s1 =	sshra.s32 @!p3 s1, $0x2  }
0x467: {  	v14 =	vld @!p3 [tilespmem:s1+$0x1900];
	_ =	sdelay $0x4  }
0x468: {  	v15 =	vshrl.u32 @!p3 v14, $0x3  }
0x469: {  	v15 =	vand.u32 @!p3 $0x7FF, v15  }
0x46a: {  	v15 =	vmul.u32 @!p3 $0x18, v15  }
0x46b: {  	v16 =	vlaneseq.u32 @!p3;
	v14 =	vand.u32 @!p3 $0x7, v14  }
0x46c: {  	v17 =	vshrl.u32 @!p3 v16, $0x3;
	v14 =	vor.u32 @!p3 v14, v15;
	v15 =	vand.u32 @!p3 $0x7, v16  }
0x46d: {  	v17 =	vmul.u32 @!p3 $0x8, v17;
	v15 =	vperm.xlane @!p3 v14, v15;
	_ =	sdelay $0x1  }
0x46e: {  	v15 =	vadd.s32 @!p3 v17, v15  }
0x46f: {  	v16 =	vor.u32 @!p3 $0x8, v16  }
0x470: {  	v14 =	vperm.xlane @!p3 v14, v16;
	_ =	sdelay $0x1  }
0x471: {  	p1 =	por !p1, !p1;
	vm2 =	vmmov @!p3 $0xffff;
	s5 =	simm.s32 @!p3 $0x7A00;
	s1 =	simm.s32 @!p3 $0x0;
	v14 =	vadd.s32 @!p3 v17, v14  }
0x472: {  	[tilespmem:s5], [sflag:$0x2] =	stream.indirect_vreg.gather @!p3 [hbm4b:s3+s1], $0x80, v15, vm2, $0xb8;
	[tilespmem:$0x1FC00] =	vst v63  }
0x473: {  	p1 =	por p2, p1;
	vm3 =	vmmov @!p3 $0xff;
	s5 =	simm.s32 @!p3 $0x8200  }
0x474: {  	[tilespmem:s5], [sflag:$0x2] =	stream.indirect_vreg.gather @!p3 [hbm4b:s6+s1], $0x80, v15, vm3, $0xb8;
	[tilespmem:$0x1FC00] =	vst v63  }
0x475: {  	s0 =	sshll.u32 @!p1 s0, $0x6;
	s5 =	simm.s32 @!p3 $0x8600  }
0x476: {  	[tilespmem:s5], [sflag:$0x2] =	stream.indirect_vreg.gather @!p3 [hbm4b:s3+s1], $0x80, v14, vm2, $0xb8;
	[tilespmem:$0x1FC00] =	vst v63  }
0x477: {  	s0 =	sshra.s32 @!p1 s0, $0x2;
	s5 =	simm.s32 @!p3 $0x8E00  }
0x478: {  	[tilespmem:s5], [sflag:$0x2] =	stream.indirect_vreg.gather @!p3 [hbm4b:s6+s1], $0x80, v14, vm3, $0xb8;
	[tilespmem:$0x1FC00] =	vst v63  }
0x479: {  	v14 =	vld @!p1 [tilespmem:s0+$0x1900];
	_ =	sdelay $0x4  }
0x47a: {  	v15 =	vshrl.u32 @!p1 v14, $0x3  }
0x47b: {  	v15 =	vand.u32 @!p1 $0x7FF, v15  }
0x47c: {  	v15 =	vmul.u32 @!p1 $0x18, v15  }
0x47d: {  	v16 =	vlaneseq.u32 @!p1;
	v14 =	vand.u32 @!p1 $0x7, v14  }
0x47e: {  	v17 =	vshrl.u32 @!p1 v16, $0x3;
	v14 =	vor.u32 @!p1 v14, v15;
	v15 =	vand.u32 @!p1 $0x7, v16  }
0x47f: {  	v17 =	vmul.u32 @!p1 $0x8, v17;
	v15 =	vperm.xlane @!p1 v14, v15;
	_ =	sdelay $0x1  }
0x480: {  	v15 =	vadd.s32 @!p1 v17, v15  }
0x481: {  	v16 =	vor.u32 @!p1 $0x8, v16  }
0x482: {  	v14 =	vperm.xlane @!p1 v14, v16;
	_ =	sdelay $0x1  }
0x483: {  	vm2 =	vmmov @!p1 $0xffff;
	s1 =	simm.s32 @!p1 $0x9200;
	s0 =	simm.s32 @!p1 $0x0;
	v14 =	vadd.s32 @!p1 v17, v14  }
0x484: {  	[tilespmem:s1], [sflag:$0x3] =	stream.indirect_vreg.gather @!p1 [hbm4b:s3+s0], $0x80, v15, vm2, $0xb8;
	[tilespmem:$0x1FC00] =	vst v63  }
0x485: {  	vm3 =	vmmov @!p1 $0xff;
	s1 =	simm.s32 @!p1 $0x9A00  }
0x486: {  	[tilespmem:s1], [sflag:$0x3] =	stream.indirect_vreg.gather @!p1 [hbm4b:s6+s0], $0x80, v15, vm3, $0xb8;
	[tilespmem:$0x1FC00] =	vst v63  }
0x487: {  	s1 =	simm.s32 @!p1 $0x9E00  }
0x488: {  	[tilespmem:s1], [sflag:$0x3] =	stream.indirect_vreg.gather @!p1 [hbm4b:s3+s0], $0x80, v14, vm2, $0xb8;
	[tilespmem:$0x1FC00] =	vst v63  }
0x489: {  	s30 =	sadd.s32 $0x1, s30;
	s1 =	simm.s32 @!p1 $0xA600  }
0x48a: {  	[tilespmem:s1], [sflag:$0x3] =	stream.indirect_vreg.gather @!p1 [hbm4b:s6+s0], $0x80, v14, vm3, $0xb8;
	[tilespmem:$0x1FC00] =	vst v63  }
0x48b: {  	p1 =	sne.s32 s30, s28  }
.Ltmp24:
0x48c: {  	_ = 	snop;
	(pc) =	sbr.rel @p1 .LBB2_33-.Ltmp24, $4  }
.Ltmp25:
0x48d: {  	_ = 	snop;
	(pc) =	sbr.rel @!p1 .LBB2_38-.Ltmp25, $4  }
0x48e: {  	_ = 	snop  }
0x48f: {  	_ = 	snop  }
0x490: {  	_ = 	snop  }
0x491: {  	_ = 	snop  }
.LBB2_40:
0x492: {  	_ =	sfence.sel $0x180000  }
0x493: {  	[bflag:$0x0] =	sbarrier.arrive $0xFFFF  }
0x494: {  	_ =	strace $0x90000047  }
0x495: {  	s0 =	stileid.u32;
	[bflag:$0x2] =	sbarrier.arrive $0xFFFF  }
0x496: {  	p0 =	sne.s32 s0, $0x0;
	s0 =	rddreg [dreg:$0x2]  }
0x497: {  	s0 =	sadd.s32 @!p0 $0x100000, s0  }
0x498: {  	[sflag:s0] =	ssyncadd.tile.s32 @!p0 $0x1;
	_ =	shalt  }
.Lfunc_end2:
_tile_overlayer_lowered:
.L_overlay_start_2:
0x499: {  	(tag) =	ssettag $0x2  }
0x49a: {  	s0 =	rddreg [dreg:$0x0];
	s2 =	stileid.u32  }
0x49b: {  	s1 =	rddreg [dreg:$0x1];
	p0 =	sne.s32 s2, $0x0  }
0x49c: {  	s3 =	rddreg [dreg:$0x2];
	[bflag:$0x3] =	sbarrier.arrive $0xFFFF;
	s2 =	simm.s32 @!p0 $0x1C04  }
0x49d: {  	[timem:s3], [sflag:s2] =	dma.local @!p0 [hbm:s0], s1  }
0x49e: {  	s0 =	simm.s32 @!p0 $0x4  }
0x49f: {  	_ =	swait.ge @!p0 [sflag:s0], s1  }
0x4a0: {  	s1 =	ssub.s32 @!p0 $0x0, s1;
	[sflag:s0] =	ssyncset.done @!p0 $0x0  }
0x4a1: {  	[sflag:s0] =	ssyncadd.s32 @!p0 s1  }
0x4a2: {  	[bflag:$0x3] =	sbarrier.arrive $0xFFFF  }
0x4a3: {  	_ =	shalt  }

</sc_bundles>
